<compile_context>
chip_gen: v7x
topology: tpu7x:2x2x1
jax: 0.10.2.dev20260603
libtpu: 0.0.44.dev20260713+nightly
codegen_flags: <defaults>
</compile_context>

<pallas_src>
import math

import jax
import jax.numpy as jnp
from jax import lax
from jax.experimental import pallas as pl
from jax.experimental.pallas import tpu as pltpu
from jax.experimental.pallas import tpu_sc as plsc

_N = 192
_RCR = 5.2
_RCA = 3.5
_ETAR = 16.0
_ETAA = 8.0
_SHFR = [0.9, 1.16875, 1.4375, 1.70625, 1.975, 2.24375, 2.5125, 2.78125,
         3.05, 3.31875, 3.5875, 3.85625, 4.125, 4.39375, 4.6625, 4.93125]
_SHFA = [0.9, 1.55, 2.2, 2.85]
_SHFZ = [0.19634954, 0.58904862, 0.9817477, 1.3744468,
         1.7671459, 2.1598449, 2.552544, 2.9452431]
_COSZ = [math.cos(z) for z in _SHFZ]
_SINZ = [math.sin(z) for z in _SHFZ]

_NW = 32
_APW = _N // _NW
_ROW = 384
_CAP = 208
_PCAP = 18352

_C = [1.0, -0.5, 1.0 / 24, -1.0 / 720, 1.0 / 40320, -1.0 / 3628800,
      1.0 / 479001600, -1.0 / 87178291200]


def _popcnt(mask):
    return plsc.all_reduce_population_count(mask)[0]


def _rsqrt(x):
    i = plsc.bitcast(x, jnp.int32)
    i = jnp.int32(0x5F3759DF) - (i >> 1)
    y = plsc.bitcast(i, jnp.float32)
    for _ in range(3):
        y = y * (1.5 - 0.5 * x * y * y)
    return y


def _cos_poly(t):
    u = t * t
    c = jnp.float32(_C[7])
    for k in range(6, -1, -1):
        c = c * u + jnp.float32(_C[k])
    return c


def _fcut(d, rc):
    return 0.5 * _cos_poly(d * jnp.float32(math.pi / rc)) + 0.5


def _aev_body(sp_h, pos_h, out_h, outsp_h,
              xv, yv, zv, spv, posv, rd, rsp,
              adx, ady, adz, ad2a, adist, afc, asp,
              pp, pq, outv, dsem):
    wid = lax.axis_index("s") * 2 + lax.axis_index("c")
    pltpu.sync_copy(pos_h.at[0], posv)
    pltpu.sync_copy(sp_h.at[0], spv)

    lane = jnp.arange(16, dtype=jnp.int32)
    zero16 = jnp.zeros((16,), jnp.float32)

    for g in range(_N // 16):
        jb = g * 16
        jv = lane + jb
        xv[pl.ds(jb, 16)] = plsc.load_gather(posv, [jv, lane * 0])
        yv[pl.ds(jb, 16)] = plsc.load_gather(posv, [jv, lane * 0 + 1])
        zv[pl.ds(jb, 16)] = plsc.load_gather(posv, [jv, lane * 0 + 2])

    for c in range(_APW * _ROW // 16):
        outv[pl.ds(c * 16, 16)] = zero16

    def atom_body(a, carry):
        qb, pptr = carry
        i = wid * _APW + a
        ivec = lane * 0 + i
        xi = plsc.load_gather(xv, [ivec])
        yi = plsc.load_gather(yv, [ivec])
        zi = plsc.load_gather(zv, [ivec])
        rowbase = a * _ROW

        pr = jnp.int32(0)
        pa = jnp.int32(0)
        for g in range(_N // 16):
            jb = g * 16
            jv = lane + jb
            dx = xv[pl.ds(jb, 16)] - xi
            dy = yv[pl.ds(jb, 16)] - yi
            dz = zv[pl.ds(jb, 16)] - zi
            d2 = dx * dx + dy * dy + dz * dz + 1e-12
            valid = jv != i
            mr = (d2 <= _RCR * _RCR) & valid
            ma = (d2 <= _RCA * _RCA) & valid
            spj = spv[pl.ds(jb, 16)]
            plsc.store_compressed(rd.at[pl.ds(pr, 16)], d2, mask=mr)
            plsc.store_compressed(rsp.at[pl.ds(pr, 16)], spj, mask=mr)
            plsc.store_compressed(adx.at[pl.ds(pa, 16)], dx, mask=ma)
            plsc.store_compressed(ady.at[pl.ds(pa, 16)], dy, mask=ma)
            plsc.store_compressed(adz.at[pl.ds(pa, 16)], dz, mask=ma)
            plsc.store_compressed(ad2a.at[pl.ds(pa, 16)], d2, mask=ma)
            plsc.store_compressed(asp.at[pl.ds(pa, 16)], spj, mask=ma)
            pr = pr + _popcnt(mr)
            pa = pa + _popcnt(ma)
        nr, na = pr, pa

        def fc_group(g, _):
            b = g * 16
            d2v = ad2a[pl.ds(b, 16)]
            rinv = _rsqrt(d2v)
            dv = d2v * rinv
            adist[pl.ds(b, 16)] = dv
            afc[pl.ds(b, 16)] = _fcut(dv, _RCA)
            adx[pl.ds(b, 16)] = adx[pl.ds(b, 16)] * rinv
            ady[pl.ds(b, 16)] = ady[pl.ds(b, 16)] * rinv
            adz[pl.ds(b, 16)] = adz[pl.ds(b, 16)] * rinv
            return 0
        lax.fori_loop(0, (na + 15) >> 4, fc_group, 0)

        def rad_group(g, _):
            b = g * 16
            m = lane < (nr - b)
            d2v = rd[pl.ds(b, 16)]
            dv = d2v * _rsqrt(d2v)
            spj = jnp.where(m, rsp[pl.ds(b, 16)], 0)
            fc = 0.25 * _fcut(dv, _RCR)
            base = rowbase + spj * 16
            delta = _SHFR[1] - _SHFR[0]
            ratio = jnp.exp(jnp.float32(2.0 * _ETAR * delta) * dv)
            for f in range(0, 16, 2):
                e = dv - jnp.float32(_SHFR[f])
                even = jnp.exp(jnp.float32(-_ETAR) * e * e) * fc
                cs = math.exp(-_ETAR * delta * (2.0 * _SHFR[f] + delta))
                odd = even * ratio * jnp.float32(cs)
                plsc.addupdate_scatter(outv, [base + f], even, mask=m)
                plsc.addupdate_scatter(outv, [base + f + 1], odd, mask=m)
            return 0
        lax.fori_loop(0, (nr + 15) >> 4, rad_group, 0)

        def pcond(st):
            q, pb, ptr = st
            return q < na

        def pext(st):
            q, pb, ptr = st
            pv = lane + pb
            mq = pv < q
            plsc.store_compressed(pp.at[pl.ds(ptr, 16)], pv, mask=mq)
            plsc.store_compressed(pq.at[pl.ds(ptr, 16)], lane * 0 + q, mask=mq)
            ptr = ptr + _popcnt(mq)
            pb = pb + 16
            adv = pb >= q
            q = jnp.where(adv, q + 1, q)
            pb = jnp.where(adv, 0, pb)
            return (q, pb, ptr)
        qb, _, pptr = lax.while_loop(
            pcond, pext, (jnp.maximum(qb, 1), jnp.int32(0), pptr))
        npair = (na * (na - 1)) >> 1

        def ang_group(g, _):
            b = g * 16
            m = lane < (npair - b)
            ip = jnp.where(m, pp[pl.ds(b, 16)], 0)
            iq = jnp.where(m, pq[pl.ds(b, 16)], 0)
            dxp = plsc.load_gather(adx, [ip])
            dyp = plsc.load_gather(ady, [ip])
            dzp = plsc.load_gather(adz, [ip])
            dp = plsc.load_gather(adist, [ip])
            fp = plsc.load_gather(afc, [ip])
            sp_p = plsc.load_gather(asp, [ip])
            dxq = plsc.load_gather(adx, [iq])
            dyq = plsc.load_gather(ady, [iq])
            dzq = plsc.load_gather(adz, [iq])
            dq = plsc.load_gather(adist, [iq])
            fq = plsc.load_gather(afc, [iq])
            sp_q = plsc.load_gather(asp, [iq])
            dot = dxp * dxq + dyp * dyq + dzp * dzq
            cth = 0.95 * dot
            s2 = 1.0 - cth * cth
            sth = s2 * _rsqrt(s2)
            dsum = 0.5 * (dp + dq)
            fc2 = 2.0 * fp * fq
            amin = jnp.minimum(sp_p, sp_q)
            amax = jnp.maximum(sp_p, sp_q)
            pbin = ((amin * (9 - amin)) >> 1) + (amax - amin)
            base = rowbase + 64 + pbin * 32
            f2s = []
            for ai in range(4):
                e = dsum - jnp.float32(_SHFA[ai])
                f2s.append(fc2 * jnp.exp(jnp.float32(-_ETAA) * e * e))
            f1s = []
            for zi in range(8):
                u = 0.5 * (1.0 + cth * jnp.float32(_COSZ[zi])
                           + sth * jnp.float32(_SINZ[zi]))
                u = u * u
                u = u * u
                u = u * u
                u = u * u
                u = u * u
                f1s.append(u)
            for ai in range(4):
                for zi in range(8):
                    plsc.addupdate_scatter(outv, [base + (ai * 8 + zi)],
                                           f2s[ai] * f1s[zi], mask=m)
            return 0
        lax.fori_loop(0, (npair + 15) >> 4, ang_group, 0)
        pltpu.make_async_copy(outv.at[pl.ds(rowbase, _ROW)],
                              out_h.at[0, i], dsem).start()
        return (qb, pptr)

    lax.fori_loop(0, _APW, atom_body, (jnp.int32(1), jnp.int32(0)))

    @pl.when(wid == 0)
    def _copy_species():
        pltpu.sync_copy(spv, outsp_h.at[0])

    for k in range(_APW):
        pltpu.make_async_copy(outv.at[pl.ds(k * _ROW, _ROW)],
                              out_h.at[0, wid * _APW + k], dsem).wait()


@jax.jit
def _aev_sc(sp, pos):
    mesh = plsc.VectorSubcoreMesh(core_axis_name="c", subcore_axis_name="s")
    fn = pl.kernel(
        _aev_body,
        mesh=mesh,
        compiler_params=pltpu.CompilerParams(needs_layout_passes=False),
        out_type=(jax.ShapeDtypeStruct((1, _N, _ROW), jnp.float32),
                  jax.ShapeDtypeStruct((1, _N), jnp.int32)),
        scratch_types=[
            pltpu.VMEM((_N,), jnp.float32),
            pltpu.VMEM((_N,), jnp.float32),
            pltpu.VMEM((_N,), jnp.float32),
            pltpu.VMEM((_N,), jnp.int32),
            pltpu.VMEM((_N, 3), jnp.float32),
            pltpu.VMEM((_CAP,), jnp.float32),
            pltpu.VMEM((_CAP,), jnp.int32),
            pltpu.VMEM((_CAP,), jnp.float32),
            pltpu.VMEM((_CAP,), jnp.float32),
            pltpu.VMEM((_CAP,), jnp.float32),
            pltpu.VMEM((_CAP,), jnp.float32),
            pltpu.VMEM((_CAP,), jnp.float32),
            pltpu.VMEM((_CAP,), jnp.float32),
            pltpu.VMEM((_CAP,), jnp.int32),
            pltpu.VMEM((_PCAP,), jnp.int32),
            pltpu.VMEM((_PCAP,), jnp.int32),
            pltpu.VMEM((_APW * _ROW,), jnp.float32),
            pltpu.SemaphoreType.DMA,
        ],
    )
    return fn(sp, pos)


def kernel(species, positions):
    feat, sp_out = _aev_sc(species, positions)
    return sp_out, feat

# --- scband reference (transcript-rebuilt; emitter-appended) ---
"""Pipeline reference for scband-anisymmetry-functions-91345364451515 (READ-ONLY COPY).

The authoritative reference and input builder live on the scoring server;
editing this copy changes nothing except your own understanding.
"""

import jax, jax.numpy as jnp
import numpy as np

NUM_SPECIES = 4
RCR = 5.2
RCA = 3.5
ETAR = 16.0
SHFR = jnp.array([0.9, 1.16875, 1.4375, 1.70625, 1.975, 2.24375, 2.5125, 2.78125, 3.05, 3.31875, 3.5875, 3.85625, 4.125, 4.39375, 4.6625, 4.93125], dtype=jnp.float32)
ETAA = 8.0
ZETA = 32.0
SHFA = np.array([0.9, 1.55, 2.2, 2.85], dtype=np.float32)
SHFZ = np.array([0.19634954, 0.58904862, 0.9817477, 1.3744468, 1.7671459, 2.1598449, 2.552544, 2.9452431], dtype=np.float32)
N_ATOMS = 192


def cutoff_cosine(d, rc):
    return jnp.where(d <= rc, 0.5 * jnp.cos(jnp.pi * d / rc) + 0.5, 0.0)


def setup_inputs(seed: int = 0) -> dict:
    key = jax.random.key(seed)
    k1, k2 = jax.random.split(key)
    species = jax.random.randint(k1, (1, N_ATOMS), 0, NUM_SPECIES, dtype=jnp.int32)
    # atoms spread in a 15 Angstrom cubic box (realistic density)
    positions = jax.random.uniform(k2, (1, N_ATOMS, 3), dtype=jnp.float32) * 15.0
    return {"species": species, "positions": positions}


def compute_aev(species, positions):
    sp = species[0]
    pos = positions[0]
    N = pos.shape[0]
    diff = pos[None, :, :] - pos[:, None, :]  # diff[i,j] = r_j - r_i
    dist = jnp.sqrt(jnp.sum(diff * diff, axis=-1) + 1e-12)
    eye = jnp.eye(N, dtype=bool)
    onehot = jax.nn.one_hot(sp, NUM_SPECIES, dtype=jnp.float32)
    # ---- radial AEV (torchani radial_terms: 0.25 * exp(-EtaR*(r-ShfR)^2) * fc) ----
    fc_r = jnp.where(eye, 0.0, cutoff_cosine(dist, RCR))
    rt = 0.25 * jnp.exp(-ETAR * (dist[:, :, None] - SHFR[None, None, :]) ** 2) * fc_r[:, :, None]
    radial = jnp.einsum('ijf,js->isf', rt, onehot).reshape(N, -1)  # (N, 4*16)
    # ---- angular AEV ----
    fc_a = jnp.where(eye, 0.0, cutoff_cosine(dist, RCA))
    fcprod = fc_a[:, :, None] * fc_a[:, None, :]
    fcprod = fcprod * (1.0 - jnp.eye(N, dtype=jnp.float32))[None, :, :]  # exclude j == k
    dot = jnp.einsum('ijc,ikc->ijk', diff, diff)
    denom = jnp.maximum(dist[:, :, None] * dist[:, None, :], 1e-10)
    angles = jnp.arccos(0.95 * (dot / denom))
    dsum = 0.5 * (dist[:, :, None] + dist[:, None, :])
    subs = []
    for shfa in SHFA:  # torchani sub-feature order: EtaA, Zeta, ShfA, ShfZ (major->minor)
        f2 = jnp.exp(-ETAA * (dsum - shfa) ** 2)
        for shfz in SHFZ:
            f1 = ((1.0 + jnp.cos(angles - shfz)) * 0.5) ** ZETA
            term = 2.0 * f1 * f2 * fcprod  # (N,N,N)
            tmp = jnp.einsum('ijk,kb->ijb', term, onehot)
            subs.append(jnp.einsum('ijb,ja->iab', tmp, onehot))  # (N,S,S)
    res_all = jnp.stack(subs, axis=-1)  # (N, S, S, 32)
    # symmetric species pairs -> triu bins (0,0),(0,1),...,(3,3); ordered-pair sum double counts -> *0.5
    pair_feats = []
    for a in range(NUM_SPECIES):
        for b in range(a, NUM_SPECIES):
            if a == b:
                pair_feats.append(0.5 * res_all[:, a, a, :])
            else:
                pair_feats.append(0.5 * (res_all[:, a, b, :] + res_all[:, b, a, :]))
    angular = jnp.stack(pair_feats, axis=1).reshape(N, -1)  # (N, 10*32)
    features = jnp.concatenate([radial, angular], axis=1)[None, :, :]  # (1, N, 384)
    return features


def reference(species, positions):
    features = compute_aev(species, positions)
    return species, features

if __name__ == "__main__":
    import jax
    _d = setup_inputs()
    print(jax.jit(kernel)(*tuple(_d.values())))

</pallas_src>

<mosaic_0001>
#map = affine_map<(d0, d1) -> (0, 0)>
#map1 = affine_map<(d0, d1) -> (0, 0, 0)>
module attributes {stable_mosaic.version = 14 : i64} {
  func.func @_aev_body(%arg0: i32, %arg1: i32, %arg2: memref<1x192xi32, #tpu.memory_space<hbm>>, %arg3: memref<1x192x3xf32, #tpu.memory_space<hbm>>, %arg4: memref<1x192x384xf32, #tpu.memory_space<hbm>>, %arg5: memref<1x192xi32, #tpu.memory_space<hbm>>, %arg6: memref<192xf32, #tpu.memory_space<vmem>>, %arg7: memref<192xf32, #tpu.memory_space<vmem>>, %arg8: memref<192xf32, #tpu.memory_space<vmem>>, %arg9: memref<192xi32, #tpu.memory_space<vmem>>, %arg10: memref<192x3xf32, #tpu.memory_space<vmem>>, %arg11: memref<208xf32, #tpu.memory_space<vmem>>, %arg12: memref<208xi32, #tpu.memory_space<vmem>>, %arg13: memref<208xf32, #tpu.memory_space<vmem>>, %arg14: memref<208xf32, #tpu.memory_space<vmem>>, %arg15: memref<208xf32, #tpu.memory_space<vmem>>, %arg16: memref<208xf32, #tpu.memory_space<vmem>>, %arg17: memref<208xf32, #tpu.memory_space<vmem>>, %arg18: memref<208xf32, #tpu.memory_space<vmem>>, %arg19: memref<208xi32, #tpu.memory_space<vmem>>, %arg20: memref<18352xi32, #tpu.memory_space<vmem>>, %arg21: memref<18352xi32, #tpu.memory_space<vmem>>, %arg22: memref<2304xf32, #tpu.memory_space<vmem>>, %arg23: memref<!tpu.dma_semaphore, #tpu.memory_space<semaphore_mem>>) attributes {dimension_semantics = [#tpu.dimension_semantics<core_parallel>, #tpu.dimension_semantics<subcore_parallel>], iteration_bounds = array<i64: 2, 16>, scalar_prefetch = 0 : i64, scratch_operands = 18 : i64, tpu.core_type = #tpu.core_type<sc_vector_subcore>, window_params = [{transform_indices = #map}, {transform_indices = #map1}, {transform_indices = #map1}, {transform_indices = #map}]} {
    %mul3A = arith.constant 2 : i32
    %mul3A_0 = arith.muli %arg1, %mul3A : i32
    %add3A = arith.addi %mul3A_0, %arg0 : i32
    %run_scoped3A = arith.constant 0 : i32
    "tpu.region"() ({
      %run_scoped3A_711 = tpu.sem_alloc : memref<!tpu.dma_semaphore, #tpu.memory_space<semaphore_mem>>
      %dma_start3A = arith.constant 0 : i32
      %dma_start3A_712 = arith.constant 0 : i32
      %dma_start3A_713 = tpu.memref_slice %arg3[%run_scoped3A, %dma_start3A, %dma_start3A_712] : memref<1x192x3xf32, #tpu.memory_space<hbm>> -> memref<1x192x3xf32, #tpu.memory_space<hbm>>
      %dma_start3A_714 = tpu.memref_squeeze %dma_start3A_713 : memref<1x192x3xf32, #tpu.memory_space<hbm>> -> memref<192x3xf32, #tpu.memory_space<hbm>>
      %dma_start3A_715 = arith.constant 0 : i32
      %dma_start3A_716 = arith.constant 0 : i32
      %dma_start3A_717 = tpu.memref_slice %arg3[%run_scoped3A, %dma_start3A_715, %dma_start3A_716] : memref<1x192x3xf32, #tpu.memory_space<hbm>> -> memref<1x192x3xf32, #tpu.memory_space<hbm>>
      %dma_start3A_718 = tpu.memref_squeeze %dma_start3A_717 : memref<1x192x3xf32, #tpu.memory_space<hbm>> -> memref<192x3xf32, #tpu.memory_space<hbm>>
      tpu.enqueue_dma source(%dma_start3A_718 : memref<192x3xf32, #tpu.memory_space<hbm>>) target(%arg10 : memref<192x3xf32, #tpu.memory_space<vmem>>) target_semaphore(%run_scoped3A_711 : memref<!tpu.dma_semaphore, #tpu.memory_space<semaphore_mem>>)
      %dma_wait3A_719 = arith.constant 0 : i32
      %dma_wait3A_720 = arith.constant 0 : i32
      %dma_wait3A_721 = tpu.memref_slice %arg3[%run_scoped3A, %dma_wait3A_719, %dma_wait3A_720] : memref<1x192x3xf32, #tpu.memory_space<hbm>> -> memref<1x192x3xf32, #tpu.memory_space<hbm>>
      %dma_wait3A_722 = tpu.memref_squeeze %dma_wait3A_721 : memref<1x192x3xf32, #tpu.memory_space<hbm>> -> memref<192x3xf32, #tpu.memory_space<hbm>>
      %dma_wait3A_723 = arith.constant 0 : i32
      %dma_wait3A_724 = arith.constant 0 : i32
      %dma_wait3A_725 = tpu.memref_slice %arg3[%run_scoped3A, %dma_wait3A_723, %dma_wait3A_724] : memref<1x192x3xf32, #tpu.memory_space<hbm>> -> memref<1x192x3xf32, #tpu.memory_space<hbm>>
      %dma_wait3A_726 = tpu.memref_squeeze %dma_wait3A_725 : memref<1x192x3xf32, #tpu.memory_space<hbm>> -> memref<192x3xf32, #tpu.memory_space<hbm>>
      tpu.wait_dma2 semaphore(%run_scoped3A_711 : memref<!tpu.dma_semaphore, #tpu.memory_space<semaphore_mem>>) src(%dma_wait3A_726 : memref<192x3xf32, #tpu.memory_space<hbm>>) dst(%arg10 : memref<192x3xf32, #tpu.memory_space<vmem>>)
      tpu.yield
    }) : () -> ()
    %run_scoped3A_1 = arith.constant 0 : i32
    "tpu.region"() ({
      %run_scoped3A_711 = tpu.sem_alloc : memref<!tpu.dma_semaphore, #tpu.memory_space<semaphore_mem>>
      %dma_start3A = arith.constant 0 : i32
      %dma_start3A_712 = tpu.memref_slice %arg2[%run_scoped3A_1, %dma_start3A] : memref<1x192xi32, #tpu.memory_space<hbm>> -> memref<1x192xi32, #tpu.memory_space<hbm>>
      %dma_start3A_713 = tpu.memref_squeeze %dma_start3A_712 : memref<1x192xi32, #tpu.memory_space<hbm>> -> memref<192xi32, #tpu.memory_space<hbm>>
      %dma_start3A_714 = arith.constant 0 : i32
      %dma_start3A_715 = tpu.memref_slice %arg2[%run_scoped3A_1, %dma_start3A_714] : memref<1x192xi32, #tpu.memory_space<hbm>> -> memref<1x192xi32, #tpu.memory_space<hbm>>
      %dma_start3A_716 = tpu.memref_squeeze %dma_start3A_715 : memref<1x192xi32, #tpu.memory_space<hbm>> -> memref<192xi32, #tpu.memory_space<hbm>>
      tpu.enqueue_dma source(%dma_start3A_716 : memref<192xi32, #tpu.memory_space<hbm>>) target(%arg9 : memref<192xi32, #tpu.memory_space<vmem>>) target_semaphore(%run_scoped3A_711 : memref<!tpu.dma_semaphore, #tpu.memory_space<semaphore_mem>>)
      %dma_wait3A_717 = arith.constant 0 : i32
      %dma_wait3A_718 = tpu.memref_slice %arg2[%run_scoped3A_1, %dma_wait3A_717] : memref<1x192xi32, #tpu.memory_space<hbm>> -> memref<1x192xi32, #tpu.memory_space<hbm>>
      %dma_wait3A_719 = tpu.memref_squeeze %dma_wait3A_718 : memref<1x192xi32, #tpu.memory_space<hbm>> -> memref<192xi32, #tpu.memory_space<hbm>>
      %dma_wait3A_720 = arith.constant 0 : i32
      %dma_wait3A_721 = tpu.memref_slice %arg2[%run_scoped3A_1, %dma_wait3A_720] : memref<1x192xi32, #tpu.memory_space<hbm>> -> memref<1x192xi32, #tpu.memory_space<hbm>>
      %dma_wait3A_722 = tpu.memref_squeeze %dma_wait3A_721 : memref<1x192xi32, #tpu.memory_space<hbm>> -> memref<192xi32, #tpu.memory_space<hbm>>
      tpu.wait_dma2 semaphore(%run_scoped3A_711 : memref<!tpu.dma_semaphore, #tpu.memory_space<semaphore_mem>>) src(%dma_wait3A_722 : memref<192xi32, #tpu.memory_space<hbm>>) dst(%arg9 : memref<192xi32, #tpu.memory_space<vmem>>)
      tpu.yield
    }) : () -> ()
    %iota3A = tpu.iota {dimensions = array<i32: 0>} : vector<16xi32>
    %broadcast_in_dim3A = arith.constant 0.000000e+00 : f32
    %broadcast_in_dim3A_2 = vector.broadcast %broadcast_in_dim3A : f32 to vector<16xf32>
    %add3A_3 = arith.constant 0 : i32
    %add3A_4 = vector.broadcast %add3A_3 : i32 to vector<16xi32>
    %add3A_5 = arith.addi %iota3A, %add3A_4 : vector<16xi32>
    %mul3A_6 = arith.constant 0 : i32
    %mul3A_7 = vector.broadcast %mul3A_6 : i32 to vector<16xi32>
    %mul3A_8 = arith.muli %iota3A, %mul3A_7 : vector<16xi32>
    %gather3A = tpu.vector_load_idx %arg10[%add3A_5, %mul3A_8] : memref<192x3xf32, #tpu.memory_space<vmem>>[vector<16xi32>, vector<16xi32>], vector<16xf32>,
    %swap3A = arith.constant 0 : index
    %swap3A_9 = tpu.vector_load %arg6[%swap3A] {strides = array<i32>} : memref<192xf32, #tpu.memory_space<vmem>>, vector<16xf32>,
    tpu.vector_store %arg6[%swap3A], %gather3A {strides = array<i32>} : memref<192xf32, #tpu.memory_space<vmem>>, vector<16xf32>,
    %mul3A_10 = arith.constant 0 : i32
    %mul3A_11 = vector.broadcast %mul3A_10 : i32 to vector<16xi32>
    %mul3A_12 = arith.muli %iota3A, %mul3A_11 : vector<16xi32>
    %add3A_13 = arith.constant 1 : i32
    %add3A_14 = vector.broadcast %add3A_13 : i32 to vector<16xi32>
    %add3A_15 = arith.addi %mul3A_12, %add3A_14 : vector<16xi32>
    %gather3A_16 = tpu.vector_load_idx %arg10[%add3A_5, %add3A_15] : memref<192x3xf32, #tpu.memory_space<vmem>>[vector<16xi32>, vector<16xi32>], vector<16xf32>,
    %swap3A_17 = arith.constant 0 : index
    %swap3A_18 = tpu.vector_load %arg7[%swap3A_17] {strides = array<i32>} : memref<192xf32, #tpu.memory_space<vmem>>, vector<16xf32>,
    tpu.vector_store %arg7[%swap3A_17], %gather3A_16 {strides = array<i32>} : memref<192xf32, #tpu.memory_space<vmem>>, vector<16xf32>,
    %mul3A_19 = arith.constant 0 : i32
    %mul3A_20 = vector.broadcast %mul3A_19 : i32 to vector<16xi32>
    %mul3A_21 = arith.muli %iota3A, %mul3A_20 : vector<16xi32>
    %add3A_22 = arith.constant 2 : i32
    %add3A_23 = vector.broadcast %add3A_22 : i32 to vector<16xi32>
    %add3A_24 = arith.addi %mul3A_21, %add3A_23 : vector<16xi32>
    %gather3A_25 = tpu.vector_load_idx %arg10[%add3A_5, %add3A_24] : memref<192x3xf32, #tpu.memory_space<vmem>>[vector<16xi32>, vector<16xi32>], vector<16xf32>,
    %swap3A_26 = arith.constant 0 : index
    %swap3A_27 = tpu.vector_load %arg8[%swap3A_26] {strides = array<i32>} : memref<192xf32, #tpu.memory_space<vmem>>, vector<16xf32>,
    tpu.vector_store %arg8[%swap3A_26], %gather3A_25 {strides = array<i32>} : memref<192xf32, #tpu.memory_space<vmem>>, vector<16xf32>,
    %add3A_28 = arith.constant 16 : i32
    %add3A_29 = vector.broadcast %add3A_28 : i32 to vector<16xi32>
    %add3A_30 = arith.addi %iota3A, %add3A_29 : vector<16xi32>
    %mul3A_31 = arith.constant 0 : i32
    %mul3A_32 = vector.broadcast %mul3A_31 : i32 to vector<16xi32>
    %mul3A_33 = arith.muli %iota3A, %mul3A_32 : vector<16xi32>
    %gather3A_34 = tpu.vector_load_idx %arg10[%add3A_30, %mul3A_33] : memref<192x3xf32, #tpu.memory_space<vmem>>[vector<16xi32>, vector<16xi32>], vector<16xf32>,
    %swap3A_35 = arith.constant 16 : index
    %swap3A_36 = tpu.vector_load %arg6[%swap3A_35] {strides = array<i32>} : memref<192xf32, #tpu.memory_space<vmem>>, vector<16xf32>,
    tpu.vector_store %arg6[%swap3A_35], %gather3A_34 {strides = array<i32>} : memref<192xf32, #tpu.memory_space<vmem>>, vector<16xf32>,
    %mul3A_37 = arith.constant 0 : i32
    %mul3A_38 = vector.broadcast %mul3A_37 : i32 to vector<16xi32>
    %mul3A_39 = arith.muli %iota3A, %mul3A_38 : vector<16xi32>
    %add3A_40 = arith.constant 1 : i32
    %add3A_41 = vector.broadcast %add3A_40 : i32 to vector<16xi32>
    %add3A_42 = arith.addi %mul3A_39, %add3A_41 : vector<16xi32>
    %gather3A_43 = tpu.vector_load_idx %arg10[%add3A_30, %add3A_42] : memref<192x3xf32, #tpu.memory_space<vmem>>[vector<16xi32>, vector<16xi32>], vector<16xf32>,
    %swap3A_44 = arith.constant 16 : index
    %swap3A_45 = tpu.vector_load %arg7[%swap3A_44] {strides = array<i32>} : memref<192xf32, #tpu.memory_space<vmem>>, vector<16xf32>,
    tpu.vector_store %arg7[%swap3A_44], %gather3A_43 {strides = array<i32>} : memref<192xf32, #tpu.memory_space<vmem>>, vector<16xf32>,
    %mul3A_46 = arith.constant 0 : i32
    %mul3A_47 = vector.broadcast %mul3A_46 : i32 to vector<16xi32>
    %mul3A_48 = arith.muli %iota3A, %mul3A_47 : vector<16xi32>
    %add3A_49 = arith.constant 2 : i32
    %add3A_50 = vector.broadcast %add3A_49 : i32 to vector<16xi32>
    %add3A_51 = arith.addi %mul3A_48, %add3A_50 : vector<16xi32>
    %gather3A_52 = tpu.vector_load_idx %arg10[%add3A_30, %add3A_51] : memref<192x3xf32, #tpu.memory_space<vmem>>[vector<16xi32>, vector<16xi32>], vector<16xf32>,
    %swap3A_53 = arith.constant 16 : index
    %swap3A_54 = tpu.vector_load %arg8[%swap3A_53] {strides = array<i32>} : memref<192xf32, #tpu.memory_space<vmem>>, vector<16xf32>,
    tpu.vector_store %arg8[%swap3A_53], %gather3A_52 {strides = array<i32>} : memref<192xf32, #tpu.memory_space<vmem>>, vector<16xf32>,
    %add3A_55 = arith.constant 32 : i32
    %add3A_56 = vector.broadcast %add3A_55 : i32 to vector<16xi32>
    %add3A_57 = arith.addi %iota3A, %add3A_56 : vector<16xi32>
    %mul3A_58 = arith.constant 0 : i32
    %mul3A_59 = vector.broadcast %mul3A_58 : i32 to vector<16xi32>
    %mul3A_60 = arith.muli %iota3A, %mul3A_59 : vector<16xi32>
    %gather3A_61 = tpu.vector_load_idx %arg10[%add3A_57, %mul3A_60] : memref<192x3xf32, #tpu.memory_space<vmem>>[vector<16xi32>, vector<16xi32>], vector<16xf32>,
    %swap3A_62 = arith.constant 32 : index
    %swap3A_63 = tpu.vector_load %arg6[%swap3A_62] {strides = array<i32>} : memref<192xf32, #tpu.memory_space<vmem>>, vector<16xf32>,
    tpu.vector_store %arg6[%swap3A_62], %gather3A_61 {strides = array<i32>} : memref<192xf32, #tpu.memory_space<vmem>>, vector<16xf32>,
    %mul3A_64 = arith.constant 0 : i32
    %mul3A_65 = vector.broadcast %mul3A_64 : i32 to vector<16xi32>
    %mul3A_66 = arith.muli %iota3A, %mul3A_65 : vector<16xi32>
    %add3A_67 = arith.constant 1 : i32
    %add3A_68 = vector.broadcast %add3A_67 : i32 to vector<16xi32>
    %add3A_69 = arith.addi %mul3A_66, %add3A_68 : vector<16xi32>
    %gather3A_70 = tpu.vector_load_idx %arg10[%add3A_57, %add3A_69] : memref<192x3xf32, #tpu.memory_space<vmem>>[vector<16xi32>, vector<16xi32>], vector<16xf32>,
    %swap3A_71 = arith.constant 32 : index
    %swap3A_72 = tpu.vector_load %arg7[%swap3A_71] {strides = array<i32>} : memref<192xf32, #tpu.memory_space<vmem>>, vector<16xf32>,
    tpu.vector_store %arg7[%swap3A_71], %gather3A_70 {strides = array<i32>} : memref<192xf32, #tpu.memory_space<vmem>>, vector<16xf32>,
    %mul3A_73 = arith.constant 0 : i32
    %mul3A_74 = vector.broadcast %mul3A_73 : i32 to vector<16xi32>
    %mul3A_75 = arith.muli %iota3A, %mul3A_74 : vector<16xi32>
    %add3A_76 = arith.constant 2 : i32
    %add3A_77 = vector.broadcast %add3A_76 : i32 to vector<16xi32>
    %add3A_78 = arith.addi %mul3A_75, %add3A_77 : vector<16xi32>
    %gather3A_79 = tpu.vector_load_idx %arg10[%add3A_57, %add3A_78] : memref<192x3xf32, #tpu.memory_space<vmem>>[vector<16xi32>, vector<16xi32>], vector<16xf32>,
    %swap3A_80 = arith.constant 32 : index
    %swap3A_81 = tpu.vector_load %arg8[%swap3A_80] {strides = array<i32>} : memref<192xf32, #tpu.memory_space<vmem>>, vector<16xf32>,
    tpu.vector_store %arg8[%swap3A_80], %gather3A_79 {strides = array<i32>} : memref<192xf32, #tpu.memory_space<vmem>>, vector<16xf32>,
    %add3A_82 = arith.constant 48 : i32
    %add3A_83 = vector.broadcast %add3A_82 : i32 to vector<16xi32>
    %add3A_84 = arith.addi %iota3A, %add3A_83 : vector<16xi32>
    %mul3A_85 = arith.constant 0 : i32
    %mul3A_86 = vector.broadcast %mul3A_85 : i32 to vector<16xi32>
    %mul3A_87 = arith.muli %iota3A, %mul3A_86 : vector<16xi32>
    %gather3A_88 = tpu.vector_load_idx %arg10[%add3A_84, %mul3A_87] : memref<192x3xf32, #tpu.memory_space<vmem>>[vector<16xi32>, vector<16xi32>], vector<16xf32>,
    %swap3A_89 = arith.constant 48 : index
    %swap3A_90 = tpu.vector_load %arg6[%swap3A_89] {strides = array<i32>} : memref<192xf32, #tpu.memory_space<vmem>>, vector<16xf32>,
    tpu.vector_store %arg6[%swap3A_89], %gather3A_88 {strides = array<i32>} : memref<192xf32, #tpu.memory_space<vmem>>, vector<16xf32>,
    %mul3A_91 = arith.constant 0 : i32
    %mul3A_92 = vector.broadcast %mul3A_91 : i32 to vector<16xi32>
    %mul3A_93 = arith.muli %iota3A, %mul3A_92 : vector<16xi32>
    %add3A_94 = arith.constant 1 : i32
    %add3A_95 = vector.broadcast %add3A_94 : i32 to vector<16xi32>
    %add3A_96 = arith.addi %mul3A_93, %add3A_95 : vector<16xi32>
    %gather3A_97 = tpu.vector_load_idx %arg10[%add3A_84, %add3A_96] : memref<192x3xf32, #tpu.memory_space<vmem>>[vector<16xi32>, vector<16xi32>], vector<16xf32>,
    %swap3A_98 = arith.constant 48 : index
    %swap3A_99 = tpu.vector_load %arg7[%swap3A_98] {strides = array<i32>} : memref<192xf32, #tpu.memory_space<vmem>>, vector<16xf32>,
    tpu.vector_store %arg7[%swap3A_98], %gather3A_97 {strides = array<i32>} : memref<192xf32, #tpu.memory_space<vmem>>, vector<16xf32>,
    %mul3A_100 = arith.constant 0 : i32
    %mul3A_101 = vector.broadcast %mul3A_100 : i32 to vector<16xi32>
    %mul3A_102 = arith.muli %iota3A, %mul3A_101 : vector<16xi32>
    %add3A_103 = arith.constant 2 : i32
    %add3A_104 = vector.broadcast %add3A_103 : i32 to vector<16xi32>
    %add3A_105 = arith.addi %mul3A_102, %add3A_104 : vector<16xi32>
    %gather3A_106 = tpu.vector_load_idx %arg10[%add3A_84, %add3A_105] : memref<192x3xf32, #tpu.memory_space<vmem>>[vector<16xi32>, vector<16xi32>], vector<16xf32>,
    %swap3A_107 = arith.constant 48 : index
    %swap3A_108 = tpu.vector_load %arg8[%swap3A_107] {strides = array<i32>} : memref<192xf32, #tpu.memory_space<vmem>>, vector<16xf32>,
    tpu.vector_store %arg8[%swap3A_107], %gather3A_106 {strides = array<i32>} : memref<192xf32, #tpu.memory_space<vmem>>, vector<16xf32>,
    %add3A_109 = arith.constant 64 : i32
    %add3A_110 = vector.broadcast %add3A_109 : i32 to vector<16xi32>
    %add3A_111 = arith.addi %iota3A, %add3A_110 : vector<16xi32>
    %mul3A_112 = arith.constant 0 : i32
    %mul3A_113 = vector.broadcast %mul3A_112 : i32 to vector<16xi32>
    %mul3A_114 = arith.muli %iota3A, %mul3A_113 : vector<16xi32>
    %gather3A_115 = tpu.vector_load_idx %arg10[%add3A_111, %mul3A_114] : memref<192x3xf32, #tpu.memory_space<vmem>>[vector<16xi32>, vector<16xi32>], vector<16xf32>,
    %swap3A_116 = arith.constant 64 : index
    %swap3A_117 = tpu.vector_load %arg6[%swap3A_116] {strides = array<i32>} : memref<192xf32, #tpu.memory_space<vmem>>, vector<16xf32>,
    tpu.vector_store %arg6[%swap3A_116], %gather3A_115 {strides = array<i32>} : memref<192xf32, #tpu.memory_space<vmem>>, vector<16xf32>,
    %mul3A_118 = arith.constant 0 : i32
    %mul3A_119 = vector.broadcast %mul3A_118 : i32 to vector<16xi32>
    %mul3A_120 = arith.muli %iota3A, %mul3A_119 : vector<16xi32>
    %add3A_121 = arith.constant 1 : i32
    %add3A_122 = vector.broadcast %add3A_121 : i32 to vector<16xi32>
    %add3A_123 = arith.addi %mul3A_120, %add3A_122 : vector<16xi32>
    %gather3A_124 = tpu.vector_load_idx %arg10[%add3A_111, %add3A_123] : memref<192x3xf32, #tpu.memory_space<vmem>>[vector<16xi32>, vector<16xi32>], vector<16xf32>,
    %swap3A_125 = arith.constant 64 : index
    %swap3A_126 = tpu.vector_load %arg7[%swap3A_125] {strides = array<i32>} : memref<192xf32, #tpu.memory_space<vmem>>, vector<16xf32>,
    tpu.vector_store %arg7[%swap3A_125], %gather3A_124 {strides = array<i32>} : memref<192xf32, #tpu.memory_space<vmem>>, vector<16xf32>,
    %mul3A_127 = arith.constant 0 : i32
    %mul3A_128 = vector.broadcast %mul3A_127 : i32 to vector<16xi32>
    %mul3A_129 = arith.muli %iota3A, %mul3A_128 : vector<16xi32>
    %add3A_130 = arith.constant 2 : i32
    %add3A_131 = vector.broadcast %add3A_130 : i32 to vector<16xi32>
    %add3A_132 = arith.addi %mul3A_129, %add3A_131 : vector<16xi32>
    %gather3A_133 = tpu.vector_load_idx %arg10[%add3A_111, %add3A_132] : memref<192x3xf32, #tpu.memory_space<vmem>>[vector<16xi32>, vector<16xi32>], vector<16xf32>,
    %swap3A_134 = arith.constant 64 : index
    %swap3A_135 = tpu.vector_load %arg8[%swap3A_134] {strides = array<i32>} : memref<192xf32, #tpu.memory_space<vmem>>, vector<16xf32>,
    tpu.vector_store %arg8[%swap3A_134], %gather3A_133 {strides = array<i32>} : memref<192xf32, #tpu.memory_space<vmem>>, vector<16xf32>,
    %add3A_136 = arith.constant 80 : i32
    %add3A_137 = vector.broadcast %add3A_136 : i32 to vector<16xi32>
    %add3A_138 = arith.addi %iota3A, %add3A_137 : vector<16xi32>
    %mul3A_139 = arith.constant 0 : i32
    %mul3A_140 = vector.broadcast %mul3A_139 : i32 to vector<16xi32>
    %mul3A_141 = arith.muli %iota3A, %mul3A_140 : vector<16xi32>
    %gather3A_142 = tpu.vector_load_idx %arg10[%add3A_138, %mul3A_141] : memref<192x3xf32, #tpu.memory_space<vmem>>[vector<16xi32>, vector<16xi32>], vector<16xf32>,
    %swap3A_143 = arith.constant 80 : index
    %swap3A_144 = tpu.vector_load %arg6[%swap3A_143] {strides = array<i32>} : memref<192xf32, #tpu.memory_space<vmem>>, vector<16xf32>,
    tpu.vector_store %arg6[%swap3A_143], %gather3A_142 {strides = array<i32>} : memref<192xf32, #tpu.memory_space<vmem>>, vector<16xf32>,
    %mul3A_145 = arith.constant 0 : i32
    %mul3A_146 = vector.broadcast %mul3A_145 : i32 to vector<16xi32>
    %mul3A_147 = arith.muli %iota3A, %mul3A_146 : vector<16xi32>
    %add3A_148 = arith.constant 1 : i32
    %add3A_149 = vector.broadcast %add3A_148 : i32 to vector<16xi32>
    %add3A_150 = arith.addi %mul3A_147, %add3A_149 : vector<16xi32>
    %gather3A_151 = tpu.vector_load_idx %arg10[%add3A_138, %add3A_150] : memref<192x3xf32, #tpu.memory_space<vmem>>[vector<16xi32>, vector<16xi32>], vector<16xf32>,
    %swap3A_152 = arith.constant 80 : index
    %swap3A_153 = tpu.vector_load %arg7[%swap3A_152] {strides = array<i32>} : memref<192xf32, #tpu.memory_space<vmem>>, vector<16xf32>,
    tpu.vector_store %arg7[%swap3A_152], %gather3A_151 {strides = array<i32>} : memref<192xf32, #tpu.memory_space<vmem>>, vector<16xf32>,
    %mul3A_154 = arith.constant 0 : i32
    %mul3A_155 = vector.broadcast %mul3A_154 : i32 to vector<16xi32>
    %mul3A_156 = arith.muli %iota3A, %mul3A_155 : vector<16xi32>
    %add3A_157 = arith.constant 2 : i32
    %add3A_158 = vector.broadcast %add3A_157 : i32 to vector<16xi32>
    %add3A_159 = arith.addi %mul3A_156, %add3A_158 : vector<16xi32>
    %gather3A_160 = tpu.vector_load_idx %arg10[%add3A_138, %add3A_159] : memref<192x3xf32, #tpu.memory_space<vmem>>[vector<16xi32>, vector<16xi32>], vector<16xf32>,
    %swap3A_161 = arith.constant 80 : index
    %swap3A_162 = tpu.vector_load %arg8[%swap3A_161] {strides = array<i32>} : memref<192xf32, #tpu.memory_space<vmem>>, vector<16xf32>,
    tpu.vector_store %arg8[%swap3A_161], %gather3A_160 {strides = array<i32>} : memref<192xf32, #tpu.memory_space<vmem>>, vector<16xf32>,
    %add3A_163 = arith.constant 96 : i32
    %add3A_164 = vector.broadcast %add3A_163 : i32 to vector<16xi32>
    %add3A_165 = arith.addi %iota3A, %add3A_164 : vector<16xi32>
    %mul3A_166 = arith.constant 0 : i32
    %mul3A_167 = vector.broadcast %mul3A_166 : i32 to vector<16xi32>
    %mul3A_168 = arith.muli %iota3A, %mul3A_167 : vector<16xi32>
    %gather3A_169 = tpu.vector_load_idx %arg10[%add3A_165, %mul3A_168] : memref<192x3xf32, #tpu.memory_space<vmem>>[vector<16xi32>, vector<16xi32>], vector<16xf32>,
    %swap3A_170 = arith.constant 96 : index
    %swap3A_171 = tpu.vector_load %arg6[%swap3A_170] {strides = array<i32>} : memref<192xf32, #tpu.memory_space<vmem>>, vector<16xf32>,
    tpu.vector_store %arg6[%swap3A_170], %gather3A_169 {strides = array<i32>} : memref<192xf32, #tpu.memory_space<vmem>>, vector<16xf32>,
    %mul3A_172 = arith.constant 0 : i32
    %mul3A_173 = vector.broadcast %mul3A_172 : i32 to vector<16xi32>
    %mul3A_174 = arith.muli %iota3A, %mul3A_173 : vector<16xi32>
    %add3A_175 = arith.constant 1 : i32
    %add3A_176 = vector.broadcast %add3A_175 : i32 to vector<16xi32>
    %add3A_177 = arith.addi %mul3A_174, %add3A_176 : vector<16xi32>
    %gather3A_178 = tpu.vector_load_idx %arg10[%add3A_165, %add3A_177] : memref<192x3xf32, #tpu.memory_space<vmem>>[vector<16xi32>, vector<16xi32>], vector<16xf32>,
    %swap3A_179 = arith.constant 96 : index
    %swap3A_180 = tpu.vector_load %arg7[%swap3A_179] {strides = array<i32>} : memref<192xf32, #tpu.memory_space<vmem>>, vector<16xf32>,
    tpu.vector_store %arg7[%swap3A_179], %gather3A_178 {strides = array<i32>} : memref<192xf32, #tpu.memory_space<vmem>>, vector<16xf32>,
    %mul3A_181 = arith.constant 0 : i32
    %mul3A_182 = vector.broadcast %mul3A_181 : i32 to vector<16xi32>
    %mul3A_183 = arith.muli %iota3A, %mul3A_182 : vector<16xi32>
    %add3A_184 = arith.constant 2 : i32
    %add3A_185 = vector.broadcast %add3A_184 : i32 to vector<16xi32>
    %add3A_186 = arith.addi %mul3A_183, %add3A_185 : vector<16xi32>
    %gather3A_187 = tpu.vector_load_idx %arg10[%add3A_165, %add3A_186] : memref<192x3xf32, #tpu.memory_space<vmem>>[vector<16xi32>, vector<16xi32>], vector<16xf32>,
    %swap3A_188 = arith.constant 96 : index
    %swap3A_189 = tpu.vector_load %arg8[%swap3A_188] {strides = array<i32>} : memref<192xf32, #tpu.memory_space<vmem>>, vector<16xf32>,
    tpu.vector_store %arg8[%swap3A_188], %gather3A_187 {strides = array<i32>} : memref<192xf32, #tpu.memory_space<vmem>>, vector<16xf32>,
    %add3A_190 = arith.constant 112 : i32
    %add3A_191 = vector.broadcast %add3A_190 : i32 to vector<16xi32>
    %add3A_192 = arith.addi %iota3A, %add3A_191 : vector<16xi32>
    %mul3A_193 = arith.constant 0 : i32
    %mul3A_194 = vector.broadcast %mul3A_193 : i32 to vector<16xi32>
    %mul3A_195 = arith.muli %iota3A, %mul3A_194 : vector<16xi32>
    %gather3A_196 = tpu.vector_load_idx %arg10[%add3A_192, %mul3A_195] : memref<192x3xf32, #tpu.memory_space<vmem>>[vector<16xi32>, vector<16xi32>], vector<16xf32>,
    %swap3A_197 = arith.constant 112 : index
    %swap3A_198 = tpu.vector_load %arg6[%swap3A_197] {strides = array<i32>} : memref<192xf32, #tpu.memory_space<vmem>>, vector<16xf32>,
    tpu.vector_store %arg6[%swap3A_197], %gather3A_196 {strides = array<i32>} : memref<192xf32, #tpu.memory_space<vmem>>, vector<16xf32>,
    %mul3A_199 = arith.constant 0 : i32
    %mul3A_200 = vector.broadcast %mul3A_199 : i32 to vector<16xi32>
    %mul3A_201 = arith.muli %iota3A, %mul3A_200 : vector<16xi32>
    %add3A_202 = arith.constant 1 : i32
    %add3A_203 = vector.broadcast %add3A_202 : i32 to vector<16xi32>
    %add3A_204 = arith.addi %mul3A_201, %add3A_203 : vector<16xi32>
    %gather3A_205 = tpu.vector_load_idx %arg10[%add3A_192, %add3A_204] : memref<192x3xf32, #tpu.memory_space<vmem>>[vector<16xi32>, vector<16xi32>], vector<16xf32>,
    %swap3A_206 = arith.constant 112 : index
    %swap3A_207 = tpu.vector_load %arg7[%swap3A_206] {strides = array<i32>} : memref<192xf32, #tpu.memory_space<vmem>>, vector<16xf32>,
    tpu.vector_store %arg7[%swap3A_206], %gather3A_205 {strides = array<i32>} : memref<192xf32, #tpu.memory_space<vmem>>, vector<16xf32>,
    %mul3A_208 = arith.constant 0 : i32
    %mul3A_209 = vector.broadcast %mul3A_208 : i32 to vector<16xi32>
    %mul3A_210 = arith.muli %iota3A, %mul3A_209 : vector<16xi32>
    %add3A_211 = arith.constant 2 : i32
    %add3A_212 = vector.broadcast %add3A_211 : i32 to vector<16xi32>
    %add3A_213 = arith.addi %mul3A_210, %add3A_212 : vector<16xi32>
    %gather3A_214 = tpu.vector_load_idx %arg10[%add3A_192, %add3A_213] : memref<192x3xf32, #tpu.memory_space<vmem>>[vector<16xi32>, vector<16xi32>], vector<16xf32>,
    %swap3A_215 = arith.constant 112 : index
    %swap3A_216 = tpu.vector_load %arg8[%swap3A_215] {strides = array<i32>} : memref<192xf32, #tpu.memory_space<vmem>>, vector<16xf32>,
    tpu.vector_store %arg8[%swap3A_215], %gather3A_214 {strides = array<i32>} : memref<192xf32, #tpu.memory_space<vmem>>, vector<16xf32>,
    %add3A_217 = arith.constant 128 : i32
    %add3A_218 = vector.broadcast %add3A_217 : i32 to vector<16xi32>
    %add3A_219 = arith.addi %iota3A, %add3A_218 : vector<16xi32>
    %mul3A_220 = arith.constant 0 : i32
    %mul3A_221 = vector.broadcast %mul3A_220 : i32 to vector<16xi32>
    %mul3A_222 = arith.muli %iota3A, %mul3A_221 : vector<16xi32>
    %gather3A_223 = tpu.vector_load_idx %arg10[%add3A_219, %mul3A_222] : memref<192x3xf32, #tpu.memory_space<vmem>>[vector<16xi32>, vector<16xi32>], vector<16xf32>,
    %swap3A_224 = arith.constant 128 : index
    %swap3A_225 = tpu.vector_load %arg6[%swap3A_224] {strides = array<i32>} : memref<192xf32, #tpu.memory_space<vmem>>, vector<16xf32>,
    tpu.vector_store %arg6[%swap3A_224], %gather3A_223 {strides = array<i32>} : memref<192xf32, #tpu.memory_space<vmem>>, vector<16xf32>,
    %mul3A_226 = arith.constant 0 : i32
    %mul3A_227 = vector.broadcast %mul3A_226 : i32 to vector<16xi32>
    %mul3A_228 = arith.muli %iota3A, %mul3A_227 : vector<16xi32>
    %add3A_229 = arith.constant 1 : i32
    %add3A_230 = vector.broadcast %add3A_229 : i32 to vector<16xi32>
    %add3A_231 = arith.addi %mul3A_228, %add3A_230 : vector<16xi32>
    %gather3A_232 = tpu.vector_load_idx %arg10[%add3A_219, %add3A_231] : memref<192x3xf32, #tpu.memory_space<vmem>>[vector<16xi32>, vector<16xi32>], vector<16xf32>,
    %swap3A_233 = arith.constant 128 : index
    %swap3A_234 = tpu.vector_load %arg7[%swap3A_233] {strides = array<i32>} : memref<192xf32, #tpu.memory_space<vmem>>, vector<16xf32>,
    tpu.vector_store %arg7[%swap3A_233], %gather3A_232 {strides = array<i32>} : memref<192xf32, #tpu.memory_space<vmem>>, vector<16xf32>,
    %mul3A_235 = arith.constant 0 : i32
    %mul3A_236 = vector.broadcast %mul3A_235 : i32 to vector<16xi32>
    %mul3A_237 = arith.muli %iota3A, %mul3A_236 : vector<16xi32>
    %add3A_238 = arith.constant 2 : i32
    %add3A_239 = vector.broadcast %add3A_238 : i32 to vector<16xi32>
    %add3A_240 = arith.addi %mul3A_237, %add3A_239 : vector<16xi32>
    %gather3A_241 = tpu.vector_load_idx %arg10[%add3A_219, %add3A_240] : memref<192x3xf32, #tpu.memory_space<vmem>>[vector<16xi32>, vector<16xi32>], vector<16xf32>,
    %swap3A_242 = arith.constant 128 : index
    %swap3A_243 = tpu.vector_load %arg8[%swap3A_242] {strides = array<i32>} : memref<192xf32, #tpu.memory_space<vmem>>, vector<16xf32>,
    tpu.vector_store %arg8[%swap3A_242], %gather3A_241 {strides = array<i32>} : memref<192xf32, #tpu.memory_space<vmem>>, vector<16xf32>,
    %add3A_244 = arith.constant 144 : i32
    %add3A_245 = vector.broadcast %add3A_244 : i32 to vector<16xi32>
    %add3A_246 = arith.addi %iota3A, %add3A_245 : vector<16xi32>
    %mul3A_247 = arith.constant 0 : i32
    %mul3A_248 = vector.broadcast %mul3A_247 : i32 to vector<16xi32>
    %mul3A_249 = arith.muli %iota3A, %mul3A_248 : vector<16xi32>
    %gather3A_250 = tpu.vector_load_idx %arg10[%add3A_246, %mul3A_249] : memref<192x3xf32, #tpu.memory_space<vmem>>[vector<16xi32>, vector<16xi32>], vector<16xf32>,
    %swap3A_251 = arith.constant 144 : index
    %swap3A_252 = tpu.vector_load %arg6[%swap3A_251] {strides = array<i32>} : memref<192xf32, #tpu.memory_space<vmem>>, vector<16xf32>,
    tpu.vector_store %arg6[%swap3A_251], %gather3A_250 {strides = array<i32>} : memref<192xf32, #tpu.memory_space<vmem>>, vector<16xf32>,
    %mul3A_253 = arith.constant 0 : i32
    %mul3A_254 = vector.broadcast %mul3A_253 : i32 to vector<16xi32>
    %mul3A_255 = arith.muli %iota3A, %mul3A_254 : vector<16xi32>
    %add3A_256 = arith.constant 1 : i32
    %add3A_257 = vector.broadcast %add3A_256 : i32 to vector<16xi32>
    %add3A_258 = arith.addi %mul3A_255, %add3A_257 : vector<16xi32>
    %gather3A_259 = tpu.vector_load_idx %arg10[%add3A_246, %add3A_258] : memref<192x3xf32, #tpu.memory_space<vmem>>[vector<16xi32>, vector<16xi32>], vector<16xf32>,
    %swap3A_260 = arith.constant 144 : index
    %swap3A_261 = tpu.vector_load %arg7[%swap3A_260] {strides = array<i32>} : memref<192xf32, #tpu.memory_space<vmem>>, vector<16xf32>,
    tpu.vector_store %arg7[%swap3A_260], %gather3A_259 {strides = array<i32>} : memref<192xf32, #tpu.memory_space<vmem>>, vector<16xf32>,
    %mul3A_262 = arith.constant 0 : i32
    %mul3A_263 = vector.broadcast %mul3A_262 : i32 to vector<16xi32>
    %mul3A_264 = arith.muli %iota3A, %mul3A_263 : vector<16xi32>
    %add3A_265 = arith.constant 2 : i32
    %add3A_266 = vector.broadcast %add3A_265 : i32 to vector<16xi32>
    %add3A_267 = arith.addi %mul3A_264, %add3A_266 : vector<16xi32>
    %gather3A_268 = tpu.vector_load_idx %arg10[%add3A_246, %add3A_267] : memref<192x3xf32, #tpu.memory_space<vmem>>[vector<16xi32>, vector<16xi32>], vector<16xf32>,
    %swap3A_269 = arith.constant 144 : index
    %swap3A_270 = tpu.vector_load %arg8[%swap3A_269] {strides = array<i32>} : memref<192xf32, #tpu.memory_space<vmem>>, vector<16xf32>,
    tpu.vector_store %arg8[%swap3A_269], %gather3A_268 {strides = array<i32>} : memref<192xf32, #tpu.memory_space<vmem>>, vector<16xf32>,
    %add3A_271 = arith.constant 160 : i32
    %add3A_272 = vector.broadcast %add3A_271 : i32 to vector<16xi32>
    %add3A_273 = arith.addi %iota3A, %add3A_272 : vector<16xi32>
    %mul3A_274 = arith.constant 0 : i32
    %mul3A_275 = vector.broadcast %mul3A_274 : i32 to vector<16xi32>
    %mul3A_276 = arith.muli %iota3A, %mul3A_275 : vector<16xi32>
    %gather3A_277 = tpu.vector_load_idx %arg10[%add3A_273, %mul3A_276] : memref<192x3xf32, #tpu.memory_space<vmem>>[vector<16xi32>, vector<16xi32>], vector<16xf32>,
    %swap3A_278 = arith.constant 160 : index
    %swap3A_279 = tpu.vector_load %arg6[%swap3A_278] {strides = array<i32>} : memref<192xf32, #tpu.memory_space<vmem>>, vector<16xf32>,
    tpu.vector_store %arg6[%swap3A_278], %gather3A_277 {strides = array<i32>} : memref<192xf32, #tpu.memory_space<vmem>>, vector<16xf32>,
    %mul3A_280 = arith.constant 0 : i32
    %mul3A_281 = vector.broadcast %mul3A_280 : i32 to vector<16xi32>
    %mul3A_282 = arith.muli %iota3A, %mul3A_281 : vector<16xi32>
    %add3A_283 = arith.constant 1 : i32
    %add3A_284 = vector.broadcast %add3A_283 : i32 to vector<16xi32>
    %add3A_285 = arith.addi %mul3A_282, %add3A_284 : vector<16xi32>
    %gather3A_286 = tpu.vector_load_idx %arg10[%add3A_273, %add3A_285] : memref<192x3xf32, #tpu.memory_space<vmem>>[vector<16xi32>, vector<16xi32>], vector<16xf32>,
    %swap3A_287 = arith.constant 160 : index
    %swap3A_288 = tpu.vector_load %arg7[%swap3A_287] {strides = array<i32>} : memref<192xf32, #tpu.memory_space<vmem>>, vector<16xf32>,
    tpu.vector_store %arg7[%swap3A_287], %gather3A_286 {strides = array<i32>} : memref<192xf32, #tpu.memory_space<vmem>>, vector<16xf32>,
    %mul3A_289 = arith.constant 0 : i32
    %mul3A_290 = vector.broadcast %mul3A_289 : i32 to vector<16xi32>
    %mul3A_291 = arith.muli %iota3A, %mul3A_290 : vector<16xi32>
    %add3A_292 = arith.constant 2 : i32
    %add3A_293 = vector.broadcast %add3A_292 : i32 to vector<16xi32>
    %add3A_294 = arith.addi %mul3A_291, %add3A_293 : vector<16xi32>
    %gather3A_295 = tpu.vector_load_idx %arg10[%add3A_273, %add3A_294] : memref<192x3xf32, #tpu.memory_space<vmem>>[vector<16xi32>, vector<16xi32>], vector<16xf32>,
    %swap3A_296 = arith.constant 160 : index
    %swap3A_297 = tpu.vector_load %arg8[%swap3A_296] {strides = array<i32>} : memref<192xf32, #tpu.memory_space<vmem>>, vector<16xf32>,
    tpu.vector_store %arg8[%swap3A_296], %gather3A_295 {strides = array<i32>} : memref<192xf32, #tpu.memory_space<vmem>>, vector<16xf32>,
    %add3A_298 = arith.constant 176 : i32
    %add3A_299 = vector.broadcast %add3A_298 : i32 to vector<16xi32>
    %add3A_300 = arith.addi %iota3A, %add3A_299 : vector<16xi32>
    %mul3A_301 = arith.constant 0 : i32
    %mul3A_302 = vector.broadcast %mul3A_301 : i32 to vector<16xi32>
    %mul3A_303 = arith.muli %iota3A, %mul3A_302 : vector<16xi32>
    %gather3A_304 = tpu.vector_load_idx %arg10[%add3A_300, %mul3A_303] : memref<192x3xf32, #tpu.memory_space<vmem>>[vector<16xi32>, vector<16xi32>], vector<16xf32>,
    %swap3A_305 = arith.constant 176 : index
    %swap3A_306 = tpu.vector_load %arg6[%swap3A_305] {strides = array<i32>} : memref<192xf32, #tpu.memory_space<vmem>>, vector<16xf32>,
    tpu.vector_store %arg6[%swap3A_305], %gather3A_304 {strides = array<i32>} : memref<192xf32, #tpu.memory_space<vmem>>, vector<16xf32>,
    %mul3A_307 = arith.constant 0 : i32
    %mul3A_308 = vector.broadcast %mul3A_307 : i32 to vector<16xi32>
    %mul3A_309 = arith.muli %iota3A, %mul3A_308 : vector<16xi32>
    %add3A_310 = arith.constant 1 : i32
    %add3A_311 = vector.broadcast %add3A_310 : i32 to vector<16xi32>
    %add3A_312 = arith.addi %mul3A_309, %add3A_311 : vector<16xi32>
    %gather3A_313 = tpu.vector_load_idx %arg10[%add3A_300, %add3A_312] : memref<192x3xf32, #tpu.memory_space<vmem>>[vector<16xi32>, vector<16xi32>], vector<16xf32>,
    %swap3A_314 = arith.constant 176 : index
    %swap3A_315 = tpu.vector_load %arg7[%swap3A_314] {strides = array<i32>} : memref<192xf32, #tpu.memory_space<vmem>>, vector<16xf32>,
    tpu.vector_store %arg7[%swap3A_314], %gather3A_313 {strides = array<i32>} : memref<192xf32, #tpu.memory_space<vmem>>, vector<16xf32>,
    %mul3A_316 = arith.constant 0 : i32
    %mul3A_317 = vector.broadcast %mul3A_316 : i32 to vector<16xi32>
    %mul3A_318 = arith.muli %iota3A, %mul3A_317 : vector<16xi32>
    %add3A_319 = arith.constant 2 : i32
    %add3A_320 = vector.broadcast %add3A_319 : i32 to vector<16xi32>
    %add3A_321 = arith.addi %mul3A_318, %add3A_320 : vector<16xi32>
    %gather3A_322 = tpu.vector_load_idx %arg10[%add3A_300, %add3A_321] : memref<192x3xf32, #tpu.memory_space<vmem>>[vector<16xi32>, vector<16xi32>], vector<16xf32>,
    %swap3A_323 = arith.constant 176 : index
    %swap3A_324 = tpu.vector_load %arg8[%swap3A_323] {strides = array<i32>} : memref<192xf32, #tpu.memory_space<vmem>>, vector<16xf32>,
    tpu.vector_store %arg8[%swap3A_323], %gather3A_322 {strides = array<i32>} : memref<192xf32, #tpu.memory_space<vmem>>, vector<16xf32>,
    %swap3A_325 = arith.constant 0 : index
    %swap3A_326 = tpu.vector_load %arg22[%swap3A_325] {strides = array<i32>} : memref<2304xf32, #tpu.memory_space<vmem>>, vector<16xf32>,
    tpu.vector_store %arg22[%swap3A_325], %broadcast_in_dim3A_2 {strides = array<i32>} : memref<2304xf32, #tpu.memory_space<vmem>>, vector<16xf32>,
    %swap3A_327 = arith.constant 16 : index
    %swap3A_328 = tpu.vector_load %arg22[%swap3A_327] {strides = array<i32>} : memref<2304xf32, #tpu.memory_space<vmem>>, vector<16xf32>,
    tpu.vector_store %arg22[%swap3A_327], %broadcast_in_dim3A_2 {strides = array<i32>} : memref<2304xf32, #tpu.memory_space<vmem>>, vector<16xf32>,
    %swap3A_329 = arith.constant 32 : index
    %swap3A_330 = tpu.vector_load %arg22[%swap3A_329] {strides = array<i32>} : memref<2304xf32, #tpu.memory_space<vmem>>, vector<16xf32>,
    tpu.vector_store %arg22[%swap3A_329], %broadcast_in_dim3A_2 {strides = array<i32>} : memref<2304xf32, #tpu.memory_space<vmem>>, vector<16xf32>,
    %swap3A_331 = arith.constant 48 : index
    %swap3A_332 = tpu.vector_load %arg22[%swap3A_331] {strides = array<i32>} : memref<2304xf32, #tpu.memory_space<vmem>>, vector<16xf32>,
    tpu.vector_store %arg22[%swap3A_331], %broadcast_in_dim3A_2 {strides = array<i32>} : memref<2304xf32, #tpu.memory_space<vmem>>, vector<16xf32>,
    %swap3A_333 = arith.constant 64 : index
    %swap3A_334 = tpu.vector_load %arg22[%swap3A_333] {strides = array<i32>} : memref<2304xf32, #tpu.memory_space<vmem>>, vector<16xf32>,
    tpu.vector_store %arg22[%swap3A_333], %broadcast_in_dim3A_2 {strides = array<i32>} : memref<2304xf32, #tpu.memory_space<vmem>>, vector<16xf32>,
    %swap3A_335 = arith.constant 80 : index
    %swap3A_336 = tpu.vector_load %arg22[%swap3A_335] {strides = array<i32>} : memref<2304xf32, #tpu.memory_space<vmem>>, vector<16xf32>,
    tpu.vector_store %arg22[%swap3A_335], %broadcast_in_dim3A_2 {strides = array<i32>} : memref<2304xf32, #tpu.memory_space<vmem>>, vector<16xf32>,
    %swap3A_337 = arith.constant 96 : index
    %swap3A_338 = tpu.vector_load %arg22[%swap3A_337] {strides = array<i32>} : memref<2304xf32, #tpu.memory_space<vmem>>, vector<16xf32>,
    tpu.vector_store %arg22[%swap3A_337], %broadcast_in_dim3A_2 {strides = array<i32>} : memref<2304xf32, #tpu.memory_space<vmem>>, vector<16xf32>,
    %swap3A_339 = arith.constant 112 : index
    %swap3A_340 = tpu.vector_load %arg22[%swap3A_339] {strides = array<i32>} : memref<2304xf32, #tpu.memory_space<vmem>>, vector<16xf32>,
    tpu.vector_store %arg22[%swap3A_339], %broadcast_in_dim3A_2 {strides = array<i32>} : memref<2304xf32, #tpu.memory_space<vmem>>, vector<16xf32>,
    %swap3A_341 = arith.constant 128 : index
    %swap3A_342 = tpu.vector_load %arg22[%swap3A_341] {strides = array<i32>} : memref<2304xf32, #tpu.memory_space<vmem>>, vector<16xf32>,
    tpu.vector_store %arg22[%swap3A_341], %broadcast_in_dim3A_2 {strides = array<i32>} : memref<2304xf32, #tpu.memory_space<vmem>>, vector<16xf32>,
    %swap3A_343 = arith.constant 144 : index
    %swap3A_344 = tpu.vector_load %arg22[%swap3A_343] {strides = array<i32>} : memref<2304xf32, #tpu.memory_space<vmem>>, vector<16xf32>,
    tpu.vector_store %arg22[%swap3A_343], %broadcast_in_dim3A_2 {strides = array<i32>} : memref<2304xf32, #tpu.memory_space<vmem>>, vector<16xf32>,
    %swap3A_345 = arith.constant 160 : index
    %swap3A_346 = tpu.vector_load %arg22[%swap3A_345] {strides = array<i32>} : memref<2304xf32, #tpu.memory_space<vmem>>, vector<16xf32>,
    tpu.vector_store %arg22[%swap3A_345], %broadcast_in_dim3A_2 {strides = array<i32>} : memref<2304xf32, #tpu.memory_space<vmem>>, vector<16xf32>,
    %swap3A_347 = arith.constant 176 : index
    %swap3A_348 = tpu.vector_load %arg22[%swap3A_347] {strides = array<i32>} : memref<2304xf32, #tpu.memory_space<vmem>>, vector<16xf32>,
    tpu.vector_store %arg22[%swap3A_347], %broadcast_in_dim3A_2 {strides = array<i32>} : memref<2304xf32, #tpu.memory_space<vmem>>, vector<16xf32>,
    %swap3A_349 = arith.constant 192 : index
    %swap3A_350 = tpu.vector_load %arg22[%swap3A_349] {strides = array<i32>} : memref<2304xf32, #tpu.memory_space<vmem>>, vector<16xf32>,
    tpu.vector_store %arg22[%swap3A_349], %broadcast_in_dim3A_2 {strides = array<i32>} : memref<2304xf32, #tpu.memory_space<vmem>>, vector<16xf32>,
    %swap3A_351 = arith.constant 208 : index
    %swap3A_352 = tpu.vector_load %arg22[%swap3A_351] {strides = array<i32>} : memref<2304xf32, #tpu.memory_space<vmem>>, vector<16xf32>,
    tpu.vector_store %arg22[%swap3A_351], %broadcast_in_dim3A_2 {strides = array<i32>} : memref<2304xf32, #tpu.memory_space<vmem>>, vector<16xf32>,
    %swap3A_353 = arith.constant 224 : index
    %swap3A_354 = tpu.vector_load %arg22[%swap3A_353] {strides = array<i32>} : memref<2304xf32, #tpu.memory_space<vmem>>, vector<16xf32>,
    tpu.vector_store %arg22[%swap3A_353], %broadcast_in_dim3A_2 {strides = array<i32>} : memref<2304xf32, #tpu.memory_space<vmem>>, vector<16xf32>,
    %swap3A_355 = arith.constant 240 : index
    %swap3A_356 = tpu.vector_load %arg22[%swap3A_355] {strides = array<i32>} : memref<2304xf32, #tpu.memory_space<vmem>>, vector<16xf32>,
    tpu.vector_store %arg22[%swap3A_355], %broadcast_in_dim3A_2 {strides = array<i32>} : memref<2304xf32, #tpu.memory_space<vmem>>, vector<16xf32>,
    %swap3A_357 = arith.constant 256 : index
    %swap3A_358 = tpu.vector_load %arg22[%swap3A_357] {strides = array<i32>} : memref<2304xf32, #tpu.memory_space<vmem>>, vector<16xf32>,
    tpu.vector_store %arg22[%swap3A_357], %broadcast_in_dim3A_2 {strides = array<i32>} : memref<2304xf32, #tpu.memory_space<vmem>>, vector<16xf32>,
    %swap3A_359 = arith.constant 272 : index
    %swap3A_360 = tpu.vector_load %arg22[%swap3A_359] {strides = array<i32>} : memref<2304xf32, #tpu.memory_space<vmem>>, vector<16xf32>,
    tpu.vector_store %arg22[%swap3A_359], %broadcast_in_dim3A_2 {strides = array<i32>} : memref<2304xf32, #tpu.memory_space<vmem>>, vector<16xf32>,
    %swap3A_361 = arith.constant 288 : index
    %swap3A_362 = tpu.vector_load %arg22[%swap3A_361] {strides = array<i32>} : memref<2304xf32, #tpu.memory_space<vmem>>, vector<16xf32>,
    tpu.vector_store %arg22[%swap3A_361], %broadcast_in_dim3A_2 {strides = array<i32>} : memref<2304xf32, #tpu.memory_space<vmem>>, vector<16xf32>,
    %swap3A_363 = arith.constant 304 : index
    %swap3A_364 = tpu.vector_load %arg22[%swap3A_363] {strides = array<i32>} : memref<2304xf32, #tpu.memory_space<vmem>>, vector<16xf32>,
    tpu.vector_store %arg22[%swap3A_363], %broadcast_in_dim3A_2 {strides = array<i32>} : memref<2304xf32, #tpu.memory_space<vmem>>, vector<16xf32>,
    %swap3A_365 = arith.constant 320 : index
    %swap3A_366 = tpu.vector_load %arg22[%swap3A_365] {strides = array<i32>} : memref<2304xf32, #tpu.memory_space<vmem>>, vector<16xf32>,
    tpu.vector_store %arg22[%swap3A_365], %broadcast_in_dim3A_2 {strides = array<i32>} : memref<2304xf32, #tpu.memory_space<vmem>>, vector<16xf32>,
    %swap3A_367 = arith.constant 336 : index
    %swap3A_368 = tpu.vector_load %arg22[%swap3A_367] {strides = array<i32>} : memref<2304xf32, #tpu.memory_space<vmem>>, vector<16xf32>,
    tpu.vector_store %arg22[%swap3A_367], %broadcast_in_dim3A_2 {strides = array<i32>} : memref<2304xf32, #tpu.memory_space<vmem>>, vector<16xf32>,
    %swap3A_369 = arith.constant 352 : index
    %swap3A_370 = tpu.vector_load %arg22[%swap3A_369] {strides = array<i32>} : memref<2304xf32, #tpu.memory_space<vmem>>, vector<16xf32>,
    tpu.vector_store %arg22[%swap3A_369], %broadcast_in_dim3A_2 {strides = array<i32>} : memref<2304xf32, #tpu.memory_space<vmem>>, vector<16xf32>,
    %swap3A_371 = arith.constant 368 : index
    %swap3A_372 = tpu.vector_load %arg22[%swap3A_371] {strides = array<i32>} : memref<2304xf32, #tpu.memory_space<vmem>>, vector<16xf32>,
    tpu.vector_store %arg22[%swap3A_371], %broadcast_in_dim3A_2 {strides = array<i32>} : memref<2304xf32, #tpu.memory_space<vmem>>, vector<16xf32>,
    %swap3A_373 = arith.constant 384 : index
    %swap3A_374 = tpu.vector_load %arg22[%swap3A_373] {strides = array<i32>} : memref<2304xf32, #tpu.memory_space<vmem>>, vector<16xf32>,
    tpu.vector_store %arg22[%swap3A_373], %broadcast_in_dim3A_2 {strides = array<i32>} : memref<2304xf32, #tpu.memory_space<vmem>>, vector<16xf32>,
    %swap3A_375 = arith.constant 400 : index
    %swap3A_376 = tpu.vector_load %arg22[%swap3A_375] {strides = array<i32>} : memref<2304xf32, #tpu.memory_space<vmem>>, vector<16xf32>,
    tpu.vector_store %arg22[%swap3A_375], %broadcast_in_dim3A_2 {strides = array<i32>} : memref<2304xf32, #tpu.memory_space<vmem>>, vector<16xf32>,
    %swap3A_377 = arith.constant 416 : index
    %swap3A_378 = tpu.vector_load %arg22[%swap3A_377] {strides = array<i32>} : memref<2304xf32, #tpu.memory_space<vmem>>, vector<16xf32>,
    tpu.vector_store %arg22[%swap3A_377], %broadcast_in_dim3A_2 {strides = array<i32>} : memref<2304xf32, #tpu.memory_space<vmem>>, vector<16xf32>,
    %swap3A_379 = arith.constant 432 : index
    %swap3A_380 = tpu.vector_load %arg22[%swap3A_379] {strides = array<i32>} : memref<2304xf32, #tpu.memory_space<vmem>>, vector<16xf32>,
    tpu.vector_store %arg22[%swap3A_379], %broadcast_in_dim3A_2 {strides = array<i32>} : memref<2304xf32, #tpu.memory_space<vmem>>, vector<16xf32>,
    %swap3A_381 = arith.constant 448 : index
    %swap3A_382 = tpu.vector_load %arg22[%swap3A_381] {strides = array<i32>} : memref<2304xf32, #tpu.memory_space<vmem>>, vector<16xf32>,
    tpu.vector_store %arg22[%swap3A_381], %broadcast_in_dim3A_2 {strides = array<i32>} : memref<2304xf32, #tpu.memory_space<vmem>>, vector<16xf32>,
    %swap3A_383 = arith.constant 464 : index
    %swap3A_384 = tpu.vector_load %arg22[%swap3A_383] {strides = array<i32>} : memref<2304xf32, #tpu.memory_space<vmem>>, vector<16xf32>,
    tpu.vector_store %arg22[%swap3A_383], %broadcast_in_dim3A_2 {strides = array<i32>} : memref<2304xf32, #tpu.memory_space<vmem>>, vector<16xf32>,
    %swap3A_385 = arith.constant 480 : index
    %swap3A_386 = tpu.vector_load %arg22[%swap3A_385] {strides = array<i32>} : memref<2304xf32, #tpu.memory_space<vmem>>, vector<16xf32>,
    tpu.vector_store %arg22[%swap3A_385], %broadcast_in_dim3A_2 {strides = array<i32>} : memref<2304xf32, #tpu.memory_space<vmem>>, vector<16xf32>,
    %swap3A_387 = arith.constant 496 : index
    %swap3A_388 = tpu.vector_load %arg22[%swap3A_387] {strides = array<i32>} : memref<2304xf32, #tpu.memory_space<vmem>>, vector<16xf32>,
    tpu.vector_store %arg22[%swap3A_387], %broadcast_in_dim3A_2 {strides = array<i32>} : memref<2304xf32, #tpu.memory_space<vmem>>, vector<16xf32>,
    %swap3A_389 = arith.constant 512 : index
    %swap3A_390 = tpu.vector_load %arg22[%swap3A_389] {strides = array<i32>} : memref<2304xf32, #tpu.memory_space<vmem>>, vector<16xf32>,
    tpu.vector_store %arg22[%swap3A_389], %broadcast_in_dim3A_2 {strides = array<i32>} : memref<2304xf32, #tpu.memory_space<vmem>>, vector<16xf32>,
    %swap3A_391 = arith.constant 528 : index
    %swap3A_392 = tpu.vector_load %arg22[%swap3A_391] {strides = array<i32>} : memref<2304xf32, #tpu.memory_space<vmem>>, vector<16xf32>,
    tpu.vector_store %arg22[%swap3A_391], %broadcast_in_dim3A_2 {strides = array<i32>} : memref<2304xf32, #tpu.memory_space<vmem>>, vector<16xf32>,
    %swap3A_393 = arith.constant 544 : index
    %swap3A_394 = tpu.vector_load %arg22[%swap3A_393] {strides = array<i32>} : memref<2304xf32, #tpu.memory_space<vmem>>, vector<16xf32>,
    tpu.vector_store %arg22[%swap3A_393], %broadcast_in_dim3A_2 {strides = array<i32>} : memref<2304xf32, #tpu.memory_space<vmem>>, vector<16xf32>,
    %swap3A_395 = arith.constant 560 : index
    %swap3A_396 = tpu.vector_load %arg22[%swap3A_395] {strides = array<i32>} : memref<2304xf32, #tpu.memory_space<vmem>>, vector<16xf32>,
    tpu.vector_store %arg22[%swap3A_395], %broadcast_in_dim3A_2 {strides = array<i32>} : memref<2304xf32, #tpu.memory_space<vmem>>, vector<16xf32>,
    %swap3A_397 = arith.constant 576 : index
    %swap3A_398 = tpu.vector_load %arg22[%swap3A_397] {strides = array<i32>} : memref<2304xf32, #tpu.memory_space<vmem>>, vector<16xf32>,
    tpu.vector_store %arg22[%swap3A_397], %broadcast_in_dim3A_2 {strides = array<i32>} : memref<2304xf32, #tpu.memory_space<vmem>>, vector<16xf32>,
    %swap3A_399 = arith.constant 592 : index
    %swap3A_400 = tpu.vector_load %arg22[%swap3A_399] {strides = array<i32>} : memref<2304xf32, #tpu.memory_space<vmem>>, vector<16xf32>,
    tpu.vector_store %arg22[%swap3A_399], %broadcast_in_dim3A_2 {strides = array<i32>} : memref<2304xf32, #tpu.memory_space<vmem>>, vector<16xf32>,
    %swap3A_401 = arith.constant 608 : index
    %swap3A_402 = tpu.vector_load %arg22[%swap3A_401] {strides = array<i32>} : memref<2304xf32, #tpu.memory_space<vmem>>, vector<16xf32>,
    tpu.vector_store %arg22[%swap3A_401], %broadcast_in_dim3A_2 {strides = array<i32>} : memref<2304xf32, #tpu.memory_space<vmem>>, vector<16xf32>,
    %swap3A_403 = arith.constant 624 : index
    %swap3A_404 = tpu.vector_load %arg22[%swap3A_403] {strides = array<i32>} : memref<2304xf32, #tpu.memory_space<vmem>>, vector<16xf32>,
    tpu.vector_store %arg22[%swap3A_403], %broadcast_in_dim3A_2 {strides = array<i32>} : memref<2304xf32, #tpu.memory_space<vmem>>, vector<16xf32>,
    %swap3A_405 = arith.constant 640 : index
    %swap3A_406 = tpu.vector_load %arg22[%swap3A_405] {strides = array<i32>} : memref<2304xf32, #tpu.memory_space<vmem>>, vector<16xf32>,
    tpu.vector_store %arg22[%swap3A_405], %broadcast_in_dim3A_2 {strides = array<i32>} : memref<2304xf32, #tpu.memory_space<vmem>>, vector<16xf32>,
    %swap3A_407 = arith.constant 656 : index
    %swap3A_408 = tpu.vector_load %arg22[%swap3A_407] {strides = array<i32>} : memref<2304xf32, #tpu.memory_space<vmem>>, vector<16xf32>,
    tpu.vector_store %arg22[%swap3A_407], %broadcast_in_dim3A_2 {strides = array<i32>} : memref<2304xf32, #tpu.memory_space<vmem>>, vector<16xf32>,
    %swap3A_409 = arith.constant 672 : index
    %swap3A_410 = tpu.vector_load %arg22[%swap3A_409] {strides = array<i32>} : memref<2304xf32, #tpu.memory_space<vmem>>, vector<16xf32>,
    tpu.vector_store %arg22[%swap3A_409], %broadcast_in_dim3A_2 {strides = array<i32>} : memref<2304xf32, #tpu.memory_space<vmem>>, vector<16xf32>,
    %swap3A_411 = arith.constant 688 : index
    %swap3A_412 = tpu.vector_load %arg22[%swap3A_411] {strides = array<i32>} : memref<2304xf32, #tpu.memory_space<vmem>>, vector<16xf32>,
    tpu.vector_store %arg22[%swap3A_411], %broadcast_in_dim3A_2 {strides = array<i32>} : memref<2304xf32, #tpu.memory_space<vmem>>, vector<16xf32>,
    %swap3A_413 = arith.constant 704 : index
    %swap3A_414 = tpu.vector_load %arg22[%swap3A_413] {strides = array<i32>} : memref<2304xf32, #tpu.memory_space<vmem>>, vector<16xf32>,
    tpu.vector_store %arg22[%swap3A_413], %broadcast_in_dim3A_2 {strides = array<i32>} : memref<2304xf32, #tpu.memory_space<vmem>>, vector<16xf32>,
    %swap3A_415 = arith.constant 720 : index
    %swap3A_416 = tpu.vector_load %arg22[%swap3A_415] {strides = array<i32>} : memref<2304xf32, #tpu.memory_space<vmem>>, vector<16xf32>,
    tpu.vector_store %arg22[%swap3A_415], %broadcast_in_dim3A_2 {strides = array<i32>} : memref<2304xf32, #tpu.memory_space<vmem>>, vector<16xf32>,
    %swap3A_417 = arith.constant 736 : index
    %swap3A_418 = tpu.vector_load %arg22[%swap3A_417] {strides = array<i32>} : memref<2304xf32, #tpu.memory_space<vmem>>, vector<16xf32>,
    tpu.vector_store %arg22[%swap3A_417], %broadcast_in_dim3A_2 {strides = array<i32>} : memref<2304xf32, #tpu.memory_space<vmem>>, vector<16xf32>,
    %swap3A_419 = arith.constant 752 : index
    %swap3A_420 = tpu.vector_load %arg22[%swap3A_419] {strides = array<i32>} : memref<2304xf32, #tpu.memory_space<vmem>>, vector<16xf32>,
    tpu.vector_store %arg22[%swap3A_419], %broadcast_in_dim3A_2 {strides = array<i32>} : memref<2304xf32, #tpu.memory_space<vmem>>, vector<16xf32>,
    %swap3A_421 = arith.constant 768 : index
    %swap3A_422 = tpu.vector_load %arg22[%swap3A_421] {strides = array<i32>} : memref<2304xf32, #tpu.memory_space<vmem>>, vector<16xf32>,
    tpu.vector_store %arg22[%swap3A_421], %broadcast_in_dim3A_2 {strides = array<i32>} : memref<2304xf32, #tpu.memory_space<vmem>>, vector<16xf32>,
    %swap3A_423 = arith.constant 784 : index
    %swap3A_424 = tpu.vector_load %arg22[%swap3A_423] {strides = array<i32>} : memref<2304xf32, #tpu.memory_space<vmem>>, vector<16xf32>,
    tpu.vector_store %arg22[%swap3A_423], %broadcast_in_dim3A_2 {strides = array<i32>} : memref<2304xf32, #tpu.memory_space<vmem>>, vector<16xf32>,
    %swap3A_425 = arith.constant 800 : index
    %swap3A_426 = tpu.vector_load %arg22[%swap3A_425] {strides = array<i32>} : memref<2304xf32, #tpu.memory_space<vmem>>, vector<16xf32>,
    tpu.vector_store %arg22[%swap3A_425], %broadcast_in_dim3A_2 {strides = array<i32>} : memref<2304xf32, #tpu.memory_space<vmem>>, vector<16xf32>,
    %swap3A_427 = arith.constant 816 : index
    %swap3A_428 = tpu.vector_load %arg22[%swap3A_427] {strides = array<i32>} : memref<2304xf32, #tpu.memory_space<vmem>>, vector<16xf32>,
    tpu.vector_store %arg22[%swap3A_427], %broadcast_in_dim3A_2 {strides = array<i32>} : memref<2304xf32, #tpu.memory_space<vmem>>, vector<16xf32>,
    %swap3A_429 = arith.constant 832 : index
    %swap3A_430 = tpu.vector_load %arg22[%swap3A_429] {strides = array<i32>} : memref<2304xf32, #tpu.memory_space<vmem>>, vector<16xf32>,
    tpu.vector_store %arg22[%swap3A_429], %broadcast_in_dim3A_2 {strides = array<i32>} : memref<2304xf32, #tpu.memory_space<vmem>>, vector<16xf32>,
    %swap3A_431 = arith.constant 848 : index
    %swap3A_432 = tpu.vector_load %arg22[%swap3A_431] {strides = array<i32>} : memref<2304xf32, #tpu.memory_space<vmem>>, vector<16xf32>,
    tpu.vector_store %arg22[%swap3A_431], %broadcast_in_dim3A_2 {strides = array<i32>} : memref<2304xf32, #tpu.memory_space<vmem>>, vector<16xf32>,
    %swap3A_433 = arith.constant 864 : index
    %swap3A_434 = tpu.vector_load %arg22[%swap3A_433] {strides = array<i32>} : memref<2304xf32, #tpu.memory_space<vmem>>, vector<16xf32>,
    tpu.vector_store %arg22[%swap3A_433], %broadcast_in_dim3A_2 {strides = array<i32>} : memref<2304xf32, #tpu.memory_space<vmem>>, vector<16xf32>,
    %swap3A_435 = arith.constant 880 : index
    %swap3A_436 = tpu.vector_load %arg22[%swap3A_435] {strides = array<i32>} : memref<2304xf32, #tpu.memory_space<vmem>>, vector<16xf32>,
    tpu.vector_store %arg22[%swap3A_435], %broadcast_in_dim3A_2 {strides = array<i32>} : memref<2304xf32, #tpu.memory_space<vmem>>, vector<16xf32>,
    %swap3A_437 = arith.constant 896 : index
    %swap3A_438 = tpu.vector_load %arg22[%swap3A_437] {strides = array<i32>} : memref<2304xf32, #tpu.memory_space<vmem>>, vector<16xf32>,
    tpu.vector_store %arg22[%swap3A_437], %broadcast_in_dim3A_2 {strides = array<i32>} : memref<2304xf32, #tpu.memory_space<vmem>>, vector<16xf32>,
    %swap3A_439 = arith.constant 912 : index
    %swap3A_440 = tpu.vector_load %arg22[%swap3A_439] {strides = array<i32>} : memref<2304xf32, #tpu.memory_space<vmem>>, vector<16xf32>,
    tpu.vector_store %arg22[%swap3A_439], %broadcast_in_dim3A_2 {strides = array<i32>} : memref<2304xf32, #tpu.memory_space<vmem>>, vector<16xf32>,
    %swap3A_441 = arith.constant 928 : index
    %swap3A_442 = tpu.vector_load %arg22[%swap3A_441] {strides = array<i32>} : memref<2304xf32, #tpu.memory_space<vmem>>, vector<16xf32>,
    tpu.vector_store %arg22[%swap3A_441], %broadcast_in_dim3A_2 {strides = array<i32>} : memref<2304xf32, #tpu.memory_space<vmem>>, vector<16xf32>,
    %swap3A_443 = arith.constant 944 : index
    %swap3A_444 = tpu.vector_load %arg22[%swap3A_443] {strides = array<i32>} : memref<2304xf32, #tpu.memory_space<vmem>>, vector<16xf32>,
    tpu.vector_store %arg22[%swap3A_443], %broadcast_in_dim3A_2 {strides = array<i32>} : memref<2304xf32, #tpu.memory_space<vmem>>, vector<16xf32>,
    %swap3A_445 = arith.constant 960 : index
    %swap3A_446 = tpu.vector_load %arg22[%swap3A_445] {strides = array<i32>} : memref<2304xf32, #tpu.memory_space<vmem>>, vector<16xf32>,
    tpu.vector_store %arg22[%swap3A_445], %broadcast_in_dim3A_2 {strides = array<i32>} : memref<2304xf32, #tpu.memory_space<vmem>>, vector<16xf32>,
    %swap3A_447 = arith.constant 976 : index
    %swap3A_448 = tpu.vector_load %arg22[%swap3A_447] {strides = array<i32>} : memref<2304xf32, #tpu.memory_space<vmem>>, vector<16xf32>,
    tpu.vector_store %arg22[%swap3A_447], %broadcast_in_dim3A_2 {strides = array<i32>} : memref<2304xf32, #tpu.memory_space<vmem>>, vector<16xf32>,
    %swap3A_449 = arith.constant 992 : index
    %swap3A_450 = tpu.vector_load %arg22[%swap3A_449] {strides = array<i32>} : memref<2304xf32, #tpu.memory_space<vmem>>, vector<16xf32>,
    tpu.vector_store %arg22[%swap3A_449], %broadcast_in_dim3A_2 {strides = array<i32>} : memref<2304xf32, #tpu.memory_space<vmem>>, vector<16xf32>,
    %swap3A_451 = arith.constant 1008 : index
    %swap3A_452 = tpu.vector_load %arg22[%swap3A_451] {strides = array<i32>} : memref<2304xf32, #tpu.memory_space<vmem>>, vector<16xf32>,
    tpu.vector_store %arg22[%swap3A_451], %broadcast_in_dim3A_2 {strides = array<i32>} : memref<2304xf32, #tpu.memory_space<vmem>>, vector<16xf32>,
    %swap3A_453 = arith.constant 1024 : index
    %swap3A_454 = tpu.vector_load %arg22[%swap3A_453] {strides = array<i32>} : memref<2304xf32, #tpu.memory_space<vmem>>, vector<16xf32>,
    tpu.vector_store %arg22[%swap3A_453], %broadcast_in_dim3A_2 {strides = array<i32>} : memref<2304xf32, #tpu.memory_space<vmem>>, vector<16xf32>,
    %swap3A_455 = arith.constant 1040 : index
    %swap3A_456 = tpu.vector_load %arg22[%swap3A_455] {strides = array<i32>} : memref<2304xf32, #tpu.memory_space<vmem>>, vector<16xf32>,
    tpu.vector_store %arg22[%swap3A_455], %broadcast_in_dim3A_2 {strides = array<i32>} : memref<2304xf32, #tpu.memory_space<vmem>>, vector<16xf32>,
    %swap3A_457 = arith.constant 1056 : index
    %swap3A_458 = tpu.vector_load %arg22[%swap3A_457] {strides = array<i32>} : memref<2304xf32, #tpu.memory_space<vmem>>, vector<16xf32>,
    tpu.vector_store %arg22[%swap3A_457], %broadcast_in_dim3A_2 {strides = array<i32>} : memref<2304xf32, #tpu.memory_space<vmem>>, vector<16xf32>,
    %swap3A_459 = arith.constant 1072 : index
    %swap3A_460 = tpu.vector_load %arg22[%swap3A_459] {strides = array<i32>} : memref<2304xf32, #tpu.memory_space<vmem>>, vector<16xf32>,
    tpu.vector_store %arg22[%swap3A_459], %broadcast_in_dim3A_2 {strides = array<i32>} : memref<2304xf32, #tpu.memory_space<vmem>>, vector<16xf32>,
    %swap3A_461 = arith.constant 1088 : index
    %swap3A_462 = tpu.vector_load %arg22[%swap3A_461] {strides = array<i32>} : memref<2304xf32, #tpu.memory_space<vmem>>, vector<16xf32>,
    tpu.vector_store %arg22[%swap3A_461], %broadcast_in_dim3A_2 {strides = array<i32>} : memref<2304xf32, #tpu.memory_space<vmem>>, vector<16xf32>,
    %swap3A_463 = arith.constant 1104 : index
    %swap3A_464 = tpu.vector_load %arg22[%swap3A_463] {strides = array<i32>} : memref<2304xf32, #tpu.memory_space<vmem>>, vector<16xf32>,
    tpu.vector_store %arg22[%swap3A_463], %broadcast_in_dim3A_2 {strides = array<i32>} : memref<2304xf32, #tpu.memory_space<vmem>>, vector<16xf32>,
    %swap3A_465 = arith.constant 1120 : index
    %swap3A_466 = tpu.vector_load %arg22[%swap3A_465] {strides = array<i32>} : memref<2304xf32, #tpu.memory_space<vmem>>, vector<16xf32>,
    tpu.vector_store %arg22[%swap3A_465], %broadcast_in_dim3A_2 {strides = array<i32>} : memref<2304xf32, #tpu.memory_space<vmem>>, vector<16xf32>,
    %swap3A_467 = arith.constant 1136 : index
    %swap3A_468 = tpu.vector_load %arg22[%swap3A_467] {strides = array<i32>} : memref<2304xf32, #tpu.memory_space<vmem>>, vector<16xf32>,
    tpu.vector_store %arg22[%swap3A_467], %broadcast_in_dim3A_2 {strides = array<i32>} : memref<2304xf32, #tpu.memory_space<vmem>>, vector<16xf32>,
    %swap3A_469 = arith.constant 1152 : index
    %swap3A_470 = tpu.vector_load %arg22[%swap3A_469] {strides = array<i32>} : memref<2304xf32, #tpu.memory_space<vmem>>, vector<16xf32>,
    tpu.vector_store %arg22[%swap3A_469], %broadcast_in_dim3A_2 {strides = array<i32>} : memref<2304xf32, #tpu.memory_space<vmem>>, vector<16xf32>,
    %swap3A_471 = arith.constant 1168 : index
    %swap3A_472 = tpu.vector_load %arg22[%swap3A_471] {strides = array<i32>} : memref<2304xf32, #tpu.memory_space<vmem>>, vector<16xf32>,
    tpu.vector_store %arg22[%swap3A_471], %broadcast_in_dim3A_2 {strides = array<i32>} : memref<2304xf32, #tpu.memory_space<vmem>>, vector<16xf32>,
    %swap3A_473 = arith.constant 1184 : index
    %swap3A_474 = tpu.vector_load %arg22[%swap3A_473] {strides = array<i32>} : memref<2304xf32, #tpu.memory_space<vmem>>, vector<16xf32>,
    tpu.vector_store %arg22[%swap3A_473], %broadcast_in_dim3A_2 {strides = array<i32>} : memref<2304xf32, #tpu.memory_space<vmem>>, vector<16xf32>,
    %swap3A_475 = arith.constant 1200 : index
    %swap3A_476 = tpu.vector_load %arg22[%swap3A_475] {strides = array<i32>} : memref<2304xf32, #tpu.memory_space<vmem>>, vector<16xf32>,
    tpu.vector_store %arg22[%swap3A_475], %broadcast_in_dim3A_2 {strides = array<i32>} : memref<2304xf32, #tpu.memory_space<vmem>>, vector<16xf32>,
    %swap3A_477 = arith.constant 1216 : index
    %swap3A_478 = tpu.vector_load %arg22[%swap3A_477] {strides = array<i32>} : memref<2304xf32, #tpu.memory_space<vmem>>, vector<16xf32>,
    tpu.vector_store %arg22[%swap3A_477], %broadcast_in_dim3A_2 {strides = array<i32>} : memref<2304xf32, #tpu.memory_space<vmem>>, vector<16xf32>,
    %swap3A_479 = arith.constant 1232 : index
    %swap3A_480 = tpu.vector_load %arg22[%swap3A_479] {strides = array<i32>} : memref<2304xf32, #tpu.memory_space<vmem>>, vector<16xf32>,
    tpu.vector_store %arg22[%swap3A_479], %broadcast_in_dim3A_2 {strides = array<i32>} : memref<2304xf32, #tpu.memory_space<vmem>>, vector<16xf32>,
    %swap3A_481 = arith.constant 1248 : index
    %swap3A_482 = tpu.vector_load %arg22[%swap3A_481] {strides = array<i32>} : memref<2304xf32, #tpu.memory_space<vmem>>, vector<16xf32>,
    tpu.vector_store %arg22[%swap3A_481], %broadcast_in_dim3A_2 {strides = array<i32>} : memref<2304xf32, #tpu.memory_space<vmem>>, vector<16xf32>,
    %swap3A_483 = arith.constant 1264 : index
    %swap3A_484 = tpu.vector_load %arg22[%swap3A_483] {strides = array<i32>} : memref<2304xf32, #tpu.memory_space<vmem>>, vector<16xf32>,
    tpu.vector_store %arg22[%swap3A_483], %broadcast_in_dim3A_2 {strides = array<i32>} : memref<2304xf32, #tpu.memory_space<vmem>>, vector<16xf32>,
    %swap3A_485 = arith.constant 1280 : index
    %swap3A_486 = tpu.vector_load %arg22[%swap3A_485] {strides = array<i32>} : memref<2304xf32, #tpu.memory_space<vmem>>, vector<16xf32>,
    tpu.vector_store %arg22[%swap3A_485], %broadcast_in_dim3A_2 {strides = array<i32>} : memref<2304xf32, #tpu.memory_space<vmem>>, vector<16xf32>,
    %swap3A_487 = arith.constant 1296 : index
    %swap3A_488 = tpu.vector_load %arg22[%swap3A_487] {strides = array<i32>} : memref<2304xf32, #tpu.memory_space<vmem>>, vector<16xf32>,
    tpu.vector_store %arg22[%swap3A_487], %broadcast_in_dim3A_2 {strides = array<i32>} : memref<2304xf32, #tpu.memory_space<vmem>>, vector<16xf32>,
    %swap3A_489 = arith.constant 1312 : index
    %swap3A_490 = tpu.vector_load %arg22[%swap3A_489] {strides = array<i32>} : memref<2304xf32, #tpu.memory_space<vmem>>, vector<16xf32>,
    tpu.vector_store %arg22[%swap3A_489], %broadcast_in_dim3A_2 {strides = array<i32>} : memref<2304xf32, #tpu.memory_space<vmem>>, vector<16xf32>,
    %swap3A_491 = arith.constant 1328 : index
    %swap3A_492 = tpu.vector_load %arg22[%swap3A_491] {strides = array<i32>} : memref<2304xf32, #tpu.memory_space<vmem>>, vector<16xf32>,
    tpu.vector_store %arg22[%swap3A_491], %broadcast_in_dim3A_2 {strides = array<i32>} : memref<2304xf32, #tpu.memory_space<vmem>>, vector<16xf32>,
    %swap3A_493 = arith.constant 1344 : index
    %swap3A_494 = tpu.vector_load %arg22[%swap3A_493] {strides = array<i32>} : memref<2304xf32, #tpu.memory_space<vmem>>, vector<16xf32>,
    tpu.vector_store %arg22[%swap3A_493], %broadcast_in_dim3A_2 {strides = array<i32>} : memref<2304xf32, #tpu.memory_space<vmem>>, vector<16xf32>,
    %swap3A_495 = arith.constant 1360 : index
    %swap3A_496 = tpu.vector_load %arg22[%swap3A_495] {strides = array<i32>} : memref<2304xf32, #tpu.memory_space<vmem>>, vector<16xf32>,
    tpu.vector_store %arg22[%swap3A_495], %broadcast_in_dim3A_2 {strides = array<i32>} : memref<2304xf32, #tpu.memory_space<vmem>>, vector<16xf32>,
    %swap3A_497 = arith.constant 1376 : index
    %swap3A_498 = tpu.vector_load %arg22[%swap3A_497] {strides = array<i32>} : memref<2304xf32, #tpu.memory_space<vmem>>, vector<16xf32>,
    tpu.vector_store %arg22[%swap3A_497], %broadcast_in_dim3A_2 {strides = array<i32>} : memref<2304xf32, #tpu.memory_space<vmem>>, vector<16xf32>,
    %swap3A_499 = arith.constant 1392 : index
    %swap3A_500 = tpu.vector_load %arg22[%swap3A_499] {strides = array<i32>} : memref<2304xf32, #tpu.memory_space<vmem>>, vector<16xf32>,
    tpu.vector_store %arg22[%swap3A_499], %broadcast_in_dim3A_2 {strides = array<i32>} : memref<2304xf32, #tpu.memory_space<vmem>>, vector<16xf32>,
    %swap3A_501 = arith.constant 1408 : index
    %swap3A_502 = tpu.vector_load %arg22[%swap3A_501] {strides = array<i32>} : memref<2304xf32, #tpu.memory_space<vmem>>, vector<16xf32>,
    tpu.vector_store %arg22[%swap3A_501], %broadcast_in_dim3A_2 {strides = array<i32>} : memref<2304xf32, #tpu.memory_space<vmem>>, vector<16xf32>,
    %swap3A_503 = arith.constant 1424 : index
    %swap3A_504 = tpu.vector_load %arg22[%swap3A_503] {strides = array<i32>} : memref<2304xf32, #tpu.memory_space<vmem>>, vector<16xf32>,
    tpu.vector_store %arg22[%swap3A_503], %broadcast_in_dim3A_2 {strides = array<i32>} : memref<2304xf32, #tpu.memory_space<vmem>>, vector<16xf32>,
    %swap3A_505 = arith.constant 1440 : index
    %swap3A_506 = tpu.vector_load %arg22[%swap3A_505] {strides = array<i32>} : memref<2304xf32, #tpu.memory_space<vmem>>, vector<16xf32>,
    tpu.vector_store %arg22[%swap3A_505], %broadcast_in_dim3A_2 {strides = array<i32>} : memref<2304xf32, #tpu.memory_space<vmem>>, vector<16xf32>,
    %swap3A_507 = arith.constant 1456 : index
    %swap3A_508 = tpu.vector_load %arg22[%swap3A_507] {strides = array<i32>} : memref<2304xf32, #tpu.memory_space<vmem>>, vector<16xf32>,
    tpu.vector_store %arg22[%swap3A_507], %broadcast_in_dim3A_2 {strides = array<i32>} : memref<2304xf32, #tpu.memory_space<vmem>>, vector<16xf32>,
    %swap3A_509 = arith.constant 1472 : index
    %swap3A_510 = tpu.vector_load %arg22[%swap3A_509] {strides = array<i32>} : memref<2304xf32, #tpu.memory_space<vmem>>, vector<16xf32>,
    tpu.vector_store %arg22[%swap3A_509], %broadcast_in_dim3A_2 {strides = array<i32>} : memref<2304xf32, #tpu.memory_space<vmem>>, vector<16xf32>,
    %swap3A_511 = arith.constant 1488 : index
    %swap3A_512 = tpu.vector_load %arg22[%swap3A_511] {strides = array<i32>} : memref<2304xf32, #tpu.memory_space<vmem>>, vector<16xf32>,
    tpu.vector_store %arg22[%swap3A_511], %broadcast_in_dim3A_2 {strides = array<i32>} : memref<2304xf32, #tpu.memory_space<vmem>>, vector<16xf32>,
    %swap3A_513 = arith.constant 1504 : index
    %swap3A_514 = tpu.vector_load %arg22[%swap3A_513] {strides = array<i32>} : memref<2304xf32, #tpu.memory_space<vmem>>, vector<16xf32>,
    tpu.vector_store %arg22[%swap3A_513], %broadcast_in_dim3A_2 {strides = array<i32>} : memref<2304xf32, #tpu.memory_space<vmem>>, vector<16xf32>,
    %swap3A_515 = arith.constant 1520 : index
    %swap3A_516 = tpu.vector_load %arg22[%swap3A_515] {strides = array<i32>} : memref<2304xf32, #tpu.memory_space<vmem>>, vector<16xf32>,
    tpu.vector_store %arg22[%swap3A_515], %broadcast_in_dim3A_2 {strides = array<i32>} : memref<2304xf32, #tpu.memory_space<vmem>>, vector<16xf32>,
    %swap3A_517 = arith.constant 1536 : index
    %swap3A_518 = tpu.vector_load %arg22[%swap3A_517] {strides = array<i32>} : memref<2304xf32, #tpu.memory_space<vmem>>, vector<16xf32>,
    tpu.vector_store %arg22[%swap3A_517], %broadcast_in_dim3A_2 {strides = array<i32>} : memref<2304xf32, #tpu.memory_space<vmem>>, vector<16xf32>,
    %swap3A_519 = arith.constant 1552 : index
    %swap3A_520 = tpu.vector_load %arg22[%swap3A_519] {strides = array<i32>} : memref<2304xf32, #tpu.memory_space<vmem>>, vector<16xf32>,
    tpu.vector_store %arg22[%swap3A_519], %broadcast_in_dim3A_2 {strides = array<i32>} : memref<2304xf32, #tpu.memory_space<vmem>>, vector<16xf32>,
    %swap3A_521 = arith.constant 1568 : index
    %swap3A_522 = tpu.vector_load %arg22[%swap3A_521] {strides = array<i32>} : memref<2304xf32, #tpu.memory_space<vmem>>, vector<16xf32>,
    tpu.vector_store %arg22[%swap3A_521], %broadcast_in_dim3A_2 {strides = array<i32>} : memref<2304xf32, #tpu.memory_space<vmem>>, vector<16xf32>,
    %swap3A_523 = arith.constant 1584 : index
    %swap3A_524 = tpu.vector_load %arg22[%swap3A_523] {strides = array<i32>} : memref<2304xf32, #tpu.memory_space<vmem>>, vector<16xf32>,
    tpu.vector_store %arg22[%swap3A_523], %broadcast_in_dim3A_2 {strides = array<i32>} : memref<2304xf32, #tpu.memory_space<vmem>>, vector<16xf32>,
    %swap3A_525 = arith.constant 1600 : index
    %swap3A_526 = tpu.vector_load %arg22[%swap3A_525] {strides = array<i32>} : memref<2304xf32, #tpu.memory_space<vmem>>, vector<16xf32>,
    tpu.vector_store %arg22[%swap3A_525], %broadcast_in_dim3A_2 {strides = array<i32>} : memref<2304xf32, #tpu.memory_space<vmem>>, vector<16xf32>,
    %swap3A_527 = arith.constant 1616 : index
    %swap3A_528 = tpu.vector_load %arg22[%swap3A_527] {strides = array<i32>} : memref<2304xf32, #tpu.memory_space<vmem>>, vector<16xf32>,
    tpu.vector_store %arg22[%swap3A_527], %broadcast_in_dim3A_2 {strides = array<i32>} : memref<2304xf32, #tpu.memory_space<vmem>>, vector<16xf32>,
    %swap3A_529 = arith.constant 1632 : index
    %swap3A_530 = tpu.vector_load %arg22[%swap3A_529] {strides = array<i32>} : memref<2304xf32, #tpu.memory_space<vmem>>, vector<16xf32>,
    tpu.vector_store %arg22[%swap3A_529], %broadcast_in_dim3A_2 {strides = array<i32>} : memref<2304xf32, #tpu.memory_space<vmem>>, vector<16xf32>,
    %swap3A_531 = arith.constant 1648 : index
    %swap3A_532 = tpu.vector_load %arg22[%swap3A_531] {strides = array<i32>} : memref<2304xf32, #tpu.memory_space<vmem>>, vector<16xf32>,
    tpu.vector_store %arg22[%swap3A_531], %broadcast_in_dim3A_2 {strides = array<i32>} : memref<2304xf32, #tpu.memory_space<vmem>>, vector<16xf32>,
    %swap3A_533 = arith.constant 1664 : index
    %swap3A_534 = tpu.vector_load %arg22[%swap3A_533] {strides = array<i32>} : memref<2304xf32, #tpu.memory_space<vmem>>, vector<16xf32>,
    tpu.vector_store %arg22[%swap3A_533], %broadcast_in_dim3A_2 {strides = array<i32>} : memref<2304xf32, #tpu.memory_space<vmem>>, vector<16xf32>,
    %swap3A_535 = arith.constant 1680 : index
    %swap3A_536 = tpu.vector_load %arg22[%swap3A_535] {strides = array<i32>} : memref<2304xf32, #tpu.memory_space<vmem>>, vector<16xf32>,
    tpu.vector_store %arg22[%swap3A_535], %broadcast_in_dim3A_2 {strides = array<i32>} : memref<2304xf32, #tpu.memory_space<vmem>>, vector<16xf32>,
    %swap3A_537 = arith.constant 1696 : index
    %swap3A_538 = tpu.vector_load %arg22[%swap3A_537] {strides = array<i32>} : memref<2304xf32, #tpu.memory_space<vmem>>, vector<16xf32>,
    tpu.vector_store %arg22[%swap3A_537], %broadcast_in_dim3A_2 {strides = array<i32>} : memref<2304xf32, #tpu.memory_space<vmem>>, vector<16xf32>,
    %swap3A_539 = arith.constant 1712 : index
    %swap3A_540 = tpu.vector_load %arg22[%swap3A_539] {strides = array<i32>} : memref<2304xf32, #tpu.memory_space<vmem>>, vector<16xf32>,
    tpu.vector_store %arg22[%swap3A_539], %broadcast_in_dim3A_2 {strides = array<i32>} : memref<2304xf32, #tpu.memory_space<vmem>>, vector<16xf32>,
    %swap3A_541 = arith.constant 1728 : index
    %swap3A_542 = tpu.vector_load %arg22[%swap3A_541] {strides = array<i32>} : memref<2304xf32, #tpu.memory_space<vmem>>, vector<16xf32>,
    tpu.vector_store %arg22[%swap3A_541], %broadcast_in_dim3A_2 {strides = array<i32>} : memref<2304xf32, #tpu.memory_space<vmem>>, vector<16xf32>,
    %swap3A_543 = arith.constant 1744 : index
    %swap3A_544 = tpu.vector_load %arg22[%swap3A_543] {strides = array<i32>} : memref<2304xf32, #tpu.memory_space<vmem>>, vector<16xf32>,
    tpu.vector_store %arg22[%swap3A_543], %broadcast_in_dim3A_2 {strides = array<i32>} : memref<2304xf32, #tpu.memory_space<vmem>>, vector<16xf32>,
    %swap3A_545 = arith.constant 1760 : index
    %swap3A_546 = tpu.vector_load %arg22[%swap3A_545] {strides = array<i32>} : memref<2304xf32, #tpu.memory_space<vmem>>, vector<16xf32>,
    tpu.vector_store %arg22[%swap3A_545], %broadcast_in_dim3A_2 {strides = array<i32>} : memref<2304xf32, #tpu.memory_space<vmem>>, vector<16xf32>,
    %swap3A_547 = arith.constant 1776 : index
    %swap3A_548 = tpu.vector_load %arg22[%swap3A_547] {strides = array<i32>} : memref<2304xf32, #tpu.memory_space<vmem>>, vector<16xf32>,
    tpu.vector_store %arg22[%swap3A_547], %broadcast_in_dim3A_2 {strides = array<i32>} : memref<2304xf32, #tpu.memory_space<vmem>>, vector<16xf32>,
    %swap3A_549 = arith.constant 1792 : index
    %swap3A_550 = tpu.vector_load %arg22[%swap3A_549] {strides = array<i32>} : memref<2304xf32, #tpu.memory_space<vmem>>, vector<16xf32>,
    tpu.vector_store %arg22[%swap3A_549], %broadcast_in_dim3A_2 {strides = array<i32>} : memref<2304xf32, #tpu.memory_space<vmem>>, vector<16xf32>,
    %swap3A_551 = arith.constant 1808 : index
    %swap3A_552 = tpu.vector_load %arg22[%swap3A_551] {strides = array<i32>} : memref<2304xf32, #tpu.memory_space<vmem>>, vector<16xf32>,
    tpu.vector_store %arg22[%swap3A_551], %broadcast_in_dim3A_2 {strides = array<i32>} : memref<2304xf32, #tpu.memory_space<vmem>>, vector<16xf32>,
    %swap3A_553 = arith.constant 1824 : index
    %swap3A_554 = tpu.vector_load %arg22[%swap3A_553] {strides = array<i32>} : memref<2304xf32, #tpu.memory_space<vmem>>, vector<16xf32>,
    tpu.vector_store %arg22[%swap3A_553], %broadcast_in_dim3A_2 {strides = array<i32>} : memref<2304xf32, #tpu.memory_space<vmem>>, vector<16xf32>,
    %swap3A_555 = arith.constant 1840 : index
    %swap3A_556 = tpu.vector_load %arg22[%swap3A_555] {strides = array<i32>} : memref<2304xf32, #tpu.memory_space<vmem>>, vector<16xf32>,
    tpu.vector_store %arg22[%swap3A_555], %broadcast_in_dim3A_2 {strides = array<i32>} : memref<2304xf32, #tpu.memory_space<vmem>>, vector<16xf32>,
    %swap3A_557 = arith.constant 1856 : index
    %swap3A_558 = tpu.vector_load %arg22[%swap3A_557] {strides = array<i32>} : memref<2304xf32, #tpu.memory_space<vmem>>, vector<16xf32>,
    tpu.vector_store %arg22[%swap3A_557], %broadcast_in_dim3A_2 {strides = array<i32>} : memref<2304xf32, #tpu.memory_space<vmem>>, vector<16xf32>,
    %swap3A_559 = arith.constant 1872 : index
    %swap3A_560 = tpu.vector_load %arg22[%swap3A_559] {strides = array<i32>} : memref<2304xf32, #tpu.memory_space<vmem>>, vector<16xf32>,
    tpu.vector_store %arg22[%swap3A_559], %broadcast_in_dim3A_2 {strides = array<i32>} : memref<2304xf32, #tpu.memory_space<vmem>>, vector<16xf32>,
    %swap3A_561 = arith.constant 1888 : index
    %swap3A_562 = tpu.vector_load %arg22[%swap3A_561] {strides = array<i32>} : memref<2304xf32, #tpu.memory_space<vmem>>, vector<16xf32>,
    tpu.vector_store %arg22[%swap3A_561], %broadcast_in_dim3A_2 {strides = array<i32>} : memref<2304xf32, #tpu.memory_space<vmem>>, vector<16xf32>,
    %swap3A_563 = arith.constant 1904 : index
    %swap3A_564 = tpu.vector_load %arg22[%swap3A_563] {strides = array<i32>} : memref<2304xf32, #tpu.memory_space<vmem>>, vector<16xf32>,
    tpu.vector_store %arg22[%swap3A_563], %broadcast_in_dim3A_2 {strides = array<i32>} : memref<2304xf32, #tpu.memory_space<vmem>>, vector<16xf32>,
    %swap3A_565 = arith.constant 1920 : index
    %swap3A_566 = tpu.vector_load %arg22[%swap3A_565] {strides = array<i32>} : memref<2304xf32, #tpu.memory_space<vmem>>, vector<16xf32>,
    tpu.vector_store %arg22[%swap3A_565], %broadcast_in_dim3A_2 {strides = array<i32>} : memref<2304xf32, #tpu.memory_space<vmem>>, vector<16xf32>,
    %swap3A_567 = arith.constant 1936 : index
    %swap3A_568 = tpu.vector_load %arg22[%swap3A_567] {strides = array<i32>} : memref<2304xf32, #tpu.memory_space<vmem>>, vector<16xf32>,
    tpu.vector_store %arg22[%swap3A_567], %broadcast_in_dim3A_2 {strides = array<i32>} : memref<2304xf32, #tpu.memory_space<vmem>>, vector<16xf32>,
    %swap3A_569 = arith.constant 1952 : index
    %swap3A_570 = tpu.vector_load %arg22[%swap3A_569] {strides = array<i32>} : memref<2304xf32, #tpu.memory_space<vmem>>, vector<16xf32>,
    tpu.vector_store %arg22[%swap3A_569], %broadcast_in_dim3A_2 {strides = array<i32>} : memref<2304xf32, #tpu.memory_space<vmem>>, vector<16xf32>,
    %swap3A_571 = arith.constant 1968 : index
    %swap3A_572 = tpu.vector_load %arg22[%swap3A_571] {strides = array<i32>} : memref<2304xf32, #tpu.memory_space<vmem>>, vector<16xf32>,
    tpu.vector_store %arg22[%swap3A_571], %broadcast_in_dim3A_2 {strides = array<i32>} : memref<2304xf32, #tpu.memory_space<vmem>>, vector<16xf32>,
    %swap3A_573 = arith.constant 1984 : index
    %swap3A_574 = tpu.vector_load %arg22[%swap3A_573] {strides = array<i32>} : memref<2304xf32, #tpu.memory_space<vmem>>, vector<16xf32>,
    tpu.vector_store %arg22[%swap3A_573], %broadcast_in_dim3A_2 {strides = array<i32>} : memref<2304xf32, #tpu.memory_space<vmem>>, vector<16xf32>,
    %swap3A_575 = arith.constant 2000 : index
    %swap3A_576 = tpu.vector_load %arg22[%swap3A_575] {strides = array<i32>} : memref<2304xf32, #tpu.memory_space<vmem>>, vector<16xf32>,
    tpu.vector_store %arg22[%swap3A_575], %broadcast_in_dim3A_2 {strides = array<i32>} : memref<2304xf32, #tpu.memory_space<vmem>>, vector<16xf32>,
    %swap3A_577 = arith.constant 2016 : index
    %swap3A_578 = tpu.vector_load %arg22[%swap3A_577] {strides = array<i32>} : memref<2304xf32, #tpu.memory_space<vmem>>, vector<16xf32>,
    tpu.vector_store %arg22[%swap3A_577], %broadcast_in_dim3A_2 {strides = array<i32>} : memref<2304xf32, #tpu.memory_space<vmem>>, vector<16xf32>,
    %swap3A_579 = arith.constant 2032 : index
    %swap3A_580 = tpu.vector_load %arg22[%swap3A_579] {strides = array<i32>} : memref<2304xf32, #tpu.memory_space<vmem>>, vector<16xf32>,
    tpu.vector_store %arg22[%swap3A_579], %broadcast_in_dim3A_2 {strides = array<i32>} : memref<2304xf32, #tpu.memory_space<vmem>>, vector<16xf32>,
    %swap3A_581 = arith.constant 2048 : index
    %swap3A_582 = tpu.vector_load %arg22[%swap3A_581] {strides = array<i32>} : memref<2304xf32, #tpu.memory_space<vmem>>, vector<16xf32>,
    tpu.vector_store %arg22[%swap3A_581], %broadcast_in_dim3A_2 {strides = array<i32>} : memref<2304xf32, #tpu.memory_space<vmem>>, vector<16xf32>,
    %swap3A_583 = arith.constant 2064 : index
    %swap3A_584 = tpu.vector_load %arg22[%swap3A_583] {strides = array<i32>} : memref<2304xf32, #tpu.memory_space<vmem>>, vector<16xf32>,
    tpu.vector_store %arg22[%swap3A_583], %broadcast_in_dim3A_2 {strides = array<i32>} : memref<2304xf32, #tpu.memory_space<vmem>>, vector<16xf32>,
    %swap3A_585 = arith.constant 2080 : index
    %swap3A_586 = tpu.vector_load %arg22[%swap3A_585] {strides = array<i32>} : memref<2304xf32, #tpu.memory_space<vmem>>, vector<16xf32>,
    tpu.vector_store %arg22[%swap3A_585], %broadcast_in_dim3A_2 {strides = array<i32>} : memref<2304xf32, #tpu.memory_space<vmem>>, vector<16xf32>,
    %swap3A_587 = arith.constant 2096 : index
    %swap3A_588 = tpu.vector_load %arg22[%swap3A_587] {strides = array<i32>} : memref<2304xf32, #tpu.memory_space<vmem>>, vector<16xf32>,
    tpu.vector_store %arg22[%swap3A_587], %broadcast_in_dim3A_2 {strides = array<i32>} : memref<2304xf32, #tpu.memory_space<vmem>>, vector<16xf32>,
    %swap3A_589 = arith.constant 2112 : index
    %swap3A_590 = tpu.vector_load %arg22[%swap3A_589] {strides = array<i32>} : memref<2304xf32, #tpu.memory_space<vmem>>, vector<16xf32>,
    tpu.vector_store %arg22[%swap3A_589], %broadcast_in_dim3A_2 {strides = array<i32>} : memref<2304xf32, #tpu.memory_space<vmem>>, vector<16xf32>,
    %swap3A_591 = arith.constant 2128 : index
    %swap3A_592 = tpu.vector_load %arg22[%swap3A_591] {strides = array<i32>} : memref<2304xf32, #tpu.memory_space<vmem>>, vector<16xf32>,
    tpu.vector_store %arg22[%swap3A_591], %broadcast_in_dim3A_2 {strides = array<i32>} : memref<2304xf32, #tpu.memory_space<vmem>>, vector<16xf32>,
    %swap3A_593 = arith.constant 2144 : index
    %swap3A_594 = tpu.vector_load %arg22[%swap3A_593] {strides = array<i32>} : memref<2304xf32, #tpu.memory_space<vmem>>, vector<16xf32>,
    tpu.vector_store %arg22[%swap3A_593], %broadcast_in_dim3A_2 {strides = array<i32>} : memref<2304xf32, #tpu.memory_space<vmem>>, vector<16xf32>,
    %swap3A_595 = arith.constant 2160 : index
    %swap3A_596 = tpu.vector_load %arg22[%swap3A_595] {strides = array<i32>} : memref<2304xf32, #tpu.memory_space<vmem>>, vector<16xf32>,
    tpu.vector_store %arg22[%swap3A_595], %broadcast_in_dim3A_2 {strides = array<i32>} : memref<2304xf32, #tpu.memory_space<vmem>>, vector<16xf32>,
    %swap3A_597 = arith.constant 2176 : index
    %swap3A_598 = tpu.vector_load %arg22[%swap3A_597] {strides = array<i32>} : memref<2304xf32, #tpu.memory_space<vmem>>, vector<16xf32>,
    tpu.vector_store %arg22[%swap3A_597], %broadcast_in_dim3A_2 {strides = array<i32>} : memref<2304xf32, #tpu.memory_space<vmem>>, vector<16xf32>,
    %swap3A_599 = arith.constant 2192 : index
    %swap3A_600 = tpu.vector_load %arg22[%swap3A_599] {strides = array<i32>} : memref<2304xf32, #tpu.memory_space<vmem>>, vector<16xf32>,
    tpu.vector_store %arg22[%swap3A_599], %broadcast_in_dim3A_2 {strides = array<i32>} : memref<2304xf32, #tpu.memory_space<vmem>>, vector<16xf32>,
    %swap3A_601 = arith.constant 2208 : index
    %swap3A_602 = tpu.vector_load %arg22[%swap3A_601] {strides = array<i32>} : memref<2304xf32, #tpu.memory_space<vmem>>, vector<16xf32>,
    tpu.vector_store %arg22[%swap3A_601], %broadcast_in_dim3A_2 {strides = array<i32>} : memref<2304xf32, #tpu.memory_space<vmem>>, vector<16xf32>,
    %swap3A_603 = arith.constant 2224 : index
    %swap3A_604 = tpu.vector_load %arg22[%swap3A_603] {strides = array<i32>} : memref<2304xf32, #tpu.memory_space<vmem>>, vector<16xf32>,
    tpu.vector_store %arg22[%swap3A_603], %broadcast_in_dim3A_2 {strides = array<i32>} : memref<2304xf32, #tpu.memory_space<vmem>>, vector<16xf32>,
    %swap3A_605 = arith.constant 2240 : index
    %swap3A_606 = tpu.vector_load %arg22[%swap3A_605] {strides = array<i32>} : memref<2304xf32, #tpu.memory_space<vmem>>, vector<16xf32>,
    tpu.vector_store %arg22[%swap3A_605], %broadcast_in_dim3A_2 {strides = array<i32>} : memref<2304xf32, #tpu.memory_space<vmem>>, vector<16xf32>,
    %swap3A_607 = arith.constant 2256 : index
    %swap3A_608 = tpu.vector_load %arg22[%swap3A_607] {strides = array<i32>} : memref<2304xf32, #tpu.memory_space<vmem>>, vector<16xf32>,
    tpu.vector_store %arg22[%swap3A_607], %broadcast_in_dim3A_2 {strides = array<i32>} : memref<2304xf32, #tpu.memory_space<vmem>>, vector<16xf32>,
    %swap3A_609 = arith.constant 2272 : index
    %swap3A_610 = tpu.vector_load %arg22[%swap3A_609] {strides = array<i32>} : memref<2304xf32, #tpu.memory_space<vmem>>, vector<16xf32>,
    tpu.vector_store %arg22[%swap3A_609], %broadcast_in_dim3A_2 {strides = array<i32>} : memref<2304xf32, #tpu.memory_space<vmem>>, vector<16xf32>,
    %swap3A_611 = arith.constant 2288 : index
    %swap3A_612 = tpu.vector_load %arg22[%swap3A_611] {strides = array<i32>} : memref<2304xf32, #tpu.memory_space<vmem>>, vector<16xf32>,
    tpu.vector_store %arg22[%swap3A_611], %broadcast_in_dim3A_2 {strides = array<i32>} : memref<2304xf32, #tpu.memory_space<vmem>>, vector<16xf32>,
    %scan3A = arith.constant 1 : i32
    %scan3A_613 = arith.constant 0 : i32
    %scan3A_614 = arith.constant 0 : i32
    %scan3A_615 = arith.constant 6 : i32
    %scan3A_616 = arith.addi %scan3A_614, %scan3A_615 : i32
    %scan3A_617 = arith.constant 1 : i32
    %scan3A_618:2 = scf.for %scan3A_711 = %scan3A_614 to %scan3A_616 step %scan3A_617 iter_args(%scan3A_712 = %scan3A, %scan3A_713 = %scan3A_613) -> (i32, i32)  : i32 {
      %mul3A_714 = arith.constant 6 : i32
      %mul3A_715 = arith.muli %add3A, %mul3A_714 : i32
      %add3A_716 = arith.addi %mul3A_715, %scan3A_711 : i32
      %mul3A_717 = arith.constant 0 : i32
      %mul3A_718 = vector.broadcast %mul3A_717 : i32 to vector<16xi32>
      %mul3A_719 = arith.muli %iota3A, %mul3A_718 : vector<16xi32>
      %add3A_720 = vector.broadcast %add3A_716 : i32 to vector<16xi32>
      %add3A_721 = arith.addi %mul3A_719, %add3A_720 : vector<16xi32>
      %gather3A_722 = tpu.vector_load_idx %arg6[%add3A_721] : memref<192xf32, #tpu.memory_space<vmem>>[vector<16xi32>], vector<16xf32>,
      %gather3A_723 = tpu.vector_load_idx %arg7[%add3A_721] : memref<192xf32, #tpu.memory_space<vmem>>[vector<16xi32>], vector<16xf32>,
      %gather3A_724 = tpu.vector_load_idx %arg8[%add3A_721] : memref<192xf32, #tpu.memory_space<vmem>>[vector<16xi32>], vector<16xf32>,
      %mul3A_725 = arith.constant 384 : i32
      %mul3A_726 = arith.muli %scan3A_711, %mul3A_725 : i32
      %add3A_727 = arith.constant 0 : i32
      %add3A_728 = vector.broadcast %add3A_727 : i32 to vector<16xi32>
      %add3A_729 = arith.addi %iota3A, %add3A_728 : vector<16xi32>
      %get3A = arith.constant 0 : index
      %get3A_730 = tpu.vector_load %arg6[%get3A] {strides = array<i32>} : memref<192xf32, #tpu.memory_space<vmem>>, vector<16xf32>,
      %sub3A = arith.subf %get3A_730, %gather3A_722 : vector<16xf32>
      %get3A_731 = arith.constant 0 : index
      %get3A_732 = tpu.vector_load %arg7[%get3A_731] {strides = array<i32>} : memref<192xf32, #tpu.memory_space<vmem>>, vector<16xf32>,
      %sub3A_733 = arith.subf %get3A_732, %gather3A_723 : vector<16xf32>
      %get3A_734 = arith.constant 0 : index
      %get3A_735 = tpu.vector_load %arg8[%get3A_734] {strides = array<i32>} : memref<192xf32, #tpu.memory_space<vmem>>, vector<16xf32>,
      %sub3A_736 = arith.subf %get3A_735, %gather3A_724 : vector<16xf32>
      %mul3A_737 = arith.mulf %sub3A, %sub3A : vector<16xf32>
      %mul3A_738 = arith.mulf %sub3A_733, %sub3A_733 : vector<16xf32>
      %add3A_739 = arith.addf %mul3A_737, %mul3A_738 : vector<16xf32>
      %mul3A_740 = arith.mulf %sub3A_736, %sub3A_736 : vector<16xf32>
      %add3A_741 = arith.addf %add3A_739, %mul3A_740 : vector<16xf32>
      %add3A_742 = arith.constant 9.99999996E-13 : f32
      %add3A_743 = vector.broadcast %add3A_742 : f32 to vector<16xf32>
      %add3A_744 = arith.addf %add3A_741, %add3A_743 : vector<16xf32>
      %ne3A = vector.broadcast %add3A_716 : i32 to vector<16xi32>
      %ne3A_745 = arith.cmpi ne, %add3A_729, %ne3A : vector<16xi32>
      %le3A = arith.constant 2.704000e+01 : f32
      %le3A_746 = vector.broadcast %le3A : f32 to vector<16xf32>
      %le3A_747 = arith.cmpf ole, %add3A_744, %le3A_746 : vector<16xf32>
      %and3A = arith.andi %le3A_747, %ne3A_745 : vector<16xi1>
      %le3A_748 = arith.constant 1.225000e+01 : f32
      %le3A_749 = vector.broadcast %le3A_748 : f32 to vector<16xf32>
      %le3A_750 = arith.cmpf ole, %add3A_744, %le3A_749 : vector<16xf32>
      %and3A_751 = arith.andi %le3A_750, %ne3A_745 : vector<16xi1>
      %get3A_752 = arith.constant 0 : index
      %get3A_753 = tpu.vector_load %arg9[%get3A_752] {strides = array<i32>} : memref<192xi32, #tpu.memory_space<vmem>>, vector<16xi32>,
      %swap3A_754 = arith.constant 0 : i32
      %swap3A_755 = arith.index_cast %swap3A_754 : i32 to index
      %swap3A_756 = tpu.vector_load %arg11[%swap3A_755] masked %and3A {strides = array<i32>} : memref<208xf32, #tpu.memory_space<vmem>>, vector<16xf32>, vector<16xi1>
      tpu.vector_store %arg11[%swap3A_755], %add3A_744 masked %and3A {strides = array<i32>} : memref<208xf32, #tpu.memory_space<vmem>>, vector<16xf32>, vector<16xi1>
      %swap3A_757 = arith.constant 0 : i32
      %swap3A_758 = arith.index_cast %swap3A_757 : i32 to index
      %swap3A_759 = tpu.vector_load %arg12[%swap3A_758] masked %and3A {strides = array<i32>} : memref<208xi32, #tpu.memory_space<vmem>>, vector<16xi32>, vector<16xi1>
      tpu.vector_store %arg12[%swap3A_758], %get3A_753 masked %and3A {strides = array<i32>} : memref<208xi32, #tpu.memory_space<vmem>>, vector<16xi32>, vector<16xi1>
      %swap3A_760 = arith.constant 0 : i32
      %swap3A_761 = arith.index_cast %swap3A_760 : i32 to index
      %swap3A_762 = tpu.vector_load %arg13[%swap3A_761] masked %and3A_751 {strides = array<i32>} : memref<208xf32, #tpu.memory_space<vmem>>, vector<16xf32>, vector<16xi1>
      tpu.vector_store %arg13[%swap3A_761], %sub3A masked %and3A_751 {strides = array<i32>} : memref<208xf32, #tpu.memory_space<vmem>>, vector<16xf32>, vector<16xi1>
      %swap3A_763 = arith.constant 0 : i32
      %swap3A_764 = arith.index_cast %swap3A_763 : i32 to index
      %swap3A_765 = tpu.vector_load %arg14[%swap3A_764] masked %and3A_751 {strides = array<i32>} : memref<208xf32, #tpu.memory_space<vmem>>, vector<16xf32>, vector<16xi1>
      tpu.vector_store %arg14[%swap3A_764], %sub3A_733 masked %and3A_751 {strides = array<i32>} : memref<208xf32, #tpu.memory_space<vmem>>, vector<16xf32>, vector<16xi1>
      %swap3A_766 = arith.constant 0 : i32
      %swap3A_767 = arith.index_cast %swap3A_766 : i32 to index
      %swap3A_768 = tpu.vector_load %arg15[%swap3A_767] masked %and3A_751 {strides = array<i32>} : memref<208xf32, #tpu.memory_space<vmem>>, vector<16xf32>, vector<16xi1>
      tpu.vector_store %arg15[%swap3A_767], %sub3A_736 masked %and3A_751 {strides = array<i32>} : memref<208xf32, #tpu.memory_space<vmem>>, vector<16xf32>, vector<16xi1>
      %swap3A_769 = arith.constant 0 : i32
      %swap3A_770 = arith.index_cast %swap3A_769 : i32 to index
      %swap3A_771 = tpu.vector_load %arg16[%swap3A_770] masked %and3A_751 {strides = array<i32>} : memref<208xf32, #tpu.memory_space<vmem>>, vector<16xf32>, vector<16xi1>
      tpu.vector_store %arg16[%swap3A_770], %add3A_744 masked %and3A_751 {strides = array<i32>} : memref<208xf32, #tpu.memory_space<vmem>>, vector<16xf32>, vector<16xi1>
      %swap3A_772 = arith.constant 0 : i32
      %swap3A_773 = arith.index_cast %swap3A_772 : i32 to index
      %swap3A_774 = tpu.vector_load %arg19[%swap3A_773] masked %and3A_751 {strides = array<i32>} : memref<208xi32, #tpu.memory_space<vmem>>, vector<16xi32>, vector<16xi1>
      tpu.vector_store %arg19[%swap3A_773], %get3A_753 masked %and3A_751 {strides = array<i32>} : memref<208xi32, #tpu.memory_space<vmem>>, vector<16xi32>, vector<16xi1>
      %all_reduce_population_count3A = tpu.all_reduce %and3A {dim = 0 : i64, kind = #tpu.reduction_kind<sum>} : vector<16xi1> -> vector<16xi32>
      %slice3A = vector.extract_strided_slice %all_reduce_population_count3A {offsets = [0], sizes = [1], strides = [1]} : vector<16xi32> to vector<1xi32>
      %squeeze3A = vector.extract %slice3A[0] : i32 from vector<1xi32>
      %add3A_775 = arith.constant 0 : i32
      %add3A_776 = arith.addi %add3A_775, %squeeze3A : i32
      %all_reduce_population_count3A_777 = tpu.all_reduce %and3A_751 {dim = 0 : i64, kind = #tpu.reduction_kind<sum>} : vector<16xi1> -> vector<16xi32>
      %slice3A_778 = vector.extract_strided_slice %all_reduce_population_count3A_777 {offsets = [0], sizes = [1], strides = [1]} : vector<16xi32> to vector<1xi32>
      %squeeze3A_779 = vector.extract %slice3A_778[0] : i32 from vector<1xi32>
      %add3A_780 = arith.constant 0 : i32
      %add3A_781 = arith.addi %add3A_780, %squeeze3A_779 : i32
      %add3A_782 = arith.constant 16 : i32
      %add3A_783 = vector.broadcast %add3A_782 : i32 to vector<16xi32>
      %add3A_784 = arith.addi %iota3A, %add3A_783 : vector<16xi32>
      %get3A_785 = arith.constant 16 : index
      %get3A_786 = tpu.vector_load %arg6[%get3A_785] {strides = array<i32>} : memref<192xf32, #tpu.memory_space<vmem>>, vector<16xf32>,
      %sub3A_787 = arith.subf %get3A_786, %gather3A_722 : vector<16xf32>
      %get3A_788 = arith.constant 16 : index
      %get3A_789 = tpu.vector_load %arg7[%get3A_788] {strides = array<i32>} : memref<192xf32, #tpu.memory_space<vmem>>, vector<16xf32>,
      %sub3A_790 = arith.subf %get3A_789, %gather3A_723 : vector<16xf32>
      %get3A_791 = arith.constant 16 : index
      %get3A_792 = tpu.vector_load %arg8[%get3A_791] {strides = array<i32>} : memref<192xf32, #tpu.memory_space<vmem>>, vector<16xf32>,
      %sub3A_793 = arith.subf %get3A_792, %gather3A_724 : vector<16xf32>
      %mul3A_794 = arith.mulf %sub3A_787, %sub3A_787 : vector<16xf32>
      %mul3A_795 = arith.mulf %sub3A_790, %sub3A_790 : vector<16xf32>
      %add3A_796 = arith.addf %mul3A_794, %mul3A_795 : vector<16xf32>
      %mul3A_797 = arith.mulf %sub3A_793, %sub3A_793 : vector<16xf32>
      %add3A_798 = arith.addf %add3A_796, %mul3A_797 : vector<16xf32>
      %add3A_799 = arith.constant 9.99999996E-13 : f32
      %add3A_800 = vector.broadcast %add3A_799 : f32 to vector<16xf32>
      %add3A_801 = arith.addf %add3A_798, %add3A_800 : vector<16xf32>
      %ne3A_802 = vector.broadcast %add3A_716 : i32 to vector<16xi32>
      %ne3A_803 = arith.cmpi ne, %add3A_784, %ne3A_802 : vector<16xi32>
      %le3A_804 = arith.constant 2.704000e+01 : f32
      %le3A_805 = vector.broadcast %le3A_804 : f32 to vector<16xf32>
      %le3A_806 = arith.cmpf ole, %add3A_801, %le3A_805 : vector<16xf32>
      %and3A_807 = arith.andi %le3A_806, %ne3A_803 : vector<16xi1>
      %le3A_808 = arith.constant 1.225000e+01 : f32
      %le3A_809 = vector.broadcast %le3A_808 : f32 to vector<16xf32>
      %le3A_810 = arith.cmpf ole, %add3A_801, %le3A_809 : vector<16xf32>
      %and3A_811 = arith.andi %le3A_810, %ne3A_803 : vector<16xi1>
      %get3A_812 = arith.constant 16 : index
      %get3A_813 = tpu.vector_load %arg9[%get3A_812] {strides = array<i32>} : memref<192xi32, #tpu.memory_space<vmem>>, vector<16xi32>,
      %swap3A_814 = arith.index_cast %add3A_776 : i32 to index
      %swap3A_815 = tpu.vector_load %arg11[%swap3A_814] masked %and3A_807 {strides = array<i32>} : memref<208xf32, #tpu.memory_space<vmem>>, vector<16xf32>, vector<16xi1>
      tpu.vector_store %arg11[%swap3A_814], %add3A_801 masked %and3A_807 {strides = array<i32>} : memref<208xf32, #tpu.memory_space<vmem>>, vector<16xf32>, vector<16xi1>
      %swap3A_816 = arith.index_cast %add3A_776 : i32 to index
      %swap3A_817 = tpu.vector_load %arg12[%swap3A_816] masked %and3A_807 {strides = array<i32>} : memref<208xi32, #tpu.memory_space<vmem>>, vector<16xi32>, vector<16xi1>
      tpu.vector_store %arg12[%swap3A_816], %get3A_813 masked %and3A_807 {strides = array<i32>} : memref<208xi32, #tpu.memory_space<vmem>>, vector<16xi32>, vector<16xi1>
      %swap3A_818 = arith.index_cast %add3A_781 : i32 to index
      %swap3A_819 = tpu.vector_load %arg13[%swap3A_818] masked %and3A_811 {strides = array<i32>} : memref<208xf32, #tpu.memory_space<vmem>>, vector<16xf32>, vector<16xi1>
      tpu.vector_store %arg13[%swap3A_818], %sub3A_787 masked %and3A_811 {strides = array<i32>} : memref<208xf32, #tpu.memory_space<vmem>>, vector<16xf32>, vector<16xi1>
      %swap3A_820 = arith.index_cast %add3A_781 : i32 to index
      %swap3A_821 = tpu.vector_load %arg14[%swap3A_820] masked %and3A_811 {strides = array<i32>} : memref<208xf32, #tpu.memory_space<vmem>>, vector<16xf32>, vector<16xi1>
      tpu.vector_store %arg14[%swap3A_820], %sub3A_790 masked %and3A_811 {strides = array<i32>} : memref<208xf32, #tpu.memory_space<vmem>>, vector<16xf32>, vector<16xi1>
      %swap3A_822 = arith.index_cast %add3A_781 : i32 to index
      %swap3A_823 = tpu.vector_load %arg15[%swap3A_822] masked %and3A_811 {strides = array<i32>} : memref<208xf32, #tpu.memory_space<vmem>>, vector<16xf32>, vector<16xi1>
      tpu.vector_store %arg15[%swap3A_822], %sub3A_793 masked %and3A_811 {strides = array<i32>} : memref<208xf32, #tpu.memory_space<vmem>>, vector<16xf32>, vector<16xi1>
      %swap3A_824 = arith.index_cast %add3A_781 : i32 to index
      %swap3A_825 = tpu.vector_load %arg16[%swap3A_824] masked %and3A_811 {strides = array<i32>} : memref<208xf32, #tpu.memory_space<vmem>>, vector<16xf32>, vector<16xi1>
      tpu.vector_store %arg16[%swap3A_824], %add3A_801 masked %and3A_811 {strides = array<i32>} : memref<208xf32, #tpu.memory_space<vmem>>, vector<16xf32>, vector<16xi1>
      %swap3A_826 = arith.index_cast %add3A_781 : i32 to index
      %swap3A_827 = tpu.vector_load %arg19[%swap3A_826] masked %and3A_811 {strides = array<i32>} : memref<208xi32, #tpu.memory_space<vmem>>, vector<16xi32>, vector<16xi1>
      tpu.vector_store %arg19[%swap3A_826], %get3A_813 masked %and3A_811 {strides = array<i32>} : memref<208xi32, #tpu.memory_space<vmem>>, vector<16xi32>, vector<16xi1>
      %all_reduce_population_count3A_828 = tpu.all_reduce %and3A_807 {dim = 0 : i64, kind = #tpu.reduction_kind<sum>} : vector<16xi1> -> vector<16xi32>
      %slice3A_829 = vector.extract_strided_slice %all_reduce_population_count3A_828 {offsets = [0], sizes = [1], strides = [1]} : vector<16xi32> to vector<1xi32>
      %squeeze3A_830 = vector.extract %slice3A_829[0] : i32 from vector<1xi32>
      %add3A_831 = arith.addi %add3A_776, %squeeze3A_830 : i32
      %all_reduce_population_count3A_832 = tpu.all_reduce %and3A_811 {dim = 0 : i64, kind = #tpu.reduction_kind<sum>} : vector<16xi1> -> vector<16xi32>
      %slice3A_833 = vector.extract_strided_slice %all_reduce_population_count3A_832 {offsets = [0], sizes = [1], strides = [1]} : vector<16xi32> to vector<1xi32>
      %squeeze3A_834 = vector.extract %slice3A_833[0] : i32 from vector<1xi32>
      %add3A_835 = arith.addi %add3A_781, %squeeze3A_834 : i32
      %add3A_836 = arith.constant 32 : i32
      %add3A_837 = vector.broadcast %add3A_836 : i32 to vector<16xi32>
      %add3A_838 = arith.addi %iota3A, %add3A_837 : vector<16xi32>
      %get3A_839 = arith.constant 32 : index
      %get3A_840 = tpu.vector_load %arg6[%get3A_839] {strides = array<i32>} : memref<192xf32, #tpu.memory_space<vmem>>, vector<16xf32>,
      %sub3A_841 = arith.subf %get3A_840, %gather3A_722 : vector<16xf32>
      %get3A_842 = arith.constant 32 : index
      %get3A_843 = tpu.vector_load %arg7[%get3A_842] {strides = array<i32>} : memref<192xf32, #tpu.memory_space<vmem>>, vector<16xf32>,
      %sub3A_844 = arith.subf %get3A_843, %gather3A_723 : vector<16xf32>
      %get3A_845 = arith.constant 32 : index
      %get3A_846 = tpu.vector_load %arg8[%get3A_845] {strides = array<i32>} : memref<192xf32, #tpu.memory_space<vmem>>, vector<16xf32>,
      %sub3A_847 = arith.subf %get3A_846, %gather3A_724 : vector<16xf32>
      %mul3A_848 = arith.mulf %sub3A_841, %sub3A_841 : vector<16xf32>
      %mul3A_849 = arith.mulf %sub3A_844, %sub3A_844 : vector<16xf32>
      %add3A_850 = arith.addf %mul3A_848, %mul3A_849 : vector<16xf32>
      %mul3A_851 = arith.mulf %sub3A_847, %sub3A_847 : vector<16xf32>
      %add3A_852 = arith.addf %add3A_850, %mul3A_851 : vector<16xf32>
      %add3A_853 = arith.constant 9.99999996E-13 : f32
      %add3A_854 = vector.broadcast %add3A_853 : f32 to vector<16xf32>
      %add3A_855 = arith.addf %add3A_852, %add3A_854 : vector<16xf32>
      %ne3A_856 = vector.broadcast %add3A_716 : i32 to vector<16xi32>
      %ne3A_857 = arith.cmpi ne, %add3A_838, %ne3A_856 : vector<16xi32>
      %le3A_858 = arith.constant 2.704000e+01 : f32
      %le3A_859 = vector.broadcast %le3A_858 : f32 to vector<16xf32>
      %le3A_860 = arith.cmpf ole, %add3A_855, %le3A_859 : vector<16xf32>
      %and3A_861 = arith.andi %le3A_860, %ne3A_857 : vector<16xi1>
      %le3A_862 = arith.constant 1.225000e+01 : f32
      %le3A_863 = vector.broadcast %le3A_862 : f32 to vector<16xf32>
      %le3A_864 = arith.cmpf ole, %add3A_855, %le3A_863 : vector<16xf32>
      %and3A_865 = arith.andi %le3A_864, %ne3A_857 : vector<16xi1>
      %get3A_866 = arith.constant 32 : index
      %get3A_867 = tpu.vector_load %arg9[%get3A_866] {strides = array<i32>} : memref<192xi32, #tpu.memory_space<vmem>>, vector<16xi32>,
      %swap3A_868 = arith.index_cast %add3A_831 : i32 to index
      %swap3A_869 = tpu.vector_load %arg11[%swap3A_868] masked %and3A_861 {strides = array<i32>} : memref<208xf32, #tpu.memory_space<vmem>>, vector<16xf32>, vector<16xi1>
      tpu.vector_store %arg11[%swap3A_868], %add3A_855 masked %and3A_861 {strides = array<i32>} : memref<208xf32, #tpu.memory_space<vmem>>, vector<16xf32>, vector<16xi1>
      %swap3A_870 = arith.index_cast %add3A_831 : i32 to index
      %swap3A_871 = tpu.vector_load %arg12[%swap3A_870] masked %and3A_861 {strides = array<i32>} : memref<208xi32, #tpu.memory_space<vmem>>, vector<16xi32>, vector<16xi1>
      tpu.vector_store %arg12[%swap3A_870], %get3A_867 masked %and3A_861 {strides = array<i32>} : memref<208xi32, #tpu.memory_space<vmem>>, vector<16xi32>, vector<16xi1>
      %swap3A_872 = arith.index_cast %add3A_835 : i32 to index
      %swap3A_873 = tpu.vector_load %arg13[%swap3A_872] masked %and3A_865 {strides = array<i32>} : memref<208xf32, #tpu.memory_space<vmem>>, vector<16xf32>, vector<16xi1>
      tpu.vector_store %arg13[%swap3A_872], %sub3A_841 masked %and3A_865 {strides = array<i32>} : memref<208xf32, #tpu.memory_space<vmem>>, vector<16xf32>, vector<16xi1>
      %swap3A_874 = arith.index_cast %add3A_835 : i32 to index
      %swap3A_875 = tpu.vector_load %arg14[%swap3A_874] masked %and3A_865 {strides = array<i32>} : memref<208xf32, #tpu.memory_space<vmem>>, vector<16xf32>, vector<16xi1>
      tpu.vector_store %arg14[%swap3A_874], %sub3A_844 masked %and3A_865 {strides = array<i32>} : memref<208xf32, #tpu.memory_space<vmem>>, vector<16xf32>, vector<16xi1>
      %swap3A_876 = arith.index_cast %add3A_835 : i32 to index
      %swap3A_877 = tpu.vector_load %arg15[%swap3A_876] masked %and3A_865 {strides = array<i32>} : memref<208xf32, #tpu.memory_space<vmem>>, vector<16xf32>, vector<16xi1>
      tpu.vector_store %arg15[%swap3A_876], %sub3A_847 masked %and3A_865 {strides = array<i32>} : memref<208xf32, #tpu.memory_space<vmem>>, vector<16xf32>, vector<16xi1>
      %swap3A_878 = arith.index_cast %add3A_835 : i32 to index
      %swap3A_879 = tpu.vector_load %arg16[%swap3A_878] masked %and3A_865 {strides = array<i32>} : memref<208xf32, #tpu.memory_space<vmem>>, vector<16xf32>, vector<16xi1>
      tpu.vector_store %arg16[%swap3A_878], %add3A_855 masked %and3A_865 {strides = array<i32>} : memref<208xf32, #tpu.memory_space<vmem>>, vector<16xf32>, vector<16xi1>
      %swap3A_880 = arith.index_cast %add3A_835 : i32 to index
      %swap3A_881 = tpu.vector_load %arg19[%swap3A_880] masked %and3A_865 {strides = array<i32>} : memref<208xi32, #tpu.memory_space<vmem>>, vector<16xi32>, vector<16xi1>
      tpu.vector_store %arg19[%swap3A_880], %get3A_867 masked %and3A_865 {strides = array<i32>} : memref<208xi32, #tpu.memory_space<vmem>>, vector<16xi32>, vector<16xi1>
      %all_reduce_population_count3A_882 = tpu.all_reduce %and3A_861 {dim = 0 : i64, kind = #tpu.reduction_kind<sum>} : vector<16xi1> -> vector<16xi32>
      %slice3A_883 = vector.extract_strided_slice %all_reduce_population_count3A_882 {offsets = [0], sizes = [1], strides = [1]} : vector<16xi32> to vector<1xi32>
      %squeeze3A_884 = vector.extract %slice3A_883[0] : i32 from vector<1xi32>
      %add3A_885 = arith.addi %add3A_831, %squeeze3A_884 : i32
      %all_reduce_population_count3A_886 = tpu.all_reduce %and3A_865 {dim = 0 : i64, kind = #tpu.reduction_kind<sum>} : vector<16xi1> -> vector<16xi32>
      %slice3A_887 = vector.extract_strided_slice %all_reduce_population_count3A_886 {offsets = [0], sizes = [1], strides = [1]} : vector<16xi32> to vector<1xi32>
      %squeeze3A_888 = vector.extract %slice3A_887[0] : i32 from vector<1xi32>
      %add3A_889 = arith.addi %add3A_835, %squeeze3A_888 : i32
      %add3A_890 = arith.constant 48 : i32
      %add3A_891 = vector.broadcast %add3A_890 : i32 to vector<16xi32>
      %add3A_892 = arith.addi %iota3A, %add3A_891 : vector<16xi32>
      %get3A_893 = arith.constant 48 : index
      %get3A_894 = tpu.vector_load %arg6[%get3A_893] {strides = array<i32>} : memref<192xf32, #tpu.memory_space<vmem>>, vector<16xf32>,
      %sub3A_895 = arith.subf %get3A_894, %gather3A_722 : vector<16xf32>
      %get3A_896 = arith.constant 48 : index
      %get3A_897 = tpu.vector_load %arg7[%get3A_896] {strides = array<i32>} : memref<192xf32, #tpu.memory_space<vmem>>, vector<16xf32>,
      %sub3A_898 = arith.subf %get3A_897, %gather3A_723 : vector<16xf32>
      %get3A_899 = arith.constant 48 : index
      %get3A_900 = tpu.vector_load %arg8[%get3A_899] {strides = array<i32>} : memref<192xf32, #tpu.memory_space<vmem>>, vector<16xf32>,
      %sub3A_901 = arith.subf %get3A_900, %gather3A_724 : vector<16xf32>
      %mul3A_902 = arith.mulf %sub3A_895, %sub3A_895 : vector<16xf32>
      %mul3A_903 = arith.mulf %sub3A_898, %sub3A_898 : vector<16xf32>
      %add3A_904 = arith.addf %mul3A_902, %mul3A_903 : vector<16xf32>
      %mul3A_905 = arith.mulf %sub3A_901, %sub3A_901 : vector<16xf32>
      %add3A_906 = arith.addf %add3A_904, %mul3A_905 : vector<16xf32>
      %add3A_907 = arith.constant 9.99999996E-13 : f32
      %add3A_908 = vector.broadcast %add3A_907 : f32 to vector<16xf32>
      %add3A_909 = arith.addf %add3A_906, %add3A_908 : vector<16xf32>
      %ne3A_910 = vector.broadcast %add3A_716 : i32 to vector<16xi32>
      %ne3A_911 = arith.cmpi ne, %add3A_892, %ne3A_910 : vector<16xi32>
      %le3A_912 = arith.constant 2.704000e+01 : f32
      %le3A_913 = vector.broadcast %le3A_912 : f32 to vector<16xf32>
      %le3A_914 = arith.cmpf ole, %add3A_909, %le3A_913 : vector<16xf32>
      %and3A_915 = arith.andi %le3A_914, %ne3A_911 : vector<16xi1>
      %le3A_916 = arith.constant 1.225000e+01 : f32
      %le3A_917 = vector.broadcast %le3A_916 : f32 to vector<16xf32>
      %le3A_918 = arith.cmpf ole, %add3A_909, %le3A_917 : vector<16xf32>
      %and3A_919 = arith.andi %le3A_918, %ne3A_911 : vector<16xi1>
      %get3A_920 = arith.constant 48 : index
      %get3A_921 = tpu.vector_load %arg9[%get3A_920] {strides = array<i32>} : memref<192xi32, #tpu.memory_space<vmem>>, vector<16xi32>,
      %swap3A_922 = arith.index_cast %add3A_885 : i32 to index
      %swap3A_923 = tpu.vector_load %arg11[%swap3A_922] masked %and3A_915 {strides = array<i32>} : memref<208xf32, #tpu.memory_space<vmem>>, vector<16xf32>, vector<16xi1>
      tpu.vector_store %arg11[%swap3A_922], %add3A_909 masked %and3A_915 {strides = array<i32>} : memref<208xf32, #tpu.memory_space<vmem>>, vector<16xf32>, vector<16xi1>
      %swap3A_924 = arith.index_cast %add3A_885 : i32 to index
      %swap3A_925 = tpu.vector_load %arg12[%swap3A_924] masked %and3A_915 {strides = array<i32>} : memref<208xi32, #tpu.memory_space<vmem>>, vector<16xi32>, vector<16xi1>
      tpu.vector_store %arg12[%swap3A_924], %get3A_921 masked %and3A_915 {strides = array<i32>} : memref<208xi32, #tpu.memory_space<vmem>>, vector<16xi32>, vector<16xi1>
      %swap3A_926 = arith.index_cast %add3A_889 : i32 to index
      %swap3A_927 = tpu.vector_load %arg13[%swap3A_926] masked %and3A_919 {strides = array<i32>} : memref<208xf32, #tpu.memory_space<vmem>>, vector<16xf32>, vector<16xi1>
      tpu.vector_store %arg13[%swap3A_926], %sub3A_895 masked %and3A_919 {strides = array<i32>} : memref<208xf32, #tpu.memory_space<vmem>>, vector<16xf32>, vector<16xi1>
      %swap3A_928 = arith.index_cast %add3A_889 : i32 to index
      %swap3A_929 = tpu.vector_load %arg14[%swap3A_928] masked %and3A_919 {strides = array<i32>} : memref<208xf32, #tpu.memory_space<vmem>>, vector<16xf32>, vector<16xi1>
      tpu.vector_store %arg14[%swap3A_928], %sub3A_898 masked %and3A_919 {strides = array<i32>} : memref<208xf32, #tpu.memory_space<vmem>>, vector<16xf32>, vector<16xi1>
      %swap3A_930 = arith.index_cast %add3A_889 : i32 to index
      %swap3A_931 = tpu.vector_load %arg15[%swap3A_930] masked %and3A_919 {strides = array<i32>} : memref<208xf32, #tpu.memory_space<vmem>>, vector<16xf32>, vector<16xi1>
      tpu.vector_store %arg15[%swap3A_930], %sub3A_901 masked %and3A_919 {strides = array<i32>} : memref<208xf32, #tpu.memory_space<vmem>>, vector<16xf32>, vector<16xi1>
      %swap3A_932 = arith.index_cast %add3A_889 : i32 to index
      %swap3A_933 = tpu.vector_load %arg16[%swap3A_932] masked %and3A_919 {strides = array<i32>} : memref<208xf32, #tpu.memory_space<vmem>>, vector<16xf32>, vector<16xi1>
      tpu.vector_store %arg16[%swap3A_932], %add3A_909 masked %and3A_919 {strides = array<i32>} : memref<208xf32, #tpu.memory_space<vmem>>, vector<16xf32>, vector<16xi1>
      %swap3A_934 = arith.index_cast %add3A_889 : i32 to index
      %swap3A_935 = tpu.vector_load %arg19[%swap3A_934] masked %and3A_919 {strides = array<i32>} : memref<208xi32, #tpu.memory_space<vmem>>, vector<16xi32>, vector<16xi1>
      tpu.vector_store %arg19[%swap3A_934], %get3A_921 masked %and3A_919 {strides = array<i32>} : memref<208xi32, #tpu.memory_space<vmem>>, vector<16xi32>, vector<16xi1>
      %all_reduce_population_count3A_936 = tpu.all_reduce %and3A_915 {dim = 0 : i64, kind = #tpu.reduction_kind<sum>} : vector<16xi1> -> vector<16xi32>
      %slice3A_937 = vector.extract_strided_slice %all_reduce_population_count3A_936 {offsets = [0], sizes = [1], strides = [1]} : vector<16xi32> to vector<1xi32>
      %squeeze3A_938 = vector.extract %slice3A_937[0] : i32 from vector<1xi32>
      %add3A_939 = arith.addi %add3A_885, %squeeze3A_938 : i32
      %all_reduce_population_count3A_940 = tpu.all_reduce %and3A_919 {dim = 0 : i64, kind = #tpu.reduction_kind<sum>} : vector<16xi1> -> vector<16xi32>
      %slice3A_941 = vector.extract_strided_slice %all_reduce_population_count3A_940 {offsets = [0], sizes = [1], strides = [1]} : vector<16xi32> to vector<1xi32>
      %squeeze3A_942 = vector.extract %slice3A_941[0] : i32 from vector<1xi32>
      %add3A_943 = arith.addi %add3A_889, %squeeze3A_942 : i32
      %add3A_944 = arith.constant 64 : i32
      %add3A_945 = vector.broadcast %add3A_944 : i32 to vector<16xi32>
      %add3A_946 = arith.addi %iota3A, %add3A_945 : vector<16xi32>
      %get3A_947 = arith.constant 64 : index
      %get3A_948 = tpu.vector_load %arg6[%get3A_947] {strides = array<i32>} : memref<192xf32, #tpu.memory_space<vmem>>, vector<16xf32>,
      %sub3A_949 = arith.subf %get3A_948, %gather3A_722 : vector<16xf32>
      %get3A_950 = arith.constant 64 : index
      %get3A_951 = tpu.vector_load %arg7[%get3A_950] {strides = array<i32>} : memref<192xf32, #tpu.memory_space<vmem>>, vector<16xf32>,
      %sub3A_952 = arith.subf %get3A_951, %gather3A_723 : vector<16xf32>
      %get3A_953 = arith.constant 64 : index
      %get3A_954 = tpu.vector_load %arg8[%get3A_953] {strides = array<i32>} : memref<192xf32, #tpu.memory_space<vmem>>, vector<16xf32>,
      %sub3A_955 = arith.subf %get3A_954, %gather3A_724 : vector<16xf32>
      %mul3A_956 = arith.mulf %sub3A_949, %sub3A_949 : vector<16xf32>
      %mul3A_957 = arith.mulf %sub3A_952, %sub3A_952 : vector<16xf32>
      %add3A_958 = arith.addf %mul3A_956, %mul3A_957 : vector<16xf32>
      %mul3A_959 = arith.mulf %sub3A_955, %sub3A_955 : vector<16xf32>
      %add3A_960 = arith.addf %add3A_958, %mul3A_959 : vector<16xf32>
      %add3A_961 = arith.constant 9.99999996E-13 : f32
      %add3A_962 = vector.broadcast %add3A_961 : f32 to vector<16xf32>
      %add3A_963 = arith.addf %add3A_960, %add3A_962 : vector<16xf32>
      %ne3A_964 = vector.broadcast %add3A_716 : i32 to vector<16xi32>
      %ne3A_965 = arith.cmpi ne, %add3A_946, %ne3A_964 : vector<16xi32>
      %le3A_966 = arith.constant 2.704000e+01 : f32
      %le3A_967 = vector.broadcast %le3A_966 : f32 to vector<16xf32>
      %le3A_968 = arith.cmpf ole, %add3A_963, %le3A_967 : vector<16xf32>
      %and3A_969 = arith.andi %le3A_968, %ne3A_965 : vector<16xi1>
      %le3A_970 = arith.constant 1.225000e+01 : f32
      %le3A_971 = vector.broadcast %le3A_970 : f32 to vector<16xf32>
      %le3A_972 = arith.cmpf ole, %add3A_963, %le3A_971 : vector<16xf32>
      %and3A_973 = arith.andi %le3A_972, %ne3A_965 : vector<16xi1>
      %get3A_974 = arith.constant 64 : index
      %get3A_975 = tpu.vector_load %arg9[%get3A_974] {strides = array<i32>} : memref<192xi32, #tpu.memory_space<vmem>>, vector<16xi32>,
      %swap3A_976 = arith.index_cast %add3A_939 : i32 to index
      %swap3A_977 = tpu.vector_load %arg11[%swap3A_976] masked %and3A_969 {strides = array<i32>} : memref<208xf32, #tpu.memory_space<vmem>>, vector<16xf32>, vector<16xi1>
      tpu.vector_store %arg11[%swap3A_976], %add3A_963 masked %and3A_969 {strides = array<i32>} : memref<208xf32, #tpu.memory_space<vmem>>, vector<16xf32>, vector<16xi1>
      %swap3A_978 = arith.index_cast %add3A_939 : i32 to index
      %swap3A_979 = tpu.vector_load %arg12[%swap3A_978] masked %and3A_969 {strides = array<i32>} : memref<208xi32, #tpu.memory_space<vmem>>, vector<16xi32>, vector<16xi1>
      tpu.vector_store %arg12[%swap3A_978], %get3A_975 masked %and3A_969 {strides = array<i32>} : memref<208xi32, #tpu.memory_space<vmem>>, vector<16xi32>, vector<16xi1>
      %swap3A_980 = arith.index_cast %add3A_943 : i32 to index
      %swap3A_981 = tpu.vector_load %arg13[%swap3A_980] masked %and3A_973 {strides = array<i32>} : memref<208xf32, #tpu.memory_space<vmem>>, vector<16xf32>, vector<16xi1>
      tpu.vector_store %arg13[%swap3A_980], %sub3A_949 masked %and3A_973 {strides = array<i32>} : memref<208xf32, #tpu.memory_space<vmem>>, vector<16xf32>, vector<16xi1>
      %swap3A_982 = arith.index_cast %add3A_943 : i32 to index
      %swap3A_983 = tpu.vector_load %arg14[%swap3A_982] masked %and3A_973 {strides = array<i32>} : memref<208xf32, #tpu.memory_space<vmem>>, vector<16xf32>, vector<16xi1>
      tpu.vector_store %arg14[%swap3A_982], %sub3A_952 masked %and3A_973 {strides = array<i32>} : memref<208xf32, #tpu.memory_space<vmem>>, vector<16xf32>, vector<16xi1>
      %swap3A_984 = arith.index_cast %add3A_943 : i32 to index
      %swap3A_985 = tpu.vector_load %arg15[%swap3A_984] masked %and3A_973 {strides = array<i32>} : memref<208xf32, #tpu.memory_space<vmem>>, vector<16xf32>, vector<16xi1>
      tpu.vector_store %arg15[%swap3A_984], %sub3A_955 masked %and3A_973 {strides = array<i32>} : memref<208xf32, #tpu.memory_space<vmem>>, vector<16xf32>, vector<16xi1>
      %swap3A_986 = arith.index_cast %add3A_943 : i32 to index
      %swap3A_987 = tpu.vector_load %arg16[%swap3A_986] masked %and3A_973 {strides = array<i32>} : memref<208xf32, #tpu.memory_space<vmem>>, vector<16xf32>, vector<16xi1>
      tpu.vector_store %arg16[%swap3A_986], %add3A_963 masked %and3A_973 {strides = array<i32>} : memref<208xf32, #tpu.memory_space<vmem>>, vector<16xf32>, vector<16xi1>
      %swap3A_988 = arith.index_cast %add3A_943 : i32 to index
      %swap3A_989 = tpu.vector_load %arg19[%swap3A_988] masked %and3A_973 {strides = array<i32>} : memref<208xi32, #tpu.memory_space<vmem>>, vector<16xi32>, vector<16xi1>
      tpu.vector_store %arg19[%swap3A_988], %get3A_975 masked %and3A_973 {strides = array<i32>} : memref<208xi32, #tpu.memory_space<vmem>>, vector<16xi32>, vector<16xi1>
      %all_reduce_population_count3A_990 = tpu.all_reduce %and3A_969 {dim = 0 : i64, kind = #tpu.reduction_kind<sum>} : vector<16xi1> -> vector<16xi32>
      %slice3A_991 = vector.extract_strided_slice %all_reduce_population_count3A_990 {offsets = [0], sizes = [1], strides = [1]} : vector<16xi32> to vector<1xi32>
      %squeeze3A_992 = vector.extract %slice3A_991[0] : i32 from vector<1xi32>
      %add3A_993 = arith.addi %add3A_939, %squeeze3A_992 : i32
      %all_reduce_population_count3A_994 = tpu.all_reduce %and3A_973 {dim = 0 : i64, kind = #tpu.reduction_kind<sum>} : vector<16xi1> -> vector<16xi32>
      %slice3A_995 = vector.extract_strided_slice %all_reduce_population_count3A_994 {offsets = [0], sizes = [1], strides = [1]} : vector<16xi32> to vector<1xi32>
      %squeeze3A_996 = vector.extract %slice3A_995[0] : i32 from vector<1xi32>
      %add3A_997 = arith.addi %add3A_943, %squeeze3A_996 : i32
      %add3A_998 = arith.constant 80 : i32
      %add3A_999 = vector.broadcast %add3A_998 : i32 to vector<16xi32>
      %add3A_1000 = arith.addi %iota3A, %add3A_999 : vector<16xi32>
      %get3A_1001 = arith.constant 80 : index
      %get3A_1002 = tpu.vector_load %arg6[%get3A_1001] {strides = array<i32>} : memref<192xf32, #tpu.memory_space<vmem>>, vector<16xf32>,
      %sub3A_1003 = arith.subf %get3A_1002, %gather3A_722 : vector<16xf32>
      %get3A_1004 = arith.constant 80 : index
      %get3A_1005 = tpu.vector_load %arg7[%get3A_1004] {strides = array<i32>} : memref<192xf32, #tpu.memory_space<vmem>>, vector<16xf32>,
      %sub3A_1006 = arith.subf %get3A_1005, %gather3A_723 : vector<16xf32>
      %get3A_1007 = arith.constant 80 : index
      %get3A_1008 = tpu.vector_load %arg8[%get3A_1007] {strides = array<i32>} : memref<192xf32, #tpu.memory_space<vmem>>, vector<16xf32>,
      %sub3A_1009 = arith.subf %get3A_1008, %gather3A_724 : vector<16xf32>
      %mul3A_1010 = arith.mulf %sub3A_1003, %sub3A_1003 : vector<16xf32>
      %mul3A_1011 = arith.mulf %sub3A_1006, %sub3A_1006 : vector<16xf32>
      %add3A_1012 = arith.addf %mul3A_1010, %mul3A_1011 : vector<16xf32>
      %mul3A_1013 = arith.mulf %sub3A_1009, %sub3A_1009 : vector<16xf32>
      %add3A_1014 = arith.addf %add3A_1012, %mul3A_1013 : vector<16xf32>
      %add3A_1015 = arith.constant 9.99999996E-13 : f32
      %add3A_1016 = vector.broadcast %add3A_1015 : f32 to vector<16xf32>
      %add3A_1017 = arith.addf %add3A_1014, %add3A_1016 : vector<16xf32>
      %ne3A_1018 = vector.broadcast %add3A_716 : i32 to vector<16xi32>
      %ne3A_1019 = arith.cmpi ne, %add3A_1000, %ne3A_1018 : vector<16xi32>
      %le3A_1020 = arith.constant 2.704000e+01 : f32
      %le3A_1021 = vector.broadcast %le3A_1020 : f32 to vector<16xf32>
      %le3A_1022 = arith.cmpf ole, %add3A_1017, %le3A_1021 : vector<16xf32>
      %and3A_1023 = arith.andi %le3A_1022, %ne3A_1019 : vector<16xi1>
      %le3A_1024 = arith.constant 1.225000e+01 : f32
      %le3A_1025 = vector.broadcast %le3A_1024 : f32 to vector<16xf32>
      %le3A_1026 = arith.cmpf ole, %add3A_1017, %le3A_1025 : vector<16xf32>
      %and3A_1027 = arith.andi %le3A_1026, %ne3A_1019 : vector<16xi1>
      %get3A_1028 = arith.constant 80 : index
      %get3A_1029 = tpu.vector_load %arg9[%get3A_1028] {strides = array<i32>} : memref<192xi32, #tpu.memory_space<vmem>>, vector<16xi32>,
      %swap3A_1030 = arith.index_cast %add3A_993 : i32 to index
      %swap3A_1031 = tpu.vector_load %arg11[%swap3A_1030] masked %and3A_1023 {strides = array<i32>} : memref<208xf32, #tpu.memory_space<vmem>>, vector<16xf32>, vector<16xi1>
      tpu.vector_store %arg11[%swap3A_1030], %add3A_1017 masked %and3A_1023 {strides = array<i32>} : memref<208xf32, #tpu.memory_space<vmem>>, vector<16xf32>, vector<16xi1>
      %swap3A_1032 = arith.index_cast %add3A_993 : i32 to index
      %swap3A_1033 = tpu.vector_load %arg12[%swap3A_1032] masked %and3A_1023 {strides = array<i32>} : memref<208xi32, #tpu.memory_space<vmem>>, vector<16xi32>, vector<16xi1>
      tpu.vector_store %arg12[%swap3A_1032], %get3A_1029 masked %and3A_1023 {strides = array<i32>} : memref<208xi32, #tpu.memory_space<vmem>>, vector<16xi32>, vector<16xi1>
      %swap3A_1034 = arith.index_cast %add3A_997 : i32 to index
      %swap3A_1035 = tpu.vector_load %arg13[%swap3A_1034] masked %and3A_1027 {strides = array<i32>} : memref<208xf32, #tpu.memory_space<vmem>>, vector<16xf32>, vector<16xi1>
      tpu.vector_store %arg13[%swap3A_1034], %sub3A_1003 masked %and3A_1027 {strides = array<i32>} : memref<208xf32, #tpu.memory_space<vmem>>, vector<16xf32>, vector<16xi1>
      %swap3A_1036 = arith.index_cast %add3A_997 : i32 to index
      %swap3A_1037 = tpu.vector_load %arg14[%swap3A_1036] masked %and3A_1027 {strides = array<i32>} : memref<208xf32, #tpu.memory_space<vmem>>, vector<16xf32>, vector<16xi1>
      tpu.vector_store %arg14[%swap3A_1036], %sub3A_1006 masked %and3A_1027 {strides = array<i32>} : memref<208xf32, #tpu.memory_space<vmem>>, vector<16xf32>, vector<16xi1>
      %swap3A_1038 = arith.index_cast %add3A_997 : i32 to index
      %swap3A_1039 = tpu.vector_load %arg15[%swap3A_1038] masked %and3A_1027 {strides = array<i32>} : memref<208xf32, #tpu.memory_space<vmem>>, vector<16xf32>, vector<16xi1>
      tpu.vector_store %arg15[%swap3A_1038], %sub3A_1009 masked %and3A_1027 {strides = array<i32>} : memref<208xf32, #tpu.memory_space<vmem>>, vector<16xf32>, vector<16xi1>
      %swap3A_1040 = arith.index_cast %add3A_997 : i32 to index
      %swap3A_1041 = tpu.vector_load %arg16[%swap3A_1040] masked %and3A_1027 {strides = array<i32>} : memref<208xf32, #tpu.memory_space<vmem>>, vector<16xf32>, vector<16xi1>
      tpu.vector_store %arg16[%swap3A_1040], %add3A_1017 masked %and3A_1027 {strides = array<i32>} : memref<208xf32, #tpu.memory_space<vmem>>, vector<16xf32>, vector<16xi1>
      %swap3A_1042 = arith.index_cast %add3A_997 : i32 to index
      %swap3A_1043 = tpu.vector_load %arg19[%swap3A_1042] masked %and3A_1027 {strides = array<i32>} : memref<208xi32, #tpu.memory_space<vmem>>, vector<16xi32>, vector<16xi1>
      tpu.vector_store %arg19[%swap3A_1042], %get3A_1029 masked %and3A_1027 {strides = array<i32>} : memref<208xi32, #tpu.memory_space<vmem>>, vector<16xi32>, vector<16xi1>
      %all_reduce_population_count3A_1044 = tpu.all_reduce %and3A_1023 {dim = 0 : i64, kind = #tpu.reduction_kind<sum>} : vector<16xi1> -> vector<16xi32>
      %slice3A_1045 = vector.extract_strided_slice %all_reduce_population_count3A_1044 {offsets = [0], sizes = [1], strides = [1]} : vector<16xi32> to vector<1xi32>
      %squeeze3A_1046 = vector.extract %slice3A_1045[0] : i32 from vector<1xi32>
      %add3A_1047 = arith.addi %add3A_993, %squeeze3A_1046 : i32
      %all_reduce_population_count3A_1048 = tpu.all_reduce %and3A_1027 {dim = 0 : i64, kind = #tpu.reduction_kind<sum>} : vector<16xi1> -> vector<16xi32>
      %slice3A_1049 = vector.extract_strided_slice %all_reduce_population_count3A_1048 {offsets = [0], sizes = [1], strides = [1]} : vector<16xi32> to vector<1xi32>
      %squeeze3A_1050 = vector.extract %slice3A_1049[0] : i32 from vector<1xi32>
      %add3A_1051 = arith.addi %add3A_997, %squeeze3A_1050 : i32
      %add3A_1052 = arith.constant 96 : i32
      %add3A_1053 = vector.broadcast %add3A_1052 : i32 to vector<16xi32>
      %add3A_1054 = arith.addi %iota3A, %add3A_1053 : vector<16xi32>
      %get3A_1055 = arith.constant 96 : index
      %get3A_1056 = tpu.vector_load %arg6[%get3A_1055] {strides = array<i32>} : memref<192xf32, #tpu.memory_space<vmem>>, vector<16xf32>,
      %sub3A_1057 = arith.subf %get3A_1056, %gather3A_722 : vector<16xf32>
      %get3A_1058 = arith.constant 96 : index
      %get3A_1059 = tpu.vector_load %arg7[%get3A_1058] {strides = array<i32>} : memref<192xf32, #tpu.memory_space<vmem>>, vector<16xf32>,
      %sub3A_1060 = arith.subf %get3A_1059, %gather3A_723 : vector<16xf32>
      %get3A_1061 = arith.constant 96 : index
      %get3A_1062 = tpu.vector_load %arg8[%get3A_1061] {strides = array<i32>} : memref<192xf32, #tpu.memory_space<vmem>>, vector<16xf32>,
      %sub3A_1063 = arith.subf %get3A_1062, %gather3A_724 : vector<16xf32>
      %mul3A_1064 = arith.mulf %sub3A_1057, %sub3A_1057 : vector<16xf32>
      %mul3A_1065 = arith.mulf %sub3A_1060, %sub3A_1060 : vector<16xf32>
      %add3A_1066 = arith.addf %mul3A_1064, %mul3A_1065 : vector<16xf32>
      %mul3A_1067 = arith.mulf %sub3A_1063, %sub3A_1063 : vector<16xf32>
      %add3A_1068 = arith.addf %add3A_1066, %mul3A_1067 : vector<16xf32>
      %add3A_1069 = arith.constant 9.99999996E-13 : f32
      %add3A_1070 = vector.broadcast %add3A_1069 : f32 to vector<16xf32>
      %add3A_1071 = arith.addf %add3A_1068, %add3A_1070 : vector<16xf32>
      %ne3A_1072 = vector.broadcast %add3A_716 : i32 to vector<16xi32>
      %ne3A_1073 = arith.cmpi ne, %add3A_1054, %ne3A_1072 : vector<16xi32>
      %le3A_1074 = arith.constant 2.704000e+01 : f32
      %le3A_1075 = vector.broadcast %le3A_1074 : f32 to vector<16xf32>
      %le3A_1076 = arith.cmpf ole, %add3A_1071, %le3A_1075 : vector<16xf32>
      %and3A_1077 = arith.andi %le3A_1076, %ne3A_1073 : vector<16xi1>
      %le3A_1078 = arith.constant 1.225000e+01 : f32
      %le3A_1079 = vector.broadcast %le3A_1078 : f32 to vector<16xf32>
      %le3A_1080 = arith.cmpf ole, %add3A_1071, %le3A_1079 : vector<16xf32>
      %and3A_1081 = arith.andi %le3A_1080, %ne3A_1073 : vector<16xi1>
      %get3A_1082 = arith.constant 96 : index
      %get3A_1083 = tpu.vector_load %arg9[%get3A_1082] {strides = array<i32>} : memref<192xi32, #tpu.memory_space<vmem>>, vector<16xi32>,
      %swap3A_1084 = arith.index_cast %add3A_1047 : i32 to index
      %swap3A_1085 = tpu.vector_load %arg11[%swap3A_1084] masked %and3A_1077 {strides = array<i32>} : memref<208xf32, #tpu.memory_space<vmem>>, vector<16xf32>, vector<16xi1>
      tpu.vector_store %arg11[%swap3A_1084], %add3A_1071 masked %and3A_1077 {strides = array<i32>} : memref<208xf32, #tpu.memory_space<vmem>>, vector<16xf32>, vector<16xi1>
      %swap3A_1086 = arith.index_cast %add3A_1047 : i32 to index
      %swap3A_1087 = tpu.vector_load %arg12[%swap3A_1086] masked %and3A_1077 {strides = array<i32>} : memref<208xi32, #tpu.memory_space<vmem>>, vector<16xi32>, vector<16xi1>
      tpu.vector_store %arg12[%swap3A_1086], %get3A_1083 masked %and3A_1077 {strides = array<i32>} : memref<208xi32, #tpu.memory_space<vmem>>, vector<16xi32>, vector<16xi1>
      %swap3A_1088 = arith.index_cast %add3A_1051 : i32 to index
      %swap3A_1089 = tpu.vector_load %arg13[%swap3A_1088] masked %and3A_1081 {strides = array<i32>} : memref<208xf32, #tpu.memory_space<vmem>>, vector<16xf32>, vector<16xi1>
      tpu.vector_store %arg13[%swap3A_1088], %sub3A_1057 masked %and3A_1081 {strides = array<i32>} : memref<208xf32, #tpu.memory_space<vmem>>, vector<16xf32>, vector<16xi1>
      %swap3A_1090 = arith.index_cast %add3A_1051 : i32 to index
      %swap3A_1091 = tpu.vector_load %arg14[%swap3A_1090] masked %and3A_1081 {strides = array<i32>} : memref<208xf32, #tpu.memory_space<vmem>>, vector<16xf32>, vector<16xi1>
      tpu.vector_store %arg14[%swap3A_1090], %sub3A_1060 masked %and3A_1081 {strides = array<i32>} : memref<208xf32, #tpu.memory_space<vmem>>, vector<16xf32>, vector<16xi1>
      %swap3A_1092 = arith.index_cast %add3A_1051 : i32 to index
      %swap3A_1093 = tpu.vector_load %arg15[%swap3A_1092] masked %and3A_1081 {strides = array<i32>} : memref<208xf32, #tpu.memory_space<vmem>>, vector<16xf32>, vector<16xi1>
      tpu.vector_store %arg15[%swap3A_1092], %sub3A_1063 masked %and3A_1081 {strides = array<i32>} : memref<208xf32, #tpu.memory_space<vmem>>, vector<16xf32>, vector<16xi1>
      %swap3A_1094 = arith.index_cast %add3A_1051 : i32 to index
      %swap3A_1095 = tpu.vector_load %arg16[%swap3A_1094] masked %and3A_1081 {strides = array<i32>} : memref<208xf32, #tpu.memory_space<vmem>>, vector<16xf32>, vector<16xi1>
      tpu.vector_store %arg16[%swap3A_1094], %add3A_1071 masked %and3A_1081 {strides = array<i32>} : memref<208xf32, #tpu.memory_space<vmem>>, vector<16xf32>, vector<16xi1>
      %swap3A_1096 = arith.index_cast %add3A_1051 : i32 to index
      %swap3A_1097 = tpu.vector_load %arg19[%swap3A_1096] masked %and3A_1081 {strides = array<i32>} : memref<208xi32, #tpu.memory_space<vmem>>, vector<16xi32>, vector<16xi1>
      tpu.vector_store %arg19[%swap3A_1096], %get3A_1083 masked %and3A_1081 {strides = array<i32>} : memref<208xi32, #tpu.memory_space<vmem>>, vector<16xi32>, vector<16xi1>
      %all_reduce_population_count3A_1098 = tpu.all_reduce %and3A_1077 {dim = 0 : i64, kind = #tpu.reduction_kind<sum>} : vector<16xi1> -> vector<16xi32>
      %slice3A_1099 = vector.extract_strided_slice %all_reduce_population_count3A_1098 {offsets = [0], sizes = [1], strides = [1]} : vector<16xi32> to vector<1xi32>
      %squeeze3A_1100 = vector.extract %slice3A_1099[0] : i32 from vector<1xi32>
      %add3A_1101 = arith.addi %add3A_1047, %squeeze3A_1100 : i32
      %all_reduce_population_count3A_1102 = tpu.all_reduce %and3A_1081 {dim = 0 : i64, kind = #tpu.reduction_kind<sum>} : vector<16xi1> -> vector<16xi32>
      %slice3A_1103 = vector.extract_strided_slice %all_reduce_population_count3A_1102 {offsets = [0], sizes = [1], strides = [1]} : vector<16xi32> to vector<1xi32>
      %squeeze3A_1104 = vector.extract %slice3A_1103[0] : i32 from vector<1xi32>
      %add3A_1105 = arith.addi %add3A_1051, %squeeze3A_1104 : i32
      %add3A_1106 = arith.constant 112 : i32
      %add3A_1107 = vector.broadcast %add3A_1106 : i32 to vector<16xi32>
      %add3A_1108 = arith.addi %iota3A, %add3A_1107 : vector<16xi32>
      %get3A_1109 = arith.constant 112 : index
      %get3A_1110 = tpu.vector_load %arg6[%get3A_1109] {strides = array<i32>} : memref<192xf32, #tpu.memory_space<vmem>>, vector<16xf32>,
      %sub3A_1111 = arith.subf %get3A_1110, %gather3A_722 : vector<16xf32>
      %get3A_1112 = arith.constant 112 : index
      %get3A_1113 = tpu.vector_load %arg7[%get3A_1112] {strides = array<i32>} : memref<192xf32, #tpu.memory_space<vmem>>, vector<16xf32>,
      %sub3A_1114 = arith.subf %get3A_1113, %gather3A_723 : vector<16xf32>
      %get3A_1115 = arith.constant 112 : index
      %get3A_1116 = tpu.vector_load %arg8[%get3A_1115] {strides = array<i32>} : memref<192xf32, #tpu.memory_space<vmem>>, vector<16xf32>,
      %sub3A_1117 = arith.subf %get3A_1116, %gather3A_724 : vector<16xf32>
      %mul3A_1118 = arith.mulf %sub3A_1111, %sub3A_1111 : vector<16xf32>
      %mul3A_1119 = arith.mulf %sub3A_1114, %sub3A_1114 : vector<16xf32>
      %add3A_1120 = arith.addf %mul3A_1118, %mul3A_1119 : vector<16xf32>
      %mul3A_1121 = arith.mulf %sub3A_1117, %sub3A_1117 : vector<16xf32>
      %add3A_1122 = arith.addf %add3A_1120, %mul3A_1121 : vector<16xf32>
      %add3A_1123 = arith.constant 9.99999996E-13 : f32
      %add3A_1124 = vector.broadcast %add3A_1123 : f32 to vector<16xf32>
      %add3A_1125 = arith.addf %add3A_1122, %add3A_1124 : vector<16xf32>
      %ne3A_1126 = vector.broadcast %add3A_716 : i32 to vector<16xi32>
      %ne3A_1127 = arith.cmpi ne, %add3A_1108, %ne3A_1126 : vector<16xi32>
      %le3A_1128 = arith.constant 2.704000e+01 : f32
      %le3A_1129 = vector.broadcast %le3A_1128 : f32 to vector<16xf32>
      %le3A_1130 = arith.cmpf ole, %add3A_1125, %le3A_1129 : vector<16xf32>
      %and3A_1131 = arith.andi %le3A_1130, %ne3A_1127 : vector<16xi1>
      %le3A_1132 = arith.constant 1.225000e+01 : f32
      %le3A_1133 = vector.broadcast %le3A_1132 : f32 to vector<16xf32>
      %le3A_1134 = arith.cmpf ole, %add3A_1125, %le3A_1133 : vector<16xf32>
      %and3A_1135 = arith.andi %le3A_1134, %ne3A_1127 : vector<16xi1>
      %get3A_1136 = arith.constant 112 : index
      %get3A_1137 = tpu.vector_load %arg9[%get3A_1136] {strides = array<i32>} : memref<192xi32, #tpu.memory_space<vmem>>, vector<16xi32>,
      %swap3A_1138 = arith.index_cast %add3A_1101 : i32 to index
      %swap3A_1139 = tpu.vector_load %arg11[%swap3A_1138] masked %and3A_1131 {strides = array<i32>} : memref<208xf32, #tpu.memory_space<vmem>>, vector<16xf32>, vector<16xi1>
      tpu.vector_store %arg11[%swap3A_1138], %add3A_1125 masked %and3A_1131 {strides = array<i32>} : memref<208xf32, #tpu.memory_space<vmem>>, vector<16xf32>, vector<16xi1>
      %swap3A_1140 = arith.index_cast %add3A_1101 : i32 to index
      %swap3A_1141 = tpu.vector_load %arg12[%swap3A_1140] masked %and3A_1131 {strides = array<i32>} : memref<208xi32, #tpu.memory_space<vmem>>, vector<16xi32>, vector<16xi1>
      tpu.vector_store %arg12[%swap3A_1140], %get3A_1137 masked %and3A_1131 {strides = array<i32>} : memref<208xi32, #tpu.memory_space<vmem>>, vector<16xi32>, vector<16xi1>
      %swap3A_1142 = arith.index_cast %add3A_1105 : i32 to index
      %swap3A_1143 = tpu.vector_load %arg13[%swap3A_1142] masked %and3A_1135 {strides = array<i32>} : memref<208xf32, #tpu.memory_space<vmem>>, vector<16xf32>, vector<16xi1>
      tpu.vector_store %arg13[%swap3A_1142], %sub3A_1111 masked %and3A_1135 {strides = array<i32>} : memref<208xf32, #tpu.memory_space<vmem>>, vector<16xf32>, vector<16xi1>
      %swap3A_1144 = arith.index_cast %add3A_1105 : i32 to index
      %swap3A_1145 = tpu.vector_load %arg14[%swap3A_1144] masked %and3A_1135 {strides = array<i32>} : memref<208xf32, #tpu.memory_space<vmem>>, vector<16xf32>, vector<16xi1>
      tpu.vector_store %arg14[%swap3A_1144], %sub3A_1114 masked %and3A_1135 {strides = array<i32>} : memref<208xf32, #tpu.memory_space<vmem>>, vector<16xf32>, vector<16xi1>
      %swap3A_1146 = arith.index_cast %add3A_1105 : i32 to index
      %swap3A_1147 = tpu.vector_load %arg15[%swap3A_1146] masked %and3A_1135 {strides = array<i32>} : memref<208xf32, #tpu.memory_space<vmem>>, vector<16xf32>, vector<16xi1>
      tpu.vector_store %arg15[%swap3A_1146], %sub3A_1117 masked %and3A_1135 {strides = array<i32>} : memref<208xf32, #tpu.memory_space<vmem>>, vector<16xf32>, vector<16xi1>
      %swap3A_1148 = arith.index_cast %add3A_1105 : i32 to index
      %swap3A_1149 = tpu.vector_load %arg16[%swap3A_1148] masked %and3A_1135 {strides = array<i32>} : memref<208xf32, #tpu.memory_space<vmem>>, vector<16xf32>, vector<16xi1>
      tpu.vector_store %arg16[%swap3A_1148], %add3A_1125 masked %and3A_1135 {strides = array<i32>} : memref<208xf32, #tpu.memory_space<vmem>>, vector<16xf32>, vector<16xi1>
      %swap3A_1150 = arith.index_cast %add3A_1105 : i32 to index
      %swap3A_1151 = tpu.vector_load %arg19[%swap3A_1150] masked %and3A_1135 {strides = array<i32>} : memref<208xi32, #tpu.memory_space<vmem>>, vector<16xi32>, vector<16xi1>
      tpu.vector_store %arg19[%swap3A_1150], %get3A_1137 masked %and3A_1135 {strides = array<i32>} : memref<208xi32, #tpu.memory_space<vmem>>, vector<16xi32>, vector<16xi1>
      %all_reduce_population_count3A_1152 = tpu.all_reduce %and3A_1131 {dim = 0 : i64, kind = #tpu.reduction_kind<sum>} : vector<16xi1> -> vector<16xi32>
      %slice3A_1153 = vector.extract_strided_slice %all_reduce_population_count3A_1152 {offsets = [0], sizes = [1], strides = [1]} : vector<16xi32> to vector<1xi32>
      %squeeze3A_1154 = vector.extract %slice3A_1153[0] : i32 from vector<1xi32>
      %add3A_1155 = arith.addi %add3A_1101, %squeeze3A_1154 : i32
      %all_reduce_population_count3A_1156 = tpu.all_reduce %and3A_1135 {dim = 0 : i64, kind = #tpu.reduction_kind<sum>} : vector<16xi1> -> vector<16xi32>
      %slice3A_1157 = vector.extract_strided_slice %all_reduce_population_count3A_1156 {offsets = [0], sizes = [1], strides = [1]} : vector<16xi32> to vector<1xi32>
      %squeeze3A_1158 = vector.extract %slice3A_1157[0] : i32 from vector<1xi32>
      %add3A_1159 = arith.addi %add3A_1105, %squeeze3A_1158 : i32
      %add3A_1160 = arith.constant 128 : i32
      %add3A_1161 = vector.broadcast %add3A_1160 : i32 to vector<16xi32>
      %add3A_1162 = arith.addi %iota3A, %add3A_1161 : vector<16xi32>
      %get3A_1163 = arith.constant 128 : index
      %get3A_1164 = tpu.vector_load %arg6[%get3A_1163] {strides = array<i32>} : memref<192xf32, #tpu.memory_space<vmem>>, vector<16xf32>,
      %sub3A_1165 = arith.subf %get3A_1164, %gather3A_722 : vector<16xf32>
      %get3A_1166 = arith.constant 128 : index
      %get3A_1167 = tpu.vector_load %arg7[%get3A_1166] {strides = array<i32>} : memref<192xf32, #tpu.memory_space<vmem>>, vector<16xf32>,
      %sub3A_1168 = arith.subf %get3A_1167, %gather3A_723 : vector<16xf32>
      %get3A_1169 = arith.constant 128 : index
      %get3A_1170 = tpu.vector_load %arg8[%get3A_1169] {strides = array<i32>} : memref<192xf32, #tpu.memory_space<vmem>>, vector<16xf32>,
      %sub3A_1171 = arith.subf %get3A_1170, %gather3A_724 : vector<16xf32>
      %mul3A_1172 = arith.mulf %sub3A_1165, %sub3A_1165 : vector<16xf32>
      %mul3A_1173 = arith.mulf %sub3A_1168, %sub3A_1168 : vector<16xf32>
      %add3A_1174 = arith.addf %mul3A_1172, %mul3A_1173 : vector<16xf32>
      %mul3A_1175 = arith.mulf %sub3A_1171, %sub3A_1171 : vector<16xf32>
      %add3A_1176 = arith.addf %add3A_1174, %mul3A_1175 : vector<16xf32>
      %add3A_1177 = arith.constant 9.99999996E-13 : f32
      %add3A_1178 = vector.broadcast %add3A_1177 : f32 to vector<16xf32>
      %add3A_1179 = arith.addf %add3A_1176, %add3A_1178 : vector<16xf32>
      %ne3A_1180 = vector.broadcast %add3A_716 : i32 to vector<16xi32>
      %ne3A_1181 = arith.cmpi ne, %add3A_1162, %ne3A_1180 : vector<16xi32>
      %le3A_1182 = arith.constant 2.704000e+01 : f32
      %le3A_1183 = vector.broadcast %le3A_1182 : f32 to vector<16xf32>
      %le3A_1184 = arith.cmpf ole, %add3A_1179, %le3A_1183 : vector<16xf32>
      %and3A_1185 = arith.andi %le3A_1184, %ne3A_1181 : vector<16xi1>
      %le3A_1186 = arith.constant 1.225000e+01 : f32
      %le3A_1187 = vector.broadcast %le3A_1186 : f32 to vector<16xf32>
      %le3A_1188 = arith.cmpf ole, %add3A_1179, %le3A_1187 : vector<16xf32>
      %and3A_1189 = arith.andi %le3A_1188, %ne3A_1181 : vector<16xi1>
      %get3A_1190 = arith.constant 128 : index
      %get3A_1191 = tpu.vector_load %arg9[%get3A_1190] {strides = array<i32>} : memref<192xi32, #tpu.memory_space<vmem>>, vector<16xi32>,
      %swap3A_1192 = arith.index_cast %add3A_1155 : i32 to index
      %swap3A_1193 = tpu.vector_load %arg11[%swap3A_1192] masked %and3A_1185 {strides = array<i32>} : memref<208xf32, #tpu.memory_space<vmem>>, vector<16xf32>, vector<16xi1>
      tpu.vector_store %arg11[%swap3A_1192], %add3A_1179 masked %and3A_1185 {strides = array<i32>} : memref<208xf32, #tpu.memory_space<vmem>>, vector<16xf32>, vector<16xi1>
      %swap3A_1194 = arith.index_cast %add3A_1155 : i32 to index
      %swap3A_1195 = tpu.vector_load %arg12[%swap3A_1194] masked %and3A_1185 {strides = array<i32>} : memref<208xi32, #tpu.memory_space<vmem>>, vector<16xi32>, vector<16xi1>
      tpu.vector_store %arg12[%swap3A_1194], %get3A_1191 masked %and3A_1185 {strides = array<i32>} : memref<208xi32, #tpu.memory_space<vmem>>, vector<16xi32>, vector<16xi1>
      %swap3A_1196 = arith.index_cast %add3A_1159 : i32 to index
      %swap3A_1197 = tpu.vector_load %arg13[%swap3A_1196] masked %and3A_1189 {strides = array<i32>} : memref<208xf32, #tpu.memory_space<vmem>>, vector<16xf32>, vector<16xi1>
      tpu.vector_store %arg13[%swap3A_1196], %sub3A_1165 masked %and3A_1189 {strides = array<i32>} : memref<208xf32, #tpu.memory_space<vmem>>, vector<16xf32>, vector<16xi1>
      %swap3A_1198 = arith.index_cast %add3A_1159 : i32 to index
      %swap3A_1199 = tpu.vector_load %arg14[%swap3A_1198] masked %and3A_1189 {strides = array<i32>} : memref<208xf32, #tpu.memory_space<vmem>>, vector<16xf32>, vector<16xi1>
      tpu.vector_store %arg14[%swap3A_1198], %sub3A_1168 masked %and3A_1189 {strides = array<i32>} : memref<208xf32, #tpu.memory_space<vmem>>, vector<16xf32>, vector<16xi1>
      %swap3A_1200 = arith.index_cast %add3A_1159 : i32 to index
      %swap3A_1201 = tpu.vector_load %arg15[%swap3A_1200] masked %and3A_1189 {strides = array<i32>} : memref<208xf32, #tpu.memory_space<vmem>>, vector<16xf32>, vector<16xi1>
      tpu.vector_store %arg15[%swap3A_1200], %sub3A_1171 masked %and3A_1189 {strides = array<i32>} : memref<208xf32, #tpu.memory_space<vmem>>, vector<16xf32>, vector<16xi1>
      %swap3A_1202 = arith.index_cast %add3A_1159 : i32 to index
      %swap3A_1203 = tpu.vector_load %arg16[%swap3A_1202] masked %and3A_1189 {strides = array<i32>} : memref<208xf32, #tpu.memory_space<vmem>>, vector<16xf32>, vector<16xi1>
      tpu.vector_store %arg16[%swap3A_1202], %add3A_1179 masked %and3A_1189 {strides = array<i32>} : memref<208xf32, #tpu.memory_space<vmem>>, vector<16xf32>, vector<16xi1>
      %swap3A_1204 = arith.index_cast %add3A_1159 : i32 to index
      %swap3A_1205 = tpu.vector_load %arg19[%swap3A_1204] masked %and3A_1189 {strides = array<i32>} : memref<208xi32, #tpu.memory_space<vmem>>, vector<16xi32>, vector<16xi1>
      tpu.vector_store %arg19[%swap3A_1204], %get3A_1191 masked %and3A_1189 {strides = array<i32>} : memref<208xi32, #tpu.memory_space<vmem>>, vector<16xi32>, vector<16xi1>
      %all_reduce_population_count3A_1206 = tpu.all_reduce %and3A_1185 {dim = 0 : i64, kind = #tpu.reduction_kind<sum>} : vector<16xi1> -> vector<16xi32>
      %slice3A_1207 = vector.extract_strided_slice %all_reduce_population_count3A_1206 {offsets = [0], sizes = [1], strides = [1]} : vector<16xi32> to vector<1xi32>
      %squeeze3A_1208 = vector.extract %slice3A_1207[0] : i32 from vector<1xi32>
      %add3A_1209 = arith.addi %add3A_1155, %squeeze3A_1208 : i32
      %all_reduce_population_count3A_1210 = tpu.all_reduce %and3A_1189 {dim = 0 : i64, kind = #tpu.reduction_kind<sum>} : vector<16xi1> -> vector<16xi32>
      %slice3A_1211 = vector.extract_strided_slice %all_reduce_population_count3A_1210 {offsets = [0], sizes = [1], strides = [1]} : vector<16xi32> to vector<1xi32>
      %squeeze3A_1212 = vector.extract %slice3A_1211[0] : i32 from vector<1xi32>
      %add3A_1213 = arith.addi %add3A_1159, %squeeze3A_1212 : i32
      %add3A_1214 = arith.constant 144 : i32
      %add3A_1215 = vector.broadcast %add3A_1214 : i32 to vector<16xi32>
      %add3A_1216 = arith.addi %iota3A, %add3A_1215 : vector<16xi32>
      %get3A_1217 = arith.constant 144 : index
      %get3A_1218 = tpu.vector_load %arg6[%get3A_1217] {strides = array<i32>} : memref<192xf32, #tpu.memory_space<vmem>>, vector<16xf32>,
      %sub3A_1219 = arith.subf %get3A_1218, %gather3A_722 : vector<16xf32>
      %get3A_1220 = arith.constant 144 : index
      %get3A_1221 = tpu.vector_load %arg7[%get3A_1220] {strides = array<i32>} : memref<192xf32, #tpu.memory_space<vmem>>, vector<16xf32>,
      %sub3A_1222 = arith.subf %get3A_1221, %gather3A_723 : vector<16xf32>
      %get3A_1223 = arith.constant 144 : index
      %get3A_1224 = tpu.vector_load %arg8[%get3A_1223] {strides = array<i32>} : memref<192xf32, #tpu.memory_space<vmem>>, vector<16xf32>,
      %sub3A_1225 = arith.subf %get3A_1224, %gather3A_724 : vector<16xf32>
      %mul3A_1226 = arith.mulf %sub3A_1219, %sub3A_1219 : vector<16xf32>
      %mul3A_1227 = arith.mulf %sub3A_1222, %sub3A_1222 : vector<16xf32>
      %add3A_1228 = arith.addf %mul3A_1226, %mul3A_1227 : vector<16xf32>
      %mul3A_1229 = arith.mulf %sub3A_1225, %sub3A_1225 : vector<16xf32>
      %add3A_1230 = arith.addf %add3A_1228, %mul3A_1229 : vector<16xf32>
      %add3A_1231 = arith.constant 9.99999996E-13 : f32
      %add3A_1232 = vector.broadcast %add3A_1231 : f32 to vector<16xf32>
      %add3A_1233 = arith.addf %add3A_1230, %add3A_1232 : vector<16xf32>
      %ne3A_1234 = vector.broadcast %add3A_716 : i32 to vector<16xi32>
      %ne3A_1235 = arith.cmpi ne, %add3A_1216, %ne3A_1234 : vector<16xi32>
      %le3A_1236 = arith.constant 2.704000e+01 : f32
      %le3A_1237 = vector.broadcast %le3A_1236 : f32 to vector<16xf32>
      %le3A_1238 = arith.cmpf ole, %add3A_1233, %le3A_1237 : vector<16xf32>
      %and3A_1239 = arith.andi %le3A_1238, %ne3A_1235 : vector<16xi1>
      %le3A_1240 = arith.constant 1.225000e+01 : f32
      %le3A_1241 = vector.broadcast %le3A_1240 : f32 to vector<16xf32>
      %le3A_1242 = arith.cmpf ole, %add3A_1233, %le3A_1241 : vector<16xf32>
      %and3A_1243 = arith.andi %le3A_1242, %ne3A_1235 : vector<16xi1>
      %get3A_1244 = arith.constant 144 : index
      %get3A_1245 = tpu.vector_load %arg9[%get3A_1244] {strides = array<i32>} : memref<192xi32, #tpu.memory_space<vmem>>, vector<16xi32>,
      %swap3A_1246 = arith.index_cast %add3A_1209 : i32 to index
      %swap3A_1247 = tpu.vector_load %arg11[%swap3A_1246] masked %and3A_1239 {strides = array<i32>} : memref<208xf32, #tpu.memory_space<vmem>>, vector<16xf32>, vector<16xi1>
      tpu.vector_store %arg11[%swap3A_1246], %add3A_1233 masked %and3A_1239 {strides = array<i32>} : memref<208xf32, #tpu.memory_space<vmem>>, vector<16xf32>, vector<16xi1>
      %swap3A_1248 = arith.index_cast %add3A_1209 : i32 to index
      %swap3A_1249 = tpu.vector_load %arg12[%swap3A_1248] masked %and3A_1239 {strides = array<i32>} : memref<208xi32, #tpu.memory_space<vmem>>, vector<16xi32>, vector<16xi1>
      tpu.vector_store %arg12[%swap3A_1248], %get3A_1245 masked %and3A_1239 {strides = array<i32>} : memref<208xi32, #tpu.memory_space<vmem>>, vector<16xi32>, vector<16xi1>
      %swap3A_1250 = arith.index_cast %add3A_1213 : i32 to index
      %swap3A_1251 = tpu.vector_load %arg13[%swap3A_1250] masked %and3A_1243 {strides = array<i32>} : memref<208xf32, #tpu.memory_space<vmem>>, vector<16xf32>, vector<16xi1>
      tpu.vector_store %arg13[%swap3A_1250], %sub3A_1219 masked %and3A_1243 {strides = array<i32>} : memref<208xf32, #tpu.memory_space<vmem>>, vector<16xf32>, vector<16xi1>
      %swap3A_1252 = arith.index_cast %add3A_1213 : i32 to index
      %swap3A_1253 = tpu.vector_load %arg14[%swap3A_1252] masked %and3A_1243 {strides = array<i32>} : memref<208xf32, #tpu.memory_space<vmem>>, vector<16xf32>, vector<16xi1>
      tpu.vector_store %arg14[%swap3A_1252], %sub3A_1222 masked %and3A_1243 {strides = array<i32>} : memref<208xf32, #tpu.memory_space<vmem>>, vector<16xf32>, vector<16xi1>
      %swap3A_1254 = arith.index_cast %add3A_1213 : i32 to index
      %swap3A_1255 = tpu.vector_load %arg15[%swap3A_1254] masked %and3A_1243 {strides = array<i32>} : memref<208xf32, #tpu.memory_space<vmem>>, vector<16xf32>, vector<16xi1>
      tpu.vector_store %arg15[%swap3A_1254], %sub3A_1225 masked %and3A_1243 {strides = array<i32>} : memref<208xf32, #tpu.memory_space<vmem>>, vector<16xf32>, vector<16xi1>
      %swap3A_1256 = arith.index_cast %add3A_1213 : i32 to index
      %swap3A_1257 = tpu.vector_load %arg16[%swap3A_1256] masked %and3A_1243 {strides = array<i32>} : memref<208xf32, #tpu.memory_space<vmem>>, vector<16xf32>, vector<16xi1>
      tpu.vector_store %arg16[%swap3A_1256], %add3A_1233 masked %and3A_1243 {strides = array<i32>} : memref<208xf32, #tpu.memory_space<vmem>>, vector<16xf32>, vector<16xi1>
      %swap3A_1258 = arith.index_cast %add3A_1213 : i32 to index
      %swap3A_1259 = tpu.vector_load %arg19[%swap3A_1258] masked %and3A_1243 {strides = array<i32>} : memref<208xi32, #tpu.memory_space<vmem>>, vector<16xi32>, vector<16xi1>
      tpu.vector_store %arg19[%swap3A_1258], %get3A_1245 masked %and3A_1243 {strides = array<i32>} : memref<208xi32, #tpu.memory_space<vmem>>, vector<16xi32>, vector<16xi1>
      %all_reduce_population_count3A_1260 = tpu.all_reduce %and3A_1239 {dim = 0 : i64, kind = #tpu.reduction_kind<sum>} : vector<16xi1> -> vector<16xi32>
      %slice3A_1261 = vector.extract_strided_slice %all_reduce_population_count3A_1260 {offsets = [0], sizes = [1], strides = [1]} : vector<16xi32> to vector<1xi32>
      %squeeze3A_1262 = vector.extract %slice3A_1261[0] : i32 from vector<1xi32>
      %add3A_1263 = arith.addi %add3A_1209, %squeeze3A_1262 : i32
      %all_reduce_population_count3A_1264 = tpu.all_reduce %and3A_1243 {dim = 0 : i64, kind = #tpu.reduction_kind<sum>} : vector<16xi1> -> vector<16xi32>
      %slice3A_1265 = vector.extract_strided_slice %all_reduce_population_count3A_1264 {offsets = [0], sizes = [1], strides = [1]} : vector<16xi32> to vector<1xi32>
      %squeeze3A_1266 = vector.extract %slice3A_1265[0] : i32 from vector<1xi32>
      %add3A_1267 = arith.addi %add3A_1213, %squeeze3A_1266 : i32
      %add3A_1268 = arith.constant 160 : i32
      %add3A_1269 = vector.broadcast %add3A_1268 : i32 to vector<16xi32>
      %add3A_1270 = arith.addi %iota3A, %add3A_1269 : vector<16xi32>
      %get3A_1271 = arith.constant 160 : index
      %get3A_1272 = tpu.vector_load %arg6[%get3A_1271] {strides = array<i32>} : memref<192xf32, #tpu.memory_space<vmem>>, vector<16xf32>,
      %sub3A_1273 = arith.subf %get3A_1272, %gather3A_722 : vector<16xf32>
      %get3A_1274 = arith.constant 160 : index
      %get3A_1275 = tpu.vector_load %arg7[%get3A_1274] {strides = array<i32>} : memref<192xf32, #tpu.memory_space<vmem>>, vector<16xf32>,
      %sub3A_1276 = arith.subf %get3A_1275, %gather3A_723 : vector<16xf32>
      %get3A_1277 = arith.constant 160 : index
      %get3A_1278 = tpu.vector_load %arg8[%get3A_1277] {strides = array<i32>} : memref<192xf32, #tpu.memory_space<vmem>>, vector<16xf32>,
      %sub3A_1279 = arith.subf %get3A_1278, %gather3A_724 : vector<16xf32>
      %mul3A_1280 = arith.mulf %sub3A_1273, %sub3A_1273 : vector<16xf32>
      %mul3A_1281 = arith.mulf %sub3A_1276, %sub3A_1276 : vector<16xf32>
      %add3A_1282 = arith.addf %mul3A_1280, %mul3A_1281 : vector<16xf32>
      %mul3A_1283 = arith.mulf %sub3A_1279, %sub3A_1279 : vector<16xf32>
      %add3A_1284 = arith.addf %add3A_1282, %mul3A_1283 : vector<16xf32>
      %add3A_1285 = arith.constant 9.99999996E-13 : f32
      %add3A_1286 = vector.broadcast %add3A_1285 : f32 to vector<16xf32>
      %add3A_1287 = arith.addf %add3A_1284, %add3A_1286 : vector<16xf32>
      %ne3A_1288 = vector.broadcast %add3A_716 : i32 to vector<16xi32>
      %ne3A_1289 = arith.cmpi ne, %add3A_1270, %ne3A_1288 : vector<16xi32>
      %le3A_1290 = arith.constant 2.704000e+01 : f32
      %le3A_1291 = vector.broadcast %le3A_1290 : f32 to vector<16xf32>
      %le3A_1292 = arith.cmpf ole, %add3A_1287, %le3A_1291 : vector<16xf32>
      %and3A_1293 = arith.andi %le3A_1292, %ne3A_1289 : vector<16xi1>
      %le3A_1294 = arith.constant 1.225000e+01 : f32
      %le3A_1295 = vector.broadcast %le3A_1294 : f32 to vector<16xf32>
      %le3A_1296 = arith.cmpf ole, %add3A_1287, %le3A_1295 : vector<16xf32>
      %and3A_1297 = arith.andi %le3A_1296, %ne3A_1289 : vector<16xi1>
      %get3A_1298 = arith.constant 160 : index
      %get3A_1299 = tpu.vector_load %arg9[%get3A_1298] {strides = array<i32>} : memref<192xi32, #tpu.memory_space<vmem>>, vector<16xi32>,
      %swap3A_1300 = arith.index_cast %add3A_1263 : i32 to index
      %swap3A_1301 = tpu.vector_load %arg11[%swap3A_1300] masked %and3A_1293 {strides = array<i32>} : memref<208xf32, #tpu.memory_space<vmem>>, vector<16xf32>, vector<16xi1>
      tpu.vector_store %arg11[%swap3A_1300], %add3A_1287 masked %and3A_1293 {strides = array<i32>} : memref<208xf32, #tpu.memory_space<vmem>>, vector<16xf32>, vector<16xi1>
      %swap3A_1302 = arith.index_cast %add3A_1263 : i32 to index
      %swap3A_1303 = tpu.vector_load %arg12[%swap3A_1302] masked %and3A_1293 {strides = array<i32>} : memref<208xi32, #tpu.memory_space<vmem>>, vector<16xi32>, vector<16xi1>
      tpu.vector_store %arg12[%swap3A_1302], %get3A_1299 masked %and3A_1293 {strides = array<i32>} : memref<208xi32, #tpu.memory_space<vmem>>, vector<16xi32>, vector<16xi1>
      %swap3A_1304 = arith.index_cast %add3A_1267 : i32 to index
      %swap3A_1305 = tpu.vector_load %arg13[%swap3A_1304] masked %and3A_1297 {strides = array<i32>} : memref<208xf32, #tpu.memory_space<vmem>>, vector<16xf32>, vector<16xi1>
      tpu.vector_store %arg13[%swap3A_1304], %sub3A_1273 masked %and3A_1297 {strides = array<i32>} : memref<208xf32, #tpu.memory_space<vmem>>, vector<16xf32>, vector<16xi1>
      %swap3A_1306 = arith.index_cast %add3A_1267 : i32 to index
      %swap3A_1307 = tpu.vector_load %arg14[%swap3A_1306] masked %and3A_1297 {strides = array<i32>} : memref<208xf32, #tpu.memory_space<vmem>>, vector<16xf32>, vector<16xi1>
      tpu.vector_store %arg14[%swap3A_1306], %sub3A_1276 masked %and3A_1297 {strides = array<i32>} : memref<208xf32, #tpu.memory_space<vmem>>, vector<16xf32>, vector<16xi1>
      %swap3A_1308 = arith.index_cast %add3A_1267 : i32 to index
      %swap3A_1309 = tpu.vector_load %arg15[%swap3A_1308] masked %and3A_1297 {strides = array<i32>} : memref<208xf32, #tpu.memory_space<vmem>>, vector<16xf32>, vector<16xi1>
      tpu.vector_store %arg15[%swap3A_1308], %sub3A_1279 masked %and3A_1297 {strides = array<i32>} : memref<208xf32, #tpu.memory_space<vmem>>, vector<16xf32>, vector<16xi1>
      %swap3A_1310 = arith.index_cast %add3A_1267 : i32 to index
      %swap3A_1311 = tpu.vector_load %arg16[%swap3A_1310] masked %and3A_1297 {strides = array<i32>} : memref<208xf32, #tpu.memory_space<vmem>>, vector<16xf32>, vector<16xi1>
      tpu.vector_store %arg16[%swap3A_1310], %add3A_1287 masked %and3A_1297 {strides = array<i32>} : memref<208xf32, #tpu.memory_space<vmem>>, vector<16xf32>, vector<16xi1>
      %swap3A_1312 = arith.index_cast %add3A_1267 : i32 to index
      %swap3A_1313 = tpu.vector_load %arg19[%swap3A_1312] masked %and3A_1297 {strides = array<i32>} : memref<208xi32, #tpu.memory_space<vmem>>, vector<16xi32>, vector<16xi1>
      tpu.vector_store %arg19[%swap3A_1312], %get3A_1299 masked %and3A_1297 {strides = array<i32>} : memref<208xi32, #tpu.memory_space<vmem>>, vector<16xi32>, vector<16xi1>
      %all_reduce_population_count3A_1314 = tpu.all_reduce %and3A_1293 {dim = 0 : i64, kind = #tpu.reduction_kind<sum>} : vector<16xi1> -> vector<16xi32>
      %slice3A_1315 = vector.extract_strided_slice %all_reduce_population_count3A_1314 {offsets = [0], sizes = [1], strides = [1]} : vector<16xi32> to vector<1xi32>
      %squeeze3A_1316 = vector.extract %slice3A_1315[0] : i32 from vector<1xi32>
      %add3A_1317 = arith.addi %add3A_1263, %squeeze3A_1316 : i32
      %all_reduce_population_count3A_1318 = tpu.all_reduce %and3A_1297 {dim = 0 : i64, kind = #tpu.reduction_kind<sum>} : vector<16xi1> -> vector<16xi32>
      %slice3A_1319 = vector.extract_strided_slice %all_reduce_population_count3A_1318 {offsets = [0], sizes = [1], strides = [1]} : vector<16xi32> to vector<1xi32>
      %squeeze3A_1320 = vector.extract %slice3A_1319[0] : i32 from vector<1xi32>
      %add3A_1321 = arith.addi %add3A_1267, %squeeze3A_1320 : i32
      %add3A_1322 = arith.constant 176 : i32
      %add3A_1323 = vector.broadcast %add3A_1322 : i32 to vector<16xi32>
      %add3A_1324 = arith.addi %iota3A, %add3A_1323 : vector<16xi32>
      %get3A_1325 = arith.constant 176 : index
      %get3A_1326 = tpu.vector_load %arg6[%get3A_1325] {strides = array<i32>} : memref<192xf32, #tpu.memory_space<vmem>>, vector<16xf32>,
      %sub3A_1327 = arith.subf %get3A_1326, %gather3A_722 : vector<16xf32>
      %get3A_1328 = arith.constant 176 : index
      %get3A_1329 = tpu.vector_load %arg7[%get3A_1328] {strides = array<i32>} : memref<192xf32, #tpu.memory_space<vmem>>, vector<16xf32>,
      %sub3A_1330 = arith.subf %get3A_1329, %gather3A_723 : vector<16xf32>
      %get3A_1331 = arith.constant 176 : index
      %get3A_1332 = tpu.vector_load %arg8[%get3A_1331] {strides = array<i32>} : memref<192xf32, #tpu.memory_space<vmem>>, vector<16xf32>,
      %sub3A_1333 = arith.subf %get3A_1332, %gather3A_724 : vector<16xf32>
      %mul3A_1334 = arith.mulf %sub3A_1327, %sub3A_1327 : vector<16xf32>
      %mul3A_1335 = arith.mulf %sub3A_1330, %sub3A_1330 : vector<16xf32>
      %add3A_1336 = arith.addf %mul3A_1334, %mul3A_1335 : vector<16xf32>
      %mul3A_1337 = arith.mulf %sub3A_1333, %sub3A_1333 : vector<16xf32>
      %add3A_1338 = arith.addf %add3A_1336, %mul3A_1337 : vector<16xf32>
      %add3A_1339 = arith.constant 9.99999996E-13 : f32
      %add3A_1340 = vector.broadcast %add3A_1339 : f32 to vector<16xf32>
      %add3A_1341 = arith.addf %add3A_1338, %add3A_1340 : vector<16xf32>
      %ne3A_1342 = vector.broadcast %add3A_716 : i32 to vector<16xi32>
      %ne3A_1343 = arith.cmpi ne, %add3A_1324, %ne3A_1342 : vector<16xi32>
      %le3A_1344 = arith.constant 2.704000e+01 : f32
      %le3A_1345 = vector.broadcast %le3A_1344 : f32 to vector<16xf32>
      %le3A_1346 = arith.cmpf ole, %add3A_1341, %le3A_1345 : vector<16xf32>
      %and3A_1347 = arith.andi %le3A_1346, %ne3A_1343 : vector<16xi1>
      %le3A_1348 = arith.constant 1.225000e+01 : f32
      %le3A_1349 = vector.broadcast %le3A_1348 : f32 to vector<16xf32>
      %le3A_1350 = arith.cmpf ole, %add3A_1341, %le3A_1349 : vector<16xf32>
      %and3A_1351 = arith.andi %le3A_1350, %ne3A_1343 : vector<16xi1>
      %get3A_1352 = arith.constant 176 : index
      %get3A_1353 = tpu.vector_load %arg9[%get3A_1352] {strides = array<i32>} : memref<192xi32, #tpu.memory_space<vmem>>, vector<16xi32>,
      %swap3A_1354 = arith.index_cast %add3A_1317 : i32 to index
      %swap3A_1355 = tpu.vector_load %arg11[%swap3A_1354] masked %and3A_1347 {strides = array<i32>} : memref<208xf32, #tpu.memory_space<vmem>>, vector<16xf32>, vector<16xi1>
      tpu.vector_store %arg11[%swap3A_1354], %add3A_1341 masked %and3A_1347 {strides = array<i32>} : memref<208xf32, #tpu.memory_space<vmem>>, vector<16xf32>, vector<16xi1>
      %swap3A_1356 = arith.index_cast %add3A_1317 : i32 to index
      %swap3A_1357 = tpu.vector_load %arg12[%swap3A_1356] masked %and3A_1347 {strides = array<i32>} : memref<208xi32, #tpu.memory_space<vmem>>, vector<16xi32>, vector<16xi1>
      tpu.vector_store %arg12[%swap3A_1356], %get3A_1353 masked %and3A_1347 {strides = array<i32>} : memref<208xi32, #tpu.memory_space<vmem>>, vector<16xi32>, vector<16xi1>
      %swap3A_1358 = arith.index_cast %add3A_1321 : i32 to index
      %swap3A_1359 = tpu.vector_load %arg13[%swap3A_1358] masked %and3A_1351 {strides = array<i32>} : memref<208xf32, #tpu.memory_space<vmem>>, vector<16xf32>, vector<16xi1>
      tpu.vector_store %arg13[%swap3A_1358], %sub3A_1327 masked %and3A_1351 {strides = array<i32>} : memref<208xf32, #tpu.memory_space<vmem>>, vector<16xf32>, vector<16xi1>
      %swap3A_1360 = arith.index_cast %add3A_1321 : i32 to index
      %swap3A_1361 = tpu.vector_load %arg14[%swap3A_1360] masked %and3A_1351 {strides = array<i32>} : memref<208xf32, #tpu.memory_space<vmem>>, vector<16xf32>, vector<16xi1>
      tpu.vector_store %arg14[%swap3A_1360], %sub3A_1330 masked %and3A_1351 {strides = array<i32>} : memref<208xf32, #tpu.memory_space<vmem>>, vector<16xf32>, vector<16xi1>
      %swap3A_1362 = arith.index_cast %add3A_1321 : i32 to index
      %swap3A_1363 = tpu.vector_load %arg15[%swap3A_1362] masked %and3A_1351 {strides = array<i32>} : memref<208xf32, #tpu.memory_space<vmem>>, vector<16xf32>, vector<16xi1>
      tpu.vector_store %arg15[%swap3A_1362], %sub3A_1333 masked %and3A_1351 {strides = array<i32>} : memref<208xf32, #tpu.memory_space<vmem>>, vector<16xf32>, vector<16xi1>
      %swap3A_1364 = arith.index_cast %add3A_1321 : i32 to index
      %swap3A_1365 = tpu.vector_load %arg16[%swap3A_1364] masked %and3A_1351 {strides = array<i32>} : memref<208xf32, #tpu.memory_space<vmem>>, vector<16xf32>, vector<16xi1>
      tpu.vector_store %arg16[%swap3A_1364], %add3A_1341 masked %and3A_1351 {strides = array<i32>} : memref<208xf32, #tpu.memory_space<vmem>>, vector<16xf32>, vector<16xi1>
      %swap3A_1366 = arith.index_cast %add3A_1321 : i32 to index
      %swap3A_1367 = tpu.vector_load %arg19[%swap3A_1366] masked %and3A_1351 {strides = array<i32>} : memref<208xi32, #tpu.memory_space<vmem>>, vector<16xi32>, vector<16xi1>
      tpu.vector_store %arg19[%swap3A_1366], %get3A_1353 masked %and3A_1351 {strides = array<i32>} : memref<208xi32, #tpu.memory_space<vmem>>, vector<16xi32>, vector<16xi1>
      %all_reduce_population_count3A_1368 = tpu.all_reduce %and3A_1347 {dim = 0 : i64, kind = #tpu.reduction_kind<sum>} : vector<16xi1> -> vector<16xi32>
      %slice3A_1369 = vector.extract_strided_slice %all_reduce_population_count3A_1368 {offsets = [0], sizes = [1], strides = [1]} : vector<16xi32> to vector<1xi32>
      %squeeze3A_1370 = vector.extract %slice3A_1369[0] : i32 from vector<1xi32>
      %add3A_1371 = arith.addi %add3A_1317, %squeeze3A_1370 : i32
      %all_reduce_population_count3A_1372 = tpu.all_reduce %and3A_1351 {dim = 0 : i64, kind = #tpu.reduction_kind<sum>} : vector<16xi1> -> vector<16xi32>
      %slice3A_1373 = vector.extract_strided_slice %all_reduce_population_count3A_1372 {offsets = [0], sizes = [1], strides = [1]} : vector<16xi32> to vector<1xi32>
      %squeeze3A_1374 = vector.extract %slice3A_1373[0] : i32 from vector<1xi32>
      %add3A_1375 = arith.addi %add3A_1321, %squeeze3A_1374 : i32
      %add3A_1376 = arith.constant 15 : i32
      %add3A_1377 = arith.addi %add3A_1375, %add3A_1376 : i32
      %shift_right_arithmetic3A = arith.constant 4 : i32
      %shift_right_arithmetic3A_1378 = arith.shrsi %add3A_1377, %shift_right_arithmetic3A : i32
      %while3A = arith.constant 0 : i32
      %while3A_1379 = arith.constant 0 : i32
      %while3A_1380 = arith.subi %shift_right_arithmetic3A_1378, %while3A : i32
      %while3A_1381 = arith.addi %while3A, %while3A_1380 : i32
      %while3A_1382 = arith.constant 1 : i32
      %while3A_1383 = arith.divsi %while3A_1380, %while3A_1382 : i32
      %while3A_1384 = arith.muli %while3A_1383, %while3A_1382 : i32
      %while3A_1385 = arith.addi %while3A, %while3A_1384 : i32
      %while3A_1386 = arith.constant 1 : i32
      %while3A_1387 = scf.for %while3A_1438 = %while3A to %while3A_1385 step %while3A_1386 iter_args(%while3A_1439 = %while3A_1379) -> (i32)  : i32 {
        %mul3A_1440 = arith.constant 16 : i32
        %mul3A_1441 = arith.muli %while3A_1438, %mul3A_1440 : i32
        %get3A_1442 = arith.index_cast %mul3A_1441 : i32 to index
        %get3A_1443 = tpu.vector_load %arg16[%get3A_1442] {strides = array<i32>} : memref<208xf32, #tpu.memory_space<vmem>>, vector<16xf32>,
        %bitcast3A = vector.bitcast %get3A_1443 : vector<16xf32> to vector<16xi32>
        %shift_right_arithmetic3A_1444 = arith.constant 1 : i32
        %shift_right_arithmetic3A_1445 = vector.broadcast %shift_right_arithmetic3A_1444 : i32 to vector<16xi32>
        %shift_right_arithmetic3A_1446 = arith.shrsi %bitcast3A, %shift_right_arithmetic3A_1445 : vector<16xi32>
        %sub3A_1447 = arith.constant 1597463007 : i32
        %sub3A_1448 = vector.broadcast %sub3A_1447 : i32 to vector<16xi32>
        %sub3A_1449 = arith.subi %sub3A_1448, %shift_right_arithmetic3A_1446 : vector<16xi32>
        %bitcast3A_1450 = vector.bitcast %sub3A_1449 : vector<16xi32> to vector<16xf32>
        %mul3A_1451 = arith.constant 5.000000e-01 : f32
        %mul3A_1452 = vector.broadcast %mul3A_1451 : f32 to vector<16xf32>
        %mul3A_1453 = arith.mulf %mul3A_1452, %get3A_1443 : vector<16xf32>
        %mul3A_1454 = arith.mulf %mul3A_1453, %bitcast3A_1450 : vector<16xf32>
        %mul3A_1455 = arith.mulf %mul3A_1454, %bitcast3A_1450 : vector<16xf32>
        %sub3A_1456 = arith.constant 1.500000e+00 : f32
        %sub3A_1457 = vector.broadcast %sub3A_1456 : f32 to vector<16xf32>
        %sub3A_1458 = arith.subf %sub3A_1457, %mul3A_1455 : vector<16xf32>
        %mul3A_1459 = arith.mulf %bitcast3A_1450, %sub3A_1458 : vector<16xf32>
        %mul3A_1460 = arith.constant 5.000000e-01 : f32
        %mul3A_1461 = vector.broadcast %mul3A_1460 : f32 to vector<16xf32>
        %mul3A_1462 = arith.mulf %mul3A_1461, %get3A_1443 : vector<16xf32>
        %mul3A_1463 = arith.mulf %mul3A_1462, %mul3A_1459 : vector<16xf32>
        %mul3A_1464 = arith.mulf %mul3A_1463, %mul3A_1459 : vector<16xf32>
        %sub3A_1465 = arith.constant 1.500000e+00 : f32
        %sub3A_1466 = vector.broadcast %sub3A_1465 : f32 to vector<16xf32>
        %sub3A_1467 = arith.subf %sub3A_1466, %mul3A_1464 : vector<16xf32>
        %mul3A_1468 = arith.mulf %mul3A_1459, %sub3A_1467 : vector<16xf32>
        %mul3A_1469 = arith.constant 5.000000e-01 : f32
        %mul3A_1470 = vector.broadcast %mul3A_1469 : f32 to vector<16xf32>
        %mul3A_1471 = arith.mulf %mul3A_1470, %get3A_1443 : vector<16xf32>
        %mul3A_1472 = arith.mulf %mul3A_1471, %mul3A_1468 : vector<16xf32>
        %mul3A_1473 = arith.mulf %mul3A_1472, %mul3A_1468 : vector<16xf32>
        %sub3A_1474 = arith.constant 1.500000e+00 : f32
        %sub3A_1475 = vector.broadcast %sub3A_1474 : f32 to vector<16xf32>
        %sub3A_1476 = arith.subf %sub3A_1475, %mul3A_1473 : vector<16xf32>
        %mul3A_1477 = arith.mulf %mul3A_1468, %sub3A_1476 : vector<16xf32>
        %mul3A_1478 = arith.mulf %get3A_1443, %mul3A_1477 : vector<16xf32>
        %swap3A_1479 = arith.index_cast %mul3A_1441 : i32 to index
        %swap3A_1480 = tpu.vector_load %arg17[%swap3A_1479] {strides = array<i32>} : memref<208xf32, #tpu.memory_space<vmem>>, vector<16xf32>,
        tpu.vector_store %arg17[%swap3A_1479], %mul3A_1478 {strides = array<i32>} : memref<208xf32, #tpu.memory_space<vmem>>, vector<16xf32>,
        %mul3A_1481 = arith.constant 0.897597908 : f32
        %mul3A_1482 = vector.broadcast %mul3A_1481 : f32 to vector<16xf32>
        %mul3A_1483 = arith.mulf %mul3A_1478, %mul3A_1482 : vector<16xf32>
        %mul3A_1484 = arith.mulf %mul3A_1483, %mul3A_1483 : vector<16xf32>
        %mul3A_1485 = arith.constant -1.14707454E-11 : f32
        %mul3A_1486 = vector.broadcast %mul3A_1485 : f32 to vector<16xf32>
        %mul3A_1487 = arith.mulf %mul3A_1486, %mul3A_1484 : vector<16xf32>
        %add3A_1488 = arith.constant 2.08767559E-9 : f32
        %add3A_1489 = vector.broadcast %add3A_1488 : f32 to vector<16xf32>
        %add3A_1490 = arith.addf %mul3A_1487, %add3A_1489 : vector<16xf32>
        %mul3A_1491 = arith.mulf %add3A_1490, %mul3A_1484 : vector<16xf32>
        %add3A_1492 = arith.constant -2.755732E-7 : f32
        %add3A_1493 = vector.broadcast %add3A_1492 : f32 to vector<16xf32>
        %add3A_1494 = arith.addf %mul3A_1491, %add3A_1493 : vector<16xf32>
        %mul3A_1495 = arith.mulf %add3A_1494, %mul3A_1484 : vector<16xf32>
        %add3A_1496 = arith.constant 2.48015876E-5 : f32
        %add3A_1497 = vector.broadcast %add3A_1496 : f32 to vector<16xf32>
        %add3A_1498 = arith.addf %mul3A_1495, %add3A_1497 : vector<16xf32>
        %mul3A_1499 = arith.mulf %add3A_1498, %mul3A_1484 : vector<16xf32>
        %add3A_1500 = arith.constant -0.00138888892 : f32
        %add3A_1501 = vector.broadcast %add3A_1500 : f32 to vector<16xf32>
        %add3A_1502 = arith.addf %mul3A_1499, %add3A_1501 : vector<16xf32>
        %mul3A_1503 = arith.mulf %add3A_1502, %mul3A_1484 : vector<16xf32>
        %add3A_1504 = arith.constant 0.0416666679 : f32
        %add3A_1505 = vector.broadcast %add3A_1504 : f32 to vector<16xf32>
        %add3A_1506 = arith.addf %mul3A_1503, %add3A_1505 : vector<16xf32>
        %mul3A_1507 = arith.mulf %add3A_1506, %mul3A_1484 : vector<16xf32>
        %add3A_1508 = arith.constant -5.000000e-01 : f32
        %add3A_1509 = vector.broadcast %add3A_1508 : f32 to vector<16xf32>
        %add3A_1510 = arith.addf %mul3A_1507, %add3A_1509 : vector<16xf32>
        %mul3A_1511 = arith.mulf %add3A_1510, %mul3A_1484 : vector<16xf32>
        %add3A_1512 = arith.constant 1.000000e+00 : f32
        %add3A_1513 = vector.broadcast %add3A_1512 : f32 to vector<16xf32>
        %add3A_1514 = arith.addf %mul3A_1511, %add3A_1513 : vector<16xf32>
        %mul3A_1515 = arith.constant 5.000000e-01 : f32
        %mul3A_1516 = vector.broadcast %mul3A_1515 : f32 to vector<16xf32>
        %mul3A_1517 = arith.mulf %mul3A_1516, %add3A_1514 : vector<16xf32>
        %add3A_1518 = arith.constant 5.000000e-01 : f32
        %add3A_1519 = vector.broadcast %add3A_1518 : f32 to vector<16xf32>
        %add3A_1520 = arith.addf %mul3A_1517, %add3A_1519 : vector<16xf32>
        %swap3A_1521 = arith.index_cast %mul3A_1441 : i32 to index
        %swap3A_1522 = tpu.vector_load %arg18[%swap3A_1521] {strides = array<i32>} : memref<208xf32, #tpu.memory_space<vmem>>, vector<16xf32>,
        tpu.vector_store %arg18[%swap3A_1521], %add3A_1520 {strides = array<i32>} : memref<208xf32, #tpu.memory_space<vmem>>, vector<16xf32>,
        %get3A_1523 = arith.index_cast %mul3A_1441 : i32 to index
        %get3A_1524 = tpu.vector_load %arg13[%get3A_1523] {strides = array<i32>} : memref<208xf32, #tpu.memory_space<vmem>>, vector<16xf32>,
        %mul3A_1525 = arith.mulf %get3A_1524, %mul3A_1477 : vector<16xf32>
        %swap3A_1526 = arith.index_cast %mul3A_1441 : i32 to index
        %swap3A_1527 = tpu.vector_load %arg13[%swap3A_1526] {strides = array<i32>} : memref<208xf32, #tpu.memory_space<vmem>>, vector<16xf32>,
        tpu.vector_store %arg13[%swap3A_1526], %mul3A_1525 {strides = array<i32>} : memref<208xf32, #tpu.memory_space<vmem>>, vector<16xf32>,
        %get3A_1528 = arith.index_cast %mul3A_1441 : i32 to index
        %get3A_1529 = tpu.vector_load %arg14[%get3A_1528] {strides = array<i32>} : memref<208xf32, #tpu.memory_space<vmem>>, vector<16xf32>,
        %mul3A_1530 = arith.mulf %get3A_1529, %mul3A_1477 : vector<16xf32>
        %swap3A_1531 = arith.index_cast %mul3A_1441 : i32 to index
        %swap3A_1532 = tpu.vector_load %arg14[%swap3A_1531] {strides = array<i32>} : memref<208xf32, #tpu.memory_space<vmem>>, vector<16xf32>,
        tpu.vector_store %arg14[%swap3A_1531], %mul3A_1530 {strides = array<i32>} : memref<208xf32, #tpu.memory_space<vmem>>, vector<16xf32>,
        %get3A_1533 = arith.index_cast %mul3A_1441 : i32 to index
        %get3A_1534 = tpu.vector_load %arg15[%get3A_1533] {strides = array<i32>} : memref<208xf32, #tpu.memory_space<vmem>>, vector<16xf32>,
        %mul3A_1535 = arith.mulf %get3A_1534, %mul3A_1477 : vector<16xf32>
        %swap3A_1536 = arith.index_cast %mul3A_1441 : i32 to index
        %swap3A_1537 = tpu.vector_load %arg15[%swap3A_1536] {strides = array<i32>} : memref<208xf32, #tpu.memory_space<vmem>>, vector<16xf32>,
        tpu.vector_store %arg15[%swap3A_1536], %mul3A_1535 {strides = array<i32>} : memref<208xf32, #tpu.memory_space<vmem>>, vector<16xf32>,
        %while3A_1538 = arith.constant 0 : i32
        scf.yield %while3A_1538 : i32
      }
      %while3A_1388 = arith.constant 1 : i32
      %while3A_1389 = scf.for %while3A_1438 = %while3A_1385 to %while3A_1381 step %while3A_1388 iter_args(%while3A_1439 = %while3A_1387) -> (i32)  : i32 {
        %mul3A_1440 = arith.constant 16 : i32
        %mul3A_1441 = arith.muli %while3A_1438, %mul3A_1440 : i32
        %get3A_1442 = arith.index_cast %mul3A_1441 : i32 to index
        %get3A_1443 = tpu.vector_load %arg16[%get3A_1442] {strides = array<i32>} : memref<208xf32, #tpu.memory_space<vmem>>, vector<16xf32>,
        %bitcast3A = vector.bitcast %get3A_1443 : vector<16xf32> to vector<16xi32>
        %shift_right_arithmetic3A_1444 = arith.constant 1 : i32
        %shift_right_arithmetic3A_1445 = vector.broadcast %shift_right_arithmetic3A_1444 : i32 to vector<16xi32>
        %shift_right_arithmetic3A_1446 = arith.shrsi %bitcast3A, %shift_right_arithmetic3A_1445 : vector<16xi32>
        %sub3A_1447 = arith.constant 1597463007 : i32
        %sub3A_1448 = vector.broadcast %sub3A_1447 : i32 to vector<16xi32>
        %sub3A_1449 = arith.subi %sub3A_1448, %shift_right_arithmetic3A_1446 : vector<16xi32>
        %bitcast3A_1450 = vector.bitcast %sub3A_1449 : vector<16xi32> to vector<16xf32>
        %mul3A_1451 = arith.constant 5.000000e-01 : f32
        %mul3A_1452 = vector.broadcast %mul3A_1451 : f32 to vector<16xf32>
        %mul3A_1453 = arith.mulf %mul3A_1452, %get3A_1443 : vector<16xf32>
        %mul3A_1454 = arith.mulf %mul3A_1453, %bitcast3A_1450 : vector<16xf32>
        %mul3A_1455 = arith.mulf %mul3A_1454, %bitcast3A_1450 : vector<16xf32>
        %sub3A_1456 = arith.constant 1.500000e+00 : f32
        %sub3A_1457 = vector.broadcast %sub3A_1456 : f32 to vector<16xf32>
        %sub3A_1458 = arith.subf %sub3A_1457, %mul3A_1455 : vector<16xf32>
        %mul3A_1459 = arith.mulf %bitcast3A_1450, %sub3A_1458 : vector<16xf32>
        %mul3A_1460 = arith.constant 5.000000e-01 : f32
        %mul3A_1461 = vector.broadcast %mul3A_1460 : f32 to vector<16xf32>
        %mul3A_1462 = arith.mulf %mul3A_1461, %get3A_1443 : vector<16xf32>
        %mul3A_1463 = arith.mulf %mul3A_1462, %mul3A_1459 : vector<16xf32>
        %mul3A_1464 = arith.mulf %mul3A_1463, %mul3A_1459 : vector<16xf32>
        %sub3A_1465 = arith.constant 1.500000e+00 : f32
        %sub3A_1466 = vector.broadcast %sub3A_1465 : f32 to vector<16xf32>
        %sub3A_1467 = arith.subf %sub3A_1466, %mul3A_1464 : vector<16xf32>
        %mul3A_1468 = arith.mulf %mul3A_1459, %sub3A_1467 : vector<16xf32>
        %mul3A_1469 = arith.constant 5.000000e-01 : f32
        %mul3A_1470 = vector.broadcast %mul3A_1469 : f32 to vector<16xf32>
        %mul3A_1471 = arith.mulf %mul3A_1470, %get3A_1443 : vector<16xf32>
        %mul3A_1472 = arith.mulf %mul3A_1471, %mul3A_1468 : vector<16xf32>
        %mul3A_1473 = arith.mulf %mul3A_1472, %mul3A_1468 : vector<16xf32>
        %sub3A_1474 = arith.constant 1.500000e+00 : f32
        %sub3A_1475 = vector.broadcast %sub3A_1474 : f32 to vector<16xf32>
        %sub3A_1476 = arith.subf %sub3A_1475, %mul3A_1473 : vector<16xf32>
        %mul3A_1477 = arith.mulf %mul3A_1468, %sub3A_1476 : vector<16xf32>
        %mul3A_1478 = arith.mulf %get3A_1443, %mul3A_1477 : vector<16xf32>
        %swap3A_1479 = arith.index_cast %mul3A_1441 : i32 to index
        %swap3A_1480 = tpu.vector_load %arg17[%swap3A_1479] {strides = array<i32>} : memref<208xf32, #tpu.memory_space<vmem>>, vector<16xf32>,
        tpu.vector_store %arg17[%swap3A_1479], %mul3A_1478 {strides = array<i32>} : memref<208xf32, #tpu.memory_space<vmem>>, vector<16xf32>,
        %mul3A_1481 = arith.constant 0.897597908 : f32
        %mul3A_1482 = vector.broadcast %mul3A_1481 : f32 to vector<16xf32>
        %mul3A_1483 = arith.mulf %mul3A_1478, %mul3A_1482 : vector<16xf32>
        %mul3A_1484 = arith.mulf %mul3A_1483, %mul3A_1483 : vector<16xf32>
        %mul3A_1485 = arith.constant -1.14707454E-11 : f32
        %mul3A_1486 = vector.broadcast %mul3A_1485 : f32 to vector<16xf32>
        %mul3A_1487 = arith.mulf %mul3A_1486, %mul3A_1484 : vector<16xf32>
        %add3A_1488 = arith.constant 2.08767559E-9 : f32
        %add3A_1489 = vector.broadcast %add3A_1488 : f32 to vector<16xf32>
        %add3A_1490 = arith.addf %mul3A_1487, %add3A_1489 : vector<16xf32>
        %mul3A_1491 = arith.mulf %add3A_1490, %mul3A_1484 : vector<16xf32>
        %add3A_1492 = arith.constant -2.755732E-7 : f32
        %add3A_1493 = vector.broadcast %add3A_1492 : f32 to vector<16xf32>
        %add3A_1494 = arith.addf %mul3A_1491, %add3A_1493 : vector<16xf32>
        %mul3A_1495 = arith.mulf %add3A_1494, %mul3A_1484 : vector<16xf32>
        %add3A_1496 = arith.constant 2.48015876E-5 : f32
        %add3A_1497 = vector.broadcast %add3A_1496 : f32 to vector<16xf32>
        %add3A_1498 = arith.addf %mul3A_1495, %add3A_1497 : vector<16xf32>
        %mul3A_1499 = arith.mulf %add3A_1498, %mul3A_1484 : vector<16xf32>
        %add3A_1500 = arith.constant -0.00138888892 : f32
        %add3A_1501 = vector.broadcast %add3A_1500 : f32 to vector<16xf32>
        %add3A_1502 = arith.addf %mul3A_1499, %add3A_1501 : vector<16xf32>
        %mul3A_1503 = arith.mulf %add3A_1502, %mul3A_1484 : vector<16xf32>
        %add3A_1504 = arith.constant 0.0416666679 : f32
        %add3A_1505 = vector.broadcast %add3A_1504 : f32 to vector<16xf32>
        %add3A_1506 = arith.addf %mul3A_1503, %add3A_1505 : vector<16xf32>
        %mul3A_1507 = arith.mulf %add3A_1506, %mul3A_1484 : vector<16xf32>
        %add3A_1508 = arith.constant -5.000000e-01 : f32
        %add3A_1509 = vector.broadcast %add3A_1508 : f32 to vector<16xf32>
        %add3A_1510 = arith.addf %mul3A_1507, %add3A_1509 : vector<16xf32>
        %mul3A_1511 = arith.mulf %add3A_1510, %mul3A_1484 : vector<16xf32>
        %add3A_1512 = arith.constant 1.000000e+00 : f32
        %add3A_1513 = vector.broadcast %add3A_1512 : f32 to vector<16xf32>
        %add3A_1514 = arith.addf %mul3A_1511, %add3A_1513 : vector<16xf32>
        %mul3A_1515 = arith.constant 5.000000e-01 : f32
        %mul3A_1516 = vector.broadcast %mul3A_1515 : f32 to vector<16xf32>
        %mul3A_1517 = arith.mulf %mul3A_1516, %add3A_1514 : vector<16xf32>
        %add3A_1518 = arith.constant 5.000000e-01 : f32
        %add3A_1519 = vector.broadcast %add3A_1518 : f32 to vector<16xf32>
        %add3A_1520 = arith.addf %mul3A_1517, %add3A_1519 : vector<16xf32>
        %swap3A_1521 = arith.index_cast %mul3A_1441 : i32 to index
        %swap3A_1522 = tpu.vector_load %arg18[%swap3A_1521] {strides = array<i32>} : memref<208xf32, #tpu.memory_space<vmem>>, vector<16xf32>,
        tpu.vector_store %arg18[%swap3A_1521], %add3A_1520 {strides = array<i32>} : memref<208xf32, #tpu.memory_space<vmem>>, vector<16xf32>,
        %get3A_1523 = arith.index_cast %mul3A_1441 : i32 to index
        %get3A_1524 = tpu.vector_load %arg13[%get3A_1523] {strides = array<i32>} : memref<208xf32, #tpu.memory_space<vmem>>, vector<16xf32>,
        %mul3A_1525 = arith.mulf %get3A_1524, %mul3A_1477 : vector<16xf32>
        %swap3A_1526 = arith.index_cast %mul3A_1441 : i32 to index
        %swap3A_1527 = tpu.vector_load %arg13[%swap3A_1526] {strides = array<i32>} : memref<208xf32, #tpu.memory_space<vmem>>, vector<16xf32>,
        tpu.vector_store %arg13[%swap3A_1526], %mul3A_1525 {strides = array<i32>} : memref<208xf32, #tpu.memory_space<vmem>>, vector<16xf32>,
        %get3A_1528 = arith.index_cast %mul3A_1441 : i32 to index
        %get3A_1529 = tpu.vector_load %arg14[%get3A_1528] {strides = array<i32>} : memref<208xf32, #tpu.memory_space<vmem>>, vector<16xf32>,
        %mul3A_1530 = arith.mulf %get3A_1529, %mul3A_1477 : vector<16xf32>
        %swap3A_1531 = arith.index_cast %mul3A_1441 : i32 to index
        %swap3A_1532 = tpu.vector_load %arg14[%swap3A_1531] {strides = array<i32>} : memref<208xf32, #tpu.memory_space<vmem>>, vector<16xf32>,
        tpu.vector_store %arg14[%swap3A_1531], %mul3A_1530 {strides = array<i32>} : memref<208xf32, #tpu.memory_space<vmem>>, vector<16xf32>,
        %get3A_1533 = arith.index_cast %mul3A_1441 : i32 to index
        %get3A_1534 = tpu.vector_load %arg15[%get3A_1533] {strides = array<i32>} : memref<208xf32, #tpu.memory_space<vmem>>, vector<16xf32>,
        %mul3A_1535 = arith.mulf %get3A_1534, %mul3A_1477 : vector<16xf32>
        %swap3A_1536 = arith.index_cast %mul3A_1441 : i32 to index
        %swap3A_1537 = tpu.vector_load %arg15[%swap3A_1536] {strides = array<i32>} : memref<208xf32, #tpu.memory_space<vmem>>, vector<16xf32>,
        tpu.vector_store %arg15[%swap3A_1536], %mul3A_1535 {strides = array<i32>} : memref<208xf32, #tpu.memory_space<vmem>>, vector<16xf32>,
        %while3A_1538 = arith.constant 0 : i32
        scf.yield %while3A_1538 : i32
      }
      %add3A_1390 = arith.constant 15 : i32
      %add3A_1391 = arith.addi %add3A_1371, %add3A_1390 : i32
      %shift_right_arithmetic3A_1392 = arith.constant 4 : i32
      %shift_right_arithmetic3A_1393 = arith.shrsi %add3A_1391, %shift_right_arithmetic3A_1392 : i32
      %while3A_1394 = arith.constant 0 : i32
      %while3A_1395 = arith.constant 0 : i32
      %while3A_1396 = arith.subi %shift_right_arithmetic3A_1393, %while3A_1394 : i32
      %while3A_1397 = arith.addi %while3A_1394, %while3A_1396 : i32
      %while3A_1398 = arith.constant 1 : i32
      %while3A_1399 = arith.divsi %while3A_1396, %while3A_1398 : i32
      %while3A_1400 = arith.muli %while3A_1399, %while3A_1398 : i32
      %while3A_1401 = arith.addi %while3A_1394, %while3A_1400 : i32
      %while3A_1402 = arith.constant 1 : i32
      %while3A_1403 = scf.for %while3A_1438 = %while3A_1394 to %while3A_1401 step %while3A_1402 iter_args(%while3A_1439 = %while3A_1395) -> (i32)  : i32 {
        %mul3A_1440 = arith.constant 16 : i32
        %mul3A_1441 = arith.muli %while3A_1438, %mul3A_1440 : i32
        %sub3A_1442 = arith.subi %add3A_1371, %mul3A_1441 : i32
        %lt3A = vector.broadcast %sub3A_1442 : i32 to vector<16xi32>
        %lt3A_1443 = arith.cmpi slt, %iota3A, %lt3A : vector<16xi32>
        %get3A_1444 = arith.index_cast %mul3A_1441 : i32 to index
        %get3A_1445 = tpu.vector_load %arg11[%get3A_1444] {strides = array<i32>} : memref<208xf32, #tpu.memory_space<vmem>>, vector<16xf32>,
        %bitcast3A = vector.bitcast %get3A_1445 : vector<16xf32> to vector<16xi32>
        %shift_right_arithmetic3A_1446 = arith.constant 1 : i32
        %shift_right_arithmetic3A_1447 = vector.broadcast %shift_right_arithmetic3A_1446 : i32 to vector<16xi32>
        %shift_right_arithmetic3A_1448 = arith.shrsi %bitcast3A, %shift_right_arithmetic3A_1447 : vector<16xi32>
        %sub3A_1449 = arith.constant 1597463007 : i32
        %sub3A_1450 = vector.broadcast %sub3A_1449 : i32 to vector<16xi32>
        %sub3A_1451 = arith.subi %sub3A_1450, %shift_right_arithmetic3A_1448 : vector<16xi32>
        %bitcast3A_1452 = vector.bitcast %sub3A_1451 : vector<16xi32> to vector<16xf32>
        %mul3A_1453 = arith.constant 5.000000e-01 : f32
        %mul3A_1454 = vector.broadcast %mul3A_1453 : f32 to vector<16xf32>
        %mul3A_1455 = arith.mulf %mul3A_1454, %get3A_1445 : vector<16xf32>
        %mul3A_1456 = arith.mulf %mul3A_1455, %bitcast3A_1452 : vector<16xf32>
        %mul3A_1457 = arith.mulf %mul3A_1456, %bitcast3A_1452 : vector<16xf32>
        %sub3A_1458 = arith.constant 1.500000e+00 : f32
        %sub3A_1459 = vector.broadcast %sub3A_1458 : f32 to vector<16xf32>
        %sub3A_1460 = arith.subf %sub3A_1459, %mul3A_1457 : vector<16xf32>
        %mul3A_1461 = arith.mulf %bitcast3A_1452, %sub3A_1460 : vector<16xf32>
        %mul3A_1462 = arith.constant 5.000000e-01 : f32
        %mul3A_1463 = vector.broadcast %mul3A_1462 : f32 to vector<16xf32>
        %mul3A_1464 = arith.mulf %mul3A_1463, %get3A_1445 : vector<16xf32>
        %mul3A_1465 = arith.mulf %mul3A_1464, %mul3A_1461 : vector<16xf32>
        %mul3A_1466 = arith.mulf %mul3A_1465, %mul3A_1461 : vector<16xf32>
        %sub3A_1467 = arith.constant 1.500000e+00 : f32
        %sub3A_1468 = vector.broadcast %sub3A_1467 : f32 to vector<16xf32>
        %sub3A_1469 = arith.subf %sub3A_1468, %mul3A_1466 : vector<16xf32>
        %mul3A_1470 = arith.mulf %mul3A_1461, %sub3A_1469 : vector<16xf32>
        %mul3A_1471 = arith.constant 5.000000e-01 : f32
        %mul3A_1472 = vector.broadcast %mul3A_1471 : f32 to vector<16xf32>
        %mul3A_1473 = arith.mulf %mul3A_1472, %get3A_1445 : vector<16xf32>
        %mul3A_1474 = arith.mulf %mul3A_1473, %mul3A_1470 : vector<16xf32>
        %mul3A_1475 = arith.mulf %mul3A_1474, %mul3A_1470 : vector<16xf32>
        %sub3A_1476 = arith.constant 1.500000e+00 : f32
        %sub3A_1477 = vector.broadcast %sub3A_1476 : f32 to vector<16xf32>
        %sub3A_1478 = arith.subf %sub3A_1477, %mul3A_1475 : vector<16xf32>
        %mul3A_1479 = arith.mulf %mul3A_1470, %sub3A_1478 : vector<16xf32>
        %mul3A_1480 = arith.mulf %get3A_1445, %mul3A_1479 : vector<16xf32>
        %get3A_1481 = arith.index_cast %mul3A_1441 : i32 to index
        %get3A_1482 = tpu.vector_load %arg12[%get3A_1481] {strides = array<i32>} : memref<208xi32, #tpu.memory_space<vmem>>, vector<16xi32>,
        %jit3A = arith.constant 0 : i32
        %broadcast_in_dim3A_1483 = vector.broadcast %jit3A : i32 to vector<16xi32>
        %select_n3A = arith.select %lt3A_1443, %get3A_1482, %broadcast_in_dim3A_1483 : vector<16xi1>, vector<16xi32>
        %mul3A_1484 = arith.constant 0.604152441 : f32
        %mul3A_1485 = vector.broadcast %mul3A_1484 : f32 to vector<16xf32>
        %mul3A_1486 = arith.mulf %mul3A_1480, %mul3A_1485 : vector<16xf32>
        %mul3A_1487 = arith.mulf %mul3A_1486, %mul3A_1486 : vector<16xf32>
        %mul3A_1488 = arith.constant -1.14707454E-11 : f32
        %mul3A_1489 = vector.broadcast %mul3A_1488 : f32 to vector<16xf32>
        %mul3A_1490 = arith.mulf %mul3A_1489, %mul3A_1487 : vector<16xf32>
        %add3A_1491 = arith.constant 2.08767559E-9 : f32
        %add3A_1492 = vector.broadcast %add3A_1491 : f32 to vector<16xf32>
        %add3A_1493 = arith.addf %mul3A_1490, %add3A_1492 : vector<16xf32>
        %mul3A_1494 = arith.mulf %add3A_1493, %mul3A_1487 : vector<16xf32>
        %add3A_1495 = arith.constant -2.755732E-7 : f32
        %add3A_1496 = vector.broadcast %add3A_1495 : f32 to vector<16xf32>
        %add3A_1497 = arith.addf %mul3A_1494, %add3A_1496 : vector<16xf32>
        %mul3A_1498 = arith.mulf %add3A_1497, %mul3A_1487 : vector<16xf32>
        %add3A_1499 = arith.constant 2.48015876E-5 : f32
        %add3A_1500 = vector.broadcast %add3A_1499 : f32 to vector<16xf32>
        %add3A_1501 = arith.addf %mul3A_1498, %add3A_1500 : vector<16xf32>
        %mul3A_1502 = arith.mulf %add3A_1501, %mul3A_1487 : vector<16xf32>
        %add3A_1503 = arith.constant -0.00138888892 : f32
        %add3A_1504 = vector.broadcast %add3A_1503 : f32 to vector<16xf32>
        %add3A_1505 = arith.addf %mul3A_1502, %add3A_1504 : vector<16xf32>
        %mul3A_1506 = arith.mulf %add3A_1505, %mul3A_1487 : vector<16xf32>
        %add3A_1507 = arith.constant 0.0416666679 : f32
        %add3A_1508 = vector.broadcast %add3A_1507 : f32 to vector<16xf32>
        %add3A_1509 = arith.addf %mul3A_1506, %add3A_1508 : vector<16xf32>
        %mul3A_1510 = arith.mulf %add3A_1509, %mul3A_1487 : vector<16xf32>
        %add3A_1511 = arith.constant -5.000000e-01 : f32
        %add3A_1512 = vector.broadcast %add3A_1511 : f32 to vector<16xf32>
        %add3A_1513 = arith.addf %mul3A_1510, %add3A_1512 : vector<16xf32>
        %mul3A_1514 = arith.mulf %add3A_1513, %mul3A_1487 : vector<16xf32>
        %add3A_1515 = arith.constant 1.000000e+00 : f32
        %add3A_1516 = vector.broadcast %add3A_1515 : f32 to vector<16xf32>
        %add3A_1517 = arith.addf %mul3A_1514, %add3A_1516 : vector<16xf32>
        %mul3A_1518 = arith.constant 5.000000e-01 : f32
        %mul3A_1519 = vector.broadcast %mul3A_1518 : f32 to vector<16xf32>
        %mul3A_1520 = arith.mulf %mul3A_1519, %add3A_1517 : vector<16xf32>
        %add3A_1521 = arith.constant 5.000000e-01 : f32
        %add3A_1522 = vector.broadcast %add3A_1521 : f32 to vector<16xf32>
        %add3A_1523 = arith.addf %mul3A_1520, %add3A_1522 : vector<16xf32>
        %mul3A_1524 = arith.constant 2.500000e-01 : f32
        %mul3A_1525 = vector.broadcast %mul3A_1524 : f32 to vector<16xf32>
        %mul3A_1526 = arith.mulf %mul3A_1525, %add3A_1523 : vector<16xf32>
        %mul3A_1527 = arith.constant 16 : i32
        %mul3A_1528 = vector.broadcast %mul3A_1527 : i32 to vector<16xi32>
        %mul3A_1529 = arith.muli %select_n3A, %mul3A_1528 : vector<16xi32>
        %add3A_1530 = vector.broadcast %mul3A_726 : i32 to vector<16xi32>
        %add3A_1531 = arith.addi %add3A_1530, %mul3A_1529 : vector<16xi32>
        %mul3A_1532 = arith.constant 8.600000e+00 : f32
        %mul3A_1533 = vector.broadcast %mul3A_1532 : f32 to vector<16xf32>
        %mul3A_1534 = arith.mulf %mul3A_1533, %mul3A_1480 : vector<16xf32>
        %exp3A = math.exp %mul3A_1534 : vector<16xf32>
        %sub3A_1535 = arith.constant 0.899999976 : f32
        %sub3A_1536 = vector.broadcast %sub3A_1535 : f32 to vector<16xf32>
        %sub3A_1537 = arith.subf %mul3A_1480, %sub3A_1536 : vector<16xf32>
        %mul3A_1538 = arith.constant -1.600000e+01 : f32
        %mul3A_1539 = vector.broadcast %mul3A_1538 : f32 to vector<16xf32>
        %mul3A_1540 = arith.mulf %mul3A_1539, %sub3A_1537 : vector<16xf32>
        %mul3A_1541 = arith.mulf %mul3A_1540, %sub3A_1537 : vector<16xf32>
        %exp3A_1542 = math.exp %mul3A_1541 : vector<16xf32>
        %mul3A_1543 = arith.mulf %exp3A_1542, %mul3A_1526 : vector<16xf32>
        %mul3A_1544 = arith.mulf %mul3A_1543, %exp3A : vector<16xf32>
        %mul3A_1545 = arith.constant 1.36986942E-4 : f32
        %mul3A_1546 = vector.broadcast %mul3A_1545 : f32 to vector<16xf32>
        %mul3A_1547 = arith.mulf %mul3A_1544, %mul3A_1546 : vector<16xf32>
        %add3A_1548 = arith.constant 0 : i32
        %add3A_1549 = vector.broadcast %add3A_1548 : i32 to vector<16xi32>
        %add3A_1550 = arith.addi %add3A_1531, %add3A_1549 : vector<16xi32>
        tpu.vector_store_idx %arg22[%add3A_1550], %mul3A_1543 masked %lt3A_1443 {add = true} : memref<2304xf32, #tpu.memory_space<vmem>>[vector<16xi32>], vector<16xf32>, vector<16xi1>
        %add3A_1551 = arith.constant 0 : i32
        %add3A_1552 = vector.broadcast %add3A_1551 : i32 to vector<16xi32>
        %add3A_1553 = arith.addi %add3A_1531, %add3A_1552 : vector<16xi32>
        %add3A_1554 = arith.constant 1 : i32
        %add3A_1555 = vector.broadcast %add3A_1554 : i32 to vector<16xi32>
        %add3A_1556 = arith.addi %add3A_1553, %add3A_1555 : vector<16xi32>
        tpu.vector_store_idx %arg22[%add3A_1556], %mul3A_1547 masked %lt3A_1443 {add = true} : memref<2304xf32, #tpu.memory_space<vmem>>[vector<16xi32>], vector<16xf32>, vector<16xi1>
        %sub3A_1557 = arith.constant 1.437500e+00 : f32
        %sub3A_1558 = vector.broadcast %sub3A_1557 : f32 to vector<16xf32>
        %sub3A_1559 = arith.subf %mul3A_1480, %sub3A_1558 : vector<16xf32>
        %mul3A_1560 = arith.constant -1.600000e+01 : f32
        %mul3A_1561 = vector.broadcast %mul3A_1560 : f32 to vector<16xf32>
        %mul3A_1562 = arith.mulf %mul3A_1561, %sub3A_1559 : vector<16xf32>
        %mul3A_1563 = arith.mulf %mul3A_1562, %sub3A_1559 : vector<16xf32>
        %exp3A_1564 = math.exp %mul3A_1563 : vector<16xf32>
        %mul3A_1565 = arith.mulf %exp3A_1564, %mul3A_1526 : vector<16xf32>
        %mul3A_1566 = arith.mulf %mul3A_1565, %exp3A : vector<16xf32>
        %mul3A_1567 = arith.constant 1.34633433E-6 : f32
        %mul3A_1568 = vector.broadcast %mul3A_1567 : f32 to vector<16xf32>
        %mul3A_1569 = arith.mulf %mul3A_1566, %mul3A_1568 : vector<16xf32>
        %add3A_1570 = arith.constant 2 : i32
        %add3A_1571 = vector.broadcast %add3A_1570 : i32 to vector<16xi32>
        %add3A_1572 = arith.addi %add3A_1531, %add3A_1571 : vector<16xi32>
        tpu.vector_store_idx %arg22[%add3A_1572], %mul3A_1565 masked %lt3A_1443 {add = true} : memref<2304xf32, #tpu.memory_space<vmem>>[vector<16xi32>], vector<16xf32>, vector<16xi1>
        %add3A_1573 = arith.constant 2 : i32
        %add3A_1574 = vector.broadcast %add3A_1573 : i32 to vector<16xi32>
        %add3A_1575 = arith.addi %add3A_1531, %add3A_1574 : vector<16xi32>
        %add3A_1576 = arith.constant 1 : i32
        %add3A_1577 = vector.broadcast %add3A_1576 : i32 to vector<16xi32>
        %add3A_1578 = arith.addi %add3A_1575, %add3A_1577 : vector<16xi32>
        tpu.vector_store_idx %arg22[%add3A_1578], %mul3A_1569 masked %lt3A_1443 {add = true} : memref<2304xf32, #tpu.memory_space<vmem>>[vector<16xi32>], vector<16xf32>, vector<16xi1>
        %sub3A_1579 = arith.constant 1.975000e+00 : f32
        %sub3A_1580 = vector.broadcast %sub3A_1579 : f32 to vector<16xf32>
        %sub3A_1581 = arith.subf %mul3A_1480, %sub3A_1580 : vector<16xf32>
        %mul3A_1582 = arith.constant -1.600000e+01 : f32
        %mul3A_1583 = vector.broadcast %mul3A_1582 : f32 to vector<16xf32>
        %mul3A_1584 = arith.mulf %mul3A_1583, %sub3A_1581 : vector<16xf32>
        %mul3A_1585 = arith.mulf %mul3A_1584, %sub3A_1581 : vector<16xf32>
        %exp3A_1586 = math.exp %mul3A_1585 : vector<16xf32>
        %mul3A_1587 = arith.mulf %exp3A_1586, %mul3A_1526 : vector<16xf32>
        %mul3A_1588 = arith.mulf %mul3A_1587, %exp3A : vector<16xf32>
        %mul3A_1589 = arith.constant 1.32320359E-8 : f32
        %mul3A_1590 = vector.broadcast %mul3A_1589 : f32 to vector<16xf32>
        %mul3A_1591 = arith.mulf %mul3A_1588, %mul3A_1590 : vector<16xf32>
        %add3A_1592 = arith.constant 4 : i32
        %add3A_1593 = vector.broadcast %add3A_1592 : i32 to vector<16xi32>
        %add3A_1594 = arith.addi %add3A_1531, %add3A_1593 : vector<16xi32>
        tpu.vector_store_idx %arg22[%add3A_1594], %mul3A_1587 masked %lt3A_1443 {add = true} : memref<2304xf32, #tpu.memory_space<vmem>>[vector<16xi32>], vector<16xf32>, vector<16xi1>
        %add3A_1595 = arith.constant 4 : i32
        %add3A_1596 = vector.broadcast %add3A_1595 : i32 to vector<16xi32>
        %add3A_1597 = arith.addi %add3A_1531, %add3A_1596 : vector<16xi32>
        %add3A_1598 = arith.constant 1 : i32
        %add3A_1599 = vector.broadcast %add3A_1598 : i32 to vector<16xi32>
        %add3A_1600 = arith.addi %add3A_1597, %add3A_1599 : vector<16xi32>
        tpu.vector_store_idx %arg22[%add3A_1600], %mul3A_1591 masked %lt3A_1443 {add = true} : memref<2304xf32, #tpu.memory_space<vmem>>[vector<16xi32>], vector<16xf32>, vector<16xi1>
        %sub3A_1601 = arith.constant 2.512500e+00 : f32
        %sub3A_1602 = vector.broadcast %sub3A_1601 : f32 to vector<16xf32>
        %sub3A_1603 = arith.subf %mul3A_1480, %sub3A_1602 : vector<16xf32>
        %mul3A_1604 = arith.constant -1.600000e+01 : f32
        %mul3A_1605 = vector.broadcast %mul3A_1604 : f32 to vector<16xf32>
        %mul3A_1606 = arith.mulf %mul3A_1605, %sub3A_1603 : vector<16xf32>
        %mul3A_1607 = arith.mulf %mul3A_1606, %sub3A_1603 : vector<16xf32>
        %exp3A_1608 = math.exp %mul3A_1607 : vector<16xf32>
        %mul3A_1609 = arith.mulf %exp3A_1608, %mul3A_1526 : vector<16xf32>
        %mul3A_1610 = arith.mulf %mul3A_1609, %exp3A : vector<16xf32>
        %mul3A_1611 = arith.constant 1.30047029E-10 : f32
        %mul3A_1612 = vector.broadcast %mul3A_1611 : f32 to vector<16xf32>
        %mul3A_1613 = arith.mulf %mul3A_1610, %mul3A_1612 : vector<16xf32>
        %add3A_1614 = arith.constant 6 : i32
        %add3A_1615 = vector.broadcast %add3A_1614 : i32 to vector<16xi32>
        %add3A_1616 = arith.addi %add3A_1531, %add3A_1615 : vector<16xi32>
        tpu.vector_store_idx %arg22[%add3A_1616], %mul3A_1609 masked %lt3A_1443 {add = true} : memref<2304xf32, #tpu.memory_space<vmem>>[vector<16xi32>], vector<16xf32>, vector<16xi1>
        %add3A_1617 = arith.constant 6 : i32
        %add3A_1618 = vector.broadcast %add3A_1617 : i32 to vector<16xi32>
        %add3A_1619 = arith.addi %add3A_1531, %add3A_1618 : vector<16xi32>
        %add3A_1620 = arith.constant 1 : i32
        %add3A_1621 = vector.broadcast %add3A_1620 : i32 to vector<16xi32>
        %add3A_1622 = arith.addi %add3A_1619, %add3A_1621 : vector<16xi32>
        tpu.vector_store_idx %arg22[%add3A_1622], %mul3A_1613 masked %lt3A_1443 {add = true} : memref<2304xf32, #tpu.memory_space<vmem>>[vector<16xi32>], vector<16xf32>, vector<16xi1>
        %sub3A_1623 = arith.constant 3.050000e+00 : f32
        %sub3A_1624 = vector.broadcast %sub3A_1623 : f32 to vector<16xf32>
        %sub3A_1625 = arith.subf %mul3A_1480, %sub3A_1624 : vector<16xf32>
        %mul3A_1626 = arith.constant -1.600000e+01 : f32
        %mul3A_1627 = vector.broadcast %mul3A_1626 : f32 to vector<16xf32>
        %mul3A_1628 = arith.mulf %mul3A_1627, %sub3A_1625 : vector<16xf32>
        %mul3A_1629 = arith.mulf %mul3A_1628, %sub3A_1625 : vector<16xf32>
        %exp3A_1630 = math.exp %mul3A_1629 : vector<16xf32>
        %mul3A_1631 = arith.mulf %exp3A_1630, %mul3A_1526 : vector<16xf32>
        %mul3A_1632 = arith.mulf %mul3A_1631, %exp3A : vector<16xf32>
        %mul3A_1633 = arith.constant 1.27812745E-12 : f32
        %mul3A_1634 = vector.broadcast %mul3A_1633 : f32 to vector<16xf32>
        %mul3A_1635 = arith.mulf %mul3A_1632, %mul3A_1634 : vector<16xf32>
        %add3A_1636 = arith.constant 8 : i32
        %add3A_1637 = vector.broadcast %add3A_1636 : i32 to vector<16xi32>
        %add3A_1638 = arith.addi %add3A_1531, %add3A_1637 : vector<16xi32>
        tpu.vector_store_idx %arg22[%add3A_1638], %mul3A_1631 masked %lt3A_1443 {add = true} : memref<2304xf32, #tpu.memory_space<vmem>>[vector<16xi32>], vector<16xf32>, vector<16xi1>
        %add3A_1639 = arith.constant 8 : i32
        %add3A_1640 = vector.broadcast %add3A_1639 : i32 to vector<16xi32>
        %add3A_1641 = arith.addi %add3A_1531, %add3A_1640 : vector<16xi32>
        %add3A_1642 = arith.constant 1 : i32
        %add3A_1643 = vector.broadcast %add3A_1642 : i32 to vector<16xi32>
        %add3A_1644 = arith.addi %add3A_1641, %add3A_1643 : vector<16xi32>
        tpu.vector_store_idx %arg22[%add3A_1644], %mul3A_1635 masked %lt3A_1443 {add = true} : memref<2304xf32, #tpu.memory_space<vmem>>[vector<16xi32>], vector<16xf32>, vector<16xi1>
        %sub3A_1645 = arith.constant 3.587500e+00 : f32
        %sub3A_1646 = vector.broadcast %sub3A_1645 : f32 to vector<16xf32>
        %sub3A_1647 = arith.subf %mul3A_1480, %sub3A_1646 : vector<16xf32>
        %mul3A_1648 = arith.constant -1.600000e+01 : f32
        %mul3A_1649 = vector.broadcast %mul3A_1648 : f32 to vector<16xf32>
        %mul3A_1650 = arith.mulf %mul3A_1649, %sub3A_1647 : vector<16xf32>
        %mul3A_1651 = arith.mulf %mul3A_1650, %sub3A_1647 : vector<16xf32>
        %exp3A_1652 = math.exp %mul3A_1651 : vector<16xf32>
        %mul3A_1653 = arith.mulf %exp3A_1652, %mul3A_1526 : vector<16xf32>
        %mul3A_1654 = arith.mulf %mul3A_1653, %exp3A : vector<16xf32>
        %mul3A_1655 = arith.constant 1.25616858E-14 : f32
        %mul3A_1656 = vector.broadcast %mul3A_1655 : f32 to vector<16xf32>
        %mul3A_1657 = arith.mulf %mul3A_1654, %mul3A_1656 : vector<16xf32>
        %add3A_1658 = arith.constant 10 : i32
        %add3A_1659 = vector.broadcast %add3A_1658 : i32 to vector<16xi32>
        %add3A_1660 = arith.addi %add3A_1531, %add3A_1659 : vector<16xi32>
        tpu.vector_store_idx %arg22[%add3A_1660], %mul3A_1653 masked %lt3A_1443 {add = true} : memref<2304xf32, #tpu.memory_space<vmem>>[vector<16xi32>], vector<16xf32>, vector<16xi1>
        %add3A_1661 = arith.constant 10 : i32
        %add3A_1662 = vector.broadcast %add3A_1661 : i32 to vector<16xi32>
        %add3A_1663 = arith.addi %add3A_1531, %add3A_1662 : vector<16xi32>
        %add3A_1664 = arith.constant 1 : i32
        %add3A_1665 = vector.broadcast %add3A_1664 : i32 to vector<16xi32>
        %add3A_1666 = arith.addi %add3A_1663, %add3A_1665 : vector<16xi32>
        tpu.vector_store_idx %arg22[%add3A_1666], %mul3A_1657 masked %lt3A_1443 {add = true} : memref<2304xf32, #tpu.memory_space<vmem>>[vector<16xi32>], vector<16xf32>, vector<16xi1>
        %sub3A_1667 = arith.constant 4.125000e+00 : f32
        %sub3A_1668 = vector.broadcast %sub3A_1667 : f32 to vector<16xf32>
        %sub3A_1669 = arith.subf %mul3A_1480, %sub3A_1668 : vector<16xf32>
        %mul3A_1670 = arith.constant -1.600000e+01 : f32
        %mul3A_1671 = vector.broadcast %mul3A_1670 : f32 to vector<16xf32>
        %mul3A_1672 = arith.mulf %mul3A_1671, %sub3A_1669 : vector<16xf32>
        %mul3A_1673 = arith.mulf %mul3A_1672, %sub3A_1669 : vector<16xf32>
        %exp3A_1674 = math.exp %mul3A_1673 : vector<16xf32>
        %mul3A_1675 = arith.mulf %exp3A_1674, %mul3A_1526 : vector<16xf32>
        %mul3A_1676 = arith.mulf %mul3A_1675, %exp3A : vector<16xf32>
        %mul3A_1677 = arith.constant 1.23458705E-16 : f32
        %mul3A_1678 = vector.broadcast %mul3A_1677 : f32 to vector<16xf32>
        %mul3A_1679 = arith.mulf %mul3A_1676, %mul3A_1678 : vector<16xf32>
        %add3A_1680 = arith.constant 12 : i32
        %add3A_1681 = vector.broadcast %add3A_1680 : i32 to vector<16xi32>
        %add3A_1682 = arith.addi %add3A_1531, %add3A_1681 : vector<16xi32>
        tpu.vector_store_idx %arg22[%add3A_1682], %mul3A_1675 masked %lt3A_1443 {add = true} : memref<2304xf32, #tpu.memory_space<vmem>>[vector<16xi32>], vector<16xf32>, vector<16xi1>
        %add3A_1683 = arith.constant 12 : i32
        %add3A_1684 = vector.broadcast %add3A_1683 : i32 to vector<16xi32>
        %add3A_1685 = arith.addi %add3A_1531, %add3A_1684 : vector<16xi32>
        %add3A_1686 = arith.constant 1 : i32
        %add3A_1687 = vector.broadcast %add3A_1686 : i32 to vector<16xi32>
        %add3A_1688 = arith.addi %add3A_1685, %add3A_1687 : vector<16xi32>
        tpu.vector_store_idx %arg22[%add3A_1688], %mul3A_1679 masked %lt3A_1443 {add = true} : memref<2304xf32, #tpu.memory_space<vmem>>[vector<16xi32>], vector<16xf32>, vector<16xi1>
        %sub3A_1689 = arith.constant 4.662500e+00 : f32
        %sub3A_1690 = vector.broadcast %sub3A_1689 : f32 to vector<16xf32>
        %sub3A_1691 = arith.subf %mul3A_1480, %sub3A_1690 : vector<16xf32>
        %mul3A_1692 = arith.constant -1.600000e+01 : f32
        %mul3A_1693 = vector.broadcast %mul3A_1692 : f32 to vector<16xf32>
        %mul3A_1694 = arith.mulf %mul3A_1693, %sub3A_1691 : vector<16xf32>
        %mul3A_1695 = arith.mulf %mul3A_1694, %sub3A_1691 : vector<16xf32>
        %exp3A_1696 = math.exp %mul3A_1695 : vector<16xf32>
        %mul3A_1697 = arith.mulf %exp3A_1696, %mul3A_1526 : vector<16xf32>
        %mul3A_1698 = arith.mulf %mul3A_1697, %exp3A : vector<16xf32>
        %mul3A_1699 = arith.constant 1.21337614E-18 : f32
        %mul3A_1700 = vector.broadcast %mul3A_1699 : f32 to vector<16xf32>
        %mul3A_1701 = arith.mulf %mul3A_1698, %mul3A_1700 : vector<16xf32>
        %add3A_1702 = arith.constant 14 : i32
        %add3A_1703 = vector.broadcast %add3A_1702 : i32 to vector<16xi32>
        %add3A_1704 = arith.addi %add3A_1531, %add3A_1703 : vector<16xi32>
        tpu.vector_store_idx %arg22[%add3A_1704], %mul3A_1697 masked %lt3A_1443 {add = true} : memref<2304xf32, #tpu.memory_space<vmem>>[vector<16xi32>], vector<16xf32>, vector<16xi1>
        %add3A_1705 = arith.constant 14 : i32
        %add3A_1706 = vector.broadcast %add3A_1705 : i32 to vector<16xi32>
        %add3A_1707 = arith.addi %add3A_1531, %add3A_1706 : vector<16xi32>
        %add3A_1708 = arith.constant 1 : i32
        %add3A_1709 = vector.broadcast %add3A_1708 : i32 to vector<16xi32>
        %add3A_1710 = arith.addi %add3A_1707, %add3A_1709 : vector<16xi32>
        tpu.vector_store_idx %arg22[%add3A_1710], %mul3A_1701 masked %lt3A_1443 {add = true} : memref<2304xf32, #tpu.memory_space<vmem>>[vector<16xi32>], vector<16xf32>, vector<16xi1>
        %while3A_1711 = arith.constant 0 : i32
        scf.yield %while3A_1711 : i32
      }
      %while3A_1404 = arith.constant 1 : i32
      %while3A_1405 = scf.for %while3A_1438 = %while3A_1401 to %while3A_1397 step %while3A_1404 iter_args(%while3A_1439 = %while3A_1403) -> (i32)  : i32 {
        %mul3A_1440 = arith.constant 16 : i32
        %mul3A_1441 = arith.muli %while3A_1438, %mul3A_1440 : i32
        %sub3A_1442 = arith.subi %add3A_1371, %mul3A_1441 : i32
        %lt3A = vector.broadcast %sub3A_1442 : i32 to vector<16xi32>
        %lt3A_1443 = arith.cmpi slt, %iota3A, %lt3A : vector<16xi32>
        %get3A_1444 = arith.index_cast %mul3A_1441 : i32 to index
        %get3A_1445 = tpu.vector_load %arg11[%get3A_1444] {strides = array<i32>} : memref<208xf32, #tpu.memory_space<vmem>>, vector<16xf32>,
        %bitcast3A = vector.bitcast %get3A_1445 : vector<16xf32> to vector<16xi32>
        %shift_right_arithmetic3A_1446 = arith.constant 1 : i32
        %shift_right_arithmetic3A_1447 = vector.broadcast %shift_right_arithmetic3A_1446 : i32 to vector<16xi32>
        %shift_right_arithmetic3A_1448 = arith.shrsi %bitcast3A, %shift_right_arithmetic3A_1447 : vector<16xi32>
        %sub3A_1449 = arith.constant 1597463007 : i32
        %sub3A_1450 = vector.broadcast %sub3A_1449 : i32 to vector<16xi32>
        %sub3A_1451 = arith.subi %sub3A_1450, %shift_right_arithmetic3A_1448 : vector<16xi32>
        %bitcast3A_1452 = vector.bitcast %sub3A_1451 : vector<16xi32> to vector<16xf32>
        %mul3A_1453 = arith.constant 5.000000e-01 : f32
        %mul3A_1454 = vector.broadcast %mul3A_1453 : f32 to vector<16xf32>
        %mul3A_1455 = arith.mulf %mul3A_1454, %get3A_1445 : vector<16xf32>
        %mul3A_1456 = arith.mulf %mul3A_1455, %bitcast3A_1452 : vector<16xf32>
        %mul3A_1457 = arith.mulf %mul3A_1456, %bitcast3A_1452 : vector<16xf32>
        %sub3A_1458 = arith.constant 1.500000e+00 : f32
        %sub3A_1459 = vector.broadcast %sub3A_1458 : f32 to vector<16xf32>
        %sub3A_1460 = arith.subf %sub3A_1459, %mul3A_1457 : vector<16xf32>
        %mul3A_1461 = arith.mulf %bitcast3A_1452, %sub3A_1460 : vector<16xf32>
        %mul3A_1462 = arith.constant 5.000000e-01 : f32
        %mul3A_1463 = vector.broadcast %mul3A_1462 : f32 to vector<16xf32>
        %mul3A_1464 = arith.mulf %mul3A_1463, %get3A_1445 : vector<16xf32>
        %mul3A_1465 = arith.mulf %mul3A_1464, %mul3A_1461 : vector<16xf32>
        %mul3A_1466 = arith.mulf %mul3A_1465, %mul3A_1461 : vector<16xf32>
        %sub3A_1467 = arith.constant 1.500000e+00 : f32
        %sub3A_1468 = vector.broadcast %sub3A_1467 : f32 to vector<16xf32>
        %sub3A_1469 = arith.subf %sub3A_1468, %mul3A_1466 : vector<16xf32>
        %mul3A_1470 = arith.mulf %mul3A_1461, %sub3A_1469 : vector<16xf32>
        %mul3A_1471 = arith.constant 5.000000e-01 : f32
        %mul3A_1472 = vector.broadcast %mul3A_1471 : f32 to vector<16xf32>
        %mul3A_1473 = arith.mulf %mul3A_1472, %get3A_1445 : vector<16xf32>
        %mul3A_1474 = arith.mulf %mul3A_1473, %mul3A_1470 : vector<16xf32>
        %mul3A_1475 = arith.mulf %mul3A_1474, %mul3A_1470 : vector<16xf32>
        %sub3A_1476 = arith.constant 1.500000e+00 : f32
        %sub3A_1477 = vector.broadcast %sub3A_1476 : f32 to vector<16xf32>
        %sub3A_1478 = arith.subf %sub3A_1477, %mul3A_1475 : vector<16xf32>
        %mul3A_1479 = arith.mulf %mul3A_1470, %sub3A_1478 : vector<16xf32>
        %mul3A_1480 = arith.mulf %get3A_1445, %mul3A_1479 : vector<16xf32>
        %get3A_1481 = arith.index_cast %mul3A_1441 : i32 to index
        %get3A_1482 = tpu.vector_load %arg12[%get3A_1481] {strides = array<i32>} : memref<208xi32, #tpu.memory_space<vmem>>, vector<16xi32>,
        %jit3A = arith.constant 0 : i32
        %broadcast_in_dim3A_1483 = vector.broadcast %jit3A : i32 to vector<16xi32>
        %select_n3A = arith.select %lt3A_1443, %get3A_1482, %broadcast_in_dim3A_1483 : vector<16xi1>, vector<16xi32>
        %mul3A_1484 = arith.constant 0.604152441 : f32
        %mul3A_1485 = vector.broadcast %mul3A_1484 : f32 to vector<16xf32>
        %mul3A_1486 = arith.mulf %mul3A_1480, %mul3A_1485 : vector<16xf32>
        %mul3A_1487 = arith.mulf %mul3A_1486, %mul3A_1486 : vector<16xf32>
        %mul3A_1488 = arith.constant -1.14707454E-11 : f32
        %mul3A_1489 = vector.broadcast %mul3A_1488 : f32 to vector<16xf32>
        %mul3A_1490 = arith.mulf %mul3A_1489, %mul3A_1487 : vector<16xf32>
        %add3A_1491 = arith.constant 2.08767559E-9 : f32
        %add3A_1492 = vector.broadcast %add3A_1491 : f32 to vector<16xf32>
        %add3A_1493 = arith.addf %mul3A_1490, %add3A_1492 : vector<16xf32>
        %mul3A_1494 = arith.mulf %add3A_1493, %mul3A_1487 : vector<16xf32>
        %add3A_1495 = arith.constant -2.755732E-7 : f32
        %add3A_1496 = vector.broadcast %add3A_1495 : f32 to vector<16xf32>
        %add3A_1497 = arith.addf %mul3A_1494, %add3A_1496 : vector<16xf32>
        %mul3A_1498 = arith.mulf %add3A_1497, %mul3A_1487 : vector<16xf32>
        %add3A_1499 = arith.constant 2.48015876E-5 : f32
        %add3A_1500 = vector.broadcast %add3A_1499 : f32 to vector<16xf32>
        %add3A_1501 = arith.addf %mul3A_1498, %add3A_1500 : vector<16xf32>
        %mul3A_1502 = arith.mulf %add3A_1501, %mul3A_1487 : vector<16xf32>
        %add3A_1503 = arith.constant -0.00138888892 : f32
        %add3A_1504 = vector.broadcast %add3A_1503 : f32 to vector<16xf32>
        %add3A_1505 = arith.addf %mul3A_1502, %add3A_1504 : vector<16xf32>
        %mul3A_1506 = arith.mulf %add3A_1505, %mul3A_1487 : vector<16xf32>
        %add3A_1507 = arith.constant 0.0416666679 : f32
        %add3A_1508 = vector.broadcast %add3A_1507 : f32 to vector<16xf32>
        %add3A_1509 = arith.addf %mul3A_1506, %add3A_1508 : vector<16xf32>
        %mul3A_1510 = arith.mulf %add3A_1509, %mul3A_1487 : vector<16xf32>
        %add3A_1511 = arith.constant -5.000000e-01 : f32
        %add3A_1512 = vector.broadcast %add3A_1511 : f32 to vector<16xf32>
        %add3A_1513 = arith.addf %mul3A_1510, %add3A_1512 : vector<16xf32>
        %mul3A_1514 = arith.mulf %add3A_1513, %mul3A_1487 : vector<16xf32>
        %add3A_1515 = arith.constant 1.000000e+00 : f32
        %add3A_1516 = vector.broadcast %add3A_1515 : f32 to vector<16xf32>
        %add3A_1517 = arith.addf %mul3A_1514, %add3A_1516 : vector<16xf32>
        %mul3A_1518 = arith.constant 5.000000e-01 : f32
        %mul3A_1519 = vector.broadcast %mul3A_1518 : f32 to vector<16xf32>
        %mul3A_1520 = arith.mulf %mul3A_1519, %add3A_1517 : vector<16xf32>
        %add3A_1521 = arith.constant 5.000000e-01 : f32
        %add3A_1522 = vector.broadcast %add3A_1521 : f32 to vector<16xf32>
        %add3A_1523 = arith.addf %mul3A_1520, %add3A_1522 : vector<16xf32>
        %mul3A_1524 = arith.constant 2.500000e-01 : f32
        %mul3A_1525 = vector.broadcast %mul3A_1524 : f32 to vector<16xf32>
        %mul3A_1526 = arith.mulf %mul3A_1525, %add3A_1523 : vector<16xf32>
        %mul3A_1527 = arith.constant 16 : i32
        %mul3A_1528 = vector.broadcast %mul3A_1527 : i32 to vector<16xi32>
        %mul3A_1529 = arith.muli %select_n3A, %mul3A_1528 : vector<16xi32>
        %add3A_1530 = vector.broadcast %mul3A_726 : i32 to vector<16xi32>
        %add3A_1531 = arith.addi %add3A_1530, %mul3A_1529 : vector<16xi32>
        %mul3A_1532 = arith.constant 8.600000e+00 : f32
        %mul3A_1533 = vector.broadcast %mul3A_1532 : f32 to vector<16xf32>
        %mul3A_1534 = arith.mulf %mul3A_1533, %mul3A_1480 : vector<16xf32>
        %exp3A = math.exp %mul3A_1534 : vector<16xf32>
        %sub3A_1535 = arith.constant 0.899999976 : f32
        %sub3A_1536 = vector.broadcast %sub3A_1535 : f32 to vector<16xf32>
        %sub3A_1537 = arith.subf %mul3A_1480, %sub3A_1536 : vector<16xf32>
        %mul3A_1538 = arith.constant -1.600000e+01 : f32
        %mul3A_1539 = vector.broadcast %mul3A_1538 : f32 to vector<16xf32>
        %mul3A_1540 = arith.mulf %mul3A_1539, %sub3A_1537 : vector<16xf32>
        %mul3A_1541 = arith.mulf %mul3A_1540, %sub3A_1537 : vector<16xf32>
        %exp3A_1542 = math.exp %mul3A_1541 : vector<16xf32>
        %mul3A_1543 = arith.mulf %exp3A_1542, %mul3A_1526 : vector<16xf32>
        %mul3A_1544 = arith.mulf %mul3A_1543, %exp3A : vector<16xf32>
        %mul3A_1545 = arith.constant 1.36986942E-4 : f32
        %mul3A_1546 = vector.broadcast %mul3A_1545 : f32 to vector<16xf32>
        %mul3A_1547 = arith.mulf %mul3A_1544, %mul3A_1546 : vector<16xf32>
        %add3A_1548 = arith.constant 0 : i32
        %add3A_1549 = vector.broadcast %add3A_1548 : i32 to vector<16xi32>
        %add3A_1550 = arith.addi %add3A_1531, %add3A_1549 : vector<16xi32>
        tpu.vector_store_idx %arg22[%add3A_1550], %mul3A_1543 masked %lt3A_1443 {add = true} : memref<2304xf32, #tpu.memory_space<vmem>>[vector<16xi32>], vector<16xf32>, vector<16xi1>
        %add3A_1551 = arith.constant 0 : i32
        %add3A_1552 = vector.broadcast %add3A_1551 : i32 to vector<16xi32>
        %add3A_1553 = arith.addi %add3A_1531, %add3A_1552 : vector<16xi32>
        %add3A_1554 = arith.constant 1 : i32
        %add3A_1555 = vector.broadcast %add3A_1554 : i32 to vector<16xi32>
        %add3A_1556 = arith.addi %add3A_1553, %add3A_1555 : vector<16xi32>
        tpu.vector_store_idx %arg22[%add3A_1556], %mul3A_1547 masked %lt3A_1443 {add = true} : memref<2304xf32, #tpu.memory_space<vmem>>[vector<16xi32>], vector<16xf32>, vector<16xi1>
        %sub3A_1557 = arith.constant 1.437500e+00 : f32
        %sub3A_1558 = vector.broadcast %sub3A_1557 : f32 to vector<16xf32>
        %sub3A_1559 = arith.subf %mul3A_1480, %sub3A_1558 : vector<16xf32>
        %mul3A_1560 = arith.constant -1.600000e+01 : f32
        %mul3A_1561 = vector.broadcast %mul3A_1560 : f32 to vector<16xf32>
        %mul3A_1562 = arith.mulf %mul3A_1561, %sub3A_1559 : vector<16xf32>
        %mul3A_1563 = arith.mulf %mul3A_1562, %sub3A_1559 : vector<16xf32>
        %exp3A_1564 = math.exp %mul3A_1563 : vector<16xf32>
        %mul3A_1565 = arith.mulf %exp3A_1564, %mul3A_1526 : vector<16xf32>
        %mul3A_1566 = arith.mulf %mul3A_1565, %exp3A : vector<16xf32>
        %mul3A_1567 = arith.constant 1.34633433E-6 : f32
        %mul3A_1568 = vector.broadcast %mul3A_1567 : f32 to vector<16xf32>
        %mul3A_1569 = arith.mulf %mul3A_1566, %mul3A_1568 : vector<16xf32>
        %add3A_1570 = arith.constant 2 : i32
        %add3A_1571 = vector.broadcast %add3A_1570 : i32 to vector<16xi32>
        %add3A_1572 = arith.addi %add3A_1531, %add3A_1571 : vector<16xi32>
        tpu.vector_store_idx %arg22[%add3A_1572], %mul3A_1565 masked %lt3A_1443 {add = true} : memref<2304xf32, #tpu.memory_space<vmem>>[vector<16xi32>], vector<16xf32>, vector<16xi1>
        %add3A_1573 = arith.constant 2 : i32
        %add3A_1574 = vector.broadcast %add3A_1573 : i32 to vector<16xi32>
        %add3A_1575 = arith.addi %add3A_1531, %add3A_1574 : vector<16xi32>
        %add3A_1576 = arith.constant 1 : i32
        %add3A_1577 = vector.broadcast %add3A_1576 : i32 to vector<16xi32>
        %add3A_1578 = arith.addi %add3A_1575, %add3A_1577 : vector<16xi32>
        tpu.vector_store_idx %arg22[%add3A_1578], %mul3A_1569 masked %lt3A_1443 {add = true} : memref<2304xf32, #tpu.memory_space<vmem>>[vector<16xi32>], vector<16xf32>, vector<16xi1>
        %sub3A_1579 = arith.constant 1.975000e+00 : f32
        %sub3A_1580 = vector.broadcast %sub3A_1579 : f32 to vector<16xf32>
        %sub3A_1581 = arith.subf %mul3A_1480, %sub3A_1580 : vector<16xf32>
        %mul3A_1582 = arith.constant -1.600000e+01 : f32
        %mul3A_1583 = vector.broadcast %mul3A_1582 : f32 to vector<16xf32>
        %mul3A_1584 = arith.mulf %mul3A_1583, %sub3A_1581 : vector<16xf32>
        %mul3A_1585 = arith.mulf %mul3A_1584, %sub3A_1581 : vector<16xf32>
        %exp3A_1586 = math.exp %mul3A_1585 : vector<16xf32>
        %mul3A_1587 = arith.mulf %exp3A_1586, %mul3A_1526 : vector<16xf32>
        %mul3A_1588 = arith.mulf %mul3A_1587, %exp3A : vector<16xf32>
        %mul3A_1589 = arith.constant 1.32320359E-8 : f32
        %mul3A_1590 = vector.broadcast %mul3A_1589 : f32 to vector<16xf32>
        %mul3A_1591 = arith.mulf %mul3A_1588, %mul3A_1590 : vector<16xf32>
        %add3A_1592 = arith.constant 4 : i32
        %add3A_1593 = vector.broadcast %add3A_1592 : i32 to vector<16xi32>
        %add3A_1594 = arith.addi %add3A_1531, %add3A_1593 : vector<16xi32>
        tpu.vector_store_idx %arg22[%add3A_1594], %mul3A_1587 masked %lt3A_1443 {add = true} : memref<2304xf32, #tpu.memory_space<vmem>>[vector<16xi32>], vector<16xf32>, vector<16xi1>
        %add3A_1595 = arith.constant 4 : i32
        %add3A_1596 = vector.broadcast %add3A_1595 : i32 to vector<16xi32>
        %add3A_1597 = arith.addi %add3A_1531, %add3A_1596 : vector<16xi32>
        %add3A_1598 = arith.constant 1 : i32
        %add3A_1599 = vector.broadcast %add3A_1598 : i32 to vector<16xi32>
        %add3A_1600 = arith.addi %add3A_1597, %add3A_1599 : vector<16xi32>
        tpu.vector_store_idx %arg22[%add3A_1600], %mul3A_1591 masked %lt3A_1443 {add = true} : memref<2304xf32, #tpu.memory_space<vmem>>[vector<16xi32>], vector<16xf32>, vector<16xi1>
        %sub3A_1601 = arith.constant 2.512500e+00 : f32
        %sub3A_1602 = vector.broadcast %sub3A_1601 : f32 to vector<16xf32>
        %sub3A_1603 = arith.subf %mul3A_1480, %sub3A_1602 : vector<16xf32>
        %mul3A_1604 = arith.constant -1.600000e+01 : f32
        %mul3A_1605 = vector.broadcast %mul3A_1604 : f32 to vector<16xf32>
        %mul3A_1606 = arith.mulf %mul3A_1605, %sub3A_1603 : vector<16xf32>
        %mul3A_1607 = arith.mulf %mul3A_1606, %sub3A_1603 : vector<16xf32>
        %exp3A_1608 = math.exp %mul3A_1607 : vector<16xf32>
        %mul3A_1609 = arith.mulf %exp3A_1608, %mul3A_1526 : vector<16xf32>
        %mul3A_1610 = arith.mulf %mul3A_1609, %exp3A : vector<16xf32>
        %mul3A_1611 = arith.constant 1.30047029E-10 : f32
        %mul3A_1612 = vector.broadcast %mul3A_1611 : f32 to vector<16xf32>
        %mul3A_1613 = arith.mulf %mul3A_1610, %mul3A_1612 : vector<16xf32>
        %add3A_1614 = arith.constant 6 : i32
        %add3A_1615 = vector.broadcast %add3A_1614 : i32 to vector<16xi32>
        %add3A_1616 = arith.addi %add3A_1531, %add3A_1615 : vector<16xi32>
        tpu.vector_store_idx %arg22[%add3A_1616], %mul3A_1609 masked %lt3A_1443 {add = true} : memref<2304xf32, #tpu.memory_space<vmem>>[vector<16xi32>], vector<16xf32>, vector<16xi1>
        %add3A_1617 = arith.constant 6 : i32
        %add3A_1618 = vector.broadcast %add3A_1617 : i32 to vector<16xi32>
        %add3A_1619 = arith.addi %add3A_1531, %add3A_1618 : vector<16xi32>
        %add3A_1620 = arith.constant 1 : i32
        %add3A_1621 = vector.broadcast %add3A_1620 : i32 to vector<16xi32>
        %add3A_1622 = arith.addi %add3A_1619, %add3A_1621 : vector<16xi32>
        tpu.vector_store_idx %arg22[%add3A_1622], %mul3A_1613 masked %lt3A_1443 {add = true} : memref<2304xf32, #tpu.memory_space<vmem>>[vector<16xi32>], vector<16xf32>, vector<16xi1>
        %sub3A_1623 = arith.constant 3.050000e+00 : f32
        %sub3A_1624 = vector.broadcast %sub3A_1623 : f32 to vector<16xf32>
        %sub3A_1625 = arith.subf %mul3A_1480, %sub3A_1624 : vector<16xf32>
        %mul3A_1626 = arith.constant -1.600000e+01 : f32
        %mul3A_1627 = vector.broadcast %mul3A_1626 : f32 to vector<16xf32>
        %mul3A_1628 = arith.mulf %mul3A_1627, %sub3A_1625 : vector<16xf32>
        %mul3A_1629 = arith.mulf %mul3A_1628, %sub3A_1625 : vector<16xf32>
        %exp3A_1630 = math.exp %mul3A_1629 : vector<16xf32>
        %mul3A_1631 = arith.mulf %exp3A_1630, %mul3A_1526 : vector<16xf32>
        %mul3A_1632 = arith.mulf %mul3A_1631, %exp3A : vector<16xf32>
        %mul3A_1633 = arith.constant 1.27812745E-12 : f32
        %mul3A_1634 = vector.broadcast %mul3A_1633 : f32 to vector<16xf32>
        %mul3A_1635 = arith.mulf %mul3A_1632, %mul3A_1634 : vector<16xf32>
        %add3A_1636 = arith.constant 8 : i32
        %add3A_1637 = vector.broadcast %add3A_1636 : i32 to vector<16xi32>
        %add3A_1638 = arith.addi %add3A_1531, %add3A_1637 : vector<16xi32>
        tpu.vector_store_idx %arg22[%add3A_1638], %mul3A_1631 masked %lt3A_1443 {add = true} : memref<2304xf32, #tpu.memory_space<vmem>>[vector<16xi32>], vector<16xf32>, vector<16xi1>
        %add3A_1639 = arith.constant 8 : i32
        %add3A_1640 = vector.broadcast %add3A_1639 : i32 to vector<16xi32>
        %add3A_1641 = arith.addi %add3A_1531, %add3A_1640 : vector<16xi32>
        %add3A_1642 = arith.constant 1 : i32
        %add3A_1643 = vector.broadcast %add3A_1642 : i32 to vector<16xi32>
        %add3A_1644 = arith.addi %add3A_1641, %add3A_1643 : vector<16xi32>
        tpu.vector_store_idx %arg22[%add3A_1644], %mul3A_1635 masked %lt3A_1443 {add = true} : memref<2304xf32, #tpu.memory_space<vmem>>[vector<16xi32>], vector<16xf32>, vector<16xi1>
        %sub3A_1645 = arith.constant 3.587500e+00 : f32
        %sub3A_1646 = vector.broadcast %sub3A_1645 : f32 to vector<16xf32>
        %sub3A_1647 = arith.subf %mul3A_1480, %sub3A_1646 : vector<16xf32>
        %mul3A_1648 = arith.constant -1.600000e+01 : f32
        %mul3A_1649 = vector.broadcast %mul3A_1648 : f32 to vector<16xf32>
        %mul3A_1650 = arith.mulf %mul3A_1649, %sub3A_1647 : vector<16xf32>
        %mul3A_1651 = arith.mulf %mul3A_1650, %sub3A_1647 : vector<16xf32>
        %exp3A_1652 = math.exp %mul3A_1651 : vector<16xf32>
        %mul3A_1653 = arith.mulf %exp3A_1652, %mul3A_1526 : vector<16xf32>
        %mul3A_1654 = arith.mulf %mul3A_1653, %exp3A : vector<16xf32>
        %mul3A_1655 = arith.constant 1.25616858E-14 : f32
        %mul3A_1656 = vector.broadcast %mul3A_1655 : f32 to vector<16xf32>
        %mul3A_1657 = arith.mulf %mul3A_1654, %mul3A_1656 : vector<16xf32>
        %add3A_1658 = arith.constant 10 : i32
        %add3A_1659 = vector.broadcast %add3A_1658 : i32 to vector<16xi32>
        %add3A_1660 = arith.addi %add3A_1531, %add3A_1659 : vector<16xi32>
        tpu.vector_store_idx %arg22[%add3A_1660], %mul3A_1653 masked %lt3A_1443 {add = true} : memref<2304xf32, #tpu.memory_space<vmem>>[vector<16xi32>], vector<16xf32>, vector<16xi1>
        %add3A_1661 = arith.constant 10 : i32
        %add3A_1662 = vector.broadcast %add3A_1661 : i32 to vector<16xi32>
        %add3A_1663 = arith.addi %add3A_1531, %add3A_1662 : vector<16xi32>
        %add3A_1664 = arith.constant 1 : i32
        %add3A_1665 = vector.broadcast %add3A_1664 : i32 to vector<16xi32>
        %add3A_1666 = arith.addi %add3A_1663, %add3A_1665 : vector<16xi32>
        tpu.vector_store_idx %arg22[%add3A_1666], %mul3A_1657 masked %lt3A_1443 {add = true} : memref<2304xf32, #tpu.memory_space<vmem>>[vector<16xi32>], vector<16xf32>, vector<16xi1>
        %sub3A_1667 = arith.constant 4.125000e+00 : f32
        %sub3A_1668 = vector.broadcast %sub3A_1667 : f32 to vector<16xf32>
        %sub3A_1669 = arith.subf %mul3A_1480, %sub3A_1668 : vector<16xf32>
        %mul3A_1670 = arith.constant -1.600000e+01 : f32
        %mul3A_1671 = vector.broadcast %mul3A_1670 : f32 to vector<16xf32>
        %mul3A_1672 = arith.mulf %mul3A_1671, %sub3A_1669 : vector<16xf32>
        %mul3A_1673 = arith.mulf %mul3A_1672, %sub3A_1669 : vector<16xf32>
        %exp3A_1674 = math.exp %mul3A_1673 : vector<16xf32>
        %mul3A_1675 = arith.mulf %exp3A_1674, %mul3A_1526 : vector<16xf32>
        %mul3A_1676 = arith.mulf %mul3A_1675, %exp3A : vector<16xf32>
        %mul3A_1677 = arith.constant 1.23458705E-16 : f32
        %mul3A_1678 = vector.broadcast %mul3A_1677 : f32 to vector<16xf32>
        %mul3A_1679 = arith.mulf %mul3A_1676, %mul3A_1678 : vector<16xf32>
        %add3A_1680 = arith.constant 12 : i32
        %add3A_1681 = vector.broadcast %add3A_1680 : i32 to vector<16xi32>
        %add3A_1682 = arith.addi %add3A_1531, %add3A_1681 : vector<16xi32>
        tpu.vector_store_idx %arg22[%add3A_1682], %mul3A_1675 masked %lt3A_1443 {add = true} : memref<2304xf32, #tpu.memory_space<vmem>>[vector<16xi32>], vector<16xf32>, vector<16xi1>
        %add3A_1683 = arith.constant 12 : i32
        %add3A_1684 = vector.broadcast %add3A_1683 : i32 to vector<16xi32>
        %add3A_1685 = arith.addi %add3A_1531, %add3A_1684 : vector<16xi32>
        %add3A_1686 = arith.constant 1 : i32
        %add3A_1687 = vector.broadcast %add3A_1686 : i32 to vector<16xi32>
        %add3A_1688 = arith.addi %add3A_1685, %add3A_1687 : vector<16xi32>
        tpu.vector_store_idx %arg22[%add3A_1688], %mul3A_1679 masked %lt3A_1443 {add = true} : memref<2304xf32, #tpu.memory_space<vmem>>[vector<16xi32>], vector<16xf32>, vector<16xi1>
        %sub3A_1689 = arith.constant 4.662500e+00 : f32
        %sub3A_1690 = vector.broadcast %sub3A_1689 : f32 to vector<16xf32>
        %sub3A_1691 = arith.subf %mul3A_1480, %sub3A_1690 : vector<16xf32>
        %mul3A_1692 = arith.constant -1.600000e+01 : f32
        %mul3A_1693 = vector.broadcast %mul3A_1692 : f32 to vector<16xf32>
        %mul3A_1694 = arith.mulf %mul3A_1693, %sub3A_1691 : vector<16xf32>
        %mul3A_1695 = arith.mulf %mul3A_1694, %sub3A_1691 : vector<16xf32>
        %exp3A_1696 = math.exp %mul3A_1695 : vector<16xf32>
        %mul3A_1697 = arith.mulf %exp3A_1696, %mul3A_1526 : vector<16xf32>
        %mul3A_1698 = arith.mulf %mul3A_1697, %exp3A : vector<16xf32>
        %mul3A_1699 = arith.constant 1.21337614E-18 : f32
        %mul3A_1700 = vector.broadcast %mul3A_1699 : f32 to vector<16xf32>
        %mul3A_1701 = arith.mulf %mul3A_1698, %mul3A_1700 : vector<16xf32>
        %add3A_1702 = arith.constant 14 : i32
        %add3A_1703 = vector.broadcast %add3A_1702 : i32 to vector<16xi32>
        %add3A_1704 = arith.addi %add3A_1531, %add3A_1703 : vector<16xi32>
        tpu.vector_store_idx %arg22[%add3A_1704], %mul3A_1697 masked %lt3A_1443 {add = true} : memref<2304xf32, #tpu.memory_space<vmem>>[vector<16xi32>], vector<16xf32>, vector<16xi1>
        %add3A_1705 = arith.constant 14 : i32
        %add3A_1706 = vector.broadcast %add3A_1705 : i32 to vector<16xi32>
        %add3A_1707 = arith.addi %add3A_1531, %add3A_1706 : vector<16xi32>
        %add3A_1708 = arith.constant 1 : i32
        %add3A_1709 = vector.broadcast %add3A_1708 : i32 to vector<16xi32>
        %add3A_1710 = arith.addi %add3A_1707, %add3A_1709 : vector<16xi32>
        tpu.vector_store_idx %arg22[%add3A_1710], %mul3A_1701 masked %lt3A_1443 {add = true} : memref<2304xf32, #tpu.memory_space<vmem>>[vector<16xi32>], vector<16xf32>, vector<16xi1>
        %while3A_1711 = arith.constant 0 : i32
        scf.yield %while3A_1711 : i32
      }
      %max3A = arith.constant 1 : i32
      %max3A_1406 = arith.maxsi %scan3A_712, %max3A : i32
      %while3A_1407 = arith.constant 0 : i32
      %while3A_1408:3 = scf.while (%while3A_1438 = %max3A_1406, %while3A_1439 = %while3A_1407, %while3A_1440 = %scan3A_713) : (i32, i32, i32) -> (i32, i32, i32) {
        %lt3A = arith.cmpi slt, %while3A_1438, %add3A_1375 : i32
        scf.condition(%lt3A) %while3A_1438, %while3A_1439, %while3A_1440 : i32, i32, i32
      } do {
      ^bb0(%while3A_1438: i32, %while3A_1439: i32, %while3A_1440: i32):
        %add3A_1441 = vector.broadcast %while3A_1439 : i32 to vector<16xi32>
        %add3A_1442 = arith.addi %iota3A, %add3A_1441 : vector<16xi32>
        %lt3A = vector.broadcast %while3A_1438 : i32 to vector<16xi32>
        %lt3A_1443 = arith.cmpi slt, %add3A_1442, %lt3A : vector<16xi32>
        %swap3A_1444 = arith.index_cast %while3A_1440 : i32 to index
        %swap3A_1445 = tpu.vector_load %arg20[%swap3A_1444] masked %lt3A_1443 {strides = array<i32>} : memref<18352xi32, #tpu.memory_space<vmem>>, vector<16xi32>, vector<16xi1>
        tpu.vector_store %arg20[%swap3A_1444], %add3A_1442 masked %lt3A_1443 {strides = array<i32>} : memref<18352xi32, #tpu.memory_space<vmem>>, vector<16xi32>, vector<16xi1>
        %mul3A_1446 = arith.constant 0 : i32
        %mul3A_1447 = vector.broadcast %mul3A_1446 : i32 to vector<16xi32>
        %mul3A_1448 = arith.muli %iota3A, %mul3A_1447 : vector<16xi32>
        %add3A_1449 = vector.broadcast %while3A_1438 : i32 to vector<16xi32>
        %add3A_1450 = arith.addi %mul3A_1448, %add3A_1449 : vector<16xi32>
        %swap3A_1451 = arith.index_cast %while3A_1440 : i32 to index
        %swap3A_1452 = tpu.vector_load %arg21[%swap3A_1451] masked %lt3A_1443 {strides = array<i32>} : memref<18352xi32, #tpu.memory_space<vmem>>, vector<16xi32>, vector<16xi1>
        tpu.vector_store %arg21[%swap3A_1451], %add3A_1450 masked %lt3A_1443 {strides = array<i32>} : memref<18352xi32, #tpu.memory_space<vmem>>, vector<16xi32>, vector<16xi1>
        %all_reduce_population_count3A_1453 = tpu.all_reduce %lt3A_1443 {dim = 0 : i64, kind = #tpu.reduction_kind<sum>} : vector<16xi1> -> vector<16xi32>
        %slice3A_1454 = vector.extract_strided_slice %all_reduce_population_count3A_1453 {offsets = [0], sizes = [1], strides = [1]} : vector<16xi32> to vector<1xi32>
        %squeeze3A_1455 = vector.extract %slice3A_1454[0] : i32 from vector<1xi32>
        %add3A_1456 = arith.addi %while3A_1440, %squeeze3A_1455 : i32
        %add3A_1457 = arith.constant 16 : i32
        %add3A_1458 = arith.addi %while3A_1439, %add3A_1457 : i32
        %ge3A = arith.cmpi sge, %add3A_1458, %while3A_1438 : i32
        %add3A_1459 = arith.constant 1 : i32
        %add3A_1460 = arith.addi %while3A_1438, %add3A_1459 : i32
        %select_n3A = arith.select %ge3A, %add3A_1460, %while3A_1438 : i32
        %jit3A = arith.constant 0 : i32
        %select_n3A_1461 = arith.select %ge3A, %jit3A, %add3A_1458 : i32
        scf.yield %select_n3A, %select_n3A_1461, %add3A_1456 : i32, i32, i32
      }
      %sub3A_1409 = arith.constant 1 : i32
      %sub3A_1410 = arith.subi %add3A_1375, %sub3A_1409 : i32
      %mul3A_1411 = arith.muli %add3A_1375, %sub3A_1410 : i32
      %shift_right_arithmetic3A_1412 = arith.constant 1 : i32
      %shift_right_arithmetic3A_1413 = arith.shrsi %mul3A_1411, %shift_right_arithmetic3A_1412 : i32
      %add3A_1414 = arith.constant 15 : i32
      %add3A_1415 = arith.addi %shift_right_arithmetic3A_1413, %add3A_1414 : i32
      %shift_right_arithmetic3A_1416 = arith.constant 4 : i32
      %shift_right_arithmetic3A_1417 = arith.shrsi %add3A_1415, %shift_right_arithmetic3A_1416 : i32
      %while3A_1418 = arith.constant 0 : i32
      %while3A_1419 = arith.constant 0 : i32
      %while3A_1420 = arith.subi %shift_right_arithmetic3A_1417, %while3A_1418 : i32
      %while3A_1421 = arith.addi %while3A_1418, %while3A_1420 : i32
      %while3A_1422 = arith.constant 1 : i32
      %while3A_1423 = arith.divsi %while3A_1420, %while3A_1422 : i32
      %while3A_1424 = arith.muli %while3A_1423, %while3A_1422 : i32
      %while3A_1425 = arith.addi %while3A_1418, %while3A_1424 : i32
      %while3A_1426 = arith.constant 1 : i32
      %while3A_1427 = scf.for %while3A_1438 = %while3A_1418 to %while3A_1425 step %while3A_1426 iter_args(%while3A_1439 = %while3A_1419) -> (i32)  : i32 {
        %mul3A_1440 = arith.constant 16 : i32
        %mul3A_1441 = arith.muli %while3A_1438, %mul3A_1440 : i32
        %sub3A_1442 = arith.subi %shift_right_arithmetic3A_1413, %mul3A_1441 : i32
        %lt3A = vector.broadcast %sub3A_1442 : i32 to vector<16xi32>
        %lt3A_1443 = arith.cmpi slt, %iota3A, %lt3A : vector<16xi32>
        %get3A_1444 = arith.index_cast %mul3A_1441 : i32 to index
        %get3A_1445 = tpu.vector_load %arg20[%get3A_1444] {strides = array<i32>} : memref<18352xi32, #tpu.memory_space<vmem>>, vector<16xi32>,
        %jit3A = arith.constant 0 : i32
        %broadcast_in_dim3A_1446 = vector.broadcast %jit3A : i32 to vector<16xi32>
        %select_n3A = arith.select %lt3A_1443, %get3A_1445, %broadcast_in_dim3A_1446 : vector<16xi1>, vector<16xi32>
        %get3A_1447 = arith.index_cast %mul3A_1441 : i32 to index
        %get3A_1448 = tpu.vector_load %arg21[%get3A_1447] {strides = array<i32>} : memref<18352xi32, #tpu.memory_space<vmem>>, vector<16xi32>,
        %jit3A_1449 = arith.constant 0 : i32
        %broadcast_in_dim3A_1450 = vector.broadcast %jit3A_1449 : i32 to vector<16xi32>
        %select_n3A_1451 = arith.select %lt3A_1443, %get3A_1448, %broadcast_in_dim3A_1450 : vector<16xi1>, vector<16xi32>
        %gather3A_1452 = tpu.vector_load_idx %arg13[%select_n3A] : memref<208xf32, #tpu.memory_space<vmem>>[vector<16xi32>], vector<16xf32>,
        %gather3A_1453 = tpu.vector_load_idx %arg14[%select_n3A] : memref<208xf32, #tpu.memory_space<vmem>>[vector<16xi32>], vector<16xf32>,
        %gather3A_1454 = tpu.vector_load_idx %arg15[%select_n3A] : memref<208xf32, #tpu.memory_space<vmem>>[vector<16xi32>], vector<16xf32>,
        %gather3A_1455 = tpu.vector_load_idx %arg17[%select_n3A] : memref<208xf32, #tpu.memory_space<vmem>>[vector<16xi32>], vector<16xf32>,
        %gather3A_1456 = tpu.vector_load_idx %arg18[%select_n3A] : memref<208xf32, #tpu.memory_space<vmem>>[vector<16xi32>], vector<16xf32>,
        %gather3A_1457 = tpu.vector_load_idx %arg19[%select_n3A] : memref<208xi32, #tpu.memory_space<vmem>>[vector<16xi32>], vector<16xi32>,
        %gather3A_1458 = tpu.vector_load_idx %arg13[%select_n3A_1451] : memref<208xf32, #tpu.memory_space<vmem>>[vector<16xi32>], vector<16xf32>,
        %gather3A_1459 = tpu.vector_load_idx %arg14[%select_n3A_1451] : memref<208xf32, #tpu.memory_space<vmem>>[vector<16xi32>], vector<16xf32>,
        %gather3A_1460 = tpu.vector_load_idx %arg15[%select_n3A_1451] : memref<208xf32, #tpu.memory_space<vmem>>[vector<16xi32>], vector<16xf32>,
        %gather3A_1461 = tpu.vector_load_idx %arg17[%select_n3A_1451] : memref<208xf32, #tpu.memory_space<vmem>>[vector<16xi32>], vector<16xf32>,
        %gather3A_1462 = tpu.vector_load_idx %arg18[%select_n3A_1451] : memref<208xf32, #tpu.memory_space<vmem>>[vector<16xi32>], vector<16xf32>,
        %gather3A_1463 = tpu.vector_load_idx %arg19[%select_n3A_1451] : memref<208xi32, #tpu.memory_space<vmem>>[vector<16xi32>], vector<16xi32>,
        %mul3A_1464 = arith.mulf %gather3A_1452, %gather3A_1458 : vector<16xf32>
        %mul3A_1465 = arith.mulf %gather3A_1453, %gather3A_1459 : vector<16xf32>
        %add3A_1466 = arith.addf %mul3A_1464, %mul3A_1465 : vector<16xf32>
        %mul3A_1467 = arith.mulf %gather3A_1454, %gather3A_1460 : vector<16xf32>
        %add3A_1468 = arith.addf %add3A_1466, %mul3A_1467 : vector<16xf32>
        %mul3A_1469 = arith.constant 0.949999988 : f32
        %mul3A_1470 = vector.broadcast %mul3A_1469 : f32 to vector<16xf32>
        %mul3A_1471 = arith.mulf %mul3A_1470, %add3A_1468 : vector<16xf32>
        %mul3A_1472 = arith.mulf %mul3A_1471, %mul3A_1471 : vector<16xf32>
        %sub3A_1473 = arith.constant 1.000000e+00 : f32
        %sub3A_1474 = vector.broadcast %sub3A_1473 : f32 to vector<16xf32>
        %sub3A_1475 = arith.subf %sub3A_1474, %mul3A_1472 : vector<16xf32>
        %bitcast3A = vector.bitcast %sub3A_1475 : vector<16xf32> to vector<16xi32>
        %shift_right_arithmetic3A_1476 = arith.constant 1 : i32
        %shift_right_arithmetic3A_1477 = vector.broadcast %shift_right_arithmetic3A_1476 : i32 to vector<16xi32>
        %shift_right_arithmetic3A_1478 = arith.shrsi %bitcast3A, %shift_right_arithmetic3A_1477 : vector<16xi32>
        %sub3A_1479 = arith.constant 1597463007 : i32
        %sub3A_1480 = vector.broadcast %sub3A_1479 : i32 to vector<16xi32>
        %sub3A_1481 = arith.subi %sub3A_1480, %shift_right_arithmetic3A_1478 : vector<16xi32>
        %bitcast3A_1482 = vector.bitcast %sub3A_1481 : vector<16xi32> to vector<16xf32>
        %mul3A_1483 = arith.constant 5.000000e-01 : f32
        %mul3A_1484 = vector.broadcast %mul3A_1483 : f32 to vector<16xf32>
        %mul3A_1485 = arith.mulf %mul3A_1484, %sub3A_1475 : vector<16xf32>
        %mul3A_1486 = arith.mulf %mul3A_1485, %bitcast3A_1482 : vector<16xf32>
        %mul3A_1487 = arith.mulf %mul3A_1486, %bitcast3A_1482 : vector<16xf32>
        %sub3A_1488 = arith.constant 1.500000e+00 : f32
        %sub3A_1489 = vector.broadcast %sub3A_1488 : f32 to vector<16xf32>
        %sub3A_1490 = arith.subf %sub3A_1489, %mul3A_1487 : vector<16xf32>
        %mul3A_1491 = arith.mulf %bitcast3A_1482, %sub3A_1490 : vector<16xf32>
        %mul3A_1492 = arith.constant 5.000000e-01 : f32
        %mul3A_1493 = vector.broadcast %mul3A_1492 : f32 to vector<16xf32>
        %mul3A_1494 = arith.mulf %mul3A_1493, %sub3A_1475 : vector<16xf32>
        %mul3A_1495 = arith.mulf %mul3A_1494, %mul3A_1491 : vector<16xf32>
        %mul3A_1496 = arith.mulf %mul3A_1495, %mul3A_1491 : vector<16xf32>
        %sub3A_1497 = arith.constant 1.500000e+00 : f32
        %sub3A_1498 = vector.broadcast %sub3A_1497 : f32 to vector<16xf32>
        %sub3A_1499 = arith.subf %sub3A_1498, %mul3A_1496 : vector<16xf32>
        %mul3A_1500 = arith.mulf %mul3A_1491, %sub3A_1499 : vector<16xf32>
        %mul3A_1501 = arith.constant 5.000000e-01 : f32
        %mul3A_1502 = vector.broadcast %mul3A_1501 : f32 to vector<16xf32>
        %mul3A_1503 = arith.mulf %mul3A_1502, %sub3A_1475 : vector<16xf32>
        %mul3A_1504 = arith.mulf %mul3A_1503, %mul3A_1500 : vector<16xf32>
        %mul3A_1505 = arith.mulf %mul3A_1504, %mul3A_1500 : vector<16xf32>
        %sub3A_1506 = arith.constant 1.500000e+00 : f32
        %sub3A_1507 = vector.broadcast %sub3A_1506 : f32 to vector<16xf32>
        %sub3A_1508 = arith.subf %sub3A_1507, %mul3A_1505 : vector<16xf32>
        %mul3A_1509 = arith.mulf %mul3A_1500, %sub3A_1508 : vector<16xf32>
        %mul3A_1510 = arith.mulf %sub3A_1475, %mul3A_1509 : vector<16xf32>
        %add3A_1511 = arith.addf %gather3A_1455, %gather3A_1461 : vector<16xf32>
        %mul3A_1512 = arith.constant 5.000000e-01 : f32
        %mul3A_1513 = vector.broadcast %mul3A_1512 : f32 to vector<16xf32>
        %mul3A_1514 = arith.mulf %mul3A_1513, %add3A_1511 : vector<16xf32>
        %mul3A_1515 = arith.constant 2.000000e+00 : f32
        %mul3A_1516 = vector.broadcast %mul3A_1515 : f32 to vector<16xf32>
        %mul3A_1517 = arith.mulf %mul3A_1516, %gather3A_1456 : vector<16xf32>
        %mul3A_1518 = arith.mulf %mul3A_1517, %gather3A_1462 : vector<16xf32>
        %min3A = arith.minsi %gather3A_1457, %gather3A_1463 : vector<16xi32>
        %max3A_1519 = arith.maxsi %gather3A_1457, %gather3A_1463 : vector<16xi32>
        %sub3A_1520 = arith.constant 9 : i32
        %sub3A_1521 = vector.broadcast %sub3A_1520 : i32 to vector<16xi32>
        %sub3A_1522 = arith.subi %sub3A_1521, %min3A : vector<16xi32>
        %mul3A_1523 = arith.muli %min3A, %sub3A_1522 : vector<16xi32>
        %shift_right_arithmetic3A_1524 = arith.constant 1 : i32
        %shift_right_arithmetic3A_1525 = vector.broadcast %shift_right_arithmetic3A_1524 : i32 to vector<16xi32>
        %shift_right_arithmetic3A_1526 = arith.shrsi %mul3A_1523, %shift_right_arithmetic3A_1525 : vector<16xi32>
        %sub3A_1527 = arith.subi %max3A_1519, %min3A : vector<16xi32>
        %add3A_1528 = arith.addi %shift_right_arithmetic3A_1526, %sub3A_1527 : vector<16xi32>
        %add3A_1529 = arith.constant 64 : i32
        %add3A_1530 = arith.addi %mul3A_726, %add3A_1529 : i32
        %mul3A_1531 = arith.constant 32 : i32
        %mul3A_1532 = vector.broadcast %mul3A_1531 : i32 to vector<16xi32>
        %mul3A_1533 = arith.muli %add3A_1528, %mul3A_1532 : vector<16xi32>
        %add3A_1534 = vector.broadcast %add3A_1530 : i32 to vector<16xi32>
        %add3A_1535 = arith.addi %add3A_1534, %mul3A_1533 : vector<16xi32>
        %sub3A_1536 = arith.constant 0.899999976 : f32
        %sub3A_1537 = vector.broadcast %sub3A_1536 : f32 to vector<16xf32>
        %sub3A_1538 = arith.subf %mul3A_1514, %sub3A_1537 : vector<16xf32>
        %mul3A_1539 = arith.constant -8.000000e+00 : f32
        %mul3A_1540 = vector.broadcast %mul3A_1539 : f32 to vector<16xf32>
        %mul3A_1541 = arith.mulf %mul3A_1540, %sub3A_1538 : vector<16xf32>
        %mul3A_1542 = arith.mulf %mul3A_1541, %sub3A_1538 : vector<16xf32>
        %exp3A = math.exp %mul3A_1542 : vector<16xf32>
        %mul3A_1543 = arith.mulf %mul3A_1518, %exp3A : vector<16xf32>
        %sub3A_1544 = arith.constant 1.550000e+00 : f32
        %sub3A_1545 = vector.broadcast %sub3A_1544 : f32 to vector<16xf32>
        %sub3A_1546 = arith.subf %mul3A_1514, %sub3A_1545 : vector<16xf32>
        %mul3A_1547 = arith.constant -8.000000e+00 : f32
        %mul3A_1548 = vector.broadcast %mul3A_1547 : f32 to vector<16xf32>
        %mul3A_1549 = arith.mulf %mul3A_1548, %sub3A_1546 : vector<16xf32>
        %mul3A_1550 = arith.mulf %mul3A_1549, %sub3A_1546 : vector<16xf32>
        %exp3A_1551 = math.exp %mul3A_1550 : vector<16xf32>
        %mul3A_1552 = arith.mulf %mul3A_1518, %exp3A_1551 : vector<16xf32>
        %sub3A_1553 = arith.constant 2.200000e+00 : f32
        %sub3A_1554 = vector.broadcast %sub3A_1553 : f32 to vector<16xf32>
        %sub3A_1555 = arith.subf %mul3A_1514, %sub3A_1554 : vector<16xf32>
        %mul3A_1556 = arith.constant -8.000000e+00 : f32
        %mul3A_1557 = vector.broadcast %mul3A_1556 : f32 to vector<16xf32>
        %mul3A_1558 = arith.mulf %mul3A_1557, %sub3A_1555 : vector<16xf32>
        %mul3A_1559 = arith.mulf %mul3A_1558, %sub3A_1555 : vector<16xf32>
        %exp3A_1560 = math.exp %mul3A_1559 : vector<16xf32>
        %mul3A_1561 = arith.mulf %mul3A_1518, %exp3A_1560 : vector<16xf32>
        %sub3A_1562 = arith.constant 2.850000e+00 : f32
        %sub3A_1563 = vector.broadcast %sub3A_1562 : f32 to vector<16xf32>
        %sub3A_1564 = arith.subf %mul3A_1514, %sub3A_1563 : vector<16xf32>
        %mul3A_1565 = arith.constant -8.000000e+00 : f32
        %mul3A_1566 = vector.broadcast %mul3A_1565 : f32 to vector<16xf32>
        %mul3A_1567 = arith.mulf %mul3A_1566, %sub3A_1564 : vector<16xf32>
        %mul3A_1568 = arith.mulf %mul3A_1567, %sub3A_1564 : vector<16xf32>
        %exp3A_1569 = math.exp %mul3A_1568 : vector<16xf32>
        %mul3A_1570 = arith.mulf %mul3A_1518, %exp3A_1569 : vector<16xf32>
        %mul3A_1571 = arith.constant 0.98078531 : f32
        %mul3A_1572 = vector.broadcast %mul3A_1571 : f32 to vector<16xf32>
        %mul3A_1573 = arith.mulf %mul3A_1471, %mul3A_1572 : vector<16xf32>
        %add3A_1574 = arith.constant 1.000000e+00 : f32
        %add3A_1575 = vector.broadcast %add3A_1574 : f32 to vector<16xf32>
        %add3A_1576 = arith.addf %add3A_1575, %mul3A_1573 : vector<16xf32>
        %mul3A_1577 = arith.constant 0.195090324 : f32
        %mul3A_1578 = vector.broadcast %mul3A_1577 : f32 to vector<16xf32>
        %mul3A_1579 = arith.mulf %mul3A_1510, %mul3A_1578 : vector<16xf32>
        %add3A_1580 = arith.addf %add3A_1576, %mul3A_1579 : vector<16xf32>
        %mul3A_1581 = arith.constant 5.000000e-01 : f32
        %mul3A_1582 = vector.broadcast %mul3A_1581 : f32 to vector<16xf32>
        %mul3A_1583 = arith.mulf %mul3A_1582, %add3A_1580 : vector<16xf32>
        %mul3A_1584 = arith.mulf %mul3A_1583, %mul3A_1583 : vector<16xf32>
        %mul3A_1585 = arith.mulf %mul3A_1584, %mul3A_1584 : vector<16xf32>
        %mul3A_1586 = arith.mulf %mul3A_1585, %mul3A_1585 : vector<16xf32>
        %mul3A_1587 = arith.mulf %mul3A_1586, %mul3A_1586 : vector<16xf32>
        %mul3A_1588 = arith.mulf %mul3A_1587, %mul3A_1587 : vector<16xf32>
        %mul3A_1589 = arith.constant 0.831469595 : f32
        %mul3A_1590 = vector.broadcast %mul3A_1589 : f32 to vector<16xf32>
        %mul3A_1591 = arith.mulf %mul3A_1471, %mul3A_1590 : vector<16xf32>
        %add3A_1592 = arith.constant 1.000000e+00 : f32
        %add3A_1593 = vector.broadcast %add3A_1592 : f32 to vector<16xf32>
        %add3A_1594 = arith.addf %add3A_1593, %mul3A_1591 : vector<16xf32>
        %mul3A_1595 = arith.constant 0.555570245 : f32
        %mul3A_1596 = vector.broadcast %mul3A_1595 : f32 to vector<16xf32>
        %mul3A_1597 = arith.mulf %mul3A_1510, %mul3A_1596 : vector<16xf32>
        %add3A_1598 = arith.addf %add3A_1594, %mul3A_1597 : vector<16xf32>
        %mul3A_1599 = arith.constant 5.000000e-01 : f32
        %mul3A_1600 = vector.broadcast %mul3A_1599 : f32 to vector<16xf32>
        %mul3A_1601 = arith.mulf %mul3A_1600, %add3A_1598 : vector<16xf32>
        %mul3A_1602 = arith.mulf %mul3A_1601, %mul3A_1601 : vector<16xf32>
        %mul3A_1603 = arith.mulf %mul3A_1602, %mul3A_1602 : vector<16xf32>
        %mul3A_1604 = arith.mulf %mul3A_1603, %mul3A_1603 : vector<16xf32>
        %mul3A_1605 = arith.mulf %mul3A_1604, %mul3A_1604 : vector<16xf32>
        %mul3A_1606 = arith.mulf %mul3A_1605, %mul3A_1605 : vector<16xf32>
        %mul3A_1607 = arith.constant 0.555570245 : f32
        %mul3A_1608 = vector.broadcast %mul3A_1607 : f32 to vector<16xf32>
        %mul3A_1609 = arith.mulf %mul3A_1471, %mul3A_1608 : vector<16xf32>
        %add3A_1610 = arith.constant 1.000000e+00 : f32
        %add3A_1611 = vector.broadcast %add3A_1610 : f32 to vector<16xf32>
        %add3A_1612 = arith.addf %add3A_1611, %mul3A_1609 : vector<16xf32>
        %mul3A_1613 = arith.constant 0.831469595 : f32
        %mul3A_1614 = vector.broadcast %mul3A_1613 : f32 to vector<16xf32>
        %mul3A_1615 = arith.mulf %mul3A_1510, %mul3A_1614 : vector<16xf32>
        %add3A_1616 = arith.addf %add3A_1612, %mul3A_1615 : vector<16xf32>
        %mul3A_1617 = arith.constant 5.000000e-01 : f32
        %mul3A_1618 = vector.broadcast %mul3A_1617 : f32 to vector<16xf32>
        %mul3A_1619 = arith.mulf %mul3A_1618, %add3A_1616 : vector<16xf32>
        %mul3A_1620 = arith.mulf %mul3A_1619, %mul3A_1619 : vector<16xf32>
        %mul3A_1621 = arith.mulf %mul3A_1620, %mul3A_1620 : vector<16xf32>
        %mul3A_1622 = arith.mulf %mul3A_1621, %mul3A_1621 : vector<16xf32>
        %mul3A_1623 = arith.mulf %mul3A_1622, %mul3A_1622 : vector<16xf32>
        %mul3A_1624 = arith.mulf %mul3A_1623, %mul3A_1623 : vector<16xf32>
        %mul3A_1625 = arith.constant 0.195090309 : f32
        %mul3A_1626 = vector.broadcast %mul3A_1625 : f32 to vector<16xf32>
        %mul3A_1627 = arith.mulf %mul3A_1471, %mul3A_1626 : vector<16xf32>
        %add3A_1628 = arith.constant 1.000000e+00 : f32
        %add3A_1629 = vector.broadcast %add3A_1628 : f32 to vector<16xf32>
        %add3A_1630 = arith.addf %add3A_1629, %mul3A_1627 : vector<16xf32>
        %mul3A_1631 = arith.constant 0.98078531 : f32
        %mul3A_1632 = vector.broadcast %mul3A_1631 : f32 to vector<16xf32>
        %mul3A_1633 = arith.mulf %mul3A_1510, %mul3A_1632 : vector<16xf32>
        %add3A_1634 = arith.addf %add3A_1630, %mul3A_1633 : vector<16xf32>
        %mul3A_1635 = arith.constant 5.000000e-01 : f32
        %mul3A_1636 = vector.broadcast %mul3A_1635 : f32 to vector<16xf32>
        %mul3A_1637 = arith.mulf %mul3A_1636, %add3A_1634 : vector<16xf32>
        %mul3A_1638 = arith.mulf %mul3A_1637, %mul3A_1637 : vector<16xf32>
        %mul3A_1639 = arith.mulf %mul3A_1638, %mul3A_1638 : vector<16xf32>
        %mul3A_1640 = arith.mulf %mul3A_1639, %mul3A_1639 : vector<16xf32>
        %mul3A_1641 = arith.mulf %mul3A_1640, %mul3A_1640 : vector<16xf32>
        %mul3A_1642 = arith.mulf %mul3A_1641, %mul3A_1641 : vector<16xf32>
        %mul3A_1643 = arith.constant -0.195090353 : f32
        %mul3A_1644 = vector.broadcast %mul3A_1643 : f32 to vector<16xf32>
        %mul3A_1645 = arith.mulf %mul3A_1471, %mul3A_1644 : vector<16xf32>
        %add3A_1646 = arith.constant 1.000000e+00 : f32
        %add3A_1647 = vector.broadcast %add3A_1646 : f32 to vector<16xf32>
        %add3A_1648 = arith.addf %add3A_1647, %mul3A_1645 : vector<16xf32>
        %mul3A_1649 = arith.constant 0.98078525 : f32
        %mul3A_1650 = vector.broadcast %mul3A_1649 : f32 to vector<16xf32>
        %mul3A_1651 = arith.mulf %mul3A_1510, %mul3A_1650 : vector<16xf32>
        %add3A_1652 = arith.addf %add3A_1648, %mul3A_1651 : vector<16xf32>
        %mul3A_1653 = arith.constant 5.000000e-01 : f32
        %mul3A_1654 = vector.broadcast %mul3A_1653 : f32 to vector<16xf32>
        %mul3A_1655 = arith.mulf %mul3A_1654, %add3A_1652 : vector<16xf32>
        %mul3A_1656 = arith.mulf %mul3A_1655, %mul3A_1655 : vector<16xf32>
        %mul3A_1657 = arith.mulf %mul3A_1656, %mul3A_1656 : vector<16xf32>
        %mul3A_1658 = arith.mulf %mul3A_1657, %mul3A_1657 : vector<16xf32>
        %mul3A_1659 = arith.mulf %mul3A_1658, %mul3A_1658 : vector<16xf32>
        %mul3A_1660 = arith.mulf %mul3A_1659, %mul3A_1659 : vector<16xf32>
        %mul3A_1661 = arith.constant -0.555570185 : f32
        %mul3A_1662 = vector.broadcast %mul3A_1661 : f32 to vector<16xf32>
        %mul3A_1663 = arith.mulf %mul3A_1471, %mul3A_1662 : vector<16xf32>
        %add3A_1664 = arith.constant 1.000000e+00 : f32
        %add3A_1665 = vector.broadcast %add3A_1664 : f32 to vector<16xf32>
        %add3A_1666 = arith.addf %add3A_1665, %mul3A_1663 : vector<16xf32>
        %mul3A_1667 = arith.constant 0.831469655 : f32
        %mul3A_1668 = vector.broadcast %mul3A_1667 : f32 to vector<16xf32>
        %mul3A_1669 = arith.mulf %mul3A_1510, %mul3A_1668 : vector<16xf32>
        %add3A_1670 = arith.addf %add3A_1666, %mul3A_1669 : vector<16xf32>
        %mul3A_1671 = arith.constant 5.000000e-01 : f32
        %mul3A_1672 = vector.broadcast %mul3A_1671 : f32 to vector<16xf32>
        %mul3A_1673 = arith.mulf %mul3A_1672, %add3A_1670 : vector<16xf32>
        %mul3A_1674 = arith.mulf %mul3A_1673, %mul3A_1673 : vector<16xf32>
        %mul3A_1675 = arith.mulf %mul3A_1674, %mul3A_1674 : vector<16xf32>
        %mul3A_1676 = arith.mulf %mul3A_1675, %mul3A_1675 : vector<16xf32>
        %mul3A_1677 = arith.mulf %mul3A_1676, %mul3A_1676 : vector<16xf32>
        %mul3A_1678 = arith.mulf %mul3A_1677, %mul3A_1677 : vector<16xf32>
        %mul3A_1679 = arith.constant -0.831469595 : f32
        %mul3A_1680 = vector.broadcast %mul3A_1679 : f32 to vector<16xf32>
        %mul3A_1681 = arith.mulf %mul3A_1471, %mul3A_1680 : vector<16xf32>
        %add3A_1682 = arith.constant 1.000000e+00 : f32
        %add3A_1683 = vector.broadcast %add3A_1682 : f32 to vector<16xf32>
        %add3A_1684 = arith.addf %add3A_1683, %mul3A_1681 : vector<16xf32>
        %mul3A_1685 = arith.constant 0.555570245 : f32
        %mul3A_1686 = vector.broadcast %mul3A_1685 : f32 to vector<16xf32>
        %mul3A_1687 = arith.mulf %mul3A_1510, %mul3A_1686 : vector<16xf32>
        %add3A_1688 = arith.addf %add3A_1684, %mul3A_1687 : vector<16xf32>
        %mul3A_1689 = arith.constant 5.000000e-01 : f32
        %mul3A_1690 = vector.broadcast %mul3A_1689 : f32 to vector<16xf32>
        %mul3A_1691 = arith.mulf %mul3A_1690, %add3A_1688 : vector<16xf32>
        %mul3A_1692 = arith.mulf %mul3A_1691, %mul3A_1691 : vector<16xf32>
        %mul3A_1693 = arith.mulf %mul3A_1692, %mul3A_1692 : vector<16xf32>
        %mul3A_1694 = arith.mulf %mul3A_1693, %mul3A_1693 : vector<16xf32>
        %mul3A_1695 = arith.mulf %mul3A_1694, %mul3A_1694 : vector<16xf32>
        %mul3A_1696 = arith.mulf %mul3A_1695, %mul3A_1695 : vector<16xf32>
        %mul3A_1697 = arith.constant -0.98078525 : f32
        %mul3A_1698 = vector.broadcast %mul3A_1697 : f32 to vector<16xf32>
        %mul3A_1699 = arith.mulf %mul3A_1471, %mul3A_1698 : vector<16xf32>
        %add3A_1700 = arith.constant 1.000000e+00 : f32
        %add3A_1701 = vector.broadcast %add3A_1700 : f32 to vector<16xf32>
        %add3A_1702 = arith.addf %add3A_1701, %mul3A_1699 : vector<16xf32>
        %mul3A_1703 = arith.constant 0.195090339 : f32
        %mul3A_1704 = vector.broadcast %mul3A_1703 : f32 to vector<16xf32>
        %mul3A_1705 = arith.mulf %mul3A_1510, %mul3A_1704 : vector<16xf32>
        %add3A_1706 = arith.addf %add3A_1702, %mul3A_1705 : vector<16xf32>
        %mul3A_1707 = arith.constant 5.000000e-01 : f32
        %mul3A_1708 = vector.broadcast %mul3A_1707 : f32 to vector<16xf32>
        %mul3A_1709 = arith.mulf %mul3A_1708, %add3A_1706 : vector<16xf32>
        %mul3A_1710 = arith.mulf %mul3A_1709, %mul3A_1709 : vector<16xf32>
        %mul3A_1711 = arith.mulf %mul3A_1710, %mul3A_1710 : vector<16xf32>
        %mul3A_1712 = arith.mulf %mul3A_1711, %mul3A_1711 : vector<16xf32>
        %mul3A_1713 = arith.mulf %mul3A_1712, %mul3A_1712 : vector<16xf32>
        %mul3A_1714 = arith.mulf %mul3A_1713, %mul3A_1713 : vector<16xf32>
        %add3A_1715 = arith.constant 0 : i32
        %add3A_1716 = vector.broadcast %add3A_1715 : i32 to vector<16xi32>
        %add3A_1717 = arith.addi %add3A_1535, %add3A_1716 : vector<16xi32>
        %mul3A_1718 = arith.mulf %mul3A_1543, %mul3A_1588 : vector<16xf32>
        tpu.vector_store_idx %arg22[%add3A_1717], %mul3A_1718 masked %lt3A_1443 {add = true} : memref<2304xf32, #tpu.memory_space<vmem>>[vector<16xi32>], vector<16xf32>, vector<16xi1>
        %add3A_1719 = arith.constant 1 : i32
        %add3A_1720 = vector.broadcast %add3A_1719 : i32 to vector<16xi32>
        %add3A_1721 = arith.addi %add3A_1535, %add3A_1720 : vector<16xi32>
        %mul3A_1722 = arith.mulf %mul3A_1543, %mul3A_1606 : vector<16xf32>
        tpu.vector_store_idx %arg22[%add3A_1721], %mul3A_1722 masked %lt3A_1443 {add = true} : memref<2304xf32, #tpu.memory_space<vmem>>[vector<16xi32>], vector<16xf32>, vector<16xi1>
        %add3A_1723 = arith.constant 2 : i32
        %add3A_1724 = vector.broadcast %add3A_1723 : i32 to vector<16xi32>
        %add3A_1725 = arith.addi %add3A_1535, %add3A_1724 : vector<16xi32>
        %mul3A_1726 = arith.mulf %mul3A_1543, %mul3A_1624 : vector<16xf32>
        tpu.vector_store_idx %arg22[%add3A_1725], %mul3A_1726 masked %lt3A_1443 {add = true} : memref<2304xf32, #tpu.memory_space<vmem>>[vector<16xi32>], vector<16xf32>, vector<16xi1>
        %add3A_1727 = arith.constant 3 : i32
        %add3A_1728 = vector.broadcast %add3A_1727 : i32 to vector<16xi32>
        %add3A_1729 = arith.addi %add3A_1535, %add3A_1728 : vector<16xi32>
        %mul3A_1730 = arith.mulf %mul3A_1543, %mul3A_1642 : vector<16xf32>
        tpu.vector_store_idx %arg22[%add3A_1729], %mul3A_1730 masked %lt3A_1443 {add = true} : memref<2304xf32, #tpu.memory_space<vmem>>[vector<16xi32>], vector<16xf32>, vector<16xi1>
        %add3A_1731 = arith.constant 4 : i32
        %add3A_1732 = vector.broadcast %add3A_1731 : i32 to vector<16xi32>
        %add3A_1733 = arith.addi %add3A_1535, %add3A_1732 : vector<16xi32>
        %mul3A_1734 = arith.mulf %mul3A_1543, %mul3A_1660 : vector<16xf32>
        tpu.vector_store_idx %arg22[%add3A_1733], %mul3A_1734 masked %lt3A_1443 {add = true} : memref<2304xf32, #tpu.memory_space<vmem>>[vector<16xi32>], vector<16xf32>, vector<16xi1>
        %add3A_1735 = arith.constant 5 : i32
        %add3A_1736 = vector.broadcast %add3A_1735 : i32 to vector<16xi32>
        %add3A_1737 = arith.addi %add3A_1535, %add3A_1736 : vector<16xi32>
        %mul3A_1738 = arith.mulf %mul3A_1543, %mul3A_1678 : vector<16xf32>
        tpu.vector_store_idx %arg22[%add3A_1737], %mul3A_1738 masked %lt3A_1443 {add = true} : memref<2304xf32, #tpu.memory_space<vmem>>[vector<16xi32>], vector<16xf32>, vector<16xi1>
        %add3A_1739 = arith.constant 6 : i32
        %add3A_1740 = vector.broadcast %add3A_1739 : i32 to vector<16xi32>
        %add3A_1741 = arith.addi %add3A_1535, %add3A_1740 : vector<16xi32>
        %mul3A_1742 = arith.mulf %mul3A_1543, %mul3A_1696 : vector<16xf32>
        tpu.vector_store_idx %arg22[%add3A_1741], %mul3A_1742 masked %lt3A_1443 {add = true} : memref<2304xf32, #tpu.memory_space<vmem>>[vector<16xi32>], vector<16xf32>, vector<16xi1>
        %add3A_1743 = arith.constant 7 : i32
        %add3A_1744 = vector.broadcast %add3A_1743 : i32 to vector<16xi32>
        %add3A_1745 = arith.addi %add3A_1535, %add3A_1744 : vector<16xi32>
        %mul3A_1746 = arith.mulf %mul3A_1543, %mul3A_1714 : vector<16xf32>
        tpu.vector_store_idx %arg22[%add3A_1745], %mul3A_1746 masked %lt3A_1443 {add = true} : memref<2304xf32, #tpu.memory_space<vmem>>[vector<16xi32>], vector<16xf32>, vector<16xi1>
        %add3A_1747 = arith.constant 8 : i32
        %add3A_1748 = vector.broadcast %add3A_1747 : i32 to vector<16xi32>
        %add3A_1749 = arith.addi %add3A_1535, %add3A_1748 : vector<16xi32>
        %mul3A_1750 = arith.mulf %mul3A_1552, %mul3A_1588 : vector<16xf32>
        tpu.vector_store_idx %arg22[%add3A_1749], %mul3A_1750 masked %lt3A_1443 {add = true} : memref<2304xf32, #tpu.memory_space<vmem>>[vector<16xi32>], vector<16xf32>, vector<16xi1>
        %add3A_1751 = arith.constant 9 : i32
        %add3A_1752 = vector.broadcast %add3A_1751 : i32 to vector<16xi32>
        %add3A_1753 = arith.addi %add3A_1535, %add3A_1752 : vector<16xi32>
        %mul3A_1754 = arith.mulf %mul3A_1552, %mul3A_1606 : vector<16xf32>
        tpu.vector_store_idx %arg22[%add3A_1753], %mul3A_1754 masked %lt3A_1443 {add = true} : memref<2304xf32, #tpu.memory_space<vmem>>[vector<16xi32>], vector<16xf32>, vector<16xi1>
        %add3A_1755 = arith.constant 10 : i32
        %add3A_1756 = vector.broadcast %add3A_1755 : i32 to vector<16xi32>
        %add3A_1757 = arith.addi %add3A_1535, %add3A_1756 : vector<16xi32>
        %mul3A_1758 = arith.mulf %mul3A_1552, %mul3A_1624 : vector<16xf32>
        tpu.vector_store_idx %arg22[%add3A_1757], %mul3A_1758 masked %lt3A_1443 {add = true} : memref<2304xf32, #tpu.memory_space<vmem>>[vector<16xi32>], vector<16xf32>, vector<16xi1>
        %add3A_1759 = arith.constant 11 : i32
        %add3A_1760 = vector.broadcast %add3A_1759 : i32 to vector<16xi32>
        %add3A_1761 = arith.addi %add3A_1535, %add3A_1760 : vector<16xi32>
        %mul3A_1762 = arith.mulf %mul3A_1552, %mul3A_1642 : vector<16xf32>
        tpu.vector_store_idx %arg22[%add3A_1761], %mul3A_1762 masked %lt3A_1443 {add = true} : memref<2304xf32, #tpu.memory_space<vmem>>[vector<16xi32>], vector<16xf32>, vector<16xi1>
        %add3A_1763 = arith.constant 12 : i32
        %add3A_1764 = vector.broadcast %add3A_1763 : i32 to vector<16xi32>
        %add3A_1765 = arith.addi %add3A_1535, %add3A_1764 : vector<16xi32>
        %mul3A_1766 = arith.mulf %mul3A_1552, %mul3A_1660 : vector<16xf32>
        tpu.vector_store_idx %arg22[%add3A_1765], %mul3A_1766 masked %lt3A_1443 {add = true} : memref<2304xf32, #tpu.memory_space<vmem>>[vector<16xi32>], vector<16xf32>, vector<16xi1>
        %add3A_1767 = arith.constant 13 : i32
        %add3A_1768 = vector.broadcast %add3A_1767 : i32 to vector<16xi32>
        %add3A_1769 = arith.addi %add3A_1535, %add3A_1768 : vector<16xi32>
        %mul3A_1770 = arith.mulf %mul3A_1552, %mul3A_1678 : vector<16xf32>
        tpu.vector_store_idx %arg22[%add3A_1769], %mul3A_1770 masked %lt3A_1443 {add = true} : memref<2304xf32, #tpu.memory_space<vmem>>[vector<16xi32>], vector<16xf32>, vector<16xi1>
        %add3A_1771 = arith.constant 14 : i32
        %add3A_1772 = vector.broadcast %add3A_1771 : i32 to vector<16xi32>
        %add3A_1773 = arith.addi %add3A_1535, %add3A_1772 : vector<16xi32>
        %mul3A_1774 = arith.mulf %mul3A_1552, %mul3A_1696 : vector<16xf32>
        tpu.vector_store_idx %arg22[%add3A_1773], %mul3A_1774 masked %lt3A_1443 {add = true} : memref<2304xf32, #tpu.memory_space<vmem>>[vector<16xi32>], vector<16xf32>, vector<16xi1>
        %add3A_1775 = arith.constant 15 : i32
        %add3A_1776 = vector.broadcast %add3A_1775 : i32 to vector<16xi32>
        %add3A_1777 = arith.addi %add3A_1535, %add3A_1776 : vector<16xi32>
        %mul3A_1778 = arith.mulf %mul3A_1552, %mul3A_1714 : vector<16xf32>
        tpu.vector_store_idx %arg22[%add3A_1777], %mul3A_1778 masked %lt3A_1443 {add = true} : memref<2304xf32, #tpu.memory_space<vmem>>[vector<16xi32>], vector<16xf32>, vector<16xi1>
        %add3A_1779 = arith.constant 16 : i32
        %add3A_1780 = vector.broadcast %add3A_1779 : i32 to vector<16xi32>
        %add3A_1781 = arith.addi %add3A_1535, %add3A_1780 : vector<16xi32>
        %mul3A_1782 = arith.mulf %mul3A_1561, %mul3A_1588 : vector<16xf32>
        tpu.vector_store_idx %arg22[%add3A_1781], %mul3A_1782 masked %lt3A_1443 {add = true} : memref<2304xf32, #tpu.memory_space<vmem>>[vector<16xi32>], vector<16xf32>, vector<16xi1>
        %add3A_1783 = arith.constant 17 : i32
        %add3A_1784 = vector.broadcast %add3A_1783 : i32 to vector<16xi32>
        %add3A_1785 = arith.addi %add3A_1535, %add3A_1784 : vector<16xi32>
        %mul3A_1786 = arith.mulf %mul3A_1561, %mul3A_1606 : vector<16xf32>
        tpu.vector_store_idx %arg22[%add3A_1785], %mul3A_1786 masked %lt3A_1443 {add = true} : memref<2304xf32, #tpu.memory_space<vmem>>[vector<16xi32>], vector<16xf32>, vector<16xi1>
        %add3A_1787 = arith.constant 18 : i32
        %add3A_1788 = vector.broadcast %add3A_1787 : i32 to vector<16xi32>
        %add3A_1789 = arith.addi %add3A_1535, %add3A_1788 : vector<16xi32>
        %mul3A_1790 = arith.mulf %mul3A_1561, %mul3A_1624 : vector<16xf32>
        tpu.vector_store_idx %arg22[%add3A_1789], %mul3A_1790 masked %lt3A_1443 {add = true} : memref<2304xf32, #tpu.memory_space<vmem>>[vector<16xi32>], vector<16xf32>, vector<16xi1>
        %add3A_1791 = arith.constant 19 : i32
        %add3A_1792 = vector.broadcast %add3A_1791 : i32 to vector<16xi32>
        %add3A_1793 = arith.addi %add3A_1535, %add3A_1792 : vector<16xi32>
        %mul3A_1794 = arith.mulf %mul3A_1561, %mul3A_1642 : vector<16xf32>
        tpu.vector_store_idx %arg22[%add3A_1793], %mul3A_1794 masked %lt3A_1443 {add = true} : memref<2304xf32, #tpu.memory_space<vmem>>[vector<16xi32>], vector<16xf32>, vector<16xi1>
        %add3A_1795 = arith.constant 20 : i32
        %add3A_1796 = vector.broadcast %add3A_1795 : i32 to vector<16xi32>
        %add3A_1797 = arith.addi %add3A_1535, %add3A_1796 : vector<16xi32>
        %mul3A_1798 = arith.mulf %mul3A_1561, %mul3A_1660 : vector<16xf32>
        tpu.vector_store_idx %arg22[%add3A_1797], %mul3A_1798 masked %lt3A_1443 {add = true} : memref<2304xf32, #tpu.memory_space<vmem>>[vector<16xi32>], vector<16xf32>, vector<16xi1>
        %add3A_1799 = arith.constant 21 : i32
        %add3A_1800 = vector.broadcast %add3A_1799 : i32 to vector<16xi32>
        %add3A_1801 = arith.addi %add3A_1535, %add3A_1800 : vector<16xi32>
        %mul3A_1802 = arith.mulf %mul3A_1561, %mul3A_1678 : vector<16xf32>
        tpu.vector_store_idx %arg22[%add3A_1801], %mul3A_1802 masked %lt3A_1443 {add = true} : memref<2304xf32, #tpu.memory_space<vmem>>[vector<16xi32>], vector<16xf32>, vector<16xi1>
        %add3A_1803 = arith.constant 22 : i32
        %add3A_1804 = vector.broadcast %add3A_1803 : i32 to vector<16xi32>
        %add3A_1805 = arith.addi %add3A_1535, %add3A_1804 : vector<16xi32>
        %mul3A_1806 = arith.mulf %mul3A_1561, %mul3A_1696 : vector<16xf32>
        tpu.vector_store_idx %arg22[%add3A_1805], %mul3A_1806 masked %lt3A_1443 {add = true} : memref<2304xf32, #tpu.memory_space<vmem>>[vector<16xi32>], vector<16xf32>, vector<16xi1>
        %add3A_1807 = arith.constant 23 : i32
        %add3A_1808 = vector.broadcast %add3A_1807 : i32 to vector<16xi32>
        %add3A_1809 = arith.addi %add3A_1535, %add3A_1808 : vector<16xi32>
        %mul3A_1810 = arith.mulf %mul3A_1561, %mul3A_1714 : vector<16xf32>
        tpu.vector_store_idx %arg22[%add3A_1809], %mul3A_1810 masked %lt3A_1443 {add = true} : memref<2304xf32, #tpu.memory_space<vmem>>[vector<16xi32>], vector<16xf32>, vector<16xi1>
        %add3A_1811 = arith.constant 24 : i32
        %add3A_1812 = vector.broadcast %add3A_1811 : i32 to vector<16xi32>
        %add3A_1813 = arith.addi %add3A_1535, %add3A_1812 : vector<16xi32>
        %mul3A_1814 = arith.mulf %mul3A_1570, %mul3A_1588 : vector<16xf32>
        tpu.vector_store_idx %arg22[%add3A_1813], %mul3A_1814 masked %lt3A_1443 {add = true} : memref<2304xf32, #tpu.memory_space<vmem>>[vector<16xi32>], vector<16xf32>, vector<16xi1>
        %add3A_1815 = arith.constant 25 : i32
        %add3A_1816 = vector.broadcast %add3A_1815 : i32 to vector<16xi32>
        %add3A_1817 = arith.addi %add3A_1535, %add3A_1816 : vector<16xi32>
        %mul3A_1818 = arith.mulf %mul3A_1570, %mul3A_1606 : vector<16xf32>
        tpu.vector_store_idx %arg22[%add3A_1817], %mul3A_1818 masked %lt3A_1443 {add = true} : memref<2304xf32, #tpu.memory_space<vmem>>[vector<16xi32>], vector<16xf32>, vector<16xi1>
        %add3A_1819 = arith.constant 26 : i32
        %add3A_1820 = vector.broadcast %add3A_1819 : i32 to vector<16xi32>
        %add3A_1821 = arith.addi %add3A_1535, %add3A_1820 : vector<16xi32>
        %mul3A_1822 = arith.mulf %mul3A_1570, %mul3A_1624 : vector<16xf32>
        tpu.vector_store_idx %arg22[%add3A_1821], %mul3A_1822 masked %lt3A_1443 {add = true} : memref<2304xf32, #tpu.memory_space<vmem>>[vector<16xi32>], vector<16xf32>, vector<16xi1>
        %add3A_1823 = arith.constant 27 : i32
        %add3A_1824 = vector.broadcast %add3A_1823 : i32 to vector<16xi32>
        %add3A_1825 = arith.addi %add3A_1535, %add3A_1824 : vector<16xi32>
        %mul3A_1826 = arith.mulf %mul3A_1570, %mul3A_1642 : vector<16xf32>
        tpu.vector_store_idx %arg22[%add3A_1825], %mul3A_1826 masked %lt3A_1443 {add = true} : memref<2304xf32, #tpu.memory_space<vmem>>[vector<16xi32>], vector<16xf32>, vector<16xi1>
        %add3A_1827 = arith.constant 28 : i32
        %add3A_1828 = vector.broadcast %add3A_1827 : i32 to vector<16xi32>
        %add3A_1829 = arith.addi %add3A_1535, %add3A_1828 : vector<16xi32>
        %mul3A_1830 = arith.mulf %mul3A_1570, %mul3A_1660 : vector<16xf32>
        tpu.vector_store_idx %arg22[%add3A_1829], %mul3A_1830 masked %lt3A_1443 {add = true} : memref<2304xf32, #tpu.memory_space<vmem>>[vector<16xi32>], vector<16xf32>, vector<16xi1>
        %add3A_1831 = arith.constant 29 : i32
        %add3A_1832 = vector.broadcast %add3A_1831 : i32 to vector<16xi32>
        %add3A_1833 = arith.addi %add3A_1535, %add3A_1832 : vector<16xi32>
        %mul3A_1834 = arith.mulf %mul3A_1570, %mul3A_1678 : vector<16xf32>
        tpu.vector_store_idx %arg22[%add3A_1833], %mul3A_1834 masked %lt3A_1443 {add = true} : memref<2304xf32, #tpu.memory_space<vmem>>[vector<16xi32>], vector<16xf32>, vector<16xi1>
        %add3A_1835 = arith.constant 30 : i32
        %add3A_1836 = vector.broadcast %add3A_1835 : i32 to vector<16xi32>
        %add3A_1837 = arith.addi %add3A_1535, %add3A_1836 : vector<16xi32>
        %mul3A_1838 = arith.mulf %mul3A_1570, %mul3A_1696 : vector<16xf32>
        tpu.vector_store_idx %arg22[%add3A_1837], %mul3A_1838 masked %lt3A_1443 {add = true} : memref<2304xf32, #tpu.memory_space<vmem>>[vector<16xi32>], vector<16xf32>, vector<16xi1>
        %add3A_1839 = arith.constant 31 : i32
        %add3A_1840 = vector.broadcast %add3A_1839 : i32 to vector<16xi32>
        %add3A_1841 = arith.addi %add3A_1535, %add3A_1840 : vector<16xi32>
        %mul3A_1842 = arith.mulf %mul3A_1570, %mul3A_1714 : vector<16xf32>
        tpu.vector_store_idx %arg22[%add3A_1841], %mul3A_1842 masked %lt3A_1443 {add = true} : memref<2304xf32, #tpu.memory_space<vmem>>[vector<16xi32>], vector<16xf32>, vector<16xi1>
        %while3A_1843 = arith.constant 0 : i32
        scf.yield %while3A_1843 : i32
      }
      %while3A_1428 = arith.constant 1 : i32
      %while3A_1429 = scf.for %while3A_1438 = %while3A_1425 to %while3A_1421 step %while3A_1428 iter_args(%while3A_1439 = %while3A_1427) -> (i32)  : i32 {
        %mul3A_1440 = arith.constant 16 : i32
        %mul3A_1441 = arith.muli %while3A_1438, %mul3A_1440 : i32
        %sub3A_1442 = arith.subi %shift_right_arithmetic3A_1413, %mul3A_1441 : i32
        %lt3A = vector.broadcast %sub3A_1442 : i32 to vector<16xi32>
        %lt3A_1443 = arith.cmpi slt, %iota3A, %lt3A : vector<16xi32>
        %get3A_1444 = arith.index_cast %mul3A_1441 : i32 to index
        %get3A_1445 = tpu.vector_load %arg20[%get3A_1444] {strides = array<i32>} : memref<18352xi32, #tpu.memory_space<vmem>>, vector<16xi32>,
        %jit3A = arith.constant 0 : i32
        %broadcast_in_dim3A_1446 = vector.broadcast %jit3A : i32 to vector<16xi32>
        %select_n3A = arith.select %lt3A_1443, %get3A_1445, %broadcast_in_dim3A_1446 : vector<16xi1>, vector<16xi32>
        %get3A_1447 = arith.index_cast %mul3A_1441 : i32 to index
        %get3A_1448 = tpu.vector_load %arg21[%get3A_1447] {strides = array<i32>} : memref<18352xi32, #tpu.memory_space<vmem>>, vector<16xi32>,
        %jit3A_1449 = arith.constant 0 : i32
        %broadcast_in_dim3A_1450 = vector.broadcast %jit3A_1449 : i32 to vector<16xi32>
        %select_n3A_1451 = arith.select %lt3A_1443, %get3A_1448, %broadcast_in_dim3A_1450 : vector<16xi1>, vector<16xi32>
        %gather3A_1452 = tpu.vector_load_idx %arg13[%select_n3A] : memref<208xf32, #tpu.memory_space<vmem>>[vector<16xi32>], vector<16xf32>,
        %gather3A_1453 = tpu.vector_load_idx %arg14[%select_n3A] : memref<208xf32, #tpu.memory_space<vmem>>[vector<16xi32>], vector<16xf32>,
        %gather3A_1454 = tpu.vector_load_idx %arg15[%select_n3A] : memref<208xf32, #tpu.memory_space<vmem>>[vector<16xi32>], vector<16xf32>,
        %gather3A_1455 = tpu.vector_load_idx %arg17[%select_n3A] : memref<208xf32, #tpu.memory_space<vmem>>[vector<16xi32>], vector<16xf32>,
        %gather3A_1456 = tpu.vector_load_idx %arg18[%select_n3A] : memref<208xf32, #tpu.memory_space<vmem>>[vector<16xi32>], vector<16xf32>,
        %gather3A_1457 = tpu.vector_load_idx %arg19[%select_n3A] : memref<208xi32, #tpu.memory_space<vmem>>[vector<16xi32>], vector<16xi32>,
        %gather3A_1458 = tpu.vector_load_idx %arg13[%select_n3A_1451] : memref<208xf32, #tpu.memory_space<vmem>>[vector<16xi32>], vector<16xf32>,
        %gather3A_1459 = tpu.vector_load_idx %arg14[%select_n3A_1451] : memref<208xf32, #tpu.memory_space<vmem>>[vector<16xi32>], vector<16xf32>,
        %gather3A_1460 = tpu.vector_load_idx %arg15[%select_n3A_1451] : memref<208xf32, #tpu.memory_space<vmem>>[vector<16xi32>], vector<16xf32>,
        %gather3A_1461 = tpu.vector_load_idx %arg17[%select_n3A_1451] : memref<208xf32, #tpu.memory_space<vmem>>[vector<16xi32>], vector<16xf32>,
        %gather3A_1462 = tpu.vector_load_idx %arg18[%select_n3A_1451] : memref<208xf32, #tpu.memory_space<vmem>>[vector<16xi32>], vector<16xf32>,
        %gather3A_1463 = tpu.vector_load_idx %arg19[%select_n3A_1451] : memref<208xi32, #tpu.memory_space<vmem>>[vector<16xi32>], vector<16xi32>,
        %mul3A_1464 = arith.mulf %gather3A_1452, %gather3A_1458 : vector<16xf32>
        %mul3A_1465 = arith.mulf %gather3A_1453, %gather3A_1459 : vector<16xf32>
        %add3A_1466 = arith.addf %mul3A_1464, %mul3A_1465 : vector<16xf32>
        %mul3A_1467 = arith.mulf %gather3A_1454, %gather3A_1460 : vector<16xf32>
        %add3A_1468 = arith.addf %add3A_1466, %mul3A_1467 : vector<16xf32>
        %mul3A_1469 = arith.constant 0.949999988 : f32
        %mul3A_1470 = vector.broadcast %mul3A_1469 : f32 to vector<16xf32>
        %mul3A_1471 = arith.mulf %mul3A_1470, %add3A_1468 : vector<16xf32>
        %mul3A_1472 = arith.mulf %mul3A_1471, %mul3A_1471 : vector<16xf32>
        %sub3A_1473 = arith.constant 1.000000e+00 : f32
        %sub3A_1474 = vector.broadcast %sub3A_1473 : f32 to vector<16xf32>
        %sub3A_1475 = arith.subf %sub3A_1474, %mul3A_1472 : vector<16xf32>
        %bitcast3A = vector.bitcast %sub3A_1475 : vector<16xf32> to vector<16xi32>
        %shift_right_arithmetic3A_1476 = arith.constant 1 : i32
        %shift_right_arithmetic3A_1477 = vector.broadcast %shift_right_arithmetic3A_1476 : i32 to vector<16xi32>
        %shift_right_arithmetic3A_1478 = arith.shrsi %bitcast3A, %shift_right_arithmetic3A_1477 : vector<16xi32>
        %sub3A_1479 = arith.constant 1597463007 : i32
        %sub3A_1480 = vector.broadcast %sub3A_1479 : i32 to vector<16xi32>
        %sub3A_1481 = arith.subi %sub3A_1480, %shift_right_arithmetic3A_1478 : vector<16xi32>
        %bitcast3A_1482 = vector.bitcast %sub3A_1481 : vector<16xi32> to vector<16xf32>
        %mul3A_1483 = arith.constant 5.000000e-01 : f32
        %mul3A_1484 = vector.broadcast %mul3A_1483 : f32 to vector<16xf32>
        %mul3A_1485 = arith.mulf %mul3A_1484, %sub3A_1475 : vector<16xf32>
        %mul3A_1486 = arith.mulf %mul3A_1485, %bitcast3A_1482 : vector<16xf32>
        %mul3A_1487 = arith.mulf %mul3A_1486, %bitcast3A_1482 : vector<16xf32>
        %sub3A_1488 = arith.constant 1.500000e+00 : f32
        %sub3A_1489 = vector.broadcast %sub3A_1488 : f32 to vector<16xf32>
        %sub3A_1490 = arith.subf %sub3A_1489, %mul3A_1487 : vector<16xf32>
        %mul3A_1491 = arith.mulf %bitcast3A_1482, %sub3A_1490 : vector<16xf32>
        %mul3A_1492 = arith.constant 5.000000e-01 : f32
        %mul3A_1493 = vector.broadcast %mul3A_1492 : f32 to vector<16xf32>
        %mul3A_1494 = arith.mulf %mul3A_1493, %sub3A_1475 : vector<16xf32>
        %mul3A_1495 = arith.mulf %mul3A_1494, %mul3A_1491 : vector<16xf32>
        %mul3A_1496 = arith.mulf %mul3A_1495, %mul3A_1491 : vector<16xf32>
        %sub3A_1497 = arith.constant 1.500000e+00 : f32
        %sub3A_1498 = vector.broadcast %sub3A_1497 : f32 to vector<16xf32>
        %sub3A_1499 = arith.subf %sub3A_1498, %mul3A_1496 : vector<16xf32>
        %mul3A_1500 = arith.mulf %mul3A_1491, %sub3A_1499 : vector<16xf32>
        %mul3A_1501 = arith.constant 5.000000e-01 : f32
        %mul3A_1502 = vector.broadcast %mul3A_1501 : f32 to vector<16xf32>
        %mul3A_1503 = arith.mulf %mul3A_1502, %sub3A_1475 : vector<16xf32>
        %mul3A_1504 = arith.mulf %mul3A_1503, %mul3A_1500 : vector<16xf32>
        %mul3A_1505 = arith.mulf %mul3A_1504, %mul3A_1500 : vector<16xf32>
        %sub3A_1506 = arith.constant 1.500000e+00 : f32
        %sub3A_1507 = vector.broadcast %sub3A_1506 : f32 to vector<16xf32>
        %sub3A_1508 = arith.subf %sub3A_1507, %mul3A_1505 : vector<16xf32>
        %mul3A_1509 = arith.mulf %mul3A_1500, %sub3A_1508 : vector<16xf32>
        %mul3A_1510 = arith.mulf %sub3A_1475, %mul3A_1509 : vector<16xf32>
        %add3A_1511 = arith.addf %gather3A_1455, %gather3A_1461 : vector<16xf32>
        %mul3A_1512 = arith.constant 5.000000e-01 : f32
        %mul3A_1513 = vector.broadcast %mul3A_1512 : f32 to vector<16xf32>
        %mul3A_1514 = arith.mulf %mul3A_1513, %add3A_1511 : vector<16xf32>
        %mul3A_1515 = arith.constant 2.000000e+00 : f32
        %mul3A_1516 = vector.broadcast %mul3A_1515 : f32 to vector<16xf32>
        %mul3A_1517 = arith.mulf %mul3A_1516, %gather3A_1456 : vector<16xf32>
        %mul3A_1518 = arith.mulf %mul3A_1517, %gather3A_1462 : vector<16xf32>
        %min3A = arith.minsi %gather3A_1457, %gather3A_1463 : vector<16xi32>
        %max3A_1519 = arith.maxsi %gather3A_1457, %gather3A_1463 : vector<16xi32>
        %sub3A_1520 = arith.constant 9 : i32
        %sub3A_1521 = vector.broadcast %sub3A_1520 : i32 to vector<16xi32>
        %sub3A_1522 = arith.subi %sub3A_1521, %min3A : vector<16xi32>
        %mul3A_1523 = arith.muli %min3A, %sub3A_1522 : vector<16xi32>
        %shift_right_arithmetic3A_1524 = arith.constant 1 : i32
        %shift_right_arithmetic3A_1525 = vector.broadcast %shift_right_arithmetic3A_1524 : i32 to vector<16xi32>
        %shift_right_arithmetic3A_1526 = arith.shrsi %mul3A_1523, %shift_right_arithmetic3A_1525 : vector<16xi32>
        %sub3A_1527 = arith.subi %max3A_1519, %min3A : vector<16xi32>
        %add3A_1528 = arith.addi %shift_right_arithmetic3A_1526, %sub3A_1527 : vector<16xi32>
        %add3A_1529 = arith.constant 64 : i32
        %add3A_1530 = arith.addi %mul3A_726, %add3A_1529 : i32
        %mul3A_1531 = arith.constant 32 : i32
        %mul3A_1532 = vector.broadcast %mul3A_1531 : i32 to vector<16xi32>
        %mul3A_1533 = arith.muli %add3A_1528, %mul3A_1532 : vector<16xi32>
        %add3A_1534 = vector.broadcast %add3A_1530 : i32 to vector<16xi32>
        %add3A_1535 = arith.addi %add3A_1534, %mul3A_1533 : vector<16xi32>
        %sub3A_1536 = arith.constant 0.899999976 : f32
        %sub3A_1537 = vector.broadcast %sub3A_1536 : f32 to vector<16xf32>
        %sub3A_1538 = arith.subf %mul3A_1514, %sub3A_1537 : vector<16xf32>
        %mul3A_1539 = arith.constant -8.000000e+00 : f32
        %mul3A_1540 = vector.broadcast %mul3A_1539 : f32 to vector<16xf32>
        %mul3A_1541 = arith.mulf %mul3A_1540, %sub3A_1538 : vector<16xf32>
        %mul3A_1542 = arith.mulf %mul3A_1541, %sub3A_1538 : vector<16xf32>
        %exp3A = math.exp %mul3A_1542 : vector<16xf32>
        %mul3A_1543 = arith.mulf %mul3A_1518, %exp3A : vector<16xf32>
        %sub3A_1544 = arith.constant 1.550000e+00 : f32
        %sub3A_1545 = vector.broadcast %sub3A_1544 : f32 to vector<16xf32>
        %sub3A_1546 = arith.subf %mul3A_1514, %sub3A_1545 : vector<16xf32>
        %mul3A_1547 = arith.constant -8.000000e+00 : f32
        %mul3A_1548 = vector.broadcast %mul3A_1547 : f32 to vector<16xf32>
        %mul3A_1549 = arith.mulf %mul3A_1548, %sub3A_1546 : vector<16xf32>
        %mul3A_1550 = arith.mulf %mul3A_1549, %sub3A_1546 : vector<16xf32>
        %exp3A_1551 = math.exp %mul3A_1550 : vector<16xf32>
        %mul3A_1552 = arith.mulf %mul3A_1518, %exp3A_1551 : vector<16xf32>
        %sub3A_1553 = arith.constant 2.200000e+00 : f32
        %sub3A_1554 = vector.broadcast %sub3A_1553 : f32 to vector<16xf32>
        %sub3A_1555 = arith.subf %mul3A_1514, %sub3A_1554 : vector<16xf32>
        %mul3A_1556 = arith.constant -8.000000e+00 : f32
        %mul3A_1557 = vector.broadcast %mul3A_1556 : f32 to vector<16xf32>
        %mul3A_1558 = arith.mulf %mul3A_1557, %sub3A_1555 : vector<16xf32>
        %mul3A_1559 = arith.mulf %mul3A_1558, %sub3A_1555 : vector<16xf32>
        %exp3A_1560 = math.exp %mul3A_1559 : vector<16xf32>
        %mul3A_1561 = arith.mulf %mul3A_1518, %exp3A_1560 : vector<16xf32>
        %sub3A_1562 = arith.constant 2.850000e+00 : f32
        %sub3A_1563 = vector.broadcast %sub3A_1562 : f32 to vector<16xf32>
        %sub3A_1564 = arith.subf %mul3A_1514, %sub3A_1563 : vector<16xf32>
        %mul3A_1565 = arith.constant -8.000000e+00 : f32
        %mul3A_1566 = vector.broadcast %mul3A_1565 : f32 to vector<16xf32>
        %mul3A_1567 = arith.mulf %mul3A_1566, %sub3A_1564 : vector<16xf32>
        %mul3A_1568 = arith.mulf %mul3A_1567, %sub3A_1564 : vector<16xf32>
        %exp3A_1569 = math.exp %mul3A_1568 : vector<16xf32>
        %mul3A_1570 = arith.mulf %mul3A_1518, %exp3A_1569 : vector<16xf32>
        %mul3A_1571 = arith.constant 0.98078531 : f32
        %mul3A_1572 = vector.broadcast %mul3A_1571 : f32 to vector<16xf32>
        %mul3A_1573 = arith.mulf %mul3A_1471, %mul3A_1572 : vector<16xf32>
        %add3A_1574 = arith.constant 1.000000e+00 : f32
        %add3A_1575 = vector.broadcast %add3A_1574 : f32 to vector<16xf32>
        %add3A_1576 = arith.addf %add3A_1575, %mul3A_1573 : vector<16xf32>
        %mul3A_1577 = arith.constant 0.195090324 : f32
        %mul3A_1578 = vector.broadcast %mul3A_1577 : f32 to vector<16xf32>
        %mul3A_1579 = arith.mulf %mul3A_1510, %mul3A_1578 : vector<16xf32>
        %add3A_1580 = arith.addf %add3A_1576, %mul3A_1579 : vector<16xf32>
        %mul3A_1581 = arith.constant 5.000000e-01 : f32
        %mul3A_1582 = vector.broadcast %mul3A_1581 : f32 to vector<16xf32>
        %mul3A_1583 = arith.mulf %mul3A_1582, %add3A_1580 : vector<16xf32>
        %mul3A_1584 = arith.mulf %mul3A_1583, %mul3A_1583 : vector<16xf32>
        %mul3A_1585 = arith.mulf %mul3A_1584, %mul3A_1584 : vector<16xf32>
        %mul3A_1586 = arith.mulf %mul3A_1585, %mul3A_1585 : vector<16xf32>
        %mul3A_1587 = arith.mulf %mul3A_1586, %mul3A_1586 : vector<16xf32>
        %mul3A_1588 = arith.mulf %mul3A_1587, %mul3A_1587 : vector<16xf32>
        %mul3A_1589 = arith.constant 0.831469595 : f32
        %mul3A_1590 = vector.broadcast %mul3A_1589 : f32 to vector<16xf32>
        %mul3A_1591 = arith.mulf %mul3A_1471, %mul3A_1590 : vector<16xf32>
        %add3A_1592 = arith.constant 1.000000e+00 : f32
        %add3A_1593 = vector.broadcast %add3A_1592 : f32 to vector<16xf32>
        %add3A_1594 = arith.addf %add3A_1593, %mul3A_1591 : vector<16xf32>
        %mul3A_1595 = arith.constant 0.555570245 : f32
        %mul3A_1596 = vector.broadcast %mul3A_1595 : f32 to vector<16xf32>
        %mul3A_1597 = arith.mulf %mul3A_1510, %mul3A_1596 : vector<16xf32>
        %add3A_1598 = arith.addf %add3A_1594, %mul3A_1597 : vector<16xf32>
        %mul3A_1599 = arith.constant 5.000000e-01 : f32
        %mul3A_1600 = vector.broadcast %mul3A_1599 : f32 to vector<16xf32>
        %mul3A_1601 = arith.mulf %mul3A_1600, %add3A_1598 : vector<16xf32>
        %mul3A_1602 = arith.mulf %mul3A_1601, %mul3A_1601 : vector<16xf32>
        %mul3A_1603 = arith.mulf %mul3A_1602, %mul3A_1602 : vector<16xf32>
        %mul3A_1604 = arith.mulf %mul3A_1603, %mul3A_1603 : vector<16xf32>
        %mul3A_1605 = arith.mulf %mul3A_1604, %mul3A_1604 : vector<16xf32>
        %mul3A_1606 = arith.mulf %mul3A_1605, %mul3A_1605 : vector<16xf32>
        %mul3A_1607 = arith.constant 0.555570245 : f32
        %mul3A_1608 = vector.broadcast %mul3A_1607 : f32 to vector<16xf32>
        %mul3A_1609 = arith.mulf %mul3A_1471, %mul3A_1608 : vector<16xf32>
        %add3A_1610 = arith.constant 1.000000e+00 : f32
        %add3A_1611 = vector.broadcast %add3A_1610 : f32 to vector<16xf32>
        %add3A_1612 = arith.addf %add3A_1611, %mul3A_1609 : vector<16xf32>
        %mul3A_1613 = arith.constant 0.831469595 : f32
        %mul3A_1614 = vector.broadcast %mul3A_1613 : f32 to vector<16xf32>
        %mul3A_1615 = arith.mulf %mul3A_1510, %mul3A_1614 : vector<16xf32>
        %add3A_1616 = arith.addf %add3A_1612, %mul3A_1615 : vector<16xf32>
        %mul3A_1617 = arith.constant 5.000000e-01 : f32
        %mul3A_1618 = vector.broadcast %mul3A_1617 : f32 to vector<16xf32>
        %mul3A_1619 = arith.mulf %mul3A_1618, %add3A_1616 : vector<16xf32>
        %mul3A_1620 = arith.mulf %mul3A_1619, %mul3A_1619 : vector<16xf32>
        %mul3A_1621 = arith.mulf %mul3A_1620, %mul3A_1620 : vector<16xf32>
        %mul3A_1622 = arith.mulf %mul3A_1621, %mul3A_1621 : vector<16xf32>
        %mul3A_1623 = arith.mulf %mul3A_1622, %mul3A_1622 : vector<16xf32>
        %mul3A_1624 = arith.mulf %mul3A_1623, %mul3A_1623 : vector<16xf32>
        %mul3A_1625 = arith.constant 0.195090309 : f32
        %mul3A_1626 = vector.broadcast %mul3A_1625 : f32 to vector<16xf32>
        %mul3A_1627 = arith.mulf %mul3A_1471, %mul3A_1626 : vector<16xf32>
        %add3A_1628 = arith.constant 1.000000e+00 : f32
        %add3A_1629 = vector.broadcast %add3A_1628 : f32 to vector<16xf32>
        %add3A_1630 = arith.addf %add3A_1629, %mul3A_1627 : vector<16xf32>
        %mul3A_1631 = arith.constant 0.98078531 : f32
        %mul3A_1632 = vector.broadcast %mul3A_1631 : f32 to vector<16xf32>
        %mul3A_1633 = arith.mulf %mul3A_1510, %mul3A_1632 : vector<16xf32>
        %add3A_1634 = arith.addf %add3A_1630, %mul3A_1633 : vector<16xf32>
        %mul3A_1635 = arith.constant 5.000000e-01 : f32
        %mul3A_1636 = vector.broadcast %mul3A_1635 : f32 to vector<16xf32>
        %mul3A_1637 = arith.mulf %mul3A_1636, %add3A_1634 : vector<16xf32>
        %mul3A_1638 = arith.mulf %mul3A_1637, %mul3A_1637 : vector<16xf32>
        %mul3A_1639 = arith.mulf %mul3A_1638, %mul3A_1638 : vector<16xf32>
        %mul3A_1640 = arith.mulf %mul3A_1639, %mul3A_1639 : vector<16xf32>
        %mul3A_1641 = arith.mulf %mul3A_1640, %mul3A_1640 : vector<16xf32>
        %mul3A_1642 = arith.mulf %mul3A_1641, %mul3A_1641 : vector<16xf32>
        %mul3A_1643 = arith.constant -0.195090353 : f32
        %mul3A_1644 = vector.broadcast %mul3A_1643 : f32 to vector<16xf32>
        %mul3A_1645 = arith.mulf %mul3A_1471, %mul3A_1644 : vector<16xf32>
        %add3A_1646 = arith.constant 1.000000e+00 : f32
        %add3A_1647 = vector.broadcast %add3A_1646 : f32 to vector<16xf32>
        %add3A_1648 = arith.addf %add3A_1647, %mul3A_1645 : vector<16xf32>
        %mul3A_1649 = arith.constant 0.98078525 : f32
        %mul3A_1650 = vector.broadcast %mul3A_1649 : f32 to vector<16xf32>
        %mul3A_1651 = arith.mulf %mul3A_1510, %mul3A_1650 : vector<16xf32>
        %add3A_1652 = arith.addf %add3A_1648, %mul3A_1651 : vector<16xf32>
        %mul3A_1653 = arith.constant 5.000000e-01 : f32
        %mul3A_1654 = vector.broadcast %mul3A_1653 : f32 to vector<16xf32>
        %mul3A_1655 = arith.mulf %mul3A_1654, %add3A_1652 : vector<16xf32>
        %mul3A_1656 = arith.mulf %mul3A_1655, %mul3A_1655 : vector<16xf32>
        %mul3A_1657 = arith.mulf %mul3A_1656, %mul3A_1656 : vector<16xf32>
        %mul3A_1658 = arith.mulf %mul3A_1657, %mul3A_1657 : vector<16xf32>
        %mul3A_1659 = arith.mulf %mul3A_1658, %mul3A_1658 : vector<16xf32>
        %mul3A_1660 = arith.mulf %mul3A_1659, %mul3A_1659 : vector<16xf32>
        %mul3A_1661 = arith.constant -0.555570185 : f32
        %mul3A_1662 = vector.broadcast %mul3A_1661 : f32 to vector<16xf32>
        %mul3A_1663 = arith.mulf %mul3A_1471, %mul3A_1662 : vector<16xf32>
        %add3A_1664 = arith.constant 1.000000e+00 : f32
        %add3A_1665 = vector.broadcast %add3A_1664 : f32 to vector<16xf32>
        %add3A_1666 = arith.addf %add3A_1665, %mul3A_1663 : vector<16xf32>
        %mul3A_1667 = arith.constant 0.831469655 : f32
        %mul3A_1668 = vector.broadcast %mul3A_1667 : f32 to vector<16xf32>
        %mul3A_1669 = arith.mulf %mul3A_1510, %mul3A_1668 : vector<16xf32>
        %add3A_1670 = arith.addf %add3A_1666, %mul3A_1669 : vector<16xf32>
        %mul3A_1671 = arith.constant 5.000000e-01 : f32
        %mul3A_1672 = vector.broadcast %mul3A_1671 : f32 to vector<16xf32>
        %mul3A_1673 = arith.mulf %mul3A_1672, %add3A_1670 : vector<16xf32>
        %mul3A_1674 = arith.mulf %mul3A_1673, %mul3A_1673 : vector<16xf32>
        %mul3A_1675 = arith.mulf %mul3A_1674, %mul3A_1674 : vector<16xf32>
        %mul3A_1676 = arith.mulf %mul3A_1675, %mul3A_1675 : vector<16xf32>
        %mul3A_1677 = arith.mulf %mul3A_1676, %mul3A_1676 : vector<16xf32>
        %mul3A_1678 = arith.mulf %mul3A_1677, %mul3A_1677 : vector<16xf32>
        %mul3A_1679 = arith.constant -0.831469595 : f32
        %mul3A_1680 = vector.broadcast %mul3A_1679 : f32 to vector<16xf32>
        %mul3A_1681 = arith.mulf %mul3A_1471, %mul3A_1680 : vector<16xf32>
        %add3A_1682 = arith.constant 1.000000e+00 : f32
        %add3A_1683 = vector.broadcast %add3A_1682 : f32 to vector<16xf32>
        %add3A_1684 = arith.addf %add3A_1683, %mul3A_1681 : vector<16xf32>
        %mul3A_1685 = arith.constant 0.555570245 : f32
        %mul3A_1686 = vector.broadcast %mul3A_1685 : f32 to vector<16xf32>
        %mul3A_1687 = arith.mulf %mul3A_1510, %mul3A_1686 : vector<16xf32>
        %add3A_1688 = arith.addf %add3A_1684, %mul3A_1687 : vector<16xf32>
        %mul3A_1689 = arith.constant 5.000000e-01 : f32
        %mul3A_1690 = vector.broadcast %mul3A_1689 : f32 to vector<16xf32>
        %mul3A_1691 = arith.mulf %mul3A_1690, %add3A_1688 : vector<16xf32>
        %mul3A_1692 = arith.mulf %mul3A_1691, %mul3A_1691 : vector<16xf32>
        %mul3A_1693 = arith.mulf %mul3A_1692, %mul3A_1692 : vector<16xf32>
        %mul3A_1694 = arith.mulf %mul3A_1693, %mul3A_1693 : vector<16xf32>
        %mul3A_1695 = arith.mulf %mul3A_1694, %mul3A_1694 : vector<16xf32>
        %mul3A_1696 = arith.mulf %mul3A_1695, %mul3A_1695 : vector<16xf32>
        %mul3A_1697 = arith.constant -0.98078525 : f32
        %mul3A_1698 = vector.broadcast %mul3A_1697 : f32 to vector<16xf32>
        %mul3A_1699 = arith.mulf %mul3A_1471, %mul3A_1698 : vector<16xf32>
        %add3A_1700 = arith.constant 1.000000e+00 : f32
        %add3A_1701 = vector.broadcast %add3A_1700 : f32 to vector<16xf32>
        %add3A_1702 = arith.addf %add3A_1701, %mul3A_1699 : vector<16xf32>
        %mul3A_1703 = arith.constant 0.195090339 : f32
        %mul3A_1704 = vector.broadcast %mul3A_1703 : f32 to vector<16xf32>
        %mul3A_1705 = arith.mulf %mul3A_1510, %mul3A_1704 : vector<16xf32>
        %add3A_1706 = arith.addf %add3A_1702, %mul3A_1705 : vector<16xf32>
        %mul3A_1707 = arith.constant 5.000000e-01 : f32
        %mul3A_1708 = vector.broadcast %mul3A_1707 : f32 to vector<16xf32>
        %mul3A_1709 = arith.mulf %mul3A_1708, %add3A_1706 : vector<16xf32>
        %mul3A_1710 = arith.mulf %mul3A_1709, %mul3A_1709 : vector<16xf32>
        %mul3A_1711 = arith.mulf %mul3A_1710, %mul3A_1710 : vector<16xf32>
        %mul3A_1712 = arith.mulf %mul3A_1711, %mul3A_1711 : vector<16xf32>
        %mul3A_1713 = arith.mulf %mul3A_1712, %mul3A_1712 : vector<16xf32>
        %mul3A_1714 = arith.mulf %mul3A_1713, %mul3A_1713 : vector<16xf32>
        %add3A_1715 = arith.constant 0 : i32
        %add3A_1716 = vector.broadcast %add3A_1715 : i32 to vector<16xi32>
        %add3A_1717 = arith.addi %add3A_1535, %add3A_1716 : vector<16xi32>
        %mul3A_1718 = arith.mulf %mul3A_1543, %mul3A_1588 : vector<16xf32>
        tpu.vector_store_idx %arg22[%add3A_1717], %mul3A_1718 masked %lt3A_1443 {add = true} : memref<2304xf32, #tpu.memory_space<vmem>>[vector<16xi32>], vector<16xf32>, vector<16xi1>
        %add3A_1719 = arith.constant 1 : i32
        %add3A_1720 = vector.broadcast %add3A_1719 : i32 to vector<16xi32>
        %add3A_1721 = arith.addi %add3A_1535, %add3A_1720 : vector<16xi32>
        %mul3A_1722 = arith.mulf %mul3A_1543, %mul3A_1606 : vector<16xf32>
        tpu.vector_store_idx %arg22[%add3A_1721], %mul3A_1722 masked %lt3A_1443 {add = true} : memref<2304xf32, #tpu.memory_space<vmem>>[vector<16xi32>], vector<16xf32>, vector<16xi1>
        %add3A_1723 = arith.constant 2 : i32
        %add3A_1724 = vector.broadcast %add3A_1723 : i32 to vector<16xi32>
        %add3A_1725 = arith.addi %add3A_1535, %add3A_1724 : vector<16xi32>
        %mul3A_1726 = arith.mulf %mul3A_1543, %mul3A_1624 : vector<16xf32>
        tpu.vector_store_idx %arg22[%add3A_1725], %mul3A_1726 masked %lt3A_1443 {add = true} : memref<2304xf32, #tpu.memory_space<vmem>>[vector<16xi32>], vector<16xf32>, vector<16xi1>
        %add3A_1727 = arith.constant 3 : i32
        %add3A_1728 = vector.broadcast %add3A_1727 : i32 to vector<16xi32>
        %add3A_1729 = arith.addi %add3A_1535, %add3A_1728 : vector<16xi32>
        %mul3A_1730 = arith.mulf %mul3A_1543, %mul3A_1642 : vector<16xf32>
        tpu.vector_store_idx %arg22[%add3A_1729], %mul3A_1730 masked %lt3A_1443 {add = true} : memref<2304xf32, #tpu.memory_space<vmem>>[vector<16xi32>], vector<16xf32>, vector<16xi1>
        %add3A_1731 = arith.constant 4 : i32
        %add3A_1732 = vector.broadcast %add3A_1731 : i32 to vector<16xi32>
        %add3A_1733 = arith.addi %add3A_1535, %add3A_1732 : vector<16xi32>
        %mul3A_1734 = arith.mulf %mul3A_1543, %mul3A_1660 : vector<16xf32>
        tpu.vector_store_idx %arg22[%add3A_1733], %mul3A_1734 masked %lt3A_1443 {add = true} : memref<2304xf32, #tpu.memory_space<vmem>>[vector<16xi32>], vector<16xf32>, vector<16xi1>
        %add3A_1735 = arith.constant 5 : i32
        %add3A_1736 = vector.broadcast %add3A_1735 : i32 to vector<16xi32>
        %add3A_1737 = arith.addi %add3A_1535, %add3A_1736 : vector<16xi32>
        %mul3A_1738 = arith.mulf %mul3A_1543, %mul3A_1678 : vector<16xf32>
        tpu.vector_store_idx %arg22[%add3A_1737], %mul3A_1738 masked %lt3A_1443 {add = true} : memref<2304xf32, #tpu.memory_space<vmem>>[vector<16xi32>], vector<16xf32>, vector<16xi1>
        %add3A_1739 = arith.constant 6 : i32
        %add3A_1740 = vector.broadcast %add3A_1739 : i32 to vector<16xi32>
        %add3A_1741 = arith.addi %add3A_1535, %add3A_1740 : vector<16xi32>
        %mul3A_1742 = arith.mulf %mul3A_1543, %mul3A_1696 : vector<16xf32>
        tpu.vector_store_idx %arg22[%add3A_1741], %mul3A_1742 masked %lt3A_1443 {add = true} : memref<2304xf32, #tpu.memory_space<vmem>>[vector<16xi32>], vector<16xf32>, vector<16xi1>
        %add3A_1743 = arith.constant 7 : i32
        %add3A_1744 = vector.broadcast %add3A_1743 : i32 to vector<16xi32>
        %add3A_1745 = arith.addi %add3A_1535, %add3A_1744 : vector<16xi32>
        %mul3A_1746 = arith.mulf %mul3A_1543, %mul3A_1714 : vector<16xf32>
        tpu.vector_store_idx %arg22[%add3A_1745], %mul3A_1746 masked %lt3A_1443 {add = true} : memref<2304xf32, #tpu.memory_space<vmem>>[vector<16xi32>], vector<16xf32>, vector<16xi1>
        %add3A_1747 = arith.constant 8 : i32
        %add3A_1748 = vector.broadcast %add3A_1747 : i32 to vector<16xi32>
        %add3A_1749 = arith.addi %add3A_1535, %add3A_1748 : vector<16xi32>
        %mul3A_1750 = arith.mulf %mul3A_1552, %mul3A_1588 : vector<16xf32>
        tpu.vector_store_idx %arg22[%add3A_1749], %mul3A_1750 masked %lt3A_1443 {add = true} : memref<2304xf32, #tpu.memory_space<vmem>>[vector<16xi32>], vector<16xf32>, vector<16xi1>
        %add3A_1751 = arith.constant 9 : i32
        %add3A_1752 = vector.broadcast %add3A_1751 : i32 to vector<16xi32>
        %add3A_1753 = arith.addi %add3A_1535, %add3A_1752 : vector<16xi32>
        %mul3A_1754 = arith.mulf %mul3A_1552, %mul3A_1606 : vector<16xf32>
        tpu.vector_store_idx %arg22[%add3A_1753], %mul3A_1754 masked %lt3A_1443 {add = true} : memref<2304xf32, #tpu.memory_space<vmem>>[vector<16xi32>], vector<16xf32>, vector<16xi1>
        %add3A_1755 = arith.constant 10 : i32
        %add3A_1756 = vector.broadcast %add3A_1755 : i32 to vector<16xi32>
        %add3A_1757 = arith.addi %add3A_1535, %add3A_1756 : vector<16xi32>
        %mul3A_1758 = arith.mulf %mul3A_1552, %mul3A_1624 : vector<16xf32>
        tpu.vector_store_idx %arg22[%add3A_1757], %mul3A_1758 masked %lt3A_1443 {add = true} : memref<2304xf32, #tpu.memory_space<vmem>>[vector<16xi32>], vector<16xf32>, vector<16xi1>
        %add3A_1759 = arith.constant 11 : i32
        %add3A_1760 = vector.broadcast %add3A_1759 : i32 to vector<16xi32>
        %add3A_1761 = arith.addi %add3A_1535, %add3A_1760 : vector<16xi32>
        %mul3A_1762 = arith.mulf %mul3A_1552, %mul3A_1642 : vector<16xf32>
        tpu.vector_store_idx %arg22[%add3A_1761], %mul3A_1762 masked %lt3A_1443 {add = true} : memref<2304xf32, #tpu.memory_space<vmem>>[vector<16xi32>], vector<16xf32>, vector<16xi1>
        %add3A_1763 = arith.constant 12 : i32
        %add3A_1764 = vector.broadcast %add3A_1763 : i32 to vector<16xi32>
        %add3A_1765 = arith.addi %add3A_1535, %add3A_1764 : vector<16xi32>
        %mul3A_1766 = arith.mulf %mul3A_1552, %mul3A_1660 : vector<16xf32>
        tpu.vector_store_idx %arg22[%add3A_1765], %mul3A_1766 masked %lt3A_1443 {add = true} : memref<2304xf32, #tpu.memory_space<vmem>>[vector<16xi32>], vector<16xf32>, vector<16xi1>
        %add3A_1767 = arith.constant 13 : i32
        %add3A_1768 = vector.broadcast %add3A_1767 : i32 to vector<16xi32>
        %add3A_1769 = arith.addi %add3A_1535, %add3A_1768 : vector<16xi32>
        %mul3A_1770 = arith.mulf %mul3A_1552, %mul3A_1678 : vector<16xf32>
        tpu.vector_store_idx %arg22[%add3A_1769], %mul3A_1770 masked %lt3A_1443 {add = true} : memref<2304xf32, #tpu.memory_space<vmem>>[vector<16xi32>], vector<16xf32>, vector<16xi1>
        %add3A_1771 = arith.constant 14 : i32
        %add3A_1772 = vector.broadcast %add3A_1771 : i32 to vector<16xi32>
        %add3A_1773 = arith.addi %add3A_1535, %add3A_1772 : vector<16xi32>
        %mul3A_1774 = arith.mulf %mul3A_1552, %mul3A_1696 : vector<16xf32>
        tpu.vector_store_idx %arg22[%add3A_1773], %mul3A_1774 masked %lt3A_1443 {add = true} : memref<2304xf32, #tpu.memory_space<vmem>>[vector<16xi32>], vector<16xf32>, vector<16xi1>
        %add3A_1775 = arith.constant 15 : i32
        %add3A_1776 = vector.broadcast %add3A_1775 : i32 to vector<16xi32>
        %add3A_1777 = arith.addi %add3A_1535, %add3A_1776 : vector<16xi32>
        %mul3A_1778 = arith.mulf %mul3A_1552, %mul3A_1714 : vector<16xf32>
        tpu.vector_store_idx %arg22[%add3A_1777], %mul3A_1778 masked %lt3A_1443 {add = true} : memref<2304xf32, #tpu.memory_space<vmem>>[vector<16xi32>], vector<16xf32>, vector<16xi1>
        %add3A_1779 = arith.constant 16 : i32
        %add3A_1780 = vector.broadcast %add3A_1779 : i32 to vector<16xi32>
        %add3A_1781 = arith.addi %add3A_1535, %add3A_1780 : vector<16xi32>
        %mul3A_1782 = arith.mulf %mul3A_1561, %mul3A_1588 : vector<16xf32>
        tpu.vector_store_idx %arg22[%add3A_1781], %mul3A_1782 masked %lt3A_1443 {add = true} : memref<2304xf32, #tpu.memory_space<vmem>>[vector<16xi32>], vector<16xf32>, vector<16xi1>
        %add3A_1783 = arith.constant 17 : i32
        %add3A_1784 = vector.broadcast %add3A_1783 : i32 to vector<16xi32>
        %add3A_1785 = arith.addi %add3A_1535, %add3A_1784 : vector<16xi32>
        %mul3A_1786 = arith.mulf %mul3A_1561, %mul3A_1606 : vector<16xf32>
        tpu.vector_store_idx %arg22[%add3A_1785], %mul3A_1786 masked %lt3A_1443 {add = true} : memref<2304xf32, #tpu.memory_space<vmem>>[vector<16xi32>], vector<16xf32>, vector<16xi1>
        %add3A_1787 = arith.constant 18 : i32
        %add3A_1788 = vector.broadcast %add3A_1787 : i32 to vector<16xi32>
        %add3A_1789 = arith.addi %add3A_1535, %add3A_1788 : vector<16xi32>
        %mul3A_1790 = arith.mulf %mul3A_1561, %mul3A_1624 : vector<16xf32>
        tpu.vector_store_idx %arg22[%add3A_1789], %mul3A_1790 masked %lt3A_1443 {add = true} : memref<2304xf32, #tpu.memory_space<vmem>>[vector<16xi32>], vector<16xf32>, vector<16xi1>
        %add3A_1791 = arith.constant 19 : i32
        %add3A_1792 = vector.broadcast %add3A_1791 : i32 to vector<16xi32>
        %add3A_1793 = arith.addi %add3A_1535, %add3A_1792 : vector<16xi32>
        %mul3A_1794 = arith.mulf %mul3A_1561, %mul3A_1642 : vector<16xf32>
        tpu.vector_store_idx %arg22[%add3A_1793], %mul3A_1794 masked %lt3A_1443 {add = true} : memref<2304xf32, #tpu.memory_space<vmem>>[vector<16xi32>], vector<16xf32>, vector<16xi1>
        %add3A_1795 = arith.constant 20 : i32
        %add3A_1796 = vector.broadcast %add3A_1795 : i32 to vector<16xi32>
        %add3A_1797 = arith.addi %add3A_1535, %add3A_1796 : vector<16xi32>
        %mul3A_1798 = arith.mulf %mul3A_1561, %mul3A_1660 : vector<16xf32>
        tpu.vector_store_idx %arg22[%add3A_1797], %mul3A_1798 masked %lt3A_1443 {add = true} : memref<2304xf32, #tpu.memory_space<vmem>>[vector<16xi32>], vector<16xf32>, vector<16xi1>
        %add3A_1799 = arith.constant 21 : i32
        %add3A_1800 = vector.broadcast %add3A_1799 : i32 to vector<16xi32>
        %add3A_1801 = arith.addi %add3A_1535, %add3A_1800 : vector<16xi32>
        %mul3A_1802 = arith.mulf %mul3A_1561, %mul3A_1678 : vector<16xf32>
        tpu.vector_store_idx %arg22[%add3A_1801], %mul3A_1802 masked %lt3A_1443 {add = true} : memref<2304xf32, #tpu.memory_space<vmem>>[vector<16xi32>], vector<16xf32>, vector<16xi1>
        %add3A_1803 = arith.constant 22 : i32
        %add3A_1804 = vector.broadcast %add3A_1803 : i32 to vector<16xi32>
        %add3A_1805 = arith.addi %add3A_1535, %add3A_1804 : vector<16xi32>
        %mul3A_1806 = arith.mulf %mul3A_1561, %mul3A_1696 : vector<16xf32>
        tpu.vector_store_idx %arg22[%add3A_1805], %mul3A_1806 masked %lt3A_1443 {add = true} : memref<2304xf32, #tpu.memory_space<vmem>>[vector<16xi32>], vector<16xf32>, vector<16xi1>
        %add3A_1807 = arith.constant 23 : i32
        %add3A_1808 = vector.broadcast %add3A_1807 : i32 to vector<16xi32>
        %add3A_1809 = arith.addi %add3A_1535, %add3A_1808 : vector<16xi32>
        %mul3A_1810 = arith.mulf %mul3A_1561, %mul3A_1714 : vector<16xf32>
        tpu.vector_store_idx %arg22[%add3A_1809], %mul3A_1810 masked %lt3A_1443 {add = true} : memref<2304xf32, #tpu.memory_space<vmem>>[vector<16xi32>], vector<16xf32>, vector<16xi1>
        %add3A_1811 = arith.constant 24 : i32
        %add3A_1812 = vector.broadcast %add3A_1811 : i32 to vector<16xi32>
        %add3A_1813 = arith.addi %add3A_1535, %add3A_1812 : vector<16xi32>
        %mul3A_1814 = arith.mulf %mul3A_1570, %mul3A_1588 : vector<16xf32>
        tpu.vector_store_idx %arg22[%add3A_1813], %mul3A_1814 masked %lt3A_1443 {add = true} : memref<2304xf32, #tpu.memory_space<vmem>>[vector<16xi32>], vector<16xf32>, vector<16xi1>
        %add3A_1815 = arith.constant 25 : i32
        %add3A_1816 = vector.broadcast %add3A_1815 : i32 to vector<16xi32>
        %add3A_1817 = arith.addi %add3A_1535, %add3A_1816 : vector<16xi32>
        %mul3A_1818 = arith.mulf %mul3A_1570, %mul3A_1606 : vector<16xf32>
        tpu.vector_store_idx %arg22[%add3A_1817], %mul3A_1818 masked %lt3A_1443 {add = true} : memref<2304xf32, #tpu.memory_space<vmem>>[vector<16xi32>], vector<16xf32>, vector<16xi1>
        %add3A_1819 = arith.constant 26 : i32
        %add3A_1820 = vector.broadcast %add3A_1819 : i32 to vector<16xi32>
        %add3A_1821 = arith.addi %add3A_1535, %add3A_1820 : vector<16xi32>
        %mul3A_1822 = arith.mulf %mul3A_1570, %mul3A_1624 : vector<16xf32>
        tpu.vector_store_idx %arg22[%add3A_1821], %mul3A_1822 masked %lt3A_1443 {add = true} : memref<2304xf32, #tpu.memory_space<vmem>>[vector<16xi32>], vector<16xf32>, vector<16xi1>
        %add3A_1823 = arith.constant 27 : i32
        %add3A_1824 = vector.broadcast %add3A_1823 : i32 to vector<16xi32>
        %add3A_1825 = arith.addi %add3A_1535, %add3A_1824 : vector<16xi32>
        %mul3A_1826 = arith.mulf %mul3A_1570, %mul3A_1642 : vector<16xf32>
        tpu.vector_store_idx %arg22[%add3A_1825], %mul3A_1826 masked %lt3A_1443 {add = true} : memref<2304xf32, #tpu.memory_space<vmem>>[vector<16xi32>], vector<16xf32>, vector<16xi1>
        %add3A_1827 = arith.constant 28 : i32
        %add3A_1828 = vector.broadcast %add3A_1827 : i32 to vector<16xi32>
        %add3A_1829 = arith.addi %add3A_1535, %add3A_1828 : vector<16xi32>
        %mul3A_1830 = arith.mulf %mul3A_1570, %mul3A_1660 : vector<16xf32>
        tpu.vector_store_idx %arg22[%add3A_1829], %mul3A_1830 masked %lt3A_1443 {add = true} : memref<2304xf32, #tpu.memory_space<vmem>>[vector<16xi32>], vector<16xf32>, vector<16xi1>
        %add3A_1831 = arith.constant 29 : i32
        %add3A_1832 = vector.broadcast %add3A_1831 : i32 to vector<16xi32>
        %add3A_1833 = arith.addi %add3A_1535, %add3A_1832 : vector<16xi32>
        %mul3A_1834 = arith.mulf %mul3A_1570, %mul3A_1678 : vector<16xf32>
        tpu.vector_store_idx %arg22[%add3A_1833], %mul3A_1834 masked %lt3A_1443 {add = true} : memref<2304xf32, #tpu.memory_space<vmem>>[vector<16xi32>], vector<16xf32>, vector<16xi1>
        %add3A_1835 = arith.constant 30 : i32
        %add3A_1836 = vector.broadcast %add3A_1835 : i32 to vector<16xi32>
        %add3A_1837 = arith.addi %add3A_1535, %add3A_1836 : vector<16xi32>
        %mul3A_1838 = arith.mulf %mul3A_1570, %mul3A_1696 : vector<16xf32>
        tpu.vector_store_idx %arg22[%add3A_1837], %mul3A_1838 masked %lt3A_1443 {add = true} : memref<2304xf32, #tpu.memory_space<vmem>>[vector<16xi32>], vector<16xf32>, vector<16xi1>
        %add3A_1839 = arith.constant 31 : i32
        %add3A_1840 = vector.broadcast %add3A_1839 : i32 to vector<16xi32>
        %add3A_1841 = arith.addi %add3A_1535, %add3A_1840 : vector<16xi32>
        %mul3A_1842 = arith.mulf %mul3A_1570, %mul3A_1714 : vector<16xf32>
        tpu.vector_store_idx %arg22[%add3A_1841], %mul3A_1842 masked %lt3A_1443 {add = true} : memref<2304xf32, #tpu.memory_space<vmem>>[vector<16xi32>], vector<16xf32>, vector<16xi1>
        %while3A_1843 = arith.constant 0 : i32
        scf.yield %while3A_1843 : i32
      }
      %dma_start3A = arith.constant 0 : i32
      %dma_start3A_1430 = tpu.memref_slice %arg22[%mul3A_726] : memref<2304xf32, #tpu.memory_space<vmem>> -> memref<384xf32, #tpu.memory_space<vmem>>
      %dma_start3A_1431 = arith.constant 0 : i32
      %dma_start3A_1432 = tpu.memref_slice %arg4[%dma_start3A, %add3A_716, %dma_start3A_1431] : memref<1x192x384xf32, #tpu.memory_space<hbm>> -> memref<1x1x384xf32, #tpu.memory_space<hbm>>
      %dma_start3A_1433 = tpu.memref_squeeze %dma_start3A_1432 : memref<1x1x384xf32, #tpu.memory_space<hbm>> -> memref<384xf32, #tpu.memory_space<hbm>>
      %dma_start3A_1434 = arith.constant 0 : i32
      %dma_start3A_1435 = tpu.memref_slice %arg4[%dma_start3A, %add3A_716, %dma_start3A_1434] : memref<1x192x384xf32, #tpu.memory_space<hbm>> -> memref<1x1x384xf32, #tpu.memory_space<hbm>>
      %dma_start3A_1436 = tpu.memref_squeeze %dma_start3A_1435 : memref<1x1x384xf32, #tpu.memory_space<hbm>> -> memref<384xf32, #tpu.memory_space<hbm>>
      %dma_start3A_1437 = tpu.memref_slice %arg22[%mul3A_726] : memref<2304xf32, #tpu.memory_space<vmem>> -> memref<384xf32, #tpu.memory_space<vmem>>
      tpu.enqueue_dma source(%dma_start3A_1437 : memref<384xf32, #tpu.memory_space<vmem>>) target(%dma_start3A_1436 : memref<384xf32, #tpu.memory_space<hbm>>) target_semaphore(%arg23 : memref<!tpu.dma_semaphore, #tpu.memory_space<semaphore_mem>>)
      scf.yield %while3A_1408#0, %while3A_1408#2 : i32, i32
    }
    %scan3A_619 = arith.constant 6 : i32
    %eq3A = arith.constant 0 : i32
    %eq3A_620 = arith.cmpi eq, %add3A, %eq3A : i32
    %convert_element_type3A = arith.extui %eq3A_620 : i1 to i32
    %cond3A = arith.constant 0 : i32
    %cond3A_621 = arith.cmpi ne, %convert_element_type3A, %cond3A : i32
    scf.if %cond3A_621 {
      %run_scoped3A_711 = arith.constant 0 : i32
      "tpu.region"() ({
        %run_scoped3A_712 = tpu.sem_alloc : memref<!tpu.dma_semaphore, #tpu.memory_space<semaphore_mem>>
        %dma_start3A = arith.constant 0 : i32
        %dma_start3A_713 = tpu.memref_slice %arg5[%run_scoped3A_711, %dma_start3A] : memref<1x192xi32, #tpu.memory_space<hbm>> -> memref<1x192xi32, #tpu.memory_space<hbm>>
        %dma_start3A_714 = tpu.memref_squeeze %dma_start3A_713 : memref<1x192xi32, #tpu.memory_space<hbm>> -> memref<192xi32, #tpu.memory_space<hbm>>
        %dma_start3A_715 = arith.constant 0 : i32
        %dma_start3A_716 = tpu.memref_slice %arg5[%run_scoped3A_711, %dma_start3A_715] : memref<1x192xi32, #tpu.memory_space<hbm>> -> memref<1x192xi32, #tpu.memory_space<hbm>>
        %dma_start3A_717 = tpu.memref_squeeze %dma_start3A_716 : memref<1x192xi32, #tpu.memory_space<hbm>> -> memref<192xi32, #tpu.memory_space<hbm>>
        tpu.enqueue_dma source(%arg9 : memref<192xi32, #tpu.memory_space<vmem>>) target(%dma_start3A_717 : memref<192xi32, #tpu.memory_space<hbm>>) target_semaphore(%run_scoped3A_712 : memref<!tpu.dma_semaphore, #tpu.memory_space<semaphore_mem>>)
        %dma_wait3A_718 = arith.constant 0 : i32
        %dma_wait3A_719 = tpu.memref_slice %arg5[%run_scoped3A_711, %dma_wait3A_718] : memref<1x192xi32, #tpu.memory_space<hbm>> -> memref<1x192xi32, #tpu.memory_space<hbm>>
        %dma_wait3A_720 = tpu.memref_squeeze %dma_wait3A_719 : memref<1x192xi32, #tpu.memory_space<hbm>> -> memref<192xi32, #tpu.memory_space<hbm>>
        %dma_wait3A_721 = arith.constant 0 : i32
        %dma_wait3A_722 = tpu.memref_slice %arg5[%run_scoped3A_711, %dma_wait3A_721] : memref<1x192xi32, #tpu.memory_space<hbm>> -> memref<1x192xi32, #tpu.memory_space<hbm>>
        %dma_wait3A_723 = tpu.memref_squeeze %dma_wait3A_722 : memref<1x192xi32, #tpu.memory_space<hbm>> -> memref<192xi32, #tpu.memory_space<hbm>>
        tpu.wait_dma2 semaphore(%run_scoped3A_712 : memref<!tpu.dma_semaphore, #tpu.memory_space<semaphore_mem>>) src(%arg9 : memref<192xi32, #tpu.memory_space<vmem>>) dst(%dma_wait3A_723 : memref<192xi32, #tpu.memory_space<hbm>>)
        tpu.yield
      }) : () -> ()
    } else {
    }
    %mul3A_622 = arith.constant 6 : i32
    %mul3A_623 = arith.muli %add3A, %mul3A_622 : i32
    %add3A_624 = arith.constant 0 : i32
    %add3A_625 = arith.addi %mul3A_623, %add3A_624 : i32
    %dma_wait3A = arith.constant 0 : i32
    %dma_wait3A_626 = arith.constant 0 : i32
    %dma_wait3A_627 = tpu.memref_slice %arg22[%dma_wait3A_626] : memref<2304xf32, #tpu.memory_space<vmem>> -> memref<384xf32, #tpu.memory_space<vmem>>
    %dma_wait3A_628 = arith.constant 0 : i32
    %dma_wait3A_629 = tpu.memref_slice %arg4[%dma_wait3A, %add3A_625, %dma_wait3A_628] : memref<1x192x384xf32, #tpu.memory_space<hbm>> -> memref<1x1x384xf32, #tpu.memory_space<hbm>>
    %dma_wait3A_630 = tpu.memref_squeeze %dma_wait3A_629 : memref<1x1x384xf32, #tpu.memory_space<hbm>> -> memref<384xf32, #tpu.memory_space<hbm>>
    %dma_wait3A_631 = arith.constant 0 : i32
    %dma_wait3A_632 = tpu.memref_slice %arg4[%dma_wait3A, %add3A_625, %dma_wait3A_631] : memref<1x192x384xf32, #tpu.memory_space<hbm>> -> memref<1x1x384xf32, #tpu.memory_space<hbm>>
    %dma_wait3A_633 = tpu.memref_squeeze %dma_wait3A_632 : memref<1x1x384xf32, #tpu.memory_space<hbm>> -> memref<384xf32, #tpu.memory_space<hbm>>
    %dma_wait3A_634 = arith.constant 0 : i32
    %dma_wait3A_635 = tpu.memref_slice %arg22[%dma_wait3A_634] : memref<2304xf32, #tpu.memory_space<vmem>> -> memref<384xf32, #tpu.memory_space<vmem>>
    tpu.wait_dma2 semaphore(%arg23 : memref<!tpu.dma_semaphore, #tpu.memory_space<semaphore_mem>>) src(%dma_wait3A_635 : memref<384xf32, #tpu.memory_space<vmem>>) dst(%dma_wait3A_633 : memref<384xf32, #tpu.memory_space<hbm>>)
    %mul3A_636 = arith.constant 6 : i32
    %mul3A_637 = arith.muli %add3A, %mul3A_636 : i32
    %add3A_638 = arith.constant 1 : i32
    %add3A_639 = arith.addi %mul3A_637, %add3A_638 : i32
    %dma_wait3A_640 = arith.constant 0 : i32
    %dma_wait3A_641 = arith.constant 384 : i32
    %dma_wait3A_642 = tpu.memref_slice %arg22[%dma_wait3A_641] : memref<2304xf32, #tpu.memory_space<vmem>> -> memref<384xf32, #tpu.memory_space<vmem>>
    %dma_wait3A_643 = arith.constant 0 : i32
    %dma_wait3A_644 = tpu.memref_slice %arg4[%dma_wait3A_640, %add3A_639, %dma_wait3A_643] : memref<1x192x384xf32, #tpu.memory_space<hbm>> -> memref<1x1x384xf32, #tpu.memory_space<hbm>>
    %dma_wait3A_645 = tpu.memref_squeeze %dma_wait3A_644 : memref<1x1x384xf32, #tpu.memory_space<hbm>> -> memref<384xf32, #tpu.memory_space<hbm>>
    %dma_wait3A_646 = arith.constant 0 : i32
    %dma_wait3A_647 = tpu.memref_slice %arg4[%dma_wait3A_640, %add3A_639, %dma_wait3A_646] : memref<1x192x384xf32, #tpu.memory_space<hbm>> -> memref<1x1x384xf32, #tpu.memory_space<hbm>>
    %dma_wait3A_648 = tpu.memref_squeeze %dma_wait3A_647 : memref<1x1x384xf32, #tpu.memory_space<hbm>> -> memref<384xf32, #tpu.memory_space<hbm>>
    %dma_wait3A_649 = arith.constant 384 : i32
    %dma_wait3A_650 = tpu.memref_slice %arg22[%dma_wait3A_649] : memref<2304xf32, #tpu.memory_space<vmem>> -> memref<384xf32, #tpu.memory_space<vmem>>
    tpu.wait_dma2 semaphore(%arg23 : memref<!tpu.dma_semaphore, #tpu.memory_space<semaphore_mem>>) src(%dma_wait3A_650 : memref<384xf32, #tpu.memory_space<vmem>>) dst(%dma_wait3A_648 : memref<384xf32, #tpu.memory_space<hbm>>)
    %mul3A_651 = arith.constant 6 : i32
    %mul3A_652 = arith.muli %add3A, %mul3A_651 : i32
    %add3A_653 = arith.constant 2 : i32
    %add3A_654 = arith.addi %mul3A_652, %add3A_653 : i32
    %dma_wait3A_655 = arith.constant 0 : i32
    %dma_wait3A_656 = arith.constant 768 : i32
    %dma_wait3A_657 = tpu.memref_slice %arg22[%dma_wait3A_656] : memref<2304xf32, #tpu.memory_space<vmem>> -> memref<384xf32, #tpu.memory_space<vmem>>
    %dma_wait3A_658 = arith.constant 0 : i32
    %dma_wait3A_659 = tpu.memref_slice %arg4[%dma_wait3A_655, %add3A_654, %dma_wait3A_658] : memref<1x192x384xf32, #tpu.memory_space<hbm>> -> memref<1x1x384xf32, #tpu.memory_space<hbm>>
    %dma_wait3A_660 = tpu.memref_squeeze %dma_wait3A_659 : memref<1x1x384xf32, #tpu.memory_space<hbm>> -> memref<384xf32, #tpu.memory_space<hbm>>
    %dma_wait3A_661 = arith.constant 0 : i32
    %dma_wait3A_662 = tpu.memref_slice %arg4[%dma_wait3A_655, %add3A_654, %dma_wait3A_661] : memref<1x192x384xf32, #tpu.memory_space<hbm>> -> memref<1x1x384xf32, #tpu.memory_space<hbm>>
    %dma_wait3A_663 = tpu.memref_squeeze %dma_wait3A_662 : memref<1x1x384xf32, #tpu.memory_space<hbm>> -> memref<384xf32, #tpu.memory_space<hbm>>
    %dma_wait3A_664 = arith.constant 768 : i32
    %dma_wait3A_665 = tpu.memref_slice %arg22[%dma_wait3A_664] : memref<2304xf32, #tpu.memory_space<vmem>> -> memref<384xf32, #tpu.memory_space<vmem>>
    tpu.wait_dma2 semaphore(%arg23 : memref<!tpu.dma_semaphore, #tpu.memory_space<semaphore_mem>>) src(%dma_wait3A_665 : memref<384xf32, #tpu.memory_space<vmem>>) dst(%dma_wait3A_663 : memref<384xf32, #tpu.memory_space<hbm>>)
    %mul3A_666 = arith.constant 6 : i32
    %mul3A_667 = arith.muli %add3A, %mul3A_666 : i32
    %add3A_668 = arith.constant 3 : i32
    %add3A_669 = arith.addi %mul3A_667, %add3A_668 : i32
    %dma_wait3A_670 = arith.constant 0 : i32
    %dma_wait3A_671 = arith.constant 1152 : i32
    %dma_wait3A_672 = tpu.memref_slice %arg22[%dma_wait3A_671] : memref<2304xf32, #tpu.memory_space<vmem>> -> memref<384xf32, #tpu.memory_space<vmem>>
    %dma_wait3A_673 = arith.constant 0 : i32
    %dma_wait3A_674 = tpu.memref_slice %arg4[%dma_wait3A_670, %add3A_669, %dma_wait3A_673] : memref<1x192x384xf32, #tpu.memory_space<hbm>> -> memref<1x1x384xf32, #tpu.memory_space<hbm>>
    %dma_wait3A_675 = tpu.memref_squeeze %dma_wait3A_674 : memref<1x1x384xf32, #tpu.memory_space<hbm>> -> memref<384xf32, #tpu.memory_space<hbm>>
    %dma_wait3A_676 = arith.constant 0 : i32
    %dma_wait3A_677 = tpu.memref_slice %arg4[%dma_wait3A_670, %add3A_669, %dma_wait3A_676] : memref<1x192x384xf32, #tpu.memory_space<hbm>> -> memref<1x1x384xf32, #tpu.memory_space<hbm>>
    %dma_wait3A_678 = tpu.memref_squeeze %dma_wait3A_677 : memref<1x1x384xf32, #tpu.memory_space<hbm>> -> memref<384xf32, #tpu.memory_space<hbm>>
    %dma_wait3A_679 = arith.constant 1152 : i32
    %dma_wait3A_680 = tpu.memref_slice %arg22[%dma_wait3A_679] : memref<2304xf32, #tpu.memory_space<vmem>> -> memref<384xf32, #tpu.memory_space<vmem>>
    tpu.wait_dma2 semaphore(%arg23 : memref<!tpu.dma_semaphore, #tpu.memory_space<semaphore_mem>>) src(%dma_wait3A_680 : memref<384xf32, #tpu.memory_space<vmem>>) dst(%dma_wait3A_678 : memref<384xf32, #tpu.memory_space<hbm>>)
    %mul3A_681 = arith.constant 6 : i32
    %mul3A_682 = arith.muli %add3A, %mul3A_681 : i32
    %add3A_683 = arith.constant 4 : i32
    %add3A_684 = arith.addi %mul3A_682, %add3A_683 : i32
    %dma_wait3A_685 = arith.constant 0 : i32
    %dma_wait3A_686 = arith.constant 1536 : i32
    %dma_wait3A_687 = tpu.memref_slice %arg22[%dma_wait3A_686] : memref<2304xf32, #tpu.memory_space<vmem>> -> memref<384xf32, #tpu.memory_space<vmem>>
    %dma_wait3A_688 = arith.constant 0 : i32
    %dma_wait3A_689 = tpu.memref_slice %arg4[%dma_wait3A_685, %add3A_684, %dma_wait3A_688] : memref<1x192x384xf32, #tpu.memory_space<hbm>> -> memref<1x1x384xf32, #tpu.memory_space<hbm>>
    %dma_wait3A_690 = tpu.memref_squeeze %dma_wait3A_689 : memref<1x1x384xf32, #tpu.memory_space<hbm>> -> memref<384xf32, #tpu.memory_space<hbm>>
    %dma_wait3A_691 = arith.constant 0 : i32
    %dma_wait3A_692 = tpu.memref_slice %arg4[%dma_wait3A_685, %add3A_684, %dma_wait3A_691] : memref<1x192x384xf32, #tpu.memory_space<hbm>> -> memref<1x1x384xf32, #tpu.memory_space<hbm>>
    %dma_wait3A_693 = tpu.memref_squeeze %dma_wait3A_692 : memref<1x1x384xf32, #tpu.memory_space<hbm>> -> memref<384xf32, #tpu.memory_space<hbm>>
    %dma_wait3A_694 = arith.constant 1536 : i32
    %dma_wait3A_695 = tpu.memref_slice %arg22[%dma_wait3A_694] : memref<2304xf32, #tpu.memory_space<vmem>> -> memref<384xf32, #tpu.memory_space<vmem>>
    tpu.wait_dma2 semaphore(%arg23 : memref<!tpu.dma_semaphore, #tpu.memory_space<semaphore_mem>>) src(%dma_wait3A_695 : memref<384xf32, #tpu.memory_space<vmem>>) dst(%dma_wait3A_693 : memref<384xf32, #tpu.memory_space<hbm>>)
    %mul3A_696 = arith.constant 6 : i32
    %mul3A_697 = arith.muli %add3A, %mul3A_696 : i32
    %add3A_698 = arith.constant 5 : i32
    %add3A_699 = arith.addi %mul3A_697, %add3A_698 : i32
    %dma_wait3A_700 = arith.constant 0 : i32
    %dma_wait3A_701 = arith.constant 1920 : i32
    %dma_wait3A_702 = tpu.memref_slice %arg22[%dma_wait3A_701] : memref<2304xf32, #tpu.memory_space<vmem>> -> memref<384xf32, #tpu.memory_space<vmem>>
    %dma_wait3A_703 = arith.constant 0 : i32
    %dma_wait3A_704 = tpu.memref_slice %arg4[%dma_wait3A_700, %add3A_699, %dma_wait3A_703] : memref<1x192x384xf32, #tpu.memory_space<hbm>> -> memref<1x1x384xf32, #tpu.memory_space<hbm>>
    %dma_wait3A_705 = tpu.memref_squeeze %dma_wait3A_704 : memref<1x1x384xf32, #tpu.memory_space<hbm>> -> memref<384xf32, #tpu.memory_space<hbm>>
    %dma_wait3A_706 = arith.constant 0 : i32
    %dma_wait3A_707 = tpu.memref_slice %arg4[%dma_wait3A_700, %add3A_699, %dma_wait3A_706] : memref<1x192x384xf32, #tpu.memory_space<hbm>> -> memref<1x1x384xf32, #tpu.memory_space<hbm>>
    %dma_wait3A_708 = tpu.memref_squeeze %dma_wait3A_707 : memref<1x1x384xf32, #tpu.memory_space<hbm>> -> memref<384xf32, #tpu.memory_space<hbm>>
    %dma_wait3A_709 = arith.constant 1920 : i32
    %dma_wait3A_710 = tpu.memref_slice %arg22[%dma_wait3A_709] : memref<2304xf32, #tpu.memory_space<vmem>> -> memref<384xf32, #tpu.memory_space<vmem>>
    tpu.wait_dma2 semaphore(%arg23 : memref<!tpu.dma_semaphore, #tpu.memory_space<semaphore_mem>>) src(%dma_wait3A_710 : memref<384xf32, #tpu.memory_space<vmem>>) dst(%dma_wait3A_708 : memref<384xf32, #tpu.memory_space<hbm>>)
    return
  }
}

</mosaic_0001>

<sc_bundles>
// kernel: _aev_sc.3.cloned.1.call-start
scs
__scs_entry_jumppad:
0x0: {  	(pc) =	sbr.rel $0x88, $3  }
0x1: {  	(tag) =	ssettag $0x0;
	lr =	simm.s32 $0x1  }
0x2: {  	[smem:$0x3F9F] =	sst lr;
	_ =	strace $0xD0000000  }
0x3: {  	_ = 	snop  }
0x4: {  	_ = 	snop  }
0x5: {  	_ = 	snop  }
0x6: {  	_ = 	snop  }
0x7: {  	_ = 	snop  }
__scs_overlays_trampoline_lowered:
0x8: {  	[smem:$0x3FAE] =	sst s0  }
0x9: {  	[smem:$0x3FAF] =	sst s1  }
0xa: {  	[smem:$0x3FB0] =	sst s2  }
0xb: {  	[smem:$0x3FB1] =	sst s3  }
0xc: {  	[smem:$0x3FB2] =	sst s4  }
0xd: {  	[smem:$0x3FB3] =	sst s5  }
0xe: {  	[smem:$0x3FB4] =	sst s6  }
0xf: {  	[smem:$0x3FB5] =	sst s7  }
0x10: {  	[smem:$0x3FB6] =	sst s8  }
0x11: {  	[smem:$0x3FB7] =	sst s9;
	s0 =	simm.s32 @!p0 $0x0  }
0x12: {  	s1 =	sld [smem:$0x3F9D];
	s0 =	simm.s32 @p0 $0x1  }
0x13: {  	[smem:$0x3FB8] =	sst s0;
	s0 =	simm.s32 @!p1 $0x0  }
0x14: {  	s2 =	sld [smem:$0x3F9C];
	s0 =	simm.s32 @p1 $0x1  }
0x15: {  	[smem:$0x3FB9] =	sst s0;
	s0 =	simm.s32 @!p2 $0x0  }
0x16: {  	s3 =	sld [smem:$0x3FDB];
	s0 =	simm.s32 @p2 $0x1  }
0x17: {  	s4 =	simm.s32 $0x1BF5;
	[smem:$0x3FBB] =	sst s0  }
0x18: {  	s0 =	sld [smem:$0x3F9E];
	_ =	swait.ge [sflag:s4], $0x0  }
0x19: {  	s7 =	sld [smem:$0x3F9F]  }
0x1a: {  	s8 =	sadd.s32 $0xFFFFE003, lr  }
0x1b: {  	s9 =	sadd.s32 $0xFFFFFEF7, lr;
	s5 =	simm.s32 $0xFFFFFFFF;
	p2 =	slt.u32 s8, $0xFFFFF086  }
0x1c: {  	p1 =	slt.u32 s9, $0xF7A;
	s5 =	simm.s32 @!p2 $0x0  }
0x1d: {  	s5 =	simm.s32 @p1 $0x1;
	p0 =	seq.s32 s7, s2  }
0x1e: {  	s7 =	smul.u32 @!p0 $0xF7A, s2;
	p2 =	seq.s32 @!p0 s5, $0x0  }
0x1f: {  	s9 =	smul.u32 $0xF7A, s1;
	s8 =	simm.s32 @!p0 $0x1BF5;
	p2 =	por !p2, p0  }
0x20: {  	[sflag:s8] =	ssyncset.s32 @!p0 $0xFFFFF086;
	s6 =	sadd.s32 @!p0 s3, s7;
	s7 =	simm.s32 @!p0 $0x108  }
0x21: {  	s3 =	sadd.s32 s3, s9;
	s6 =	sadd.s32 @!p0 $0x88, s6;
	s7 =	simm.s32 @p2 $0x1082  }
0x22: {  	[simem:s7], [sflag:s8] =	dma.local @!p0 [hbm:s6], $0xF7A  }
0x23: {  	s9 =	sor.u32 $0xD0000000, s2;
	s6 =	simm.s32 $0x108;
	_ =	swait.ge @!p0 [sflag:s8], $0x0  }
0x24: {  	s3 =	sadd.s32 $0x88, s3;
	s6 =	simm.s32 @!p1 $0x1082;
	[sflag:s4] =	ssyncset.s32 $0xFFFFF086  }
0x25: {  	[simem:s6], [sflag:s4] =	dma.local [hbm:s3], $0xF7A  }
0x26: {  	[smem:$0x3F9F] =	sst s1;
	(tag) =	ssettag s2;
	_ =	strace s9  }
0x27: {  	s1 =	sld [smem:$0x3FAF]  }
0x28: {  	s2 =	sld [smem:$0x3FB0]  }
0x29: {  	s4 =	sld [smem:$0x3FB2]  }
0x2a: {  	p0 =	seq.s32 s5, $0x0;
	s5 =	sld [smem:$0x3FB3]  }
0x2b: {  	s6 =	sld [smem:$0x3FB4]  }
0x2c: {  	s7 =	sld [smem:$0x3FB5]  }
0x2d: {  	s3 =	simm.s32 $0x108;
	s8 =	sld [smem:$0x3FB6]  }
0x2e: {  	s3 =	simm.s32 @!p0 $0x1082;
	s9 =	sld [smem:$0x3FB7]  }
0x2f: {  	lr =	sadd.s32 s0, s3;
	s0 =	sld [smem:$0x3FAE]  }
0x30: {  	s3 =	sld [smem:$0x3FB1]  }
0x31: {  	[smem:$0x3FBA] =	sst s10  }
0x32: {  	s10 =	sld [smem:$0x3FB8];
	_ =	sdelay $0x3  }
0x33: {  	p0 =	seq.s32 s10, $0x1;
	s10 =	sld [smem:$0x3FBA];
	_ =	sdelay $0x3  }
0x34: {  	[smem:$0x3FBA] =	sst s10  }
0x35: {  	s10 =	sld [smem:$0x3FB9];
	_ =	sdelay $0x3  }
0x36: {  	p1 =	seq.s32 s10, $0x1;
	s10 =	sld [smem:$0x3FBA];
	_ =	sdelay $0x3  }
0x37: {  	[smem:$0x3FBA] =	sst s10  }
0x38: {  	s10 =	sld [smem:$0x3FBB]  }
0x39: {  	_ = 	snop;
	(pc) =	sbr.ind lr, $3  }
0x3a: {  	_ = 	snop  }
0x3b: {  	_ = 	snop  }
0x3c: {  	p2 =	seq.s32 s10, $0x1;
	s10 =	sld [smem:$0x3FBA]  }
0x3d: {  	_ =	shalt  }
0x3e: {  	_ =	shalt  }
0x3f: {  	_ =	shalt  }
0x40: {  	_ =	shalt  }
0x41: {  	_ =	shalt  }
0x42: {  	_ =	shalt  }
0x43: {  	_ =	shalt  }
0x44: {  	_ =	shalt  }
0x45: {  	_ =	shalt  }
0x46: {  	_ =	shalt  }
0x47: {  	_ =	shalt  }
0x48: {  	_ =	shalt  }
0x49: {  	_ =	shalt  }
0x4a: {  	_ =	shalt  }
0x4b: {  	_ =	shalt  }
0x4c: {  	_ =	shalt  }
0x4d: {  	_ =	shalt  }
0x4e: {  	_ =	shalt  }
0x4f: {  	_ =	shalt  }
0x50: {  	_ =	shalt  }
0x51: {  	_ =	shalt  }
0x52: {  	_ =	shalt  }
0x53: {  	_ =	shalt  }
0x54: {  	_ =	shalt  }
0x55: {  	_ =	shalt  }
0x56: {  	_ =	shalt  }
0x57: {  	_ =	shalt  }
0x58: {  	_ =	shalt  }
0x59: {  	_ =	shalt  }
0x5a: {  	_ =	shalt  }
0x5b: {  	_ =	shalt  }
0x5c: {  	_ =	shalt  }
0x5d: {  	_ =	shalt  }
0x5e: {  	_ =	shalt  }
0x5f: {  	_ =	shalt  }
0x60: {  	_ =	shalt  }
0x61: {  	_ =	shalt  }
0x62: {  	_ =	shalt  }
0x63: {  	_ =	shalt  }
0x64: {  	_ =	shalt  }
0x65: {  	_ =	shalt  }
0x66: {  	_ =	shalt  }
0x67: {  	_ =	shalt  }
0x68: {  	_ =	shalt  }
0x69: {  	_ =	shalt  }
0x6a: {  	_ =	shalt  }
0x6b: {  	_ =	shalt  }
0x6c: {  	_ =	shalt  }
0x6d: {  	_ =	shalt  }
0x6e: {  	_ =	shalt  }
0x6f: {  	_ =	shalt  }
0x70: {  	_ =	shalt  }
0x71: {  	_ =	shalt  }
0x72: {  	_ =	shalt  }
0x73: {  	_ =	shalt  }
0x74: {  	_ =	shalt  }
0x75: {  	_ =	shalt  }
0x76: {  	_ =	shalt  }
0x77: {  	_ =	shalt  }
0x78: {  	_ =	shalt  }
0x79: {  	_ =	shalt  }
0x7a: {  	_ =	shalt  }
0x7b: {  	_ =	shalt  }
0x7c: {  	_ =	shalt  }
0x7d: {  	_ =	shalt  }
0x7e: {  	_ =	shalt  }
0x7f: {  	_ =	shalt  }
0x80: {  	_ =	shalt  }
0x81: {  	_ =	shalt  }
0x82: {  	_ =	shalt  }
0x83: {  	_ =	shalt  }
0x84: {  	_ =	shalt  }
0x85: {  	_ =	shalt  }
0x86: {  	_ =	shalt  }
0x87: {  	_ =	shalt  }
.Lfunc_end0:
.L_simem_size_0:
called_computation_lowered:
.L_overlay_start_0:
0x88: {  	s2 =	sld [smem:$0x3FD9]  }
0x89: {  	s3 =	sld [smem:$0x3FFE];
	_ =	sdelay $0x1  }
0x8a: {  	s1 =	srdreg.scid  }
0x8b: {  	s0 =	sand.u32 $0x1, s1  }
0x8c: {  	s14 =	sshll.u32 s0, $0xA;
	s2 =	sadd.s32 s3, s2  }
0x8d: {  	s2 =	sadd.s32 s2, s14  }
0x8e: {  	[smem:$0x3FC6] =	sst s2  }
0x8f: {  	_ = 	snop  }
0x90: {  	s2 =	sld [smem:$0x3FD0];
	_ =	sdelay $0x2  }
0x91: {  	s4 =	simm.s32 $0xA;
	s5 =	simm.s32 $0x10;
	s15 =	sld [smem:$0x3FC9]  }
0x92: {  	[smem:s5], [sflag:s4] =	dma.local [hbm:s2], $0x1  }
0x93: {  	_ =	swait.eq [sflag:s4], $0x1  }
0x94: {  	[sflag:s4] =	ssyncset.done $0x0  }
0x95: {  	s16 =	sld [smem:$0x10];
	[sflag:s4] =	ssyncadd.s32 $0xFFFFFFFF  }
0x96: {  	s17 =	sld [smem:$0x11];
	(tm) =	ssettm $0x1  }
0x97: {  	s18 =	sld [smem:$0x3FFB];
	_ =	sdelay $0x3  }
0x98: {  	_ =	strace s18  }
0x99: {  	s5 =	sld [smem:$0x3FFC];
	_ =	sdelay $0x3  }
0x9a: {  	_ =	strace s5  }
0x9b: {  	s5 =	sld [smem:$0x3FFD];
	_ =	sdelay $0x3  }
0x9c: {  	_ =	strace s5  }
0x9d: {  	_ =	strace $0x8FFFFFFF  }
0x9e: {  	s19 =	sld [smem:$0x3FDB];
	_ =	sdelay $0x1  }
0x9f: {  	s6 =	simm.s32 $_scs_section_size  }
0xa0: {  	s7 =	simm.s32 $_size__tile_overlayer_lowered;
	s8 =	simm.s32 $_tile_overlayer_lowered  }
0xa1: {  	s22 =	simm.s32 $0x1BFF;
	s21 =	sshll.u32 s8, $0x1;
	s5 =	sadd.s32 s6, s19  }
0xa2: {  	s9 =	simm.s32 $0x0;
	s20 =	sshll.u32 s7, $0x1;
	s7 =	sadd.s32 s21, s5  }
0xa3: {  	[timem:s9], [sflag:s22] =	dma.local [hbm:s7], s20  }
0xa4: {  	_ =	swait.ge [sflag:s22], s20  }
0xa5: {  	s6 =	ssub.s32 $0x0, s20;
	[sflag:s22] =	ssyncset.done $0x0  }
0xa6: {  	[sflag:s22] =	ssyncadd.s32 s6;
	_ =	sdelay $0x1  }
0xa7: {  	s23 =	simm.s32 $0x1B8B  }
0xa8: {  	_ =	swait.ge [sflag:s23], $0x1  }
0xa9: {  	[sflag:s23] =	ssyncset.done $0x0  }
0xaa: {  	s25 =	simm.s32 $0x1B8E;
	s24 =	sld [smem:$0x3FFE];
	[sflag:s23] =	ssyncadd.s32 $0xFFFFFFFF  }
0xab: {  	s26 =	simm.s32 $execute0_lowered;
	[smem:$0x3FD2] =	sst s25  }
0xac: {  	s7 =	sshll.u32 s26, $0x1;
	_ =	strace $0x80000046;
	[dreg:$0x1] =	wrdreg $0xFFFFFFFF  }
0xad: {  	s28 =	simm.s32 $_size_execute0_lowered;
	s5 =	sadd.s32 s5, s7;
	[dreg:$0x0] =	wrdreg $0x0  }
0xae: {  	s7 =	sshll.u32 s28, $0x1;
	[dreg:$0x2] =	wrdreg s5  }
0xaf: {  	[dreg:$0x3] =	wrdreg s7  }
0xb0: {  	[dreg:$0x4] =	wrdreg $0xC0  }
0xb1: {  	_ =	task [dreg:s9], $0x5FFFF  }
0xb2: {  	[dreg:$0x1] =	wrdreg $0xFFFFFFFF  }
0xb3: {  	[dreg:$0x0] =	wrdreg $0x60  }
0xb4: {  	[dreg:$0x2] =	wrdreg s15  }
0xb5: {  	[dreg:$0x3] =	wrdreg s24  }
0xb6: {  	[dreg:$0x4] =	wrdreg s16  }
0xb7: {  	[dreg:$0x5] =	wrdreg s17  }
0xb8: {  	[dreg:$0x6] =	wrdreg $0x9  }
0xb9: {  	_ =	task.clear_ibuf [dreg:s9], $0x7FFFF;
	_ =	strace $0x90000046  }
0xba: {  	s29 =	simm.s32 $0x9;
	_ =	strace $0x80000048  }
0xbb: {  	_ =	swait.ge [sflag:s29], $0x1  }
0xbc: {  	[sflag:s29] =	ssyncadd.s32 $0xFFFFFFFF  }
0xbd: {  	_ =	strace $0x90000048  }
0xbe: {  	_ =	sfence  }
0xbf: {  	s30 =	sld [smem:$0x0];
	_ =	sdelay $0x2  }
0xc0: {  	s31 =	sshll.u32 s1, $0xD;
	s1 =	sshrl.u32 s1, $0x2  }
0xc1: {  	s3 =	sand.u32 $0x4000, s31;
	s1 =	sadd.s32 s1, s30  }
0xc2: {  	s0 =	sor.u32 s3, s0;
	s1 =	sshll.u32 s1, $0x11  }
0xc3: {  	s0 =	sor.u32 s1, s0  }
0xc4: {  	s0 =	sadd.s32 $0x8F2B, s0  }
0xc5: {  	[sflag:s0] =	ssyncadd.remote.s32 $0x1  }
0xc6: {  	_ =	sfence.sel $0xFFFF  }
0xc7: {  	[dreg:$0x0] =	wrdreg $0xFFFFFFFF;
	(pc) =	sbr.abs _section_cstart, $3  }
0xc8: {  	[dreg:$0x1] =	wrdreg $0xFFFFFFFF  }
0xc9: {  	_ =	task.clear_ibuf [dreg:s9], $0x2FFFF;
	_ =	strace $0x9FFFFFFF  }
0xca: {  	(tm) =	ssettm $0x7FFFFFFF  }
0xcb: {  	_ =	shalt  }
tec
execute0_lowered:
.L_overlay_start_1:
0x0: {  	(tag) =	ssettag $0x1  }
0x1: {  	v0 =	vlaneseq.u32  }
0x2: {  	v37 =	vimm.f32 $0.0e+00;
	v1 =	vmul.u32 $0x80, v0;
	v38 =	vor.u32 $0x10, v0  }
0x3: {  	v39 =	vor.u32 $0x20, v0;
	v40 =	vor.u32 $0x30, v0;
	v41 =	vor.u32 $0x40, v0  }
0x4: {  	v42 =	vor.u32 $0x50, v0;
	v43 =	vor.u32 $0x60, v0;
	v44 =	vor.u32 $0x70, v0  }
0x5: {  	v45 =	vor.u32 $0x80, v0;
	v46 =	vor.u32 $0x90, v0;
	v47 =	vor.u32 $0xA0, v0  }
0x6: {  	v48 =	vor.u32 $0xB0, v0;
	v2 =	vor.u32 $0x1, v1;
	v9 =	vor.u32 $0x1002, v1  }
0x7: {  	v10 =	vor.u32 $0x1800, v1;
	v11 =	vor.u32 $0x1801, v1;
	v12 =	vor.u32 $0x1802, v1  }
0x8: {  	s0 =	rddreg [dreg:$0x1];
	v13 =	vor.u32 $0x2000, v1;
	v14 =	vor.u32 $0x2001, v1;
	[tilespmem:$0x1FF90] =	vst v2;
	v2 =	vor.u32 $0x2, v1  }
0x9: {  	s1 =	srdreg.scid;
	s16 =	simm.s32 $0x6C00;
	s17 =	simm.s32 $0xFD00;
	v15 =	vor.u32 $0x2002, v1;
	v16 =	vor.u32 $0x2800, v1;
	[tilespmem:$0x1FFA0] =	vst v2;
	v2 =	vor.u32 $0x800, v1  }
0xa: {  	s3 =	simm.s32 $0x0;
	s19 =	simm.s32 $0x6600;
	s20 =	simm.s32 $0x6700;
	v17 =	vor.u32 $0x2801, v1;
	v18 =	vor.u32 $0x2802, v1;
	[tilespmem:$0x1FFB0] =	vst v2;
	v2 =	vor.u32 $0x801, v1  }
0xb: {  	s4 =	stileid.u32;
	s21 =	simm.s32 $0x6800;
	s22 =	simm.s32 $0x6A00;
	v19 =	vor.u32 $0x3000, v1;
	v20 =	vor.u32 $0x3001, v1;
	[tilespmem:$0x1FFC0] =	vst v2;
	v2 =	vor.u32 $0x802, v1  }
0xc: {  	s1 =	sand.u32 $0x1, s1;
	[smem:$0x7FF] =	sst s3;
	s4 =	sshll.u32 s4, $0x1;
	v21 =	vor.u32 $0x3002, v1;
	v22 =	vor.u32 $0x3800, v1;
	[tilespmem:$0x1FFD0] =	vst v2;
	v2 =	vor.u32 $0x1000, v1  }
.Ltmp0:
0xd: {  	s2 =	ssub.s32 $0x2, s1;
	s1 =	sor.u32 s1, s4;
	v23 =	vor.u32 $0x3801, v1;
	v24 =	vor.u32 $0x3802, v1;
	[tilespmem:$0x1FFE0] =	vst v2;
	v2 =	vor.u32 $0x1001, v1;
	(pc) =	sbr.rel .LBB2_1-.Ltmp0, $4  }
0xe: {  	s0 =	sadd.s32 $0x600, s0;
	s29 =	sshrl.u32 s2, $0x1;
	v25 =	vor.u32 $0x4000, v1;
	v26 =	vor.u32 $0x4001, v1;
	v27 =	vor.u32 $0x4002, v1;
	s30 =	smul.u32 $0x6, s1;
	[tilespmem:$0x1FFF0] =	vst v2  }
0xf: {  	v28 =	vor.u32 $0x4800, v1;
	v29 =	vor.u32 $0x4801, v1;
	v30 =	vor.u32 $0x4802, v1;
	s2 =	ssub.s32 s2, s29;
	_ =	strace $0x80000047;
	[dreg:$0x5] =	wrdreg s0  }
0x10: {  	s23 =	simm.s32 $0x6B00;
	v31 =	vor.u32 $0x5000, v1;
	v32 =	vor.u32 $0x5001, v1;
	v33 =	vor.u32 $0x5002, v1;
	s31 =	smax.u32 s2, $0x1;
	[dreg:$0x6] =	wrdreg s30  }
0x11: {  	v34 =	vor.u32 $0x5800, v1;
	v35 =	vor.u32 $0x5801, v1;
	v36 =	vor.u32 $0x5802, v1;
	p0 =	sne.s32 s1, $0x0;
	s2 =	simm.s32 $0x0;
	[dreg:$0x7] =	wrdreg s31  }
.LBB2_16:
0x12: {  	s0 =	simm.s32 @!p0 $0x0;
	s1 =	simm.s32 @!p0 $0x300;
	s2 =	rddreg [dreg:$0x3]  }
0x13: {  	[hbm4b:s2+s0] =	stream.linear.scatter @!p0 [tilespmem:s1], [sflag:$0x2], $0x100, $0x38;
	[tilespmem:$0x10600] =	vst v63  }
0x14: {  	s0 =	simm.s32 @!p0 $0x2  }
0x15: {  	_ =	swait.ge @!p0 [sflag:s0], $0x100  }
0x16: {  	[sflag:s0] =	ssyncset.done @!p0 $0x0  }
0x17: {  	s29 =	simm.s32 $0x1;
	[sflag:s0] =	ssyncadd.s32 @!p0 $0xFFFFFF00  }
0x18: {  	_ =	swait.ge [sflag:s29], $0x180  }
0x19: {  	[sflag:s29] =	ssyncset.done $0x0  }
0x1a: {  	[sflag:s29] =	ssyncadd.s32 $0xFFFFFE80  }
0x1b: {  	_ =	swait.ge [sflag:s29], $0x180  }
0x1c: {  	[sflag:s29] =	ssyncset.done $0x0  }
0x1d: {  	[sflag:s29] =	ssyncadd.s32 $0xFFFFFE80  }
0x1e: {  	_ =	swait.ge [sflag:s29], $0x180  }
0x1f: {  	[sflag:s29] =	ssyncset.done $0x0  }
0x20: {  	[sflag:s29] =	ssyncadd.s32 $0xFFFFFE80  }
0x21: {  	_ =	swait.ge [sflag:s29], $0x180  }
0x22: {  	[sflag:s29] =	ssyncset.done $0x0  }
0x23: {  	[sflag:s29] =	ssyncadd.s32 $0xFFFFFE80  }
0x24: {  	_ =	swait.ge [sflag:s29], $0x180  }
0x25: {  	[sflag:s29] =	ssyncset.done $0x0  }
0x26: {  	[sflag:s29] =	ssyncadd.s32 $0xFFFFFE80  }
0x27: {  	_ =	swait.ge [sflag:s29], $0x180  }
0x28: {  	s30 =	rddreg [dreg:$0x8]  }
0x29: {  	s31 =	rddreg [dreg:$0x7];
	s2 =	sadd.s32 $0x1, s30  }
0x2a: {  	p1 =	sne.s32 s2, s31  }
.Ltmp1:
0x2b: {  	_ = 	snop;
	(pc) =	sbr.rel @!p1 .LBB2_17-.Ltmp1, $3  }
0x2c: {  	_ =	sdelay $0x1  }
0x2d: {  	[sflag:s29] =	ssyncset.done $0x0  }
0x2e: {  	[sflag:s29] =	ssyncadd.s32 $0xFFFFFE80  }
.LBB2_1:
0x2f: {  	[dreg:$0x8] =	wrdreg s2;
	s1 =	simm.s32 $0x0  }
0x30: {  	s0 =	rddreg [dreg:$0x5];
	s30 =	simm.s32 $0x400;
	s3 =	simm.s32 $0x2  }
0x31: {  	[tilespmem:s30], [sflag:$0x2] =	stream.linear.gather [hbm4b:s0+s1], $0x6000, $0x38;
	[tilespmem:$0x10600] =	vst v63  }
0x32: {  	_ =	swait.ge [sflag:s3], $0x6000  }
0x33: {  	[sflag:s3] =	ssyncset.done $0x0  }
0x34: {  	[sflag:s3] =	ssyncadd.s32 $0xFFFFA000  }
0x35: {  	s4 =	simm.s32 $0x300;
	s31 =	rddreg [dreg:$0x0]  }
0x36: {  	[tilespmem:s4], [sflag:$0x2] =	stream.linear.gather [hbm4b:s31+s1], $0x100, $0x38;
	[tilespmem:$0x10600] =	vst v63  }
0x37: {  	_ =	swait.ge [sflag:s3], $0x100  }
0x38: {  	[sflag:s3] =	ssyncset.done $0x0;
	v2 =	vld [tilespmem:$0x1FF90]  }
0x39: {  	[sflag:s3] =	ssyncadd.s32 $0xFFFFFF00  }
0x3a: {  	v49 =	vld.idx.msk [tilespmem:v1+s30+$0x0], $0xffff;
	_ =	sdelay $0x4  }
0x3b: {  	[tilespmem:$0x0] =	vst v49  }
0x3c: {  	v49 =	vld.idx.msk [tilespmem:v2+s30+$0x0], $0xffff  }
0x3d: {  	v2 =	vld [tilespmem:$0x1FFA0];
	_ =	sdelay $0x6  }
0x3e: {  	[tilespmem:$0x100] =	vst v49  }
0x3f: {  	v49 =	vld.idx.msk [tilespmem:v2+s30+$0x0], $0xffff  }
0x40: {  	v2 =	vld [tilespmem:$0x1FFB0];
	_ =	sdelay $0x6  }
0x41: {  	[tilespmem:$0x200] =	vst v49  }
0x42: {  	v49 =	vld.idx.msk [tilespmem:v2+s30+$0x0], $0xffff  }
0x43: {  	v2 =	vld [tilespmem:$0x1FFC0];
	_ =	sdelay $0x6  }
0x44: {  	[tilespmem:$0x10] =	vst v49  }
0x45: {  	v49 =	vld.idx.msk [tilespmem:v2+s30+$0x0], $0xffff  }
0x46: {  	v2 =	vld [tilespmem:$0x1FFD0];
	_ =	sdelay $0x6  }
0x47: {  	[tilespmem:$0x110] =	vst v49  }
0x48: {  	v49 =	vld.idx.msk [tilespmem:v2+s30+$0x0], $0xffff  }
0x49: {  	v2 =	vld [tilespmem:$0x1FFE0];
	_ =	sdelay $0x6  }
0x4a: {  	[tilespmem:$0x210] =	vst v49  }
0x4b: {  	v49 =	vld.idx.msk [tilespmem:v2+s30+$0x0], $0xffff  }
0x4c: {  	v2 =	vld [tilespmem:$0x1FFF0];
	_ =	sdelay $0x6  }
0x4d: {  	[tilespmem:$0x20] =	vst v49  }
0x4e: {  	v49 =	vld.idx.msk [tilespmem:v2+s30+$0x0], $0xffff;
	_ =	sdelay $0x4  }
0x4f: {  	[tilespmem:$0x120] =	vst v49  }
0x50: {  	v49 =	vld.idx.msk [tilespmem:v9+s30+$0x0], $0xffff;
	_ =	sdelay $0x4  }
0x51: {  	[tilespmem:$0x220] =	vst v49  }
0x52: {  	v49 =	vld.idx.msk [tilespmem:v10+s30+$0x0], $0xffff;
	_ =	sdelay $0x4  }
0x53: {  	[tilespmem:$0x30] =	vst v49  }
0x54: {  	v49 =	vld.idx.msk [tilespmem:v11+s30+$0x0], $0xffff;
	_ =	sdelay $0x4  }
0x55: {  	[tilespmem:$0x130] =	vst v49  }
0x56: {  	v49 =	vld.idx.msk [tilespmem:v12+s30+$0x0], $0xffff;
	_ =	sdelay $0x4  }
0x57: {  	[tilespmem:$0x230] =	vst v49  }
0x58: {  	v49 =	vld.idx.msk [tilespmem:v13+s30+$0x0], $0xffff;
	_ =	sdelay $0x4  }
0x59: {  	[tilespmem:$0x40] =	vst v49  }
0x5a: {  	v49 =	vld.idx.msk [tilespmem:v14+s30+$0x0], $0xffff;
	_ =	sdelay $0x4  }
0x5b: {  	[tilespmem:$0x140] =	vst v49  }
0x5c: {  	v49 =	vld.idx.msk [tilespmem:v15+s30+$0x0], $0xffff;
	_ =	sdelay $0x4  }
0x5d: {  	[tilespmem:$0x240] =	vst v49  }
0x5e: {  	v49 =	vld.idx.msk [tilespmem:v16+s30+$0x0], $0xffff;
	_ =	sdelay $0x4  }
0x5f: {  	[tilespmem:$0x50] =	vst v49  }
0x60: {  	v49 =	vld.idx.msk [tilespmem:v17+s30+$0x0], $0xffff;
	_ =	sdelay $0x4  }
0x61: {  	[tilespmem:$0x150] =	vst v49  }
0x62: {  	v49 =	vld.idx.msk [tilespmem:v18+s30+$0x0], $0xffff;
	_ =	sdelay $0x4  }
0x63: {  	[tilespmem:$0x250] =	vst v49  }
0x64: {  	v49 =	vld.idx.msk [tilespmem:v19+s30+$0x0], $0xffff;
	_ =	sdelay $0x4  }
0x65: {  	[tilespmem:$0x60] =	vst v49  }
0x66: {  	v49 =	vld.idx.msk [tilespmem:v20+s30+$0x0], $0xffff;
	_ =	sdelay $0x4  }
0x67: {  	[tilespmem:$0x160] =	vst v49  }
0x68: {  	v49 =	vld.idx.msk [tilespmem:v21+s30+$0x0], $0xffff;
	_ =	sdelay $0x4  }
0x69: {  	[tilespmem:$0x260] =	vst v49  }
0x6a: {  	v49 =	vld.idx.msk [tilespmem:v22+s30+$0x0], $0xffff;
	_ =	sdelay $0x4  }
0x6b: {  	[tilespmem:$0x70] =	vst v49  }
0x6c: {  	v49 =	vld.idx.msk [tilespmem:v23+s30+$0x0], $0xffff;
	_ =	sdelay $0x4  }
0x6d: {  	[tilespmem:$0x170] =	vst v49  }
0x6e: {  	v49 =	vld.idx.msk [tilespmem:v24+s30+$0x0], $0xffff;
	_ =	sdelay $0x4  }
0x6f: {  	[tilespmem:$0x270] =	vst v49  }
0x70: {  	v49 =	vld.idx.msk [tilespmem:v25+s30+$0x0], $0xffff;
	_ =	sdelay $0x4  }
0x71: {  	[tilespmem:$0x80] =	vst v49  }
0x72: {  	v49 =	vld.idx.msk [tilespmem:v26+s30+$0x0], $0xffff;
	_ =	sdelay $0x4  }
0x73: {  	[tilespmem:$0x180] =	vst v49  }
0x74: {  	v49 =	vld.idx.msk [tilespmem:v27+s30+$0x0], $0xffff;
	_ =	sdelay $0x4  }
0x75: {  	[tilespmem:$0x280] =	vst v49  }
0x76: {  	v49 =	vld.idx.msk [tilespmem:v28+s30+$0x0], $0xffff;
	_ =	sdelay $0x4  }
0x77: {  	[tilespmem:$0x90] =	vst v49  }
0x78: {  	v49 =	vld.idx.msk [tilespmem:v29+s30+$0x0], $0xffff;
	_ =	sdelay $0x4  }
0x79: {  	[tilespmem:$0x190] =	vst v49  }
0x7a: {  	v49 =	vld.idx.msk [tilespmem:v30+s30+$0x0], $0xffff;
	_ =	sdelay $0x4  }
0x7b: {  	[tilespmem:$0x290] =	vst v49  }
0x7c: {  	v49 =	vld.idx.msk [tilespmem:v31+s30+$0x0], $0xffff;
	_ =	sdelay $0x4  }
0x7d: {  	[tilespmem:$0xA0] =	vst v49  }
0x7e: {  	v49 =	vld.idx.msk [tilespmem:v32+s30+$0x0], $0xffff;
	_ =	sdelay $0x4  }
0x7f: {  	[tilespmem:$0x1A0] =	vst v49  }
0x80: {  	v49 =	vld.idx.msk [tilespmem:v33+s30+$0x0], $0xffff;
	_ =	sdelay $0x4  }
0x81: {  	[tilespmem:$0x2A0] =	vst v49  }
0x82: {  	v49 =	vld.idx.msk [tilespmem:v34+s30+$0x0], $0xffff;
	_ =	sdelay $0x4  }
0x83: {  	[tilespmem:$0xB0] =	vst v49  }
0x84: {  	v49 =	vld.idx.msk [tilespmem:v35+s30+$0x0], $0xffff;
	_ =	sdelay $0x4  }
0x85: {  	[tilespmem:$0x1B0] =	vst v49  }
0x86: {  	v49 =	vld.idx.msk [tilespmem:v36+s30+$0x0], $0xffff;
	[tilespmem:$0xFD00] =	vst v37  }
0x87: {  	[tilespmem:$0xFD10] =	vst v37  }
0x88: {  	[tilespmem:$0xFD20] =	vst v37  }
0x89: {  	[tilespmem:$0xFD30] =	vst v37  }
0x8a: {  	[tilespmem:$0xFD40] =	vst v37  }
0x8b: {  	[tilespmem:$0xFD50] =	vst v37  }
0x8c: {  	[tilespmem:$0xFD60] =	vst v37  }
0x8d: {  	[tilespmem:$0xFD70] =	vst v37  }
0x8e: {  	[tilespmem:$0xFD80] =	vst v37  }
0x8f: {  	[tilespmem:$0xFD90] =	vst v37  }
0x90: {  	[tilespmem:$0xFDA0] =	vst v37  }
0x91: {  	[tilespmem:$0xFDB0] =	vst v37  }
0x92: {  	[tilespmem:$0xFDC0] =	vst v37  }
0x93: {  	[tilespmem:$0xFDD0] =	vst v37  }
0x94: {  	[tilespmem:$0xFDE0] =	vst v37  }
0x95: {  	[tilespmem:$0xFDF0] =	vst v37  }
0x96: {  	[tilespmem:$0xFE00] =	vst v37  }
0x97: {  	[tilespmem:$0xFE10] =	vst v37  }
0x98: {  	[tilespmem:$0xFE20] =	vst v37  }
0x99: {  	[tilespmem:$0xFE30] =	vst v37  }
0x9a: {  	[tilespmem:$0xFE40] =	vst v37  }
0x9b: {  	[tilespmem:$0xFE50] =	vst v37  }
0x9c: {  	[tilespmem:$0xFE60] =	vst v37  }
0x9d: {  	[tilespmem:$0xFE70] =	vst v37  }
0x9e: {  	[tilespmem:$0xFE80] =	vst v37  }
0x9f: {  	[tilespmem:$0xFE90] =	vst v37  }
0xa0: {  	[tilespmem:$0xFEA0] =	vst v37  }
0xa1: {  	[tilespmem:$0xFEB0] =	vst v37  }
0xa2: {  	[tilespmem:$0xFEC0] =	vst v37  }
0xa3: {  	[tilespmem:$0xFED0] =	vst v37  }
0xa4: {  	[tilespmem:$0xFEE0] =	vst v37  }
0xa5: {  	[tilespmem:$0xFEF0] =	vst v37  }
0xa6: {  	[tilespmem:$0xFF00] =	vst v37  }
0xa7: {  	[tilespmem:$0xFF10] =	vst v37  }
0xa8: {  	[tilespmem:$0xFF20] =	vst v37  }
0xa9: {  	[tilespmem:$0xFF30] =	vst v37  }
0xaa: {  	[tilespmem:$0xFF40] =	vst v37  }
0xab: {  	[tilespmem:$0xFF50] =	vst v37  }
0xac: {  	[tilespmem:$0xFF60] =	vst v37  }
0xad: {  	[tilespmem:$0xFF70] =	vst v37  }
0xae: {  	[tilespmem:$0xFF80] =	vst v37  }
0xaf: {  	[tilespmem:$0xFF90] =	vst v37  }
0xb0: {  	[tilespmem:$0xFFA0] =	vst v37  }
0xb1: {  	[tilespmem:$0xFFB0] =	vst v37  }
0xb2: {  	[tilespmem:$0xFFC0] =	vst v37  }
0xb3: {  	[tilespmem:$0xFFD0] =	vst v37  }
0xb4: {  	[tilespmem:$0xFFE0] =	vst v37  }
0xb5: {  	[tilespmem:$0xFFF0] =	vst v37  }
0xb6: {  	[tilespmem:$0x10000] =	vst v37  }
0xb7: {  	[tilespmem:$0x10010] =	vst v37  }
0xb8: {  	[tilespmem:$0x10020] =	vst v37  }
0xb9: {  	[tilespmem:$0x10030] =	vst v37  }
0xba: {  	[tilespmem:$0x10040] =	vst v37  }
0xbb: {  	[tilespmem:$0x10050] =	vst v37  }
0xbc: {  	[tilespmem:$0x10060] =	vst v37  }
0xbd: {  	[tilespmem:$0x10070] =	vst v37  }
0xbe: {  	[tilespmem:$0x10080] =	vst v37  }
0xbf: {  	[tilespmem:$0x10090] =	vst v37  }
0xc0: {  	[tilespmem:$0x100A0] =	vst v37  }
0xc1: {  	[tilespmem:$0x100B0] =	vst v37  }
0xc2: {  	[tilespmem:$0x100C0] =	vst v37  }
0xc3: {  	[tilespmem:$0x100D0] =	vst v37  }
0xc4: {  	[tilespmem:$0x100E0] =	vst v37  }
0xc5: {  	[tilespmem:$0x100F0] =	vst v37  }
0xc6: {  	[tilespmem:$0x10100] =	vst v37  }
0xc7: {  	[tilespmem:$0x10110] =	vst v37  }
0xc8: {  	[tilespmem:$0x10120] =	vst v37  }
0xc9: {  	[tilespmem:$0x10130] =	vst v37  }
0xca: {  	[tilespmem:$0x10140] =	vst v37  }
0xcb: {  	[tilespmem:$0x10150] =	vst v37  }
0xcc: {  	[tilespmem:$0x10160] =	vst v37  }
0xcd: {  	[tilespmem:$0x10170] =	vst v37  }
0xce: {  	[tilespmem:$0x10180] =	vst v37  }
0xcf: {  	[tilespmem:$0x10190] =	vst v37  }
0xd0: {  	[tilespmem:$0x101A0] =	vst v37  }
0xd1: {  	[tilespmem:$0x101B0] =	vst v37  }
0xd2: {  	[tilespmem:$0x101C0] =	vst v37  }
0xd3: {  	[tilespmem:$0x101D0] =	vst v37  }
0xd4: {  	[tilespmem:$0x101E0] =	vst v37  }
0xd5: {  	[tilespmem:$0x101F0] =	vst v37  }
0xd6: {  	[tilespmem:$0x10200] =	vst v37  }
0xd7: {  	[tilespmem:$0x10210] =	vst v37  }
0xd8: {  	[tilespmem:$0x10220] =	vst v37  }
0xd9: {  	[tilespmem:$0x10230] =	vst v37  }
0xda: {  	[tilespmem:$0x10240] =	vst v37  }
0xdb: {  	[tilespmem:$0x10250] =	vst v37  }
0xdc: {  	[tilespmem:$0x10260] =	vst v37  }
0xdd: {  	[tilespmem:$0x10270] =	vst v37  }
0xde: {  	[tilespmem:$0x10280] =	vst v37  }
0xdf: {  	[tilespmem:$0x10290] =	vst v37  }
0xe0: {  	[tilespmem:$0x102A0] =	vst v37  }
0xe1: {  	[tilespmem:$0x102B0] =	vst v37  }
0xe2: {  	[tilespmem:$0x102C0] =	vst v37  }
0xe3: {  	[tilespmem:$0x102D0] =	vst v37  }
0xe4: {  	[tilespmem:$0x102E0] =	vst v37  }
0xe5: {  	[tilespmem:$0x102F0] =	vst v37  }
0xe6: {  	[tilespmem:$0x10300] =	vst v37  }
0xe7: {  	[tilespmem:$0x10310] =	vst v37  }
0xe8: {  	[tilespmem:$0x10320] =	vst v37  }
0xe9: {  	[tilespmem:$0x10330] =	vst v37  }
0xea: {  	[tilespmem:$0x10340] =	vst v37  }
0xeb: {  	[tilespmem:$0x10350] =	vst v37  }
0xec: {  	[tilespmem:$0x10360] =	vst v37  }
0xed: {  	[tilespmem:$0x10370] =	vst v37  }
0xee: {  	[tilespmem:$0x10380] =	vst v37  }
0xef: {  	[tilespmem:$0x10390] =	vst v37  }
0xf0: {  	[tilespmem:$0x103A0] =	vst v37  }
0xf1: {  	[tilespmem:$0x103B0] =	vst v37  }
0xf2: {  	[tilespmem:$0x103C0] =	vst v37  }
0xf3: {  	[tilespmem:$0x103D0] =	vst v37  }
0xf4: {  	[tilespmem:$0x103E0] =	vst v37  }
0xf5: {  	[tilespmem:$0x103F0] =	vst v37  }
0xf6: {  	[tilespmem:$0x10400] =	vst v37  }
0xf7: {  	[tilespmem:$0x10410] =	vst v37  }
0xf8: {  	[tilespmem:$0x10420] =	vst v37  }
0xf9: {  	[tilespmem:$0x10430] =	vst v37  }
0xfa: {  	[tilespmem:$0x10440] =	vst v37  }
0xfb: {  	[tilespmem:$0x10450] =	vst v37  }
0xfc: {  	[tilespmem:$0x10460] =	vst v37  }
0xfd: {  	[tilespmem:$0x10470] =	vst v37  }
0xfe: {  	[tilespmem:$0x10480] =	vst v37  }
0xff: {  	[tilespmem:$0x10490] =	vst v37  }
0x100: {  	[tilespmem:$0x104A0] =	vst v37  }
0x101: {  	[tilespmem:$0x104B0] =	vst v37  }
0x102: {  	[tilespmem:$0x104C0] =	vst v37  }
0x103: {  	[tilespmem:$0x104D0] =	vst v37  }
0x104: {  	[tilespmem:$0x104E0] =	vst v37  }
0x105: {  	[tilespmem:$0x104F0] =	vst v37  }
0x106: {  	[tilespmem:$0x10500] =	vst v37  }
0x107: {  	[tilespmem:$0x10510] =	vst v37  }
0x108: {  	[tilespmem:$0x10520] =	vst v37  }
0x109: {  	[tilespmem:$0x10530] =	vst v37  }
0x10a: {  	[tilespmem:$0x10540] =	vst v37  }
0x10b: {  	[tilespmem:$0x10550] =	vst v37  }
0x10c: {  	[tilespmem:$0x10560] =	vst v37  }
0x10d: {  	[tilespmem:$0x10570] =	vst v37  }
0x10e: {  	[tilespmem:$0x10580] =	vst v37  }
0x10f: {  	[tilespmem:$0x10590] =	vst v37  }
0x110: {  	[tilespmem:$0x105A0] =	vst v37  }
0x111: {  	[tilespmem:$0x105B0] =	vst v37  }
.Ltmp2:
0x112: {  	[tilespmem:$0x105C0] =	vst v37;
	(pc) =	sbr.rel .LBB2_2-.Ltmp2, $4  }
0x113: {  	[tilespmem:$0x105D0] =	vst v37  }
0x114: {  	[tilespmem:$0x105E0] =	vst v37  }
0x115: {  	[tilespmem:$0x105F0] =	vst v37  }
0x116: {  	s26 =	simm.s32 $0x0;
	s28 =	simm.s32 $0x1;
	s29 =	simm.s32 $0x0;
	[tilespmem:$0x2B0] =	vst v49  }
.LBB2_15:
0x117: {  	s0 =	sshrl.u32 s30, $0x3;
	s29 =	sadd.s32 $0x1, s29  }
0x118: {  	s1 =	sshll.u32 s30, $0x7;
	s0 =	smul.u32 $0xC00, s0;
	p1 =	sne.s32 s29, $0x6  }
.Ltmp3:
0x119: {  	s1 =	sand.u32 $0x380, s1;
	(pc) =	sbr.rel @!p1 .LBB2_16-.Ltmp3, $4  }
0x11a: {  	s0 =	sor.u32 s1, s0  }
0x11b: {  	s30 =	rddreg [dreg:$0x2];
	s31 =	sadd.s32 $0xFD00, s31;
	s0 =	sshrl.u32 s0, $0x3  }
0x11c: {  	s2 =	simm.s32 $0x400;
	s3 =	simm.s32 $0x80;
	s0 =	sadd.s32 s30, s0  }
0x11d: {  	[hbm4b:s0+s3] =	stream.strided.scatter [tilespmem:s31], [sflag:$0x1], $0x180, s2, s3, $0x38;
	[tilespmem:$0x10600] =	vst v63  }
.LBB2_2:
0x11e: {  	s0 =	rddreg [dreg:$0x6]  }
0x11f: {  	s30 =	sadd.s32 s0, s29  }
0x120: {  	v49 =	vmov s30;
	_ =	sdelay $0x2  }
0x121: {  	v53 =	vld [tilespmem:$0x0]  }
0x122: {  	s3 =	simm.s32 $0x0;
	v54 =	vld [tilespmem:$0x100]  }
0x123: {  	s4 =	simm.s32 $0x100;
	v50 =	vld.idx.msk [tilespmem:v49+s3+$0x0], $0xffff  }
0x124: {  	v51 =	vld.idx.msk [tilespmem:v49+s4+$0x0], $0xffff  }
0x125: {  	s5 =	simm.s32 $0x200;
	v55 =	vld [tilespmem:$0x200]  }
0x126: {  	v52 =	vld.idx.msk [tilespmem:v49+s5+$0x0], $0xffff;
	_ =	sdelay $0x2  }
0x127: {  	v53 =	vsub.f32 v53, v50;
	v54 =	vsub.f32 v54, v51;
	_ =	sdelay $0x1  }
0x128: {  	v55 =	vsub.f32 v55, v52;
	v56 =	vmul.f32 v53, v53;
	v57 =	vmul.f32 v54, v54;
	_ =	sdelay $0x1  }
0x129: {  	v61 =	vmul.f32 v55, v55;
	v56 =	vadd.f32 v57, v56;
	_ =	sdelay $0x1  }
0x12a: {  	v56 =	vadd.f32 v61, v56;
	_ =	sdelay $0x1  }
0x12b: {  	v62 =	vld [tilespmem:$0x300];
	v56 =	vadd.f32 $9.999999960e-13, v56;
	_ =	sdelay $0x1  }
0x12c: {  	vm0 =	vne.s32 v49, v0;
	vm1 =	vle.f32 v56, $2.704000090e+01  }
0x12d: {  	s6 =	simm.s32 $0x6400;
	vm1 =	vmand vm0, vm1  }
0x12e: {  	s7 =	simm.s32 $0x6500;
	vm2 =	vle.f32 v56, $1.225000000e+01;
	[tilespmem:s6+$0x0] =	vst.msk vm1, v56  }
0x12f: {  	s18 =	simm.s32 $0x6600;
	vm0 =	vmand vm0, vm2;
	[tilespmem:s7+$0x0] =	vst.msk vm1, v62  }
0x130: {  	s25 =	simm.s32 $0x6700;
	[tilespmem:s18+$0x0] =	vst.msk vm0, v53  }
0x131: {  	s0 =	simm.s32 $0x6800;
	[tilespmem:s25+$0x0] =	vst.msk vm0, v54  }
0x132: {  	s31 =	simm.s32 $0x6900;
	[tilespmem:s0+$0x0] =	vst.msk vm0, v55  }
0x133: {  	[tilespmem:s31+$0x0] =	vst.msk vm0, v56  }
0x134: {  	[tilespmem:s16+$0x0] =	vst.msk vm0, v62  }
0x135: {  	v63 =	vmpcnt.ones.xlane vm1;
	v54 =	vld [tilespmem:$0x10]  }
0x136: {  	v55 =	vld [tilespmem:$0x110]  }
0x137: {  	v4 =	vmpcnt.ones.xlane vm0;
	(v2sf) =	vpush v63, $0x0  }
0x138: {  	v56 =	vld [tilespmem:$0x210]  }
0x139: {  	(v2sf) =	vpush v4, $0x0;
	_ =	sdelay $0x1  }
0x13a: {  	v5 =	vsub.f32 v54, v50;
	v6 =	vsub.f32 v55, v51;
	_ =	sdelay $0x1  }
0x13b: {  	v7 =	vsub.f32 v56, v52;
	v60 =	vmul.f32 v5, v5;
	v61 =	vmul.f32 v6, v6;
	_ =	sdelay $0x1  }
0x13c: {  	v62 =	vmul.f32 v7, v7;
	v56 =	vadd.f32 v61, v60;
	_ =	sdelay $0x1  }
0x13d: {  	v56 =	vadd.f32 v62, v56;
	_ =	sdelay $0x1  }
0x13e: {  	v63 =	vld [tilespmem:$0x310];
	v56 =	vadd.f32 $9.999999960e-13, v56;
	_ =	sdelay $0x1  }
0x13f: {  	vm6 =	vne.s32 v49, v38;
	vm7 =	vle.f32 v56, $2.704000090e+01  }
0x140: {  	s1 =	spop (v2sf);
	vm1 =	vmand vm6, vm7  }
0x141: {  	vm8 =	vle.f32 v56, $1.225000000e+01;
	[tilespmem:s1+$0x6400] =	vst.msk vm1, v56  }
0x142: {  	s2 =	spop (v2sf);
	vm0 =	vmand vm6, vm8;
	[tilespmem:s1+$0x6500] =	vst.msk vm1, v63  }
0x143: {  	[tilespmem:s2+$0x6600] =	vst.msk vm0, v5  }
0x144: {  	[tilespmem:s2+$0x6700] =	vst.msk vm0, v6  }
0x145: {  	[tilespmem:s2+$0x6800] =	vst.msk vm0, v7  }
0x146: {  	[tilespmem:s2+$0x6900] =	vst.msk vm0, v56  }
0x147: {  	v4 =	vmpcnt.ones.xlane vm1;
	[tilespmem:s2+$0x6C00] =	vst.msk vm0, v63  }
0x148: {  	v54 =	vld [tilespmem:$0x20]  }
0x149: {  	(v2sf) =	vpush v4, $0x0;
	v5 =	vmpcnt.ones.xlane vm0;
	v55 =	vld [tilespmem:$0x120];
	_ =	sdelay $0x1  }
0x14a: {  	(v2sf) =	vpush v5, $0x0;
	v6 =	vld [tilespmem:$0x220];
	_ =	sdelay $0x2  }
0x14b: {  	v54 =	vsub.f32 v54, v50;
	v55 =	vsub.f32 v55, v51;
	_ =	sdelay $0x1  }
0x14c: {  	v53 =	vsub.f32 v6, v52;
	v7 =	vmul.f32 v54, v54;
	v60 =	vmul.f32 v55, v55;
	_ =	sdelay $0x1  }
0x14d: {  	v61 =	vmul.f32 v53, v53;
	v56 =	vadd.f32 v60, v7;
	_ =	sdelay $0x1  }
0x14e: {  	v56 =	vadd.f32 v61, v56;
	_ =	sdelay $0x1  }
0x14f: {  	v62 =	vld [tilespmem:$0x320];
	v56 =	vadd.f32 $9.999999960e-13, v56;
	_ =	sdelay $0x1  }
0x150: {  	vm9 =	vne.s32 v49, v39;
	s3 =	spop (v2sf);
	vm10 =	vle.f32 v56, $2.704000090e+01  }
0x151: {  	s4 =	sadd.s32 s1, s3;
	vm1 =	vmand vm9, vm10  }
0x152: {  	s8 =	spop (v2sf);
	vm11 =	vle.f32 v56, $1.225000000e+01;
	[tilespmem:s4+$0x6400] =	vst.msk vm1, v56  }
0x153: {  	s1 =	sadd.s32 s2, s8;
	vm0 =	vmand vm9, vm11;
	[tilespmem:s4+$0x6500] =	vst.msk vm1, v62  }
0x154: {  	[tilespmem:s1+$0x6600] =	vst.msk vm0, v54  }
0x155: {  	[tilespmem:s1+$0x6700] =	vst.msk vm0, v55  }
0x156: {  	[tilespmem:s1+$0x6800] =	vst.msk vm0, v53  }
0x157: {  	[tilespmem:s1+$0x6900] =	vst.msk vm0, v56  }
0x158: {  	v63 =	vmpcnt.ones.xlane vm1;
	[tilespmem:s1+$0x6C00] =	vst.msk vm0, v62  }
0x159: {  	v54 =	vld [tilespmem:$0x30]  }
0x15a: {  	v4 =	vmpcnt.ones.xlane vm0;
	(v2sf) =	vpush v63, $0x0;
	v55 =	vld [tilespmem:$0x130];
	_ =	sdelay $0x1  }
0x15b: {  	(v2sf) =	vpush v4, $0x0;
	v5 =	vld [tilespmem:$0x230];
	_ =	sdelay $0x2  }
0x15c: {  	v54 =	vsub.f32 v54, v50;
	v55 =	vsub.f32 v55, v51;
	_ =	sdelay $0x1  }
0x15d: {  	v53 =	vsub.f32 v5, v52;
	v6 =	vmul.f32 v54, v54;
	v7 =	vmul.f32 v55, v55;
	_ =	sdelay $0x1  }
0x15e: {  	v60 =	vmul.f32 v53, v53;
	v56 =	vadd.f32 v7, v6;
	_ =	sdelay $0x1  }
0x15f: {  	v56 =	vadd.f32 v60, v56;
	_ =	sdelay $0x1  }
0x160: {  	v61 =	vld [tilespmem:$0x330];
	v56 =	vadd.f32 $9.999999960e-13, v56;
	_ =	sdelay $0x1  }
0x161: {  	vm12 =	vne.s32 v49, v40;
	s3 =	spop (v2sf);
	vm13 =	vle.f32 v56, $2.704000090e+01  }
0x162: {  	s9 =	sadd.s32 s4, s3;
	vm1 =	vmand vm12, vm13  }
0x163: {  	s5 =	spop (v2sf);
	vm14 =	vle.f32 v56, $1.225000000e+01;
	[tilespmem:s9+$0x6400] =	vst.msk vm1, v56  }
0x164: {  	s1 =	sadd.s32 s1, s5;
	vm0 =	vmand vm12, vm14;
	[tilespmem:s9+$0x6500] =	vst.msk vm1, v61  }
0x165: {  	[tilespmem:s1+$0x6600] =	vst.msk vm0, v54  }
0x166: {  	[tilespmem:s1+$0x6700] =	vst.msk vm0, v55  }
0x167: {  	[tilespmem:s1+$0x6800] =	vst.msk vm0, v53  }
0x168: {  	[tilespmem:s1+$0x6900] =	vst.msk vm0, v56  }
0x169: {  	v62 =	vmpcnt.ones.xlane vm1;
	[tilespmem:s1+$0x6C00] =	vst.msk vm0, v61  }
0x16a: {  	v54 =	vld [tilespmem:$0x40]  }
0x16b: {  	v63 =	vmpcnt.ones.xlane vm0;
	(v2sf) =	vpush v62, $0x0;
	v55 =	vld [tilespmem:$0x140];
	_ =	sdelay $0x1  }
0x16c: {  	(v2sf) =	vpush v63, $0x0;
	v4 =	vld [tilespmem:$0x240];
	_ =	sdelay $0x2  }
0x16d: {  	v54 =	vsub.f32 v54, v50;
	v55 =	vsub.f32 v55, v51;
	_ =	sdelay $0x1  }
0x16e: {  	v53 =	vsub.f32 v4, v52;
	v5 =	vmul.f32 v54, v54;
	v6 =	vmul.f32 v55, v55;
	_ =	sdelay $0x1  }
0x16f: {  	v7 =	vmul.f32 v53, v53;
	v56 =	vadd.f32 v6, v5;
	_ =	sdelay $0x1  }
0x170: {  	v56 =	vadd.f32 v7, v56;
	_ =	sdelay $0x1  }
0x171: {  	v60 =	vld [tilespmem:$0x340];
	v56 =	vadd.f32 $9.999999960e-13, v56;
	_ =	sdelay $0x1  }
0x172: {  	vm15 =	vne.s32 v49, v41;
	s11 =	spop (v2sf);
	vm4 =	vle.f32 v56, $2.704000090e+01  }
0x173: {  	s2 =	sadd.s32 s9, s11;
	vm1 =	vmand vm15, vm4  }
0x174: {  	s10 =	spop (v2sf);
	vm5 =	vle.f32 v56, $1.225000000e+01;
	[tilespmem:s2+$0x6400] =	vst.msk vm1, v56  }
0x175: {  	s1 =	sadd.s32 s1, s10;
	vm0 =	vmand vm15, vm5;
	[tilespmem:s2+$0x6500] =	vst.msk vm1, v60  }
0x176: {  	[tilespmem:s1+$0x6600] =	vst.msk vm0, v54  }
0x177: {  	[tilespmem:s1+$0x6700] =	vst.msk vm0, v55  }
0x178: {  	[tilespmem:s1+$0x6800] =	vst.msk vm0, v53  }
0x179: {  	[tilespmem:s1+$0x6900] =	vst.msk vm0, v56  }
0x17a: {  	v61 =	vmpcnt.ones.xlane vm1;
	[tilespmem:s1+$0x6C00] =	vst.msk vm0, v60  }
0x17b: {  	v54 =	vld [tilespmem:$0x50]  }
0x17c: {  	v62 =	vmpcnt.ones.xlane vm0;
	(v2sf) =	vpush v61, $0x0;
	v55 =	vld [tilespmem:$0x150];
	_ =	sdelay $0x1  }
0x17d: {  	(v2sf) =	vpush v62, $0x0;
	v63 =	vld [tilespmem:$0x250];
	_ =	sdelay $0x2  }
0x17e: {  	v54 =	vsub.f32 v54, v50;
	v55 =	vsub.f32 v55, v51;
	_ =	sdelay $0x1  }
0x17f: {  	v53 =	vsub.f32 v63, v52;
	v4 =	vmul.f32 v54, v54;
	v5 =	vmul.f32 v55, v55;
	_ =	sdelay $0x1  }
0x180: {  	v6 =	vmul.f32 v53, v53;
	v56 =	vadd.f32 v5, v4;
	_ =	sdelay $0x1  }
0x181: {  	v56 =	vadd.f32 v6, v56;
	_ =	sdelay $0x1  }
0x182: {  	v7 =	vld [tilespmem:$0x350];
	v56 =	vadd.f32 $9.999999960e-13, v56;
	_ =	sdelay $0x1  }
0x183: {  	vm6 =	vne.s32 v49, v42;
	s6 =	spop (v2sf);
	vm7 =	vle.f32 v56, $2.704000090e+01  }
0x184: {  	s2 =	sadd.s32 s2, s6;
	vm1 =	vmand vm6, vm7  }
0x185: {  	s12 =	spop (v2sf);
	vm8 =	vle.f32 v56, $1.225000000e+01;
	[tilespmem:s2+$0x6400] =	vst.msk vm1, v56  }
0x186: {  	s1 =	sadd.s32 s1, s12;
	vm0 =	vmand vm6, vm8;
	[tilespmem:s2+$0x6500] =	vst.msk vm1, v7  }
0x187: {  	[tilespmem:s1+$0x6600] =	vst.msk vm0, v54  }
0x188: {  	[tilespmem:s1+$0x6700] =	vst.msk vm0, v55  }
0x189: {  	[tilespmem:s1+$0x6800] =	vst.msk vm0, v53  }
0x18a: {  	[tilespmem:s1+$0x6900] =	vst.msk vm0, v56  }
0x18b: {  	v57 =	vmpcnt.ones.xlane vm1;
	[tilespmem:s1+$0x6C00] =	vst.msk vm0, v7  }
0x18c: {  	v54 =	vld [tilespmem:$0x60]  }
0x18d: {  	v58 =	vmpcnt.ones.xlane vm0;
	(v2sf) =	vpush v57, $0x0;
	v55 =	vld [tilespmem:$0x160];
	_ =	sdelay $0x1  }
0x18e: {  	(v2sf) =	vpush v58, $0x0;
	v59 =	vld [tilespmem:$0x260];
	_ =	sdelay $0x2  }
0x18f: {  	v54 =	vsub.f32 v54, v50;
	v55 =	vsub.f32 v55, v51;
	_ =	sdelay $0x1  }
0x190: {  	v53 =	vsub.f32 v59, v52;
	v60 =	vmul.f32 v54, v54;
	v61 =	vmul.f32 v55, v55;
	_ =	sdelay $0x1  }
0x191: {  	v62 =	vmul.f32 v53, v53;
	v56 =	vadd.f32 v61, v60;
	_ =	sdelay $0x1  }
0x192: {  	v56 =	vadd.f32 v62, v56;
	_ =	sdelay $0x1  }
0x193: {  	v63 =	vld [tilespmem:$0x360];
	v56 =	vadd.f32 $9.999999960e-13, v56;
	_ =	sdelay $0x1  }
0x194: {  	vm9 =	vne.s32 v49, v43;
	s8 =	spop (v2sf);
	vm10 =	vle.f32 v56, $2.704000090e+01  }
0x195: {  	s2 =	sadd.s32 s2, s8;
	vm1 =	vmand vm9, vm10  }
0x196: {  	s13 =	spop (v2sf);
	vm11 =	vle.f32 v56, $1.225000000e+01;
	[tilespmem:s2+$0x6400] =	vst.msk vm1, v56  }
0x197: {  	s1 =	sadd.s32 s1, s13;
	vm0 =	vmand vm9, vm11;
	[tilespmem:s2+$0x6500] =	vst.msk vm1, v63  }
0x198: {  	[tilespmem:s1+$0x6600] =	vst.msk vm0, v54  }
0x199: {  	[tilespmem:s1+$0x6700] =	vst.msk vm0, v55  }
0x19a: {  	[tilespmem:s1+$0x6800] =	vst.msk vm0, v53  }
0x19b: {  	[tilespmem:s1+$0x6900] =	vst.msk vm0, v56  }
0x19c: {  	v4 =	vmpcnt.ones.xlane vm1;
	[tilespmem:s1+$0x6C00] =	vst.msk vm0, v63  }
0x19d: {  	v54 =	vld [tilespmem:$0x70]  }
0x19e: {  	v5 =	vmpcnt.ones.xlane vm0;
	(v2sf) =	vpush v4, $0x0;
	v55 =	vld [tilespmem:$0x170];
	_ =	sdelay $0x1  }
0x19f: {  	(v2sf) =	vpush v5, $0x0;
	v6 =	vld [tilespmem:$0x270];
	_ =	sdelay $0x2  }
0x1a0: {  	v54 =	vsub.f32 v54, v50;
	v55 =	vsub.f32 v55, v51;
	_ =	sdelay $0x1  }
0x1a1: {  	v53 =	vsub.f32 v6, v52;
	v7 =	vmul.f32 v54, v54;
	v60 =	vmul.f32 v55, v55;
	_ =	sdelay $0x1  }
0x1a2: {  	v61 =	vmul.f32 v53, v53;
	v56 =	vadd.f32 v60, v7;
	_ =	sdelay $0x1  }
0x1a3: {  	v56 =	vadd.f32 v61, v56;
	_ =	sdelay $0x1  }
0x1a4: {  	v62 =	vld [tilespmem:$0x370];
	v56 =	vadd.f32 $9.999999960e-13, v56;
	_ =	sdelay $0x1  }
0x1a5: {  	vm12 =	vne.s32 v49, v44;
	s10 =	spop (v2sf);
	vm13 =	vle.f32 v56, $2.704000090e+01  }
0x1a6: {  	s2 =	sadd.s32 s2, s10;
	vm1 =	vmand vm12, vm13  }
0x1a7: {  	s14 =	spop (v2sf);
	vm14 =	vle.f32 v56, $1.225000000e+01;
	[tilespmem:s2+$0x6400] =	vst.msk vm1, v56  }
0x1a8: {  	s5 =	sadd.s32 s1, s14;
	vm0 =	vmand vm12, vm14;
	[tilespmem:s2+$0x6500] =	vst.msk vm1, v62  }
0x1a9: {  	[tilespmem:s5+$0x6600] =	vst.msk vm0, v54  }
0x1aa: {  	[tilespmem:s5+$0x6700] =	vst.msk vm0, v55  }
0x1ab: {  	[tilespmem:s5+$0x6800] =	vst.msk vm0, v53  }
0x1ac: {  	[tilespmem:s5+$0x6900] =	vst.msk vm0, v56  }
0x1ad: {  	v63 =	vmpcnt.ones.xlane vm1;
	[tilespmem:s5+$0x6C00] =	vst.msk vm0, v62  }
0x1ae: {  	v54 =	vld [tilespmem:$0x80]  }
0x1af: {  	v4 =	vmpcnt.ones.xlane vm0;
	(v2sf) =	vpush v63, $0x0;
	v55 =	vld [tilespmem:$0x180];
	_ =	sdelay $0x1  }
0x1b0: {  	(v2sf) =	vpush v4, $0x0;
	v5 =	vld [tilespmem:$0x280];
	_ =	sdelay $0x2  }
0x1b1: {  	v54 =	vsub.f32 v54, v50;
	v55 =	vsub.f32 v55, v51;
	_ =	sdelay $0x1  }
0x1b2: {  	v53 =	vsub.f32 v5, v52;
	v6 =	vmul.f32 v54, v54;
	v7 =	vmul.f32 v55, v55;
	_ =	sdelay $0x1  }
0x1b3: {  	v60 =	vmul.f32 v53, v53;
	v56 =	vadd.f32 v7, v6;
	_ =	sdelay $0x1  }
0x1b4: {  	v56 =	vadd.f32 v60, v56;
	_ =	sdelay $0x1  }
0x1b5: {  	v61 =	vld [tilespmem:$0x380];
	v56 =	vadd.f32 $9.999999960e-13, v56;
	_ =	sdelay $0x1  }
0x1b6: {  	vm15 =	vne.s32 v49, v45;
	s1 =	spop (v2sf);
	vm4 =	vle.f32 v56, $2.704000090e+01  }
0x1b7: {  	s2 =	sadd.s32 s2, s1;
	vm1 =	vmand vm15, vm4  }
0x1b8: {  	s7 =	spop (v2sf);
	vm5 =	vle.f32 v56, $1.225000000e+01;
	[tilespmem:s2+$0x6400] =	vst.msk vm1, v56  }
0x1b9: {  	s5 =	sadd.s32 s5, s7;
	vm0 =	vmand vm15, vm5;
	[tilespmem:s2+$0x6500] =	vst.msk vm1, v61  }
0x1ba: {  	[tilespmem:s5+$0x6600] =	vst.msk vm0, v54  }
0x1bb: {  	[tilespmem:s5+$0x6700] =	vst.msk vm0, v55  }
0x1bc: {  	[tilespmem:s5+$0x6800] =	vst.msk vm0, v53  }
0x1bd: {  	[tilespmem:s5+$0x6900] =	vst.msk vm0, v56  }
0x1be: {  	v62 =	vmpcnt.ones.xlane vm1;
	[tilespmem:s5+$0x6C00] =	vst.msk vm0, v61  }
0x1bf: {  	v54 =	vld [tilespmem:$0x90]  }
0x1c0: {  	v63 =	vmpcnt.ones.xlane vm0;
	(v2sf) =	vpush v62, $0x0;
	v55 =	vld [tilespmem:$0x190];
	_ =	sdelay $0x1  }
0x1c1: {  	(v2sf) =	vpush v63, $0x0;
	v4 =	vld [tilespmem:$0x290];
	_ =	sdelay $0x2  }
0x1c2: {  	v54 =	vsub.f32 v54, v50;
	v55 =	vsub.f32 v55, v51;
	_ =	sdelay $0x1  }
0x1c3: {  	v53 =	vsub.f32 v4, v52;
	v5 =	vmul.f32 v54, v54;
	v6 =	vmul.f32 v55, v55;
	_ =	sdelay $0x1  }
0x1c4: {  	v7 =	vmul.f32 v53, v53;
	v56 =	vadd.f32 v6, v5;
	_ =	sdelay $0x1  }
0x1c5: {  	v56 =	vadd.f32 v7, v56;
	_ =	sdelay $0x1  }
0x1c6: {  	v60 =	vld [tilespmem:$0x390];
	v56 =	vadd.f32 $9.999999960e-13, v56;
	_ =	sdelay $0x1  }
0x1c7: {  	vm6 =	vne.s32 v49, v46;
	s12 =	spop (v2sf);
	vm7 =	vle.f32 v56, $2.704000090e+01  }
0x1c8: {  	s2 =	sadd.s32 s2, s12;
	vm1 =	vmand vm6, vm7  }
0x1c9: {  	s15 =	spop (v2sf);
	vm8 =	vle.f32 v56, $1.225000000e+01;
	[tilespmem:s2+$0x6400] =	vst.msk vm1, v56  }
0x1ca: {  	s5 =	sadd.s32 s5, s15;
	vm0 =	vmand vm6, vm8;
	[tilespmem:s2+$0x6500] =	vst.msk vm1, v60  }
0x1cb: {  	[tilespmem:s5+$0x6600] =	vst.msk vm0, v54  }
0x1cc: {  	[tilespmem:s5+$0x6700] =	vst.msk vm0, v55  }
0x1cd: {  	[tilespmem:s5+$0x6800] =	vst.msk vm0, v53  }
0x1ce: {  	[tilespmem:s5+$0x6900] =	vst.msk vm0, v56  }
0x1cf: {  	v61 =	vmpcnt.ones.xlane vm1;
	[tilespmem:s5+$0x6C00] =	vst.msk vm0, v60  }
0x1d0: {  	v54 =	vld [tilespmem:$0xA0]  }
0x1d1: {  	v62 =	vmpcnt.ones.xlane vm0;
	(v2sf) =	vpush v61, $0x0;
	v55 =	vld [tilespmem:$0x1A0];
	_ =	sdelay $0x1  }
0x1d2: {  	(v2sf) =	vpush v62, $0x0;
	v63 =	vld [tilespmem:$0x2A0];
	_ =	sdelay $0x2  }
0x1d3: {  	v54 =	vsub.f32 v54, v50;
	v55 =	vsub.f32 v55, v51;
	_ =	sdelay $0x1  }
0x1d4: {  	v53 =	vsub.f32 v63, v52;
	v4 =	vmul.f32 v54, v54;
	v5 =	vmul.f32 v55, v55;
	_ =	sdelay $0x1  }
0x1d5: {  	v6 =	vmul.f32 v53, v53;
	v56 =	vadd.f32 v5, v4;
	_ =	sdelay $0x1  }
0x1d6: {  	v56 =	vadd.f32 v6, v56;
	_ =	sdelay $0x1  }
0x1d7: {  	v7 =	vld [tilespmem:$0x3A0];
	v56 =	vadd.f32 $9.999999960e-13, v56;
	_ =	sdelay $0x1  }
0x1d8: {  	vm9 =	vne.s32 v49, v47;
	s13 =	spop (v2sf);
	vm10 =	vle.f32 v56, $2.704000090e+01  }
0x1d9: {  	s2 =	sadd.s32 s2, s13;
	vm1 =	vmand vm9, vm10  }
0x1da: {  	s24 =	spop (v2sf);
	vm11 =	vle.f32 v56, $1.225000000e+01;
	[tilespmem:s2+$0x6400] =	vst.msk vm1, v56  }
0x1db: {  	s5 =	sadd.s32 s5, s24;
	vm0 =	vmand vm9, vm11;
	[tilespmem:s2+$0x6500] =	vst.msk vm1, v7  }
0x1dc: {  	[tilespmem:s5+$0x6600] =	vst.msk vm0, v54  }
0x1dd: {  	[tilespmem:s5+$0x6700] =	vst.msk vm0, v55  }
0x1de: {  	[tilespmem:s5+$0x6800] =	vst.msk vm0, v53  }
0x1df: {  	[tilespmem:s5+$0x6900] =	vst.msk vm0, v56  }
0x1e0: {  	[tilespmem:s5+$0x6C00] =	vst.msk vm0, v7  }
0x1e1: {  	v53 =	vld [tilespmem:$0xB0]  }
0x1e2: {  	v54 =	vld [tilespmem:$0x1B0];
	_ =	sdelay $0x1  }
0x1e3: {  	v55 =	vld [tilespmem:$0x2B0];
	_ =	sdelay $0x2  }
0x1e4: {  	v50 =	vsub.f32 v53, v50;
	v51 =	vsub.f32 v54, v51;
	_ =	sdelay $0x1  }
0x1e5: {  	v52 =	vsub.f32 v55, v52;
	v53 =	vmul.f32 v50, v50;
	v54 =	vmul.f32 v51, v51;
	_ =	sdelay $0x1  }
0x1e6: {  	v58 =	vmul.f32 v52, v52;
	v53 =	vadd.f32 v54, v53;
	_ =	sdelay $0x1  }
0x1e7: {  	v53 =	vadd.f32 v58, v53;
	_ =	sdelay $0x1  }
0x1e8: {  	v53 =	vadd.f32 $9.999999960e-13, v53;
	_ =	sdelay $0x1  }
0x1e9: {  	vm12 =	vne.s32 v49, v48;
	v59 =	vmpcnt.ones.xlane vm1;
	vm13 =	vle.f32 v53, $2.704000090e+01  }
0x1ea: {  	v60 =	vmpcnt.ones.xlane vm0;
	vm15 =	vle.f32 v53, $1.225000000e+01;
	vm14 =	vmand vm12, vm13  }
0x1eb: {  	(v2sf) =	vpush v59, $0x0;
	vm1 =	vmand vm12, vm15;
	v61 =	vmpcnt.ones.xlane vm14  }
0x1ec: {  	(v2sf) =	vpush v60, $0x0;
	v62 =	vmpcnt.ones.xlane vm1  }
0x1ed: {  	(v2sf) =	vpush v61, $0x0  }
0x1ee: {  	(v2sf) =	vpush v62, $0x0;
	_ =	sdelay $0xb  }
0x1ef: {  	s15 =	spop (v2sf)  }
0x1f0: {  	s9 =	spop (v2sf)  }
0x1f1: {  	v63 =	vld [tilespmem:$0x3B0];
	s14 =	spop (v2sf)  }
0x1f2: {  	s5 =	sadd.s32 s5, s9;
	s7 =	spop (v2sf)  }
0x1f3: {  	s24 =	sadd.s32 s2, s15;
	s2 =	sadd.s32 s5, s7  }
0x1f4: {  	s9 =	sadd.s32 $0xF, s2  }
0x1f5: {  	[tilespmem:s24+$0x6400] =	vst.msk vm14, v53;
	s9 =	sshra.s32 s9, $0x4  }
0x1f6: {  	[tilespmem:s24+$0x6500] =	vst.msk vm14, v63;
	p1 =	slt.s32 s9, $0x1  }
.Ltmp4:
0x1f7: {  	[tilespmem:s5+$0x6600] =	vst.msk vm1, v50;
	(pc) =	sbr.rel @p1 .LBB2_6-.Ltmp4, $4  }
0x1f8: {  	[tilespmem:s5+$0x6700] =	vst.msk vm1, v51  }
0x1f9: {  	[tilespmem:s5+$0x6800] =	vst.msk vm1, v52  }
0x1fa: {  	[tilespmem:s5+$0x6900] =	vst.msk vm1, v53  }
0x1fb: {  	[tilespmem:s5+$0x6C00] =	vst.msk vm1, v63  }
0x1fc: {  	v49 =	vld [tilespmem:s31+$0x0];
	_ =	sdelay $0x4  }
0x1fd: {  	v50 =	vshra.s32 v49, $0x1;
	v51 =	vmul.f32 $5.000000000e-01, v49  }
0x1fe: {  	v50 =	vsub.s32 $0x5F3759DF, v50  }
0x1ff: {  	v52 =	vmul.f32 v50, v51;
	_ =	sdelay $0x1  }
0x200: {  	v52 =	vmul.f32 v50, v52;
	_ =	sdelay $0x1  }
0x201: {  	v52 =	vsub.f32 $1.500000000e+00, v52;
	_ =	sdelay $0x1  }
0x202: {  	v50 =	vmul.f32 v50, v52;
	_ =	sdelay $0x1  }
0x203: {  	v52 =	vmul.f32 v50, v51;
	_ =	sdelay $0x1  }
0x204: {  	v52 =	vmul.f32 v52, v50;
	_ =	sdelay $0x1  }
0x205: {  	v52 =	vsub.f32 $1.500000000e+00, v52;
	_ =	sdelay $0x1  }
0x206: {  	v50 =	vmul.f32 v52, v50;
	_ =	sdelay $0x1  }
0x207: {  	v51 =	vmul.f32 v50, v51;
	_ =	sdelay $0x1  }
0x208: {  	v51 =	vmul.f32 v51, v50;
	_ =	sdelay $0x1  }
0x209: {  	v51 =	vsub.f32 $1.500000000e+00, v51;
	_ =	sdelay $0x1  }
0x20a: {  	v50 =	vmul.f32 v51, v50;
	_ =	sdelay $0x1  }
0x20b: {  	v49 =	vmul.f32 v50, v49;
	_ =	sdelay $0x1  }
0x20c: {  	v62 =	vmul.f32 $8.975979080e-01, v49;
	_ =	sdelay $0x1  }
0x20d: {  	v51 =	vmul.f32 v62, v62;
	_ =	sdelay $0x1  }
0x20e: {  	v63 =	vmul.f32 $-1.147074540e-11, v51;
	_ =	sdelay $0x1  }
0x20f: {  	v52 =	vadd.f32 $2.087675590e-09, v63;
	_ =	sdelay $0x1  }
0x210: {  	v52 =	vmul.f32 v52, v51;
	_ =	sdelay $0x1  }
0x211: {  	v52 =	vadd.f32 $-2.755732000e-07, v52;
	_ =	sdelay $0x1  }
0x212: {  	v52 =	vmul.f32 v52, v51;
	_ =	sdelay $0x1  }
0x213: {  	v52 =	vadd.f32 $2.480158760e-05, v52;
	_ =	sdelay $0x1  }
0x214: {  	v52 =	vmul.f32 v52, v51;
	_ =	sdelay $0x1  }
0x215: {  	v52 =	vadd.f32 $-1.388888920e-03, v52;
	_ =	sdelay $0x1  }
0x216: {  	v52 =	vmul.f32 v52, v51;
	_ =	sdelay $0x1  }
0x217: {  	v52 =	vadd.f32 $4.166666790e-02, v52;
	_ =	sdelay $0x1  }
0x218: {  	v52 =	vmul.f32 v52, v51;
	_ =	sdelay $0x1  }
0x219: {  	v52 =	vadd.f32 $-5.000000000e-01, v52;
	_ =	sdelay $0x1  }
0x21a: {  	v51 =	vmul.f32 v52, v51;
	_ =	sdelay $0x1  }
0x21b: {  	v51 =	vadd.f32 $1.000000000e+00, v51;
	_ =	sdelay $0x1  }
0x21c: {  	v51 =	vmul.f32 $5.000000000e-01, v51;
	_ =	sdelay $0x1  }
0x21d: {  	s5 =	simm.s32 $0x6A00;
	v51 =	vadd.f32 $5.000000000e-01, v51  }
0x21e: {  	s7 =	simm.s32 $0x6B00;
	[tilespmem:s5+$0x0] =	vst v49  }
0x21f: {  	[tilespmem:s7+$0x0] =	vst v51  }
0x220: {  	v49 =	vld [tilespmem:s18+$0x0];
	_ =	sdelay $0x4  }
0x221: {  	v49 =	vmul.f32 v50, v49;
	_ =	sdelay $0x1  }
0x222: {  	[tilespmem:s18+$0x0] =	vst v49  }
0x223: {  	v49 =	vld [tilespmem:s25+$0x0];
	_ =	sdelay $0x4  }
0x224: {  	v49 =	vmul.f32 v50, v49;
	_ =	sdelay $0x1  }
0x225: {  	[tilespmem:s25+$0x0] =	vst v49  }
0x226: {  	v49 =	vld [tilespmem:s0+$0x0]  }
0x227: {  	p1 =	sne.s32 s9, $0x1  }
.Ltmp5:
0x228: {  	_ = 	snop;
	(pc) =	sbr.rel @!p1 .LBB2_5-.Ltmp5, $4  }
0x229: {  	_ = 	snop  }
0x22a: {  	[dreg:$0x9] =	wrdreg s8;
	s8 =	smov.u32 s6;
	s6 =	smov.u32 s11  }
0x22b: {  	s11 =	smov.u32 s3;
	s3 =	smov.u32 s30;
	s30 =	simm.s32 $0x6810;
	v49 =	vmul.f32 v50, v49  }
0x22c: {  	s18 =	sadd.s32 $0xFFFFFFFF, s9;
	s9 =	simm.s32 $0x6710;
	s25 =	simm.s32 $0x6610  }
.LBB2_4:
0x22d: {  	[tilespmem:s0+$0x0] =	vst v49;
	s31 =	sadd.s32 $0x10, s31;
	s5 =	sadd.s32 $0x10, s5;
	s7 =	sadd.s32 $0x10, s7  }
0x22e: {  	p1 =	sne.s32 s18, $0x1;
	s18 =	sadd.s32 $0xFFFFFFFF, s18;
	s0 =	smov.u32 s30;
	v49 =	vld [tilespmem:s31+$0x0]  }
0x22f: {  	_ =	sdelay $0x3  }
0x230: {  	v50 =	vshra.s32 v49, $0x1;
	v51 =	vmul.f32 $5.000000000e-01, v49  }
0x231: {  	v50 =	vsub.s32 $0x5F3759DF, v50  }
0x232: {  	v52 =	vmul.f32 v50, v51;
	_ =	sdelay $0x1  }
0x233: {  	v52 =	vmul.f32 v50, v52;
	_ =	sdelay $0x1  }
0x234: {  	v52 =	vsub.f32 $1.500000000e+00, v52;
	_ =	sdelay $0x1  }
0x235: {  	v50 =	vmul.f32 v50, v52;
	_ =	sdelay $0x1  }
0x236: {  	v52 =	vmul.f32 v50, v51;
	_ =	sdelay $0x1  }
0x237: {  	v52 =	vmul.f32 v52, v50;
	_ =	sdelay $0x1  }
0x238: {  	v52 =	vsub.f32 $1.500000000e+00, v52;
	_ =	sdelay $0x1  }
0x239: {  	v50 =	vmul.f32 v52, v50;
	_ =	sdelay $0x1  }
0x23a: {  	v51 =	vmul.f32 v50, v51;
	_ =	sdelay $0x1  }
0x23b: {  	v51 =	vmul.f32 v51, v50;
	_ =	sdelay $0x1  }
0x23c: {  	v51 =	vsub.f32 $1.500000000e+00, v51;
	_ =	sdelay $0x1  }
0x23d: {  	v50 =	vmul.f32 v51, v50;
	_ =	sdelay $0x1  }
0x23e: {  	v49 =	vmul.f32 v50, v49;
	_ =	sdelay $0x1  }
0x23f: {  	v51 =	vmul.f32 $8.975979080e-01, v49;
	_ =	sdelay $0x1  }
0x240: {  	v51 =	vmul.f32 v51, v51;
	_ =	sdelay $0x1  }
0x241: {  	v52 =	vmul.f32 $-1.147074540e-11, v51;
	_ =	sdelay $0x1  }
0x242: {  	v52 =	vadd.f32 $2.087675590e-09, v52;
	_ =	sdelay $0x1  }
0x243: {  	v52 =	vmul.f32 v52, v51;
	_ =	sdelay $0x1  }
0x244: {  	v52 =	vadd.f32 $-2.755732000e-07, v52;
	_ =	sdelay $0x1  }
0x245: {  	v52 =	vmul.f32 v52, v51;
	_ =	sdelay $0x1  }
0x246: {  	v52 =	vadd.f32 $2.480158760e-05, v52;
	_ =	sdelay $0x1  }
0x247: {  	v52 =	vmul.f32 v52, v51;
	_ =	sdelay $0x1  }
0x248: {  	v52 =	vadd.f32 $-1.388888920e-03, v52;
	_ =	sdelay $0x1  }
0x249: {  	v52 =	vmul.f32 v52, v51;
	_ =	sdelay $0x1  }
0x24a: {  	v52 =	vadd.f32 $4.166666790e-02, v52;
	_ =	sdelay $0x1  }
0x24b: {  	v52 =	vmul.f32 v52, v51;
	_ =	sdelay $0x1  }
0x24c: {  	v52 =	vadd.f32 $-5.000000000e-01, v52;
	_ =	sdelay $0x1  }
0x24d: {  	v51 =	vmul.f32 v52, v51;
	_ =	sdelay $0x1  }
0x24e: {  	v51 =	vadd.f32 $1.000000000e+00, v51;
	_ =	sdelay $0x1  }
0x24f: {  	v51 =	vmul.f32 $5.000000000e-01, v51;
	_ =	sdelay $0x1  }
0x250: {  	v51 =	vadd.f32 $5.000000000e-01, v51  }
0x251: {  	[tilespmem:s5+$0x0] =	vst v49  }
0x252: {  	[tilespmem:s7+$0x0] =	vst v51  }
0x253: {  	v49 =	vld [tilespmem:s25+$0x0];
	_ =	sdelay $0x4  }
0x254: {  	v49 =	vmul.f32 v50, v49;
	_ =	sdelay $0x1  }
0x255: {  	[tilespmem:s25+$0x0] =	vst v49  }
0x256: {  	v49 =	vld [tilespmem:s9+$0x0];
	_ =	sdelay $0x4  }
0x257: {  	v49 =	vmul.f32 v50, v49;
	_ =	sdelay $0x1  }
0x258: {  	[tilespmem:s9+$0x0] =	vst v49  }
0x259: {  	v49 =	vld [tilespmem:s30+$0x0];
	_ =	sdelay $0x1  }
.Ltmp6:
0x25a: {  	(pc) =	sbr.rel @p1 .LBB2_4-.Ltmp6, $3  }
0x25b: {  	_ =	sdelay $0x1  }
0x25c: {  	v49 =	vmul.f32 v50, v49  }
0x25d: {  	s25 =	sadd.s32 $0x10, s25;
	s9 =	sadd.s32 $0x10, s9;
	s30 =	sadd.s32 $0x10, s30  }
.LBB2_5:
0x25e: {  	s30 =	smov.u32 s3;
	s3 =	smov.u32 s11  }
0x25f: {  	[tilespmem:s0+$0x0] =	vst v49;
	s11 =	smov.u32 s6;
	s6 =	smov.u32 s8;
	s8 =	rddreg [dreg:$0x9]  }
.LBB2_6:
0x260: {  	s0 =	sadd.s32 s24, s14  }
0x261: {  	s0 =	sadd.s32 $0xF, s0  }
0x262: {  	s5 =	sshra.s32 s0, $0x4  }
0x263: {  	p1 =	slt.s32 s5, $0x1  }
.Ltmp7:
0x264: {  	_ = 	snop;
	(pc) =	sbr.rel @p1 .LBB2_10-.Ltmp7, $2  }
0x265: {  	_ =	sdelay $0x2  }
0x266: {  	s31 =	smul.u32 $0x180, s29  }
0x267: {  	s0 =	simm.s32 $0x6400  }
0x268: {  	v49 =	vld [tilespmem:s0+$0x0];
	_ =	sdelay $0x4  }
0x269: {  	v50 =	vshra.s32 v49, $0x1;
	v51 =	vmul.f32 $5.000000000e-01, v49  }
0x26a: {  	v50 =	vsub.s32 $0x5F3759DF, v50  }
0x26b: {  	v52 =	vmul.f32 v50, v51;
	_ =	sdelay $0x1  }
0x26c: {  	v52 =	vmul.f32 v50, v52;
	_ =	sdelay $0x1  }
0x26d: {  	v52 =	vsub.f32 $1.500000000e+00, v52;
	_ =	sdelay $0x1  }
0x26e: {  	v50 =	vmul.f32 v50, v52;
	_ =	sdelay $0x1  }
0x26f: {  	v52 =	vmul.f32 v50, v51;
	_ =	sdelay $0x1  }
0x270: {  	v52 =	vmul.f32 v52, v50;
	_ =	sdelay $0x1  }
0x271: {  	v52 =	vsub.f32 $1.500000000e+00, v52;
	_ =	sdelay $0x1  }
0x272: {  	v50 =	vmul.f32 v52, v50;
	_ =	sdelay $0x1  }
0x273: {  	v51 =	vmul.f32 v50, v51;
	_ =	sdelay $0x1  }
0x274: {  	v51 =	vmul.f32 v51, v50;
	_ =	sdelay $0x1  }
0x275: {  	v51 =	vsub.f32 $1.500000000e+00, v51;
	_ =	sdelay $0x1  }
0x276: {  	v50 =	vmul.f32 v51, v50;
	_ =	sdelay $0x1  }
0x277: {  	v49 =	vmul.f32 v50, v49;
	_ =	sdelay $0x1  }
0x278: {  	v50 =	vmul.f32 $6.041524410e-01, v49;
	_ =	sdelay $0x1  }
0x279: {  	v50 =	vmul.f32 v50, v50;
	_ =	sdelay $0x1  }
0x27a: {  	v62 =	vmul.f32 $-1.147074540e-11, v50;
	_ =	sdelay $0x1  }
0x27b: {  	v51 =	vadd.f32 $2.087675590e-09, v62;
	_ =	sdelay $0x1  }
0x27c: {  	v51 =	vmul.f32 v51, v50;
	_ =	sdelay $0x1  }
0x27d: {  	v51 =	vadd.f32 $-2.755732000e-07, v51;
	_ =	sdelay $0x1  }
0x27e: {  	v51 =	vmul.f32 v51, v50;
	_ =	sdelay $0x1  }
0x27f: {  	v51 =	vadd.f32 $2.480158760e-05, v51;
	_ =	sdelay $0x1  }
0x280: {  	v63 =	vadd.f32 $-8.999999760e-01, v49;
	v51 =	vmul.f32 v51, v50  }
0x281: {  	v53 =	vadd.f32 $-1.437500000e+00, v49;
	v54 =	vadd.f32 $-1.975000020e+00, v49  }
0x282: {  	v55 =	vmul.f32 $8.600000380e+00, v49;
	v59 =	vadd.f32 $-2.512500050e+00, v49;
	v51 =	vadd.f32 $-1.388888920e-03, v51  }
0x283: {  	v5 =	vadd.f32 $-3.049999950e+00, v49;
	v56 =	vmul.f32 $-1.600000000e+01, v63;
	v57 =	vmul.f32 $-1.600000000e+01, v53  }
0x284: {  	v6 =	vadd.f32 $-3.587500100e+00, v49;
	v58 =	vmul.f32 $-1.600000000e+01, v54;
	v51 =	vmul.f32 v51, v50  }
0x285: {  	v4 =	vmul.f32 $-1.600000000e+01, v59;
	v55 =	vmul.f32 $1.442695020e+00, v55  }
0x286: {  	v7 =	vmul.f32 $-1.600000000e+01, v5;
	v60 =	vmul.f32 $-1.600000000e+01, v6;
	v51 =	vadd.f32 $4.166666790e-02, v51  }
0x287: {  	v52 =	vmul.f32 v56, v63;
	v53 =	vmul.f32 v57, v53  }
0x288: {  	s3 =	sadd.s32 s3, s4;
	v54 =	vmul.f32 v58, v54;
	v51 =	vmul.f32 v51, v50  }
0x289: {  	s3 =	sadd.s32 s11, s3;
	v61 =	vadd.f32 $-4.125000000e+00, v49;
	v56 =	vmul.f32 v4, v59;
	v57 =	vmul.f32 v7, v5  }
0x28a: {  	s3 =	sadd.s32 s6, s3;
	(erf) = vpow2.f32 v55;
	v52 =	vmul.f32 $1.442695020e+00, v52;
	v51 =	vadd.f32 $-5.000000000e-01, v51  }
0x28b: {  	s3 =	sadd.s32 s8, s3;
	v4 =	vmul.f32 $-1.600000000e+01, v61;
	v5 =	vmul.f32 v60, v6  }
0x28c: {  	s3 =	sadd.s32 s10, s3;
	(erf) = vpow2.f32 v52;
	v50 =	vmul.f32 v51, v50  }
0x28d: {  	s3 =	sadd.s32 s1, s3;
	s1 =	simm.s32 $0x6500;
	v7 =	vadd.f32 $-4.662499900e+00, v49;
	v53 =	vmul.f32 $1.442695020e+00, v53;
	v54 =	vmul.f32 $1.442695020e+00, v54  }
0x28e: {  	s3 =	sadd.s32 s12, s3;
	v6 =	vld [tilespmem:s1+$0x0];
	v56 =	vmul.f32 $1.442695020e+00, v56;
	v57 =	vmul.f32 $1.442695020e+00, v57;
	v50 =	vadd.f32 $1.000000000e+00, v50  }
0x28f: {  	s3 =	sadd.s32 s13, s3;
	v60 =	vmul.f32 $-1.600000000e+01, v7;
	(erf) = vpow2.f32 v53  }
0x290: {  	s3 =	sadd.s32 s15, s3;
	(erf) = vpow2.f32 v54;
	v50 =	vmul.f32 $5.000000000e-01, v50  }
0x291: {  	s3 =	sadd.s32 s14, s3;
	v52 =	vmul.f32 $1.442695020e+00, v5;
	(erf) = vpow2.f32 v56  }
0x292: {  	v51 =	vmul.f32 v4, v61;
	v61 =	vmov s3;
	v50 =	vadd.f32 $5.000000000e-01, v50  }
0x293: {  	v55 =	vshll.u32 v6, $0x4;
	(erf) = vpow2.f32 v57;
	vm0 =	vgt.s32 v61, v0  }
0x294: {  	v49 =	vmov s31;
	v56 =	vpop (erf);
	v62 =	vnsel vm0, $0x0, v55;
	v50 =	vmul.f32 $2.500000000e-01, v50  }
0x295: {  	v53 =	vmul.f32 v60, v7;
	(erf) = vpow2.f32 v52;
	v4 =	vpop (erf);
	v55 =	vadd.s32 v49, v62  }
0x296: {  	v54 =	vand.u32 $0x70, v62;
	v63 =	vand.u32 $0xFFFFFF80, v55;
	v52 =	vmul.f32 v50, v4  }
0x297: {  	v51 =	vmul.f32 $1.442695020e+00, v51;
	v54 =	vor.u32 v54, v63  }
0x298: {  	v53 =	vmul.f32 $1.442695020e+00, v53;
	v5 =	vpop (erf);
	v6 =	vor.u32 $0x1, v54;
	v4 =	vmul.f32 v52, v56  }
0x299: {  	v7 =	vpop (erf);
	(erf) = vpow2.f32 v51;
	v58 =	vor.u32 $0x2, v55;
	v57 =	vmul.f32 v50, v5  }
0x29a: {  	(erf) = vpow2.f32 v53;
	v61 =	vor.u32 $0x3, v54;
	v59 =	vmul.f32 v50, v7  }
0x29b: {  	v62 =	vor.u32 $0x4, v55;
	v63 =	vpop (erf);
	v5 =	vmul.f32 v57, v56;
	v60 =	vmul.f32 $1.369869420e-04, v4  }
0x29c: {  	v2 =	vor.u32 $0x5, v54;
	v63 =	vmul.f32 v50, v63;
	[tilespmem:v54+s17+$0x0] =	vst.idx.add.f32.msk vm0, v52;
	v52 =	vmul.f32 v59, v56;
	v4 =	vpop (erf)  }
0x29d: {  	v3 =	vor.u32 $0x6, v55;
	v53 =	vmul.f32 $1.346334330e-06, v5;
	[tilespmem:v6+s17+$0x0] =	vst.idx.add.f32.msk vm0, v60;
	v4 =	vmul.f32 v50, v4  }
0x29e: {  	v51 =	vmul.f32 v63, v56;
	v60 =	vor.u32 $0x7, v54;
	[tilespmem:v58+s17+$0x0] =	vst.idx.add.f32.msk vm0, v57  }
0x29f: {  	v52 =	vmul.f32 $1.323203590e-08, v52;
	v57 =	vor.u32 $0x8, v55;
	v6 =	vpop (erf);
	[tilespmem:v61+s17+$0x0] =	vst.idx.add.f32.msk vm0, v53;
	v7 =	vmul.f32 v4, v56  }
0x2a0: {  	v53 =	vor.u32 $0x9, v54;
	v58 =	vmul.f32 v50, v6;
	[tilespmem:v62+s17+$0x0] =	vst.idx.add.f32.msk vm0, v59  }
0x2a1: {  	v51 =	vmul.f32 $1.300470290e-10, v51;
	v61 =	vor.u32 $0xA, v55;
	[tilespmem:v2+s17+$0x0] =	vst.idx.add.f32.msk vm0, v52  }
0x2a2: {  	v62 =	vor.u32 $0xB, v54;
	v2 =	vpop (erf);
	[tilespmem:v3+s17+$0x0] =	vst.idx.add.f32.msk vm0, v63;
	v3 =	vmul.f32 v58, v56  }
0x2a3: {  	p1 =	sne.s32 s5, $0x1;
	v59 =	vor.u32 $0xC, v55;
	v6 =	vmul.f32 $1.278127450e-12, v7;
	v2 =	vmul.f32 v50, v2;
	[tilespmem:v60+s17+$0x0] =	vst.idx.add.f32.msk vm0, v51;
	v7 =	vpop (erf)  }
.Ltmp8:
0x2a4: {  	v52 =	vor.u32 $0xD, v54;
	[tilespmem:v57+s17+$0x0] =	vst.idx.add.f32.msk vm0, v4;
	v50 =	vmul.f32 v50, v7;
	(pc) =	sbr.rel @!p1 .LBB2_9-.Ltmp8, $4  }
0x2a5: {  	v51 =	vor.u32 $0xE, v55;
	v3 =	vmul.f32 $1.256168580e-14, v3;
	v63 =	vmul.f32 v2, v56;
	[tilespmem:v53+s17+$0x0] =	vst.idx.add.f32.msk vm0, v6  }
0x2a6: {  	v53 =	vor.u32 $0xF, v54;
	[tilespmem:v61+s17+$0x0] =	vst.idx.add.f32.msk vm0, v58;
	v56 =	vmul.f32 v50, v56  }
0x2a7: {  	v55 =	vmul.f32 $1.234587050e-16, v63;
	[tilespmem:v62+s17+$0x0] =	vst.idx.add.f32.msk vm0, v3  }
0x2a8: {  	s4 =	sadd.s32 $0xFFFFFFFF, s5;
	[tilespmem:v59+s17+$0x0] =	vst.idx.add.f32.msk vm0, v2;
	v54 =	vmul.f32 $1.213376140e-18, v56  }
.LBB2_8:
0x2a9: {  	[tilespmem:v52+s17+$0x0] =	vst.idx.add.f32.msk vm0, v55;
	s0 =	sadd.s32 $0x10, s0;
	s1 =	sadd.s32 $0x10, s1;
	s3 =	sadd.s32 $0xFFFFFFF0, s3  }
0x2aa: {  	p1 =	sne.s32 s4, $0x1;
	s4 =	sadd.s32 $0xFFFFFFFF, s4;
	[tilespmem:v51+s17+$0x0] =	vst.idx.add.f32.msk vm0, v50  }
0x2ab: {  	[tilespmem:v53+s17+$0x0] =	vst.idx.add.f32.msk vm0, v54  }
0x2ac: {  	v2 =	vld [tilespmem:s0+$0x0];
	_ =	sdelay $0x4  }
0x2ad: {  	v3 =	vshra.s32 v2, $0x1;
	v4 =	vmul.f32 $5.000000000e-01, v2  }
0x2ae: {  	v3 =	vsub.s32 $0x5F3759DF, v3  }
0x2af: {  	v50 =	vmul.f32 v3, v4;
	_ =	sdelay $0x1  }
0x2b0: {  	v50 =	vmul.f32 v3, v50;
	_ =	sdelay $0x1  }
0x2b1: {  	v50 =	vsub.f32 $1.500000000e+00, v50;
	_ =	sdelay $0x1  }
0x2b2: {  	v3 =	vmul.f32 v3, v50;
	_ =	sdelay $0x1  }
0x2b3: {  	v50 =	vmul.f32 v3, v4;
	_ =	sdelay $0x1  }
0x2b4: {  	v50 =	vmul.f32 v50, v3;
	_ =	sdelay $0x1  }
0x2b5: {  	v50 =	vsub.f32 $1.500000000e+00, v50;
	_ =	sdelay $0x1  }
0x2b6: {  	v3 =	vmul.f32 v50, v3;
	_ =	sdelay $0x1  }
0x2b7: {  	v4 =	vmul.f32 v3, v4;
	_ =	sdelay $0x1  }
0x2b8: {  	v4 =	vmul.f32 v4, v3;
	_ =	sdelay $0x1  }
0x2b9: {  	v4 =	vsub.f32 $1.500000000e+00, v4;
	_ =	sdelay $0x1  }
0x2ba: {  	v3 =	vmul.f32 v4, v3;
	_ =	sdelay $0x1  }
0x2bb: {  	v2 =	vmul.f32 v3, v2;
	_ =	sdelay $0x1  }
0x2bc: {  	v3 =	vmul.f32 $6.041524410e-01, v2;
	v4 =	vadd.f32 $-8.999999760e-01, v2;
	v50 =	vadd.f32 $-1.437500000e+00, v2  }
0x2bd: {  	v51 =	vmul.f32 $8.600000380e+00, v2;
	v52 =	vadd.f32 $-1.975000020e+00, v2;
	v53 =	vadd.f32 $-2.512500050e+00, v2  }
0x2be: {  	v55 =	vadd.f32 $-3.049999950e+00, v2;
	v3 =	vmul.f32 v3, v3;
	v54 =	vmul.f32 $-1.600000000e+01, v4  }
0x2bf: {  	v58 =	vadd.f32 $-3.587500100e+00, v2;
	v56 =	vmul.f32 $-1.600000000e+01, v50;
	v57 =	vmul.f32 $-1.600000000e+01, v52  }
0x2c0: {  	v59 =	vmul.f32 $-1.147074540e-11, v3;
	v4 =	vmul.f32 v54, v4;
	v54 =	vadd.f32 $-4.125000000e+00, v2  }
0x2c1: {  	v50 =	vmul.f32 v56, v50;
	v52 =	vmul.f32 v57, v52;
	v2 =	vadd.f32 $-4.662499900e+00, v2  }
0x2c2: {  	v57 =	vmul.f32 $-1.600000000e+01, v53;
	v56 =	vadd.f32 $2.087675590e-09, v59;
	v4 =	vmul.f32 $1.442695020e+00, v4  }
0x2c3: {  	v50 =	vmul.f32 $1.442695020e+00, v50;
	v52 =	vmul.f32 $1.442695020e+00, v52  }
0x2c4: {  	v53 =	vmul.f32 v57, v53;
	v56 =	vmul.f32 v56, v3  }
0x2c5: {  	v51 =	vmul.f32 $1.442695020e+00, v51;
	v57 =	vmul.f32 $-1.600000000e+01, v55  }
0x2c6: {  	v59 =	vmul.f32 $-1.600000000e+01, v58;
	v53 =	vmul.f32 $1.442695020e+00, v53;
	v56 =	vadd.f32 $-2.755732000e-07, v56  }
0x2c7: {  	v55 =	vmul.f32 v57, v55;
	v57 =	vmul.f32 $-1.600000000e+01, v54  }
0x2c8: {  	v58 =	vmul.f32 v59, v58;
	v56 =	vmul.f32 v56, v3  }
0x2c9: {  	v55 =	vmul.f32 $1.442695020e+00, v55;
	v54 =	vmul.f32 v57, v54  }
0x2ca: {  	v57 =	vmul.f32 $1.442695020e+00, v58;
	v58 =	vmul.f32 $-1.600000000e+01, v2;
	v56 =	vadd.f32 $2.480158760e-05, v56  }
0x2cb: {  	v54 =	vmul.f32 $1.442695020e+00, v54  }
0x2cc: {  	v2 =	vmul.f32 v58, v2;
	v56 =	vmul.f32 v56, v3;
	_ =	sdelay $0x1  }
0x2cd: {  	v2 =	vmul.f32 $1.442695020e+00, v2;
	v56 =	vadd.f32 $-1.388888920e-03, v56;
	_ =	sdelay $0x1  }
0x2ce: {  	v56 =	vmul.f32 v56, v3;
	_ =	sdelay $0x1  }
0x2cf: {  	v56 =	vadd.f32 $4.166666790e-02, v56;
	_ =	sdelay $0x1  }
0x2d0: {  	v56 =	vmul.f32 v56, v3;
	_ =	sdelay $0x1  }
0x2d1: {  	v56 =	vadd.f32 $-5.000000000e-01, v56;
	(erf) = vpow2.f32 v51  }
0x2d2: {  	v51 =	vld [tilespmem:s1+$0x0];
	(erf) = vpow2.f32 v4  }
0x2d3: {  	v3 =	vmul.f32 v56, v3;
	(erf) = vpow2.f32 v50  }
0x2d4: {  	(erf) = vpow2.f32 v52  }
0x2d5: {  	v3 =	vadd.f32 $1.000000000e+00, v3  }
0x2d6: {  	v4 =	vmov s3;
	(erf) = vpow2.f32 v53  }
0x2d7: {  	v3 =	vmul.f32 $5.000000000e-01, v3;
	v50 =	vshll.u32 v51, $0x4  }
0x2d8: {  	vm0 =	vgt.s32 v4, v0  }
0x2d9: {  	v4 =	vnsel vm0, $0x0, v50;
	v3 =	vadd.f32 $5.000000000e-01, v3;
	(erf) = vpow2.f32 v55  }
0x2da: {  	v51 =	vadd.s32 v49, v4;
	v4 =	vand.u32 $0x70, v4;
	v53 =	vpop (erf);
	(erf) = vpow2.f32 v57  }
0x2db: {  	v50 =	vand.u32 $0xFFFFFF80, v51;
	v3 =	vmul.f32 $2.500000000e-01, v3;
	v52 =	vpop (erf)  }
0x2dc: {  	v4 =	vor.u32 v4, v50;
	v50 =	vor.u32 $0x2, v51;
	v55 =	vpop (erf);
	(erf) = vpow2.f32 v54  }
0x2dd: {  	v54 =	vor.u32 $0x1, v4;
	v52 =	vmul.f32 v3, v52;
	v55 =	vmul.f32 v3, v55;
	v56 =	vpop (erf)  }
0x2de: {  	v57 =	vor.u32 $0x3, v4;
	v56 =	vmul.f32 v3, v56;
	(erf) = vpow2.f32 v2  }
0x2df: {  	v59 =	vor.u32 $0x4, v51;
	v2 =	vmul.f32 v52, v53;
	v58 =	vmul.f32 v55, v53;
	v60 =	vpop (erf)  }
0x2e0: {  	v62 =	vor.u32 $0x5, v4;
	v7 =	vmul.f32 v56, v53;
	v60 =	vmul.f32 v3, v60  }
0x2e1: {  	v2 =	vmul.f32 $1.369869420e-04, v2;
	[tilespmem:v4+s17+$0x0] =	vst.idx.add.f32.msk vm0, v52;
	v52 =	vmul.f32 $1.346334330e-06, v58;
	v58 =	vor.u32 $0x6, v51  }
0x2e2: {  	v5 =	vor.u32 $0x7, v4;
	v63 =	vmul.f32 v60, v53;
	v6 =	vpop (erf)  }
0x2e3: {  	[tilespmem:v54+s17+$0x0] =	vst.idx.add.f32.msk vm0, v2;
	v2 =	vmul.f32 $1.323203590e-08, v7;
	v6 =	vmul.f32 v3, v6;
	v54 =	vor.u32 $0x8, v51;
	v61 =	vpop (erf)  }
0x2e4: {  	[tilespmem:v50+s17+$0x0] =	vst.idx.add.f32.msk vm0, v55;
	v55 =	vor.u32 $0x9, v4;
	v61 =	vmul.f32 v3, v61  }
0x2e5: {  	[tilespmem:v57+s17+$0x0] =	vst.idx.add.f32.msk vm0, v52;
	v57 =	vmul.f32 $1.300470290e-10, v63;
	v8 =	vmul.f32 v6, v53;
	v63 =	vor.u32 $0xA, v51;
	v52 =	vpop (erf)  }
0x2e6: {  	[tilespmem:v59+s17+$0x0] =	vst.idx.add.f32.msk vm0, v56;
	v56 =	vmul.f32 v61, v53;
	v59 =	vor.u32 $0xB, v4  }
0x2e7: {  	v7 =	vor.u32 $0xC, v51;
	[tilespmem:v62+s17+$0x0] =	vst.idx.add.f32.msk vm0, v2;
	v2 =	vmul.f32 $1.278127450e-12, v8;
	v62 =	vmul.f32 v3, v52;
	v50 =	vpop (erf)  }
0x2e8: {  	v52 =	vor.u32 $0xD, v4;
	[tilespmem:v58+s17+$0x0] =	vst.idx.add.f32.msk vm0, v60;
	v50 =	vmul.f32 v3, v50  }
0x2e9: {  	v51 =	vor.u32 $0xE, v51;
	v3 =	vmul.f32 $1.256168580e-14, v56;
	[tilespmem:v5+s17+$0x0] =	vst.idx.add.f32.msk vm0, v57;
	v5 =	vmul.f32 v62, v53  }
.Ltmp9:
0x2ea: {  	[tilespmem:v54+s17+$0x0] =	vst.idx.add.f32.msk vm0, v6;
	v6 =	vmul.f32 v50, v53;
	v53 =	vor.u32 $0xF, v4;
	(pc) =	sbr.rel @p1 .LBB2_8-.Ltmp9, $4  }
0x2eb: {  	[tilespmem:v55+s17+$0x0] =	vst.idx.add.f32.msk vm0, v2;
	v55 =	vmul.f32 $1.234587050e-16, v5  }
0x2ec: {  	[tilespmem:v63+s17+$0x0] =	vst.idx.add.f32.msk vm0, v61  }
0x2ed: {  	v54 =	vmul.f32 $1.213376140e-18, v6;
	[tilespmem:v59+s17+$0x0] =	vst.idx.add.f32.msk vm0, v3  }
0x2ee: {  	[tilespmem:v7+s17+$0x0] =	vst.idx.add.f32.msk vm0, v62  }
.LBB2_9:
0x2ef: {  	_ =	sdelay $0x4  }
0x2f0: {  	[tilespmem:v52+s17+$0x0] =	vst.idx.add.f32.msk vm0, v55  }
0x2f1: {  	[tilespmem:v51+s17+$0x0] =	vst.idx.add.f32.msk vm0, v50  }
0x2f2: {  	[tilespmem:v53+s17+$0x0] =	vst.idx.add.f32.msk vm0, v54  }
.LBB2_10:
0x2f3: {  	p1 =	sgt.s32 s28, $0x1  }
0x2f4: {  	s28 =	simm.s32 @!p1 $0x1  }
0x2f5: {  	p1 =	sge.s32 s28, s2  }
.Ltmp10:
0x2f6: {  	_ = 	snop;
	(pc) =	sbr.rel @p1 .LBB2_12-.Ltmp10, $2  }
0x2f7: {  	_ =	sdelay $0x2  }
0x2f8: {  	s0 =	simm.s32 $0x0  }
.LBB2_11:
0x2f9: {  	v2 =	vadd.s32 s0, v0  }
0x2fa: {  	vm0 =	vlt.s32 v2, s28  }
0x2fb: {  	v3 =	vmpcnt.ones.xlane vm0;
	_ =	sdelay $0x1  }
0x2fc: {  	(v2sf) =	vpush v3, $0x0;
	_ =	sdelay $0x6  }
0x2fd: {  	s0 =	sadd.s32 $0x10, s0  }
0x2fe: {  	s1 =	simm.s32 $0x1;
	p1 =	sge.s32 s0, s28  }
0x2ff: {  	s1 =	simm.s32 @!p1 $0x0  }
0x300: {  	v3 =	vmov s28;
	s28 =	sadd.s32 s1, s28  }
0x301: {  	p2 =	slt.s32 s28, s2  }
.Ltmp11:
0x302: {  	_ = 	snop;
	(pc) =	sbr.rel @p2 .LBB2_11-.Ltmp11, $3  }
0x303: {  	_ =	sdelay $0x1  }
0x304: {  	[tilespmem:s26+$0x6D00] =	vst.msk vm0, v2;
	s25 =	spop (v2sf)  }
0x305: {  	s0 =	simm.s32 @p1 $0x0;
	[tilespmem:s26+$0xB500] =	vst.msk vm0, v3;
	s26 =	sadd.s32 s26, s25  }
.LBB2_12:
0x306: {  	s0 =	sadd.s32 $0xFFFFFFFF, s2  }
0x307: {  	s0 =	smul.u32 s2, s0;
	_ =	sdelay $0x1  }
0x308: {  	s0 =	sshra.s32 s0, $0x1  }
0x309: {  	s1 =	sadd.s32 $0xF, s0  }
0x30a: {  	s1 =	sshra.s32 s1, $0x4  }
0x30b: {  	p1 =	slt.s32 s1, $0x1  }
.Ltmp12:
0x30c: {  	_ = 	snop;
	(pc) =	sbr.rel @p1 .LBB2_15-.Ltmp12, $1  }
0x30d: {  	_ =	sdelay $0x3  }
0x30e: {  	s2 =	sor.u32 $0x40, s31  }
0x30f: {  	s3 =	simm.s32 $0xB500;
	v49 =	vmov s2;
	s2 =	simm.s32 $0x6D00  }
.LBB2_14:
0x310: {  	v2 =	vld [tilespmem:s2+$0x0];
	_ =	sdelay $0x1  }
0x311: {  	v3 =	vld [tilespmem:s3+$0x0]  }
0x312: {  	v4 =	vmov s0  }
0x313: {  	vm0 =	vgt.s32 v4, v0  }
0x314: {  	v2 =	vnsel vm0, $0x0, v2;
	_ =	sdelay $0x1  }
0x315: {  	v3 =	vnsel vm0, $0x0, v3;
	_ =	sdelay $0x2  }
0x316: {  	v55 =	vld.idx.msk [tilespmem:v2+s19+$0x0], $0xffff  }
0x317: {  	v5 =	vld.idx.msk [tilespmem:v2+s20+$0x0], $0xffff  }
0x318: {  	v6 =	vld.idx.msk [tilespmem:v3+s19+$0x0], $0xffff  }
0x319: {  	v7 =	vld.idx.msk [tilespmem:v3+s20+$0x0], $0xffff  }
0x31a: {  	v50 =	vld.idx.msk [tilespmem:v2+s21+$0x0], $0xffff  }
0x31b: {  	v51 =	vld.idx.msk [tilespmem:v3+s21+$0x0], $0xffff;
	_ =	sdelay $0x2  }
0x31c: {  	v4 =	vmul.f32 v6, v55;
	v5 =	vmul.f32 v7, v5;
	_ =	sdelay $0x1  }
0x31d: {  	v56 =	vmul.f32 v51, v50;
	v4 =	vadd.f32 v5, v4;
	_ =	sdelay $0x1  }
0x31e: {  	v4 =	vadd.f32 v56, v4;
	_ =	sdelay $0x1  }
0x31f: {  	v4 =	vmul.f32 $9.499999880e-01, v4;
	_ =	sdelay $0x1  }
0x320: {  	v57 =	vmul.f32 v4, v4;
	_ =	sdelay $0x1  }
0x321: {  	v5 =	vsub.f32 $1.000000000e+00, v57;
	_ =	sdelay $0x1  }
0x322: {  	v58 =	vshra.s32 v5, $0x1;
	v59 =	vmul.f32 $5.000000000e-01, v5  }
0x323: {  	v60 =	vld.idx.msk [tilespmem:v2+s22+$0x0], $0xffff;
	v6 =	vsub.s32 $0x5F3759DF, v58  }
0x324: {  	v52 =	vld.idx.msk [tilespmem:v3+s22+$0x0], $0xffff;
	v61 =	vmul.f32 v6, v59;
	_ =	sdelay $0x1  }
0x325: {  	v51 =	vmul.f32 v6, v61;
	_ =	sdelay $0x1  }
0x326: {  	v51 =	vsub.f32 $1.500000000e+00, v51  }
0x327: {  	v50 =	vadd.f32 v52, v60  }
0x328: {  	v6 =	vmul.f32 v6, v51  }
0x329: {  	v52 =	vmul.f32 $5.000000000e-01, v50  }
0x32a: {  	v51 =	vmul.f32 v6, v59  }
0x32b: {  	v63 =	vadd.f32 $-8.999999760e-01, v52  }
0x32c: {  	v53 =	vadd.f32 $-1.549999950e+00, v52;
	v62 =	vmul.f32 v51, v6  }
0x32d: {  	v54 =	vmul.f32 $-8.000000000e+00, v63  }
0x32e: {  	v55 =	vmul.f32 $-8.000000000e+00, v53;
	v50 =	vsub.f32 $1.500000000e+00, v62  }
0x32f: {  	v56 =	vmul.f32 v54, v63  }
0x330: {  	v57 =	vmul.f32 v55, v53;
	v6 =	vmul.f32 v50, v6  }
0x331: {  	v50 =	vmul.f32 $1.442695020e+00, v56  }
0x332: {  	v51 =	vmul.f32 $1.442695020e+00, v57;
	v7 =	vmul.f32 v6, v59  }
0x333: {  	v58 =	vld.idx.msk [tilespmem:v2+s23+$0x0], $0xffff;
	(erf) = vpow2.f32 v50  }
0x334: {  	v2 =	vld.idx.msk [tilespmem:v2+s16+$0x0], $0xffff;
	(erf) = vpow2.f32 v51;
	v7 =	vmul.f32 v7, v6  }
0x335: {  	v59 =	vld.idx.msk [tilespmem:v3+s23+$0x0], $0xffff  }
0x336: {  	v3 =	vld.idx.msk [tilespmem:v3+s16+$0x0], $0xffff;
	v7 =	vsub.f32 $1.500000000e+00, v7;
	_ =	sdelay $0x1  }
0x337: {  	v6 =	vmul.f32 v7, v6  }
0x338: {  	v60 =	vmul.f32 $9.807853100e-01, v4;
	v53 =	vmul.f32 $8.314695950e-01, v4;
	v61 =	vadd.f32 v58, v58  }
0x339: {  	v58 =	vmul.f32 $5.555702450e-01, v4;
	v5 =	vmul.f32 v6, v5  }
0x33a: {  	v57 =	vadd.f32 $-2.200000050e+00, v52;
	v50 =	vmul.f32 v59, v61;
	vm1 =	vlt.s32 v2, v3  }
0x33b: {  	v6 =	vadd.f32 $1.000000000e+00, v60;
	v63 =	vpop (erf);
	v62 =	vmul.f32 $1.950903240e-01, v5;
	v56 =	vmul.f32 $5.555702450e-01, v5  }
0x33c: {  	v60 =	vadd.f32 $1.000000000e+00, v53;
	v61 =	vpop (erf);
	v7 =	vmul.f32 v63, v50;
	v63 =	vmul.f32 $-8.000000000e+00, v57  }
0x33d: {  	v53 =	vsub.f32 $1.000000000e+00, v53;
	v8 =	vmul.f32 $8.314696550e-01, v5;
	v51 =	vmul.f32 v61, v50  }
0x33e: {  	v61 =	vmul.f32 $1.950903090e-01, v4;
	v6 =	vadd.f32 v62, v6;
	v62 =	vadd.f32 v56, v60  }
0x33f: {  	v55 =	vmul.f32 v63, v57;
	v57 =	vadd.f32 $1.000000000e+00, v58;
	v58 =	vmul.f32 $8.314695950e-01, v5  }
0x340: {  	v63 =	vmul.f32 $9.807852500e-01, v5;
	v53 =	vadd.f32 v56, v53;
	v6 =	vmul.f32 $5.000000000e-01, v6  }
0x341: {  	v54 =	vmul.f32 $5.000000000e-01, v62;
	v55 =	vmul.f32 $1.442695020e+00, v55;
	v57 =	vadd.f32 v58, v57  }
0x342: {  	v58 =	vadd.f32 $1.000000000e+00, v61;
	v61 =	vmul.f32 $9.807853100e-01, v5;
	v62 =	vmul.f32 $-5.555701850e-01, v4  }
0x343: {  	v59 =	vsel vm1, v2, v3;
	v5 =	vmul.f32 $1.950903390e-01, v5;
	v53 =	vmul.f32 $5.000000000e-01, v53  }
0x344: {  	v60 =	vsub.s32 $0x9, v59;
	v6 =	vmul.f32 v6, v6;
	v54 =	vmul.f32 v54, v54  }
0x345: {  	v59 =	vmul.u32 v59, v60;
	v57 =	vmul.f32 $5.000000000e-01, v57;
	(erf) = vpow2.f32 v55  }
0x346: {  	v60 =	vadd.f32 v61, v58;
	v53 =	vmul.f32 v53, v53;
	v6 =	vmul.f32 v6, v6  }
0x347: {  	v54 =	vmul.f32 v54, v54;
	v57 =	vmul.f32 v57, v57  }
0x348: {  	v62 =	vadd.f32 $1.000000000e+00, v62;
	v55 =	vmul.f32 $5.000000000e-01, v60;
	v60 =	vmul.f32 $-1.950903530e-01, v4  }
0x349: {  	vm15 =	vgt.s32 v2, v3;
	v4 =	vmul.f32 $9.807852500e-01, v4;
	v53 =	vmul.f32 v53, v53  }
0x34a: {  	v8 =	vadd.f32 v8, v62;
	v6 =	vmul.f32 v6, v6;
	v54 =	vmul.f32 v54, v54  }
0x34b: {  	v58 =	vshrl.u32 v59, $0x1;
	v57 =	vmul.f32 v57, v57;
	v55 =	vmul.f32 v55, v55  }
0x34c: {  	v59 =	vsub.s32 v3, v2;
	v8 =	vmul.f32 $5.000000000e-01, v8;
	v53 =	vmul.f32 v53, v53  }
0x34d: {  	v60 =	vadd.f32 $1.000000000e+00, v60;
	v6 =	vmul.f32 v6, v6;
	v54 =	vmul.f32 v54, v54  }
0x34e: {  	v4 =	vsub.f32 $1.000000000e+00, v4;
	v57 =	vmul.f32 v57, v57;
	v55 =	vmul.f32 v55, v55  }
0x34f: {  	v60 =	vadd.f32 v63, v60;
	v8 =	vmul.f32 v8, v8;
	v53 =	vmul.f32 v53, v53  }
0x350: {  	v61 =	vsub.s32 v2, v3;
	v6 =	vmul.f32 v6, v6;
	v54 =	vmul.f32 v54, v54  }
0x351: {  	v4 =	vadd.f32 v5, v4;
	v57 =	vmul.f32 v57, v57;
	v3 =	vmul.f32 $5.000000000e-01, v60  }
0x352: {  	v61 =	vsel vm15, v61, v59;
	v2 =	vmul.f32 v55, v55;
	v8 =	vmul.f32 v8, v8  }
0x353: {  	v62 =	vadd.s32 v58, v61;
	v4 =	vmul.f32 $5.000000000e-01, v4;
	v3 =	vmul.f32 v3, v3  }
0x354: {  	v5 =	vshll.u32 v62, $0x5;
	v2 =	vmul.f32 v2, v2;
	v57 =	vmul.f32 v57, v57  }
0x355: {  	v5 =	vadd.s32 v49, v5;
	v8 =	vmul.f32 v8, v8;
	v3 =	vmul.f32 v3, v3  }
0x356: {  	v52 =	vadd.f32 $-2.849999900e+00, v52;
	v4 =	vmul.f32 v4, v4;
	v58 =	vmul.f32 v6, v7  }
0x357: {  	v55 =	vor.u32 $0x1, v5;
	v60 =	vmul.f32 v54, v7;
	v3 =	vmul.f32 v3, v3  }
0x358: {  	v56 =	vor.u32 $0x2, v5;
	v2 =	vmul.f32 v2, v2;
	v4 =	vmul.f32 v4, v4  }
0x359: {  	v59 =	vor.u32 $0x3, v5;
	v8 =	vmul.f32 v8, v8;
	v3 =	vmul.f32 v3, v3  }
0x35a: {  	v61 =	vor.u32 $0x4, v5;
	[tilespmem:v5+s17+$0x0] =	vst.idx.add.f32.msk vm0, v58;
	v58 =	vmul.f32 v57, v7;
	v4 =	vmul.f32 v4, v4  }
0x35b: {  	v62 =	vor.u32 $0x5, v5;
	v8 =	vmul.f32 v8, v8;
	v3 =	vmul.f32 v3, v3  }
0x35c: {  	[tilespmem:v55+s17+$0x0] =	vst.idx.add.f32.msk vm0, v60;
	v60 =	vor.u32 $0x6, v5;
	v55 =	vmul.f32 v2, v7;
	v4 =	vmul.f32 v4, v4  }
0x35d: {  	v53 =	vmul.f32 v53, v53;
	[tilespmem:v56+s17+$0x0] =	vst.idx.add.f32.msk vm0, v58;
	v58 =	vor.u32 $0x7, v5;
	v56 =	vmul.f32 v3, v7  }
0x35e: {  	[tilespmem:v59+s17+$0x0] =	vst.idx.add.f32.msk vm0, v55;
	v55 =	vmul.f32 v8, v7;
	v59 =	vor.u32 $0x8, v5;
	v4 =	vmul.f32 v4, v4  }
0x35f: {  	[tilespmem:v61+s17+$0x0] =	vst.idx.add.f32.msk vm0, v56;
	v56 =	vmul.f32 v53, v7  }
0x360: {  	v63 =	vmul.f32 $-8.000000000e+00, v52;
	v61 =	vor.u32 $0x9, v5;
	v7 =	vmul.f32 v4, v7;
	[tilespmem:v62+s17+$0x0] =	vst.idx.add.f32.msk vm0, v55  }
0x361: {  	v55 =	vor.u32 $0xA, v5;
	[tilespmem:v60+s17+$0x0] =	vst.idx.add.f32.msk vm0, v56;
	v56 =	vmul.f32 v6, v51  }
0x362: {  	v52 =	vmul.f32 v63, v52;
	v60 =	vor.u32 $0xB, v5;
	[tilespmem:v58+s17+$0x0] =	vst.idx.add.f32.msk vm0, v7  }
0x363: {  	v63 =	vmul.f32 v54, v51;
	v58 =	vor.u32 $0xC, v5;
	[tilespmem:v59+s17+$0x0] =	vst.idx.add.f32.msk vm0, v56;
	v56 =	vmul.f32 v57, v51  }
0x364: {  	v52 =	vmul.f32 $1.442695020e+00, v52;
	v59 =	vor.u32 $0xD, v5  }
0x365: {  	v7 =	vmul.f32 v2, v51;
	[tilespmem:v61+s17+$0x0] =	vst.idx.add.f32.msk vm0, v63;
	v61 =	vor.u32 $0xE, v5  }
0x366: {  	(erf) = vpow2.f32 v52;
	v52 =	vmul.f32 v3, v51;
	[tilespmem:v55+s17+$0x0] =	vst.idx.add.f32.msk vm0, v56;
	v55 =	vor.u32 $0xF, v5  }
0x367: {  	[tilespmem:v60+s17+$0x0] =	vst.idx.add.f32.msk vm0, v7;
	v7 =	vmul.f32 v8, v51;
	v60 =	vor.u32 $0x10, v5;
	v56 =	vpop (erf)  }
0x368: {  	v62 =	vmul.f32 v53, v51;
	[tilespmem:v58+s17+$0x0] =	vst.idx.add.f32.msk vm0, v52;
	v58 =	vor.u32 $0x11, v5;
	v56 =	vmul.f32 v56, v50  }
0x369: {  	v63 =	vmul.f32 v4, v51;
	v51 =	vor.u32 $0x12, v5;
	[tilespmem:v59+s17+$0x0] =	vst.idx.add.f32.msk vm0, v7  }
0x36a: {  	v59 =	vor.u32 $0x13, v5;
	[tilespmem:v61+s17+$0x0] =	vst.idx.add.f32.msk vm0, v62;
	v62 =	vmul.f32 v6, v56  }
0x36b: {  	[tilespmem:v55+s17+$0x0] =	vst.idx.add.f32.msk vm0, v63;
	v7 =	vmul.f32 v54, v56;
	v55 =	vor.u32 $0x14, v5  }
0x36c: {  	v52 =	vmul.f32 v57, v56;
	[tilespmem:v60+s17+$0x0] =	vst.idx.add.f32.msk vm0, v62;
	v60 =	vor.u32 $0x15, v5  }
0x36d: {  	[tilespmem:v58+s17+$0x0] =	vst.idx.add.f32.msk vm0, v7;
	v7 =	vmul.f32 v2, v56;
	v58 =	vor.u32 $0x16, v5  }
0x36e: {  	[tilespmem:v51+s17+$0x0] =	vst.idx.add.f32.msk vm0, v52;
	v51 =	vmul.f32 v3, v56;
	v52 =	vor.u32 $0x17, v5  }
0x36f: {  	v61 =	vpop (erf);
	v63 =	vmul.f32 v8, v56;
	[tilespmem:v59+s17+$0x0] =	vst.idx.add.f32.msk vm0, v7;
	v59 =	vor.u32 $0x18, v5  }
0x370: {  	v50 =	vmul.f32 v61, v50;
	v62 =	vmul.f32 v53, v56;
	[tilespmem:v55+s17+$0x0] =	vst.idx.add.f32.msk vm0, v51;
	v55 =	vor.u32 $0x19, v5  }
0x371: {  	[tilespmem:v60+s17+$0x0] =	vst.idx.add.f32.msk vm0, v63;
	v63 =	vmul.f32 v4, v56;
	v56 =	vor.u32 $0x1A, v5  }
0x372: {  	v6 =	vmul.f32 v6, v50;
	v51 =	vor.u32 $0x1B, v5;
	[tilespmem:v58+s17+$0x0] =	vst.idx.add.f32.msk vm0, v62  }
0x373: {  	v60 =	vor.u32 $0x1C, v5;
	v58 =	vmul.f32 v54, v50;
	[tilespmem:v52+s17+$0x0] =	vst.idx.add.f32.msk vm0, v63  }
0x374: {  	v61 =	vmul.f32 v57, v50;
	v62 =	vor.u32 $0x1D, v5;
	[tilespmem:v59+s17+$0x0] =	vst.idx.add.f32.msk vm0, v6  }
0x375: {  	v2 =	vmul.f32 v2, v50;
	v63 =	vor.u32 $0x1E, v5;
	[tilespmem:v55+s17+$0x0] =	vst.idx.add.f32.msk vm0, v58  }
0x376: {  	p1 =	sne.s32 s1, $0x1;
	v3 =	vmul.f32 v3, v50;
	v5 =	vor.u32 $0x1F, v5;
	[tilespmem:v56+s17+$0x0] =	vst.idx.add.f32.msk vm0, v61  }
.Ltmp13:
0x377: {  	[tilespmem:v51+s17+$0x0] =	vst.idx.add.f32.msk vm0, v2;
	v2 =	vmul.f32 v8, v50;
	(pc) =	sbr.rel @p1 .LBB2_14-.Ltmp13, $4  }
0x378: {  	[tilespmem:v60+s17+$0x0] =	vst.idx.add.f32.msk vm0, v3;
	v3 =	vmul.f32 v53, v50  }
0x379: {  	[tilespmem:v62+s17+$0x0] =	vst.idx.add.f32.msk vm0, v2;
	v2 =	vmul.f32 v4, v50  }
0x37a: {  	s2 =	sadd.s32 $0x10, s2;
	[tilespmem:v63+s17+$0x0] =	vst.idx.add.f32.msk vm0, v3  }
0x37b: {  	s3 =	sadd.s32 $0x10, s3;
	s0 =	sadd.s32 $0xFFFFFFF0, s0;
	s1 =	sadd.s32 $0xFFFFFFFF, s1;
	[tilespmem:v5+s17+$0x0] =	vst.idx.add.f32.msk vm0, v2  }
.Ltmp14:
0x37c: {  	_ = 	snop;
	(pc) =	sbr.rel .LBB2_15-.Ltmp14, $1  }
0x37d: {  	_ =	sdelay $0x3  }
.LBB2_17:
0x37e: {  	_ =	sfence.sel $0x180000  }
0x37f: {  	[bflag:$0x0] =	sbarrier.arrive $0xFFFF  }
0x380: {  	_ =	strace $0x90000047  }
0x381: {  	s0 =	stileid.u32;
	[bflag:$0x2] =	sbarrier.arrive $0xFFFF  }
0x382: {  	p0 =	sne.s32 s0, $0x0;
	s0 =	rddreg [dreg:$0x4]  }
0x383: {  	s0 =	sadd.s32 @!p0 $0x100000, s0  }
0x384: {  	[sflag:s0] =	ssyncadd.tile.s32 @!p0 $0x1;
	_ =	shalt  }
.Lfunc_end2:
_tile_overlayer_lowered:
.L_overlay_start_2:
0x385: {  	(tag) =	ssettag $0x2  }
0x386: {  	s0 =	rddreg [dreg:$0x0];
	s2 =	stileid.u32  }
0x387: {  	s1 =	rddreg [dreg:$0x1];
	p0 =	sne.s32 s2, $0x0  }
0x388: {  	s3 =	rddreg [dreg:$0x2];
	[bflag:$0x3] =	sbarrier.arrive $0xFFFF;
	s2 =	simm.s32 @!p0 $0x1C02  }
0x389: {  	[timem:s3], [sflag:s2] =	dma.local @!p0 [hbm:s0], s1  }
0x38a: {  	s0 =	simm.s32 @!p0 $0x2  }
0x38b: {  	_ =	swait.ge @!p0 [sflag:s0], s1  }
0x38c: {  	s1 =	ssub.s32 @!p0 $0x0, s1;
	[sflag:s0] =	ssyncset.done @!p0 $0x0  }
0x38d: {  	[sflag:s0] =	ssyncadd.s32 @!p0 s1  }
0x38e: {  	[bflag:$0x3] =	sbarrier.arrive $0xFFFF  }
0x38f: {  	_ =	shalt  }

</sc_bundles>
